<compile_context>
chip_gen: v7x
topology: tpu7x:2x2x1
jax: 0.10.2.dev20260603
libtpu: 0.0.44.dev20260713+nightly
codegen_flags: <defaults>
</compile_context>

<pallas_src>
import functools

import jax
import jax.numpy as jnp
from jax import lax
from jax.experimental import pallas as pl
from jax.experimental.pallas import tpu as pltpu
from jax.experimental.pallas import tpu_sc as plsc

N = 10000
E = 320000
D = 128
DH = D // 2

NC = 2
NS = 16
K = 128
EP = 327680
EPT = EP // NS
NCHUNK = EPT // K
HALF = NCHUNK // 2
RD = 5
GD = HALF // RD
RA = 8
GA = HALF // RA
NP = 10240
RPT = NP // NS
PAD_DST = NP - 8

_MESH = plsc.VectorSubcoreMesh(core_axis_name="c", subcore_axis_name="s")



def _make_agg(dh, ring, split_cores):
    nchunk_c = NCHUNK // (NC if split_cores else 1)

    @functools.partial(
        pl.kernel,
        out_type=jax.ShapeDtypeStruct((NC, NP, dh), jnp.float32),
        mesh=_MESH,
        compiler_params=pltpu.CompilerParams(use_tc_tiling_on_sc=False),
        scratch_types=[
            pltpu.VMEM((NCHUNK, K), jnp.int32),
            pltpu.VMEM((NCHUNK, K), jnp.int32),
            pltpu.VMEM((ring, K, dh), jnp.float32),
            pltpu.VMEM_SHARED((NP, dh), jnp.float32),
            pltpu.SemaphoreType.DMA((ring,)),
            pltpu.SemaphoreType.DMA((ring,)),
        ],
    )
    def agg(hs, edges, zeros_hbm, out, sidx, didx, bufs, acc, gsem, ssem):
        c = lax.axis_index("c")
        s = lax.axis_index("s")
        r0 = s * RPT
        pltpu.sync_copy(zeros_hbm.at[pl.ds(r0, RPT)], acc.at[pl.ds(r0, RPT)])
        plsc.subcore_barrier()

        pltpu.sync_copy(edges.at[0, s], sidx)
        pltpu.sync_copy(edges.at[1, s], didx)
        j0 = c * nchunk_c if split_cores else 0

        G = nchunk_c // ring
        for r in range(ring):
            pltpu.async_copy(hs.at[c].at[sidx.at[j0 + r]], bufs.at[r], gsem.at[r])

        def body(g, carry):
            for r in range(ring):
                j = j0 + g * ring + r
                pltpu.make_async_copy(
                    hs.at[c].at[sidx.at[j]], bufs.at[r], gsem.at[r]
                ).wait()
                pltpu.async_copy(bufs.at[r], acc.at[didx.at[j]], ssem.at[r], add=True)

            @pl.when(g < G - 1)
            def _():
                for r in range(ring):
                    j = j0 + g * ring + r
                    pltpu.make_async_copy(
                        bufs.at[r], acc.at[didx.at[j]], ssem.at[r]
                    ).wait()
                    pltpu.async_copy(
                        hs.at[c].at[sidx.at[j + ring]], bufs.at[r], gsem.at[r]
                    )

            return carry

        lax.fori_loop(0, G, body, 0)
        for r in range(ring):
            j = j0 + (G - 1) * ring + r
            pltpu.make_async_copy(bufs.at[r], acc.at[didx.at[j]], ssem.at[r]).wait()

        plsc.subcore_barrier()
        pltpu.sync_copy(acc.at[pl.ds(r0, RPT)], out.at[c, pl.ds(r0, RPT)])

    return agg


_deg_kernel = _make_agg(16, RD, True)
_agg_kernel = _make_agg(DH, RD, False)



BM = 1000
GRID = N // BM


def _dis(degp_ref):
    deg = degp_ref[0, :, 0:1] + degp_ref[1, :, 0:1] + 1.0
    return lax.rsqrt(deg)


def _tc1_body(x_ref, w_ref, degp_ref, hs_ref):
    h = _dis(degp_ref) * jnp.dot(
        x_ref[...], w_ref[...], preferred_element_type=jnp.float32
    )
    hs_ref[0] = h[:, :DH]
    hs_ref[1] = h[:, DH:]


def _tc2_body(agg_ref, hs1_ref, degp_ref, b1_ref, w2_ref, hs2_ref):
    dis = _dis(degp_ref)
    tot = jnp.concatenate(
        [agg_ref[0] + hs1_ref[0], agg_ref[1] + hs1_ref[1]], axis=-1
    )
    h = jnp.maximum(dis * tot + b1_ref[...], 0.0)
    h2 = dis * jnp.dot(h, w2_ref[...], preferred_element_type=jnp.float32)
    hs2_ref[0] = h2[:, :DH]
    hs2_ref[1] = h2[:, DH:]


def _tc3_body(agg_ref, hs2_ref, degp_ref, b2_ref, out_ref):
    dis = _dis(degp_ref)
    tot = jnp.concatenate(
        [agg_ref[0] + hs2_ref[0], agg_ref[1] + hs2_ref[1]], axis=-1
    )
    out_ref[...] = dis * tot + b2_ref[...]


_row_spec = pl.BlockSpec((BM, D), lambda i: (i, 0))
_w_spec = pl.BlockSpec((D, D), lambda i: (0, 0))
_degp_spec = pl.BlockSpec((NC, BM, 16), lambda i: (0, i, 0))
_half_spec = pl.BlockSpec((NC, BM, DH), lambda i: (0, i, 0))
_b_spec = pl.BlockSpec((1, D), lambda i: (0, 0))
_half_out = jax.ShapeDtypeStruct((NC, N, DH), jnp.float32)

_tc1 = pl.pallas_call(
    _tc1_body,
    grid=(GRID,),
    in_specs=[_row_spec, _w_spec, _degp_spec],
    out_specs=_half_spec,
    out_shape=_half_out,
)

_tc2 = pl.pallas_call(
    _tc2_body,
    grid=(GRID,),
    in_specs=[_half_spec, _half_spec, _degp_spec, _b_spec, _w_spec],
    out_specs=_half_spec,
    out_shape=_half_out,
)

_tc3 = pl.pallas_call(
    _tc3_body,
    grid=(GRID,),
    in_specs=[_half_spec, _half_spec, _degp_spec, _b_spec],
    out_specs=_row_spec,
    out_shape=jax.ShapeDtypeStruct((N, D), jnp.float32),
)


@jax.jit
def kernel(x, edge_index, W1, b1, W2, b2):
    e32 = edge_index.astype(jnp.int32)
    pad = jnp.stack(
        [
            jnp.zeros((EP - E,), jnp.int32),
            jnp.full((EP - E,), PAD_DST, jnp.int32),
        ]
    )
    e = jnp.concatenate([e32, pad], axis=1).reshape(2, NS, NCHUNK, K)
    ones16 = jnp.ones((NC, N, 16), jnp.float32)
    zeros16 = jnp.zeros((NP, 16), jnp.float32)
    zerosH = jnp.zeros((NP, DH), jnp.float32)

    degp = _deg_kernel(ones16, e, zeros16)
    hs1 = _tc1(x, W1, degp)
    agg1 = _agg_kernel(hs1, e, zerosH)
    hs2 = _tc2(agg1, hs1, degp, b1.reshape(1, D), W2)
    agg2 = _agg_kernel(hs2, e, zerosH)
    return _tc3(agg2, hs2, degp, b2.reshape(1, D))

# --- scband reference (transcript-rebuilt; emitter-appended) ---
"""Pipeline reference for scband-gnnmodel-19215683682694 (READ-ONLY COPY).

The authoritative reference and input builder live on the scoring server;
editing this copy changes nothing except your own understanding.
"""

import jax, jax.numpy as jnp
import numpy as np

N_NODES = 10000
N_EDGES = 320000
D_IN = 128
D_HID = 128
D_OUT = 128


def gcn_conv(x, edge_index, W, b, num_nodes):
    # GCNConv: out = D^{-1/2} (A + I) D^{-1/2} X W + b
    src = edge_index[0]
    dst = edge_index[1]
    loop = jnp.arange(num_nodes, dtype=edge_index.dtype)
    src = jnp.concatenate([src, loop])
    dst = jnp.concatenate([dst, loop])
    deg = jnp.zeros((num_nodes,), dtype=x.dtype).at[dst].add(1.0)
    deg_inv_sqrt = jnp.where(deg > 0, jax.lax.rsqrt(deg), 0.0)
    norm = deg_inv_sqrt[src] * deg_inv_sqrt[dst]
    h = x @ W
    msg = h[src] * norm[:, None]
    out = jnp.zeros((num_nodes, h.shape[1]), dtype=x.dtype).at[dst].add(msg)
    return out + b


def setup_inputs(seed: int = 0) -> dict:
    key = jax.random.key(seed)
    k1, k2, k3, k4, k5 = jax.random.split(key, 5)
    x = jax.random.normal(k1, (N_NODES, D_IN), dtype=jnp.float32)
    edge_index = jax.random.randint(k2, (2, N_EDGES), 0, N_NODES, dtype=jnp.int64)
    s1 = 1.0 / np.sqrt(D_IN)
    s2 = 1.0 / np.sqrt(D_HID)
    W1 = jax.random.uniform(k3, (D_IN, D_HID), dtype=jnp.float32, minval=-s1, maxval=s1)
    b1 = jnp.zeros((D_HID,), dtype=jnp.float32)
    W2 = jax.random.uniform(k4, (D_HID, D_OUT), dtype=jnp.float32, minval=-s2, maxval=s2)
    b2 = jnp.zeros((D_OUT,), dtype=jnp.float32)
    return {"x": x, "edge_index": edge_index, "W1": W1, "b1": b1, "W2": W2, "b2": b2}


def reference(x, edge_index, W1, b1, W2, b2):
    h = gcn_conv(x, edge_index, W1, b1, N_NODES)
    h = jax.nn.relu(h)
    out = gcn_conv(h, edge_index, W2, b2, N_NODES)
    return out

if __name__ == "__main__":
    import jax
    _d = setup_inputs()
    print(jax.jit(kernel)(*tuple(_d.values())))

</pallas_src>

<mosaic_0001>
#map = affine_map<(d0, d1) -> (0, 0, 0)>
#map1 = affine_map<(d0, d1) -> (0, 0, 0, 0)>
#map2 = affine_map<(d0, d1) -> (0, 0)>
module attributes {stable_mosaic.version = 14 : i64} {
  func.func @agg(%arg0: i32, %arg1: i32, %arg2: memref<2x10000x64xf32, #tpu.memory_space<hbm>>, %arg3: memref<2x16x160x128xi32, #tpu.memory_space<hbm>>, %arg4: memref<10240x64xf32, #tpu.memory_space<hbm>>, %arg5: memref<2x10240x64xf32, #tpu.memory_space<hbm>>, %arg6: memref<160x128xi32, #tpu.memory_space<vmem>>, %arg7: memref<160x128xi32, #tpu.memory_space<vmem>>, %arg8: memref<5x128x64xf32, #tpu.memory_space<vmem>>, %arg9: memref<10240x64xf32, #tpu.memory_space<vmem_shared>>, %arg10: memref<5x!tpu.dma_semaphore, #tpu.memory_space<semaphore_mem>>, %arg11: memref<5x!tpu.dma_semaphore, #tpu.memory_space<semaphore_mem>>) attributes {dimension_semantics = [#tpu.dimension_semantics<core_parallel>, #tpu.dimension_semantics<subcore_parallel>], iteration_bounds = array<i64: 2, 16>, scalar_prefetch = 0 : i64, scratch_operands = 6 : i64, tpu.core_type = #tpu.core_type<sc_vector_subcore>, window_params = [{transform_indices = #map}, {transform_indices = #map1}, {transform_indices = #map2}, {transform_indices = #map}]} {
    %mul3A = arith.constant 640 : i32
    %mul3A_0 = arith.muli %arg1, %mul3A : i32
    "tpu.region"() ({
      %run_scoped3A_176 = tpu.sem_alloc : memref<!tpu.dma_semaphore, #tpu.memory_space<semaphore_mem>>
      %dma_start3A_177 = arith.constant 0 : i32
      %dma_start3A_178 = tpu.memref_slice %arg9[%mul3A_0, %dma_start3A_177] : memref<10240x64xf32, #tpu.memory_space<vmem_shared>> -> memref<640x64xf32, #tpu.memory_space<vmem_shared>>
      %dma_start3A_179 = arith.constant 0 : i32
      %dma_start3A_180 = tpu.memref_slice %arg4[%mul3A_0, %dma_start3A_179] : memref<10240x64xf32, #tpu.memory_space<hbm>> -> memref<640x64xf32, #tpu.memory_space<hbm>>
      tpu.enqueue_dma source(%dma_start3A_180 : memref<640x64xf32, #tpu.memory_space<hbm>>) target(%dma_start3A_178 : memref<640x64xf32, #tpu.memory_space<vmem_shared>>) target_semaphore(%run_scoped3A_176 : memref<!tpu.dma_semaphore, #tpu.memory_space<semaphore_mem>>)
      %dma_wait3A_181 = arith.constant 0 : i32
      %dma_wait3A_182 = tpu.memref_slice %arg9[%mul3A_0, %dma_wait3A_181] : memref<10240x64xf32, #tpu.memory_space<vmem_shared>> -> memref<640x64xf32, #tpu.memory_space<vmem_shared>>
      %dma_wait3A_183 = arith.constant 0 : i32
      %dma_wait3A_184 = tpu.memref_slice %arg4[%mul3A_0, %dma_wait3A_183] : memref<10240x64xf32, #tpu.memory_space<hbm>> -> memref<640x64xf32, #tpu.memory_space<hbm>>
      tpu.wait_dma2 semaphore(%run_scoped3A_176 : memref<!tpu.dma_semaphore, #tpu.memory_space<semaphore_mem>>) src(%dma_wait3A_184 : memref<640x64xf32, #tpu.memory_space<hbm>>) dst(%dma_wait3A_182 : memref<640x64xf32, #tpu.memory_space<vmem_shared>>)
      tpu.yield
    }) : () -> ()
    %barrier3A = arith.constant 0 : index
    tpu.barrier barrier_id(%barrier3A)
    %run_scoped3A = arith.constant 0 : i32
    "tpu.region"() ({
      %run_scoped3A_176 = tpu.sem_alloc : memref<!tpu.dma_semaphore, #tpu.memory_space<semaphore_mem>>
      %dma_start3A_177 = arith.constant 0 : i32
      %dma_start3A_178 = arith.constant 0 : i32
      %dma_start3A_179 = tpu.memref_slice %arg3[%run_scoped3A, %arg1, %dma_start3A_177, %dma_start3A_178] : memref<2x16x160x128xi32, #tpu.memory_space<hbm>> -> memref<1x1x160x128xi32, #tpu.memory_space<hbm>>
      %dma_start3A_180 = tpu.memref_squeeze %dma_start3A_179 : memref<1x1x160x128xi32, #tpu.memory_space<hbm>> -> memref<160x128xi32, #tpu.memory_space<hbm>>
      %dma_start3A_181 = arith.constant 0 : i32
      %dma_start3A_182 = arith.constant 0 : i32
      %dma_start3A_183 = tpu.memref_slice %arg3[%run_scoped3A, %arg1, %dma_start3A_181, %dma_start3A_182] : memref<2x16x160x128xi32, #tpu.memory_space<hbm>> -> memref<1x1x160x128xi32, #tpu.memory_space<hbm>>
      %dma_start3A_184 = tpu.memref_squeeze %dma_start3A_183 : memref<1x1x160x128xi32, #tpu.memory_space<hbm>> -> memref<160x128xi32, #tpu.memory_space<hbm>>
      tpu.enqueue_dma source(%dma_start3A_184 : memref<160x128xi32, #tpu.memory_space<hbm>>) target(%arg6 : memref<160x128xi32, #tpu.memory_space<vmem>>) target_semaphore(%run_scoped3A_176 : memref<!tpu.dma_semaphore, #tpu.memory_space<semaphore_mem>>)
      %dma_wait3A_185 = arith.constant 0 : i32
      %dma_wait3A_186 = arith.constant 0 : i32
      %dma_wait3A_187 = tpu.memref_slice %arg3[%run_scoped3A, %arg1, %dma_wait3A_185, %dma_wait3A_186] : memref<2x16x160x128xi32, #tpu.memory_space<hbm>> -> memref<1x1x160x128xi32, #tpu.memory_space<hbm>>
      %dma_wait3A_188 = tpu.memref_squeeze %dma_wait3A_187 : memref<1x1x160x128xi32, #tpu.memory_space<hbm>> -> memref<160x128xi32, #tpu.memory_space<hbm>>
      %dma_wait3A_189 = arith.constant 0 : i32
      %dma_wait3A_190 = arith.constant 0 : i32
      %dma_wait3A_191 = tpu.memref_slice %arg3[%run_scoped3A, %arg1, %dma_wait3A_189, %dma_wait3A_190] : memref<2x16x160x128xi32, #tpu.memory_space<hbm>> -> memref<1x1x160x128xi32, #tpu.memory_space<hbm>>
      %dma_wait3A_192 = tpu.memref_squeeze %dma_wait3A_191 : memref<1x1x160x128xi32, #tpu.memory_space<hbm>> -> memref<160x128xi32, #tpu.memory_space<hbm>>
      tpu.wait_dma2 semaphore(%run_scoped3A_176 : memref<!tpu.dma_semaphore, #tpu.memory_space<semaphore_mem>>) src(%dma_wait3A_192 : memref<160x128xi32, #tpu.memory_space<hbm>>) dst(%arg6 : memref<160x128xi32, #tpu.memory_space<vmem>>)
      tpu.yield
    }) : () -> ()
    %run_scoped3A_1 = arith.constant 1 : i32
    "tpu.region"() ({
      %run_scoped3A_176 = tpu.sem_alloc : memref<!tpu.dma_semaphore, #tpu.memory_space<semaphore_mem>>
      %dma_start3A_177 = arith.constant 0 : i32
      %dma_start3A_178 = arith.constant 0 : i32
      %dma_start3A_179 = tpu.memref_slice %arg3[%run_scoped3A_1, %arg1, %dma_start3A_177, %dma_start3A_178] : memref<2x16x160x128xi32, #tpu.memory_space<hbm>> -> memref<1x1x160x128xi32, #tpu.memory_space<hbm>>
      %dma_start3A_180 = tpu.memref_squeeze %dma_start3A_179 : memref<1x1x160x128xi32, #tpu.memory_space<hbm>> -> memref<160x128xi32, #tpu.memory_space<hbm>>
      %dma_start3A_181 = arith.constant 0 : i32
      %dma_start3A_182 = arith.constant 0 : i32
      %dma_start3A_183 = tpu.memref_slice %arg3[%run_scoped3A_1, %arg1, %dma_start3A_181, %dma_start3A_182] : memref<2x16x160x128xi32, #tpu.memory_space<hbm>> -> memref<1x1x160x128xi32, #tpu.memory_space<hbm>>
      %dma_start3A_184 = tpu.memref_squeeze %dma_start3A_183 : memref<1x1x160x128xi32, #tpu.memory_space<hbm>> -> memref<160x128xi32, #tpu.memory_space<hbm>>
      tpu.enqueue_dma source(%dma_start3A_184 : memref<160x128xi32, #tpu.memory_space<hbm>>) target(%arg7 : memref<160x128xi32, #tpu.memory_space<vmem>>) target_semaphore(%run_scoped3A_176 : memref<!tpu.dma_semaphore, #tpu.memory_space<semaphore_mem>>)
      %dma_wait3A_185 = arith.constant 0 : i32
      %dma_wait3A_186 = arith.constant 0 : i32
      %dma_wait3A_187 = tpu.memref_slice %arg3[%run_scoped3A_1, %arg1, %dma_wait3A_185, %dma_wait3A_186] : memref<2x16x160x128xi32, #tpu.memory_space<hbm>> -> memref<1x1x160x128xi32, #tpu.memory_space<hbm>>
      %dma_wait3A_188 = tpu.memref_squeeze %dma_wait3A_187 : memref<1x1x160x128xi32, #tpu.memory_space<hbm>> -> memref<160x128xi32, #tpu.memory_space<hbm>>
      %dma_wait3A_189 = arith.constant 0 : i32
      %dma_wait3A_190 = arith.constant 0 : i32
      %dma_wait3A_191 = tpu.memref_slice %arg3[%run_scoped3A_1, %arg1, %dma_wait3A_189, %dma_wait3A_190] : memref<2x16x160x128xi32, #tpu.memory_space<hbm>> -> memref<1x1x160x128xi32, #tpu.memory_space<hbm>>
      %dma_wait3A_192 = tpu.memref_squeeze %dma_wait3A_191 : memref<1x1x160x128xi32, #tpu.memory_space<hbm>> -> memref<160x128xi32, #tpu.memory_space<hbm>>
      tpu.wait_dma2 semaphore(%run_scoped3A_176 : memref<!tpu.dma_semaphore, #tpu.memory_space<semaphore_mem>>) src(%dma_wait3A_192 : memref<160x128xi32, #tpu.memory_space<hbm>>) dst(%arg7 : memref<160x128xi32, #tpu.memory_space<vmem>>)
      tpu.yield
    }) : () -> ()
    %dma_start3A = arith.constant 0 : i32
    %dma_start3A_2 = arith.constant 0 : i32
    %dma_start3A_3 = arith.constant 0 : i32
    %dma_start3A_4 = arith.constant 0 : i32
    %dma_start3A_5 = arith.constant 0 : i32
    %dma_start3A_6 = tpu.memref_slice %arg8[%dma_start3A_2, %dma_start3A_4, %dma_start3A_5] : memref<5x128x64xf32, #tpu.memory_space<vmem>> -> memref<1x128x64xf32, #tpu.memory_space<vmem>>
    %dma_start3A_7 = tpu.memref_squeeze %dma_start3A_6 : memref<1x128x64xf32, #tpu.memory_space<vmem>> -> memref<128x64xf32, #tpu.memory_space<vmem>>
    %dma_start3A_8 = arith.constant 0 : i32
    %dma_start3A_9 = tpu.memref_slice %arg6[%dma_start3A, %dma_start3A_8] : memref<160x128xi32, #tpu.memory_space<vmem>> -> memref<1x128xi32, #tpu.memory_space<vmem>>
    %dma_start3A_10 = tpu.memref_squeeze %dma_start3A_9 : memref<1x128xi32, #tpu.memory_space<vmem>> -> memref<128xi32, #tpu.memory_space<vmem>>
    %dma_start3A_11 = arith.constant 0 : i32
    %dma_start3A_12 = arith.constant 0 : i32
    %dma_start3A_13 = tpu.memref_slice %arg2[%arg0, %dma_start3A_11, %dma_start3A_12] : memref<2x10000x64xf32, #tpu.memory_space<hbm>> -> memref<1x10000x64xf32, #tpu.memory_space<hbm>>
    %dma_start3A_14 = tpu.memref_squeeze %dma_start3A_13 : memref<1x10000x64xf32, #tpu.memory_space<hbm>> -> memref<10000x64xf32, #tpu.memory_space<hbm>>
    %dma_start3A_15 = arith.constant 0 : i32
    %dma_start3A_16 = arith.constant 0 : i32
    %dma_start3A_17 = tpu.memref_slice %dma_start3A_14[%dma_start3A_15, %dma_start3A_16] : memref<10000x64xf32, #tpu.memory_space<hbm>> -> memref<10000x64xf32, #tpu.memory_space<hbm>>
    %dma_start3A_18 = tpu.memref_slice %arg10[%dma_start3A_3] : memref<5x!tpu.dma_semaphore, #tpu.memory_space<semaphore_mem>> -> memref<1x!tpu.dma_semaphore, #tpu.memory_space<semaphore_mem>>
    %dma_start3A_19 = tpu.memref_squeeze %dma_start3A_18 : memref<1x!tpu.dma_semaphore, #tpu.memory_space<semaphore_mem>> -> memref<!tpu.dma_semaphore, #tpu.memory_space<semaphore_mem>>
    tpu.enqueue_indirect_dma source(%dma_start3A_17 : memref<10000x64xf32, #tpu.memory_space<hbm>>) target(%dma_start3A_7 : memref<128x64xf32, #tpu.memory_space<vmem>>) offsets(%dma_start3A_10 : memref<128xi32, #tpu.memory_space<vmem>>) semaphore(%dma_start3A_19 : memref<!tpu.dma_semaphore, #tpu.memory_space<semaphore_mem>>)
    %dma_start3A_20 = arith.constant 1 : i32
    %dma_start3A_21 = arith.constant 1 : i32
    %dma_start3A_22 = arith.constant 1 : i32
    %dma_start3A_23 = arith.constant 0 : i32
    %dma_start3A_24 = arith.constant 0 : i32
    %dma_start3A_25 = tpu.memref_slice %arg8[%dma_start3A_21, %dma_start3A_23, %dma_start3A_24] : memref<5x128x64xf32, #tpu.memory_space<vmem>> -> memref<1x128x64xf32, #tpu.memory_space<vmem>>
    %dma_start3A_26 = tpu.memref_squeeze %dma_start3A_25 : memref<1x128x64xf32, #tpu.memory_space<vmem>> -> memref<128x64xf32, #tpu.memory_space<vmem>>
    %dma_start3A_27 = arith.constant 0 : i32
    %dma_start3A_28 = tpu.memref_slice %arg6[%dma_start3A_20, %dma_start3A_27] : memref<160x128xi32, #tpu.memory_space<vmem>> -> memref<1x128xi32, #tpu.memory_space<vmem>>
    %dma_start3A_29 = tpu.memref_squeeze %dma_start3A_28 : memref<1x128xi32, #tpu.memory_space<vmem>> -> memref<128xi32, #tpu.memory_space<vmem>>
    %dma_start3A_30 = arith.constant 0 : i32
    %dma_start3A_31 = arith.constant 0 : i32
    %dma_start3A_32 = tpu.memref_slice %arg2[%arg0, %dma_start3A_30, %dma_start3A_31] : memref<2x10000x64xf32, #tpu.memory_space<hbm>> -> memref<1x10000x64xf32, #tpu.memory_space<hbm>>
    %dma_start3A_33 = tpu.memref_squeeze %dma_start3A_32 : memref<1x10000x64xf32, #tpu.memory_space<hbm>> -> memref<10000x64xf32, #tpu.memory_space<hbm>>
    %dma_start3A_34 = arith.constant 0 : i32
    %dma_start3A_35 = arith.constant 0 : i32
    %dma_start3A_36 = tpu.memref_slice %dma_start3A_33[%dma_start3A_34, %dma_start3A_35] : memref<10000x64xf32, #tpu.memory_space<hbm>> -> memref<10000x64xf32, #tpu.memory_space<hbm>>
    %dma_start3A_37 = tpu.memref_slice %arg10[%dma_start3A_22] : memref<5x!tpu.dma_semaphore, #tpu.memory_space<semaphore_mem>> -> memref<1x!tpu.dma_semaphore, #tpu.memory_space<semaphore_mem>>
    %dma_start3A_38 = tpu.memref_squeeze %dma_start3A_37 : memref<1x!tpu.dma_semaphore, #tpu.memory_space<semaphore_mem>> -> memref<!tpu.dma_semaphore, #tpu.memory_space<semaphore_mem>>
    tpu.enqueue_indirect_dma source(%dma_start3A_36 : memref<10000x64xf32, #tpu.memory_space<hbm>>) target(%dma_start3A_26 : memref<128x64xf32, #tpu.memory_space<vmem>>) offsets(%dma_start3A_29 : memref<128xi32, #tpu.memory_space<vmem>>) semaphore(%dma_start3A_38 : memref<!tpu.dma_semaphore, #tpu.memory_space<semaphore_mem>>)
    %dma_start3A_39 = arith.constant 2 : i32
    %dma_start3A_40 = arith.constant 2 : i32
    %dma_start3A_41 = arith.constant 2 : i32
    %dma_start3A_42 = arith.constant 0 : i32
    %dma_start3A_43 = arith.constant 0 : i32
    %dma_start3A_44 = tpu.memref_slice %arg8[%dma_start3A_40, %dma_start3A_42, %dma_start3A_43] : memref<5x128x64xf32, #tpu.memory_space<vmem>> -> memref<1x128x64xf32, #tpu.memory_space<vmem>>
    %dma_start3A_45 = tpu.memref_squeeze %dma_start3A_44 : memref<1x128x64xf32, #tpu.memory_space<vmem>> -> memref<128x64xf32, #tpu.memory_space<vmem>>
    %dma_start3A_46 = arith.constant 0 : i32
    %dma_start3A_47 = tpu.memref_slice %arg6[%dma_start3A_39, %dma_start3A_46] : memref<160x128xi32, #tpu.memory_space<vmem>> -> memref<1x128xi32, #tpu.memory_space<vmem>>
    %dma_start3A_48 = tpu.memref_squeeze %dma_start3A_47 : memref<1x128xi32, #tpu.memory_space<vmem>> -> memref<128xi32, #tpu.memory_space<vmem>>
    %dma_start3A_49 = arith.constant 0 : i32
    %dma_start3A_50 = arith.constant 0 : i32
    %dma_start3A_51 = tpu.memref_slice %arg2[%arg0, %dma_start3A_49, %dma_start3A_50] : memref<2x10000x64xf32, #tpu.memory_space<hbm>> -> memref<1x10000x64xf32, #tpu.memory_space<hbm>>
    %dma_start3A_52 = tpu.memref_squeeze %dma_start3A_51 : memref<1x10000x64xf32, #tpu.memory_space<hbm>> -> memref<10000x64xf32, #tpu.memory_space<hbm>>
    %dma_start3A_53 = arith.constant 0 : i32
    %dma_start3A_54 = arith.constant 0 : i32
    %dma_start3A_55 = tpu.memref_slice %dma_start3A_52[%dma_start3A_53, %dma_start3A_54] : memref<10000x64xf32, #tpu.memory_space<hbm>> -> memref<10000x64xf32, #tpu.memory_space<hbm>>
    %dma_start3A_56 = tpu.memref_slice %arg10[%dma_start3A_41] : memref<5x!tpu.dma_semaphore, #tpu.memory_space<semaphore_mem>> -> memref<1x!tpu.dma_semaphore, #tpu.memory_space<semaphore_mem>>
    %dma_start3A_57 = tpu.memref_squeeze %dma_start3A_56 : memref<1x!tpu.dma_semaphore, #tpu.memory_space<semaphore_mem>> -> memref<!tpu.dma_semaphore, #tpu.memory_space<semaphore_mem>>
    tpu.enqueue_indirect_dma source(%dma_start3A_55 : memref<10000x64xf32, #tpu.memory_space<hbm>>) target(%dma_start3A_45 : memref<128x64xf32, #tpu.memory_space<vmem>>) offsets(%dma_start3A_48 : memref<128xi32, #tpu.memory_space<vmem>>) semaphore(%dma_start3A_57 : memref<!tpu.dma_semaphore, #tpu.memory_space<semaphore_mem>>)
    %dma_start3A_58 = arith.constant 3 : i32
    %dma_start3A_59 = arith.constant 3 : i32
    %dma_start3A_60 = arith.constant 3 : i32
    %dma_start3A_61 = arith.constant 0 : i32
    %dma_start3A_62 = arith.constant 0 : i32
    %dma_start3A_63 = tpu.memref_slice %arg8[%dma_start3A_59, %dma_start3A_61, %dma_start3A_62] : memref<5x128x64xf32, #tpu.memory_space<vmem>> -> memref<1x128x64xf32, #tpu.memory_space<vmem>>
    %dma_start3A_64 = tpu.memref_squeeze %dma_start3A_63 : memref<1x128x64xf32, #tpu.memory_space<vmem>> -> memref<128x64xf32, #tpu.memory_space<vmem>>
    %dma_start3A_65 = arith.constant 0 : i32
    %dma_start3A_66 = tpu.memref_slice %arg6[%dma_start3A_58, %dma_start3A_65] : memref<160x128xi32, #tpu.memory_space<vmem>> -> memref<1x128xi32, #tpu.memory_space<vmem>>
    %dma_start3A_67 = tpu.memref_squeeze %dma_start3A_66 : memref<1x128xi32, #tpu.memory_space<vmem>> -> memref<128xi32, #tpu.memory_space<vmem>>
    %dma_start3A_68 = arith.constant 0 : i32
    %dma_start3A_69 = arith.constant 0 : i32
    %dma_start3A_70 = tpu.memref_slice %arg2[%arg0, %dma_start3A_68, %dma_start3A_69] : memref<2x10000x64xf32, #tpu.memory_space<hbm>> -> memref<1x10000x64xf32, #tpu.memory_space<hbm>>
    %dma_start3A_71 = tpu.memref_squeeze %dma_start3A_70 : memref<1x10000x64xf32, #tpu.memory_space<hbm>> -> memref<10000x64xf32, #tpu.memory_space<hbm>>
    %dma_start3A_72 = arith.constant 0 : i32
    %dma_start3A_73 = arith.constant 0 : i32
    %dma_start3A_74 = tpu.memref_slice %dma_start3A_71[%dma_start3A_72, %dma_start3A_73] : memref<10000x64xf32, #tpu.memory_space<hbm>> -> memref<10000x64xf32, #tpu.memory_space<hbm>>
    %dma_start3A_75 = tpu.memref_slice %arg10[%dma_start3A_60] : memref<5x!tpu.dma_semaphore, #tpu.memory_space<semaphore_mem>> -> memref<1x!tpu.dma_semaphore, #tpu.memory_space<semaphore_mem>>
    %dma_start3A_76 = tpu.memref_squeeze %dma_start3A_75 : memref<1x!tpu.dma_semaphore, #tpu.memory_space<semaphore_mem>> -> memref<!tpu.dma_semaphore, #tpu.memory_space<semaphore_mem>>
    tpu.enqueue_indirect_dma source(%dma_start3A_74 : memref<10000x64xf32, #tpu.memory_space<hbm>>) target(%dma_start3A_64 : memref<128x64xf32, #tpu.memory_space<vmem>>) offsets(%dma_start3A_67 : memref<128xi32, #tpu.memory_space<vmem>>) semaphore(%dma_start3A_76 : memref<!tpu.dma_semaphore, #tpu.memory_space<semaphore_mem>>)
    %dma_start3A_77 = arith.constant 4 : i32
    %dma_start3A_78 = arith.constant 4 : i32
    %dma_start3A_79 = arith.constant 4 : i32
    %dma_start3A_80 = arith.constant 0 : i32
    %dma_start3A_81 = arith.constant 0 : i32
    %dma_start3A_82 = tpu.memref_slice %arg8[%dma_start3A_78, %dma_start3A_80, %dma_start3A_81] : memref<5x128x64xf32, #tpu.memory_space<vmem>> -> memref<1x128x64xf32, #tpu.memory_space<vmem>>
    %dma_start3A_83 = tpu.memref_squeeze %dma_start3A_82 : memref<1x128x64xf32, #tpu.memory_space<vmem>> -> memref<128x64xf32, #tpu.memory_space<vmem>>
    %dma_start3A_84 = arith.constant 0 : i32
    %dma_start3A_85 = tpu.memref_slice %arg6[%dma_start3A_77, %dma_start3A_84] : memref<160x128xi32, #tpu.memory_space<vmem>> -> memref<1x128xi32, #tpu.memory_space<vmem>>
    %dma_start3A_86 = tpu.memref_squeeze %dma_start3A_85 : memref<1x128xi32, #tpu.memory_space<vmem>> -> memref<128xi32, #tpu.memory_space<vmem>>
    %dma_start3A_87 = arith.constant 0 : i32
    %dma_start3A_88 = arith.constant 0 : i32
    %dma_start3A_89 = tpu.memref_slice %arg2[%arg0, %dma_start3A_87, %dma_start3A_88] : memref<2x10000x64xf32, #tpu.memory_space<hbm>> -> memref<1x10000x64xf32, #tpu.memory_space<hbm>>
    %dma_start3A_90 = tpu.memref_squeeze %dma_start3A_89 : memref<1x10000x64xf32, #tpu.memory_space<hbm>> -> memref<10000x64xf32, #tpu.memory_space<hbm>>
    %dma_start3A_91 = arith.constant 0 : i32
    %dma_start3A_92 = arith.constant 0 : i32
    %dma_start3A_93 = tpu.memref_slice %dma_start3A_90[%dma_start3A_91, %dma_start3A_92] : memref<10000x64xf32, #tpu.memory_space<hbm>> -> memref<10000x64xf32, #tpu.memory_space<hbm>>
    %dma_start3A_94 = tpu.memref_slice %arg10[%dma_start3A_79] : memref<5x!tpu.dma_semaphore, #tpu.memory_space<semaphore_mem>> -> memref<1x!tpu.dma_semaphore, #tpu.memory_space<semaphore_mem>>
    %dma_start3A_95 = tpu.memref_squeeze %dma_start3A_94 : memref<1x!tpu.dma_semaphore, #tpu.memory_space<semaphore_mem>> -> memref<!tpu.dma_semaphore, #tpu.memory_space<semaphore_mem>>
    tpu.enqueue_indirect_dma source(%dma_start3A_93 : memref<10000x64xf32, #tpu.memory_space<hbm>>) target(%dma_start3A_83 : memref<128x64xf32, #tpu.memory_space<vmem>>) offsets(%dma_start3A_86 : memref<128xi32, #tpu.memory_space<vmem>>) semaphore(%dma_start3A_95 : memref<!tpu.dma_semaphore, #tpu.memory_space<semaphore_mem>>)
    %scan3A = arith.constant 0 : i32
    %scan3A_96 = arith.constant 0 : i32
    %scan3A_97 = arith.constant 32 : i32
    %scan3A_98 = arith.addi %scan3A_96, %scan3A_97 : i32
    %scan3A_99 = arith.constant 1 : i32
    scf.for %scan3A_176 = %scan3A_96 to %scan3A_98 step %scan3A_99  : i32 {
      %mul3A_177 = arith.constant 5 : i32
      %mul3A_178 = arith.muli %scan3A_176, %mul3A_177 : i32
      %add3A = arith.constant 0 : i32
      %add3A_179 = arith.addi %add3A, %mul3A_178 : i32
      %add3A_180 = arith.constant 0 : i32
      %add3A_181 = arith.addi %add3A_179, %add3A_180 : i32
      %dma_wait3A_182 = arith.constant 0 : i32
      %dma_wait3A_183 = arith.constant 0 : i32
      %dma_wait3A_184 = arith.constant 0 : i32
      %dma_wait3A_185 = arith.constant 0 : i32
      %dma_wait3A_186 = tpu.memref_slice %arg8[%dma_wait3A_182, %dma_wait3A_184, %dma_wait3A_185] : memref<5x128x64xf32, #tpu.memory_space<vmem>> -> memref<1x128x64xf32, #tpu.memory_space<vmem>>
      %dma_wait3A_187 = tpu.memref_squeeze %dma_wait3A_186 : memref<1x128x64xf32, #tpu.memory_space<vmem>> -> memref<128x64xf32, #tpu.memory_space<vmem>>
      %dma_wait3A_188 = arith.constant 0 : i32
      %dma_wait3A_189 = tpu.memref_slice %arg6[%add3A_181, %dma_wait3A_188] : memref<160x128xi32, #tpu.memory_space<vmem>> -> memref<1x128xi32, #tpu.memory_space<vmem>>
      %dma_wait3A_190 = tpu.memref_squeeze %dma_wait3A_189 : memref<1x128xi32, #tpu.memory_space<vmem>> -> memref<128xi32, #tpu.memory_space<vmem>>
      %dma_wait3A_191 = arith.constant 0 : i32
      %dma_wait3A_192 = arith.constant 0 : i32
      %dma_wait3A_193 = tpu.memref_slice %arg2[%arg0, %dma_wait3A_191, %dma_wait3A_192] : memref<2x10000x64xf32, #tpu.memory_space<hbm>> -> memref<1x10000x64xf32, #tpu.memory_space<hbm>>
      %dma_wait3A_194 = tpu.memref_squeeze %dma_wait3A_193 : memref<1x10000x64xf32, #tpu.memory_space<hbm>> -> memref<10000x64xf32, #tpu.memory_space<hbm>>
      %dma_wait3A_195 = arith.constant 0 : i32
      %dma_wait3A_196 = arith.constant 0 : i32
      %dma_wait3A_197 = tpu.memref_slice %dma_wait3A_194[%dma_wait3A_195, %dma_wait3A_196] : memref<10000x64xf32, #tpu.memory_space<hbm>> -> memref<10000x64xf32, #tpu.memory_space<hbm>>
      %dma_wait3A_198 = tpu.memref_slice %arg10[%dma_wait3A_183] : memref<5x!tpu.dma_semaphore, #tpu.memory_space<semaphore_mem>> -> memref<1x!tpu.dma_semaphore, #tpu.memory_space<semaphore_mem>>
      %dma_wait3A_199 = tpu.memref_squeeze %dma_wait3A_198 : memref<1x!tpu.dma_semaphore, #tpu.memory_space<semaphore_mem>> -> memref<!tpu.dma_semaphore, #tpu.memory_space<semaphore_mem>>
      tpu.wait_indirect_dma semaphore(%dma_wait3A_199 : memref<!tpu.dma_semaphore, #tpu.memory_space<semaphore_mem>>) src(%dma_wait3A_197 : memref<10000x64xf32, #tpu.memory_space<hbm>>) dst(%dma_wait3A_187 : memref<128x64xf32, #tpu.memory_space<vmem>>)
      %dma_start3A_200 = arith.constant 0 : i32
      %dma_start3A_201 = arith.constant 0 : i32
      %dma_start3A_202 = arith.constant 0 : i32
      %dma_start3A_203 = arith.constant 0 : i32
      %dma_start3A_204 = tpu.memref_slice %arg8[%dma_start3A_200, %dma_start3A_202, %dma_start3A_203] : memref<5x128x64xf32, #tpu.memory_space<vmem>> -> memref<1x128x64xf32, #tpu.memory_space<vmem>>
      %dma_start3A_205 = tpu.memref_squeeze %dma_start3A_204 : memref<1x128x64xf32, #tpu.memory_space<vmem>> -> memref<128x64xf32, #tpu.memory_space<vmem>>
      %dma_start3A_206 = arith.constant 0 : i32
      %dma_start3A_207 = tpu.memref_slice %arg7[%add3A_181, %dma_start3A_206] : memref<160x128xi32, #tpu.memory_space<vmem>> -> memref<1x128xi32, #tpu.memory_space<vmem>>
      %dma_start3A_208 = tpu.memref_squeeze %dma_start3A_207 : memref<1x128xi32, #tpu.memory_space<vmem>> -> memref<128xi32, #tpu.memory_space<vmem>>
      %dma_start3A_209 = arith.constant 0 : i32
      %dma_start3A_210 = arith.constant 0 : i32
      %dma_start3A_211 = tpu.memref_slice %arg9[%dma_start3A_209, %dma_start3A_210] : memref<10240x64xf32, #tpu.memory_space<vmem_shared>> -> memref<10240x64xf32, #tpu.memory_space<vmem_shared>>
      %dma_start3A_212 = tpu.memref_slice %arg11[%dma_start3A_201] : memref<5x!tpu.dma_semaphore, #tpu.memory_space<semaphore_mem>> -> memref<1x!tpu.dma_semaphore, #tpu.memory_space<semaphore_mem>>
      %dma_start3A_213 = tpu.memref_squeeze %dma_start3A_212 : memref<1x!tpu.dma_semaphore, #tpu.memory_space<semaphore_mem>> -> memref<!tpu.dma_semaphore, #tpu.memory_space<semaphore_mem>>
      tpu.enqueue_indirect_dma source(%dma_start3A_205 : memref<128x64xf32, #tpu.memory_space<vmem>>) target(%dma_start3A_211 : memref<10240x64xf32, #tpu.memory_space<vmem_shared>>) offsets(%dma_start3A_208 : memref<128xi32, #tpu.memory_space<vmem>>) semaphore(%dma_start3A_213 : memref<!tpu.dma_semaphore, #tpu.memory_space<semaphore_mem>>) {add = true}
      %mul3A_214 = arith.constant 5 : i32
      %mul3A_215 = arith.muli %scan3A_176, %mul3A_214 : i32
      %add3A_216 = arith.constant 0 : i32
      %add3A_217 = arith.addi %add3A_216, %mul3A_215 : i32
      %add3A_218 = arith.constant 1 : i32
      %add3A_219 = arith.addi %add3A_217, %add3A_218 : i32
      %dma_wait3A_220 = arith.constant 1 : i32
      %dma_wait3A_221 = arith.constant 1 : i32
      %dma_wait3A_222 = arith.constant 0 : i32
      %dma_wait3A_223 = arith.constant 0 : i32
      %dma_wait3A_224 = tpu.memref_slice %arg8[%dma_wait3A_220, %dma_wait3A_222, %dma_wait3A_223] : memref<5x128x64xf32, #tpu.memory_space<vmem>> -> memref<1x128x64xf32, #tpu.memory_space<vmem>>
      %dma_wait3A_225 = tpu.memref_squeeze %dma_wait3A_224 : memref<1x128x64xf32, #tpu.memory_space<vmem>> -> memref<128x64xf32, #tpu.memory_space<vmem>>
      %dma_wait3A_226 = arith.constant 0 : i32
      %dma_wait3A_227 = tpu.memref_slice %arg6[%add3A_219, %dma_wait3A_226] : memref<160x128xi32, #tpu.memory_space<vmem>> -> memref<1x128xi32, #tpu.memory_space<vmem>>
      %dma_wait3A_228 = tpu.memref_squeeze %dma_wait3A_227 : memref<1x128xi32, #tpu.memory_space<vmem>> -> memref<128xi32, #tpu.memory_space<vmem>>
      %dma_wait3A_229 = arith.constant 0 : i32
      %dma_wait3A_230 = arith.constant 0 : i32
      %dma_wait3A_231 = tpu.memref_slice %arg2[%arg0, %dma_wait3A_229, %dma_wait3A_230] : memref<2x10000x64xf32, #tpu.memory_space<hbm>> -> memref<1x10000x64xf32, #tpu.memory_space<hbm>>
      %dma_wait3A_232 = tpu.memref_squeeze %dma_wait3A_231 : memref<1x10000x64xf32, #tpu.memory_space<hbm>> -> memref<10000x64xf32, #tpu.memory_space<hbm>>
      %dma_wait3A_233 = arith.constant 0 : i32
      %dma_wait3A_234 = arith.constant 0 : i32
      %dma_wait3A_235 = tpu.memref_slice %dma_wait3A_232[%dma_wait3A_233, %dma_wait3A_234] : memref<10000x64xf32, #tpu.memory_space<hbm>> -> memref<10000x64xf32, #tpu.memory_space<hbm>>
      %dma_wait3A_236 = tpu.memref_slice %arg10[%dma_wait3A_221] : memref<5x!tpu.dma_semaphore, #tpu.memory_space<semaphore_mem>> -> memref<1x!tpu.dma_semaphore, #tpu.memory_space<semaphore_mem>>
      %dma_wait3A_237 = tpu.memref_squeeze %dma_wait3A_236 : memref<1x!tpu.dma_semaphore, #tpu.memory_space<semaphore_mem>> -> memref<!tpu.dma_semaphore, #tpu.memory_space<semaphore_mem>>
      tpu.wait_indirect_dma semaphore(%dma_wait3A_237 : memref<!tpu.dma_semaphore, #tpu.memory_space<semaphore_mem>>) src(%dma_wait3A_235 : memref<10000x64xf32, #tpu.memory_space<hbm>>) dst(%dma_wait3A_225 : memref<128x64xf32, #tpu.memory_space<vmem>>)
      %dma_start3A_238 = arith.constant 1 : i32
      %dma_start3A_239 = arith.constant 1 : i32
      %dma_start3A_240 = arith.constant 0 : i32
      %dma_start3A_241 = arith.constant 0 : i32
      %dma_start3A_242 = tpu.memref_slice %arg8[%dma_start3A_238, %dma_start3A_240, %dma_start3A_241] : memref<5x128x64xf32, #tpu.memory_space<vmem>> -> memref<1x128x64xf32, #tpu.memory_space<vmem>>
      %dma_start3A_243 = tpu.memref_squeeze %dma_start3A_242 : memref<1x128x64xf32, #tpu.memory_space<vmem>> -> memref<128x64xf32, #tpu.memory_space<vmem>>
      %dma_start3A_244 = arith.constant 0 : i32
      %dma_start3A_245 = tpu.memref_slice %arg7[%add3A_219, %dma_start3A_244] : memref<160x128xi32, #tpu.memory_space<vmem>> -> memref<1x128xi32, #tpu.memory_space<vmem>>
      %dma_start3A_246 = tpu.memref_squeeze %dma_start3A_245 : memref<1x128xi32, #tpu.memory_space<vmem>> -> memref<128xi32, #tpu.memory_space<vmem>>
      %dma_start3A_247 = arith.constant 0 : i32
      %dma_start3A_248 = arith.constant 0 : i32
      %dma_start3A_249 = tpu.memref_slice %arg9[%dma_start3A_247, %dma_start3A_248] : memref<10240x64xf32, #tpu.memory_space<vmem_shared>> -> memref<10240x64xf32, #tpu.memory_space<vmem_shared>>
      %dma_start3A_250 = tpu.memref_slice %arg11[%dma_start3A_239] : memref<5x!tpu.dma_semaphore, #tpu.memory_space<semaphore_mem>> -> memref<1x!tpu.dma_semaphore, #tpu.memory_space<semaphore_mem>>
      %dma_start3A_251 = tpu.memref_squeeze %dma_start3A_250 : memref<1x!tpu.dma_semaphore, #tpu.memory_space<semaphore_mem>> -> memref<!tpu.dma_semaphore, #tpu.memory_space<semaphore_mem>>
      tpu.enqueue_indirect_dma source(%dma_start3A_243 : memref<128x64xf32, #tpu.memory_space<vmem>>) target(%dma_start3A_249 : memref<10240x64xf32, #tpu.memory_space<vmem_shared>>) offsets(%dma_start3A_246 : memref<128xi32, #tpu.memory_space<vmem>>) semaphore(%dma_start3A_251 : memref<!tpu.dma_semaphore, #tpu.memory_space<semaphore_mem>>) {add = true}
      %mul3A_252 = arith.constant 5 : i32
      %mul3A_253 = arith.muli %scan3A_176, %mul3A_252 : i32
      %add3A_254 = arith.constant 0 : i32
      %add3A_255 = arith.addi %add3A_254, %mul3A_253 : i32
      %add3A_256 = arith.constant 2 : i32
      %add3A_257 = arith.addi %add3A_255, %add3A_256 : i32
      %dma_wait3A_258 = arith.constant 2 : i32
      %dma_wait3A_259 = arith.constant 2 : i32
      %dma_wait3A_260 = arith.constant 0 : i32
      %dma_wait3A_261 = arith.constant 0 : i32
      %dma_wait3A_262 = tpu.memref_slice %arg8[%dma_wait3A_258, %dma_wait3A_260, %dma_wait3A_261] : memref<5x128x64xf32, #tpu.memory_space<vmem>> -> memref<1x128x64xf32, #tpu.memory_space<vmem>>
      %dma_wait3A_263 = tpu.memref_squeeze %dma_wait3A_262 : memref<1x128x64xf32, #tpu.memory_space<vmem>> -> memref<128x64xf32, #tpu.memory_space<vmem>>
      %dma_wait3A_264 = arith.constant 0 : i32
      %dma_wait3A_265 = tpu.memref_slice %arg6[%add3A_257, %dma_wait3A_264] : memref<160x128xi32, #tpu.memory_space<vmem>> -> memref<1x128xi32, #tpu.memory_space<vmem>>
      %dma_wait3A_266 = tpu.memref_squeeze %dma_wait3A_265 : memref<1x128xi32, #tpu.memory_space<vmem>> -> memref<128xi32, #tpu.memory_space<vmem>>
      %dma_wait3A_267 = arith.constant 0 : i32
      %dma_wait3A_268 = arith.constant 0 : i32
      %dma_wait3A_269 = tpu.memref_slice %arg2[%arg0, %dma_wait3A_267, %dma_wait3A_268] : memref<2x10000x64xf32, #tpu.memory_space<hbm>> -> memref<1x10000x64xf32, #tpu.memory_space<hbm>>
      %dma_wait3A_270 = tpu.memref_squeeze %dma_wait3A_269 : memref<1x10000x64xf32, #tpu.memory_space<hbm>> -> memref<10000x64xf32, #tpu.memory_space<hbm>>
      %dma_wait3A_271 = arith.constant 0 : i32
      %dma_wait3A_272 = arith.constant 0 : i32
      %dma_wait3A_273 = tpu.memref_slice %dma_wait3A_270[%dma_wait3A_271, %dma_wait3A_272] : memref<10000x64xf32, #tpu.memory_space<hbm>> -> memref<10000x64xf32, #tpu.memory_space<hbm>>
      %dma_wait3A_274 = tpu.memref_slice %arg10[%dma_wait3A_259] : memref<5x!tpu.dma_semaphore, #tpu.memory_space<semaphore_mem>> -> memref<1x!tpu.dma_semaphore, #tpu.memory_space<semaphore_mem>>
      %dma_wait3A_275 = tpu.memref_squeeze %dma_wait3A_274 : memref<1x!tpu.dma_semaphore, #tpu.memory_space<semaphore_mem>> -> memref<!tpu.dma_semaphore, #tpu.memory_space<semaphore_mem>>
      tpu.wait_indirect_dma semaphore(%dma_wait3A_275 : memref<!tpu.dma_semaphore, #tpu.memory_space<semaphore_mem>>) src(%dma_wait3A_273 : memref<10000x64xf32, #tpu.memory_space<hbm>>) dst(%dma_wait3A_263 : memref<128x64xf32, #tpu.memory_space<vmem>>)
      %dma_start3A_276 = arith.constant 2 : i32
      %dma_start3A_277 = arith.constant 2 : i32
      %dma_start3A_278 = arith.constant 0 : i32
      %dma_start3A_279 = arith.constant 0 : i32
      %dma_start3A_280 = tpu.memref_slice %arg8[%dma_start3A_276, %dma_start3A_278, %dma_start3A_279] : memref<5x128x64xf32, #tpu.memory_space<vmem>> -> memref<1x128x64xf32, #tpu.memory_space<vmem>>
      %dma_start3A_281 = tpu.memref_squeeze %dma_start3A_280 : memref<1x128x64xf32, #tpu.memory_space<vmem>> -> memref<128x64xf32, #tpu.memory_space<vmem>>
      %dma_start3A_282 = arith.constant 0 : i32
      %dma_start3A_283 = tpu.memref_slice %arg7[%add3A_257, %dma_start3A_282] : memref<160x128xi32, #tpu.memory_space<vmem>> -> memref<1x128xi32, #tpu.memory_space<vmem>>
      %dma_start3A_284 = tpu.memref_squeeze %dma_start3A_283 : memref<1x128xi32, #tpu.memory_space<vmem>> -> memref<128xi32, #tpu.memory_space<vmem>>
      %dma_start3A_285 = arith.constant 0 : i32
      %dma_start3A_286 = arith.constant 0 : i32
      %dma_start3A_287 = tpu.memref_slice %arg9[%dma_start3A_285, %dma_start3A_286] : memref<10240x64xf32, #tpu.memory_space<vmem_shared>> -> memref<10240x64xf32, #tpu.memory_space<vmem_shared>>
      %dma_start3A_288 = tpu.memref_slice %arg11[%dma_start3A_277] : memref<5x!tpu.dma_semaphore, #tpu.memory_space<semaphore_mem>> -> memref<1x!tpu.dma_semaphore, #tpu.memory_space<semaphore_mem>>
      %dma_start3A_289 = tpu.memref_squeeze %dma_start3A_288 : memref<1x!tpu.dma_semaphore, #tpu.memory_space<semaphore_mem>> -> memref<!tpu.dma_semaphore, #tpu.memory_space<semaphore_mem>>
      tpu.enqueue_indirect_dma source(%dma_start3A_281 : memref<128x64xf32, #tpu.memory_space<vmem>>) target(%dma_start3A_287 : memref<10240x64xf32, #tpu.memory_space<vmem_shared>>) offsets(%dma_start3A_284 : memref<128xi32, #tpu.memory_space<vmem>>) semaphore(%dma_start3A_289 : memref<!tpu.dma_semaphore, #tpu.memory_space<semaphore_mem>>) {add = true}
      %mul3A_290 = arith.constant 5 : i32
      %mul3A_291 = arith.muli %scan3A_176, %mul3A_290 : i32
      %add3A_292 = arith.constant 0 : i32
      %add3A_293 = arith.addi %add3A_292, %mul3A_291 : i32
      %add3A_294 = arith.constant 3 : i32
      %add3A_295 = arith.addi %add3A_293, %add3A_294 : i32
      %dma_wait3A_296 = arith.constant 3 : i32
      %dma_wait3A_297 = arith.constant 3 : i32
      %dma_wait3A_298 = arith.constant 0 : i32
      %dma_wait3A_299 = arith.constant 0 : i32
      %dma_wait3A_300 = tpu.memref_slice %arg8[%dma_wait3A_296, %dma_wait3A_298, %dma_wait3A_299] : memref<5x128x64xf32, #tpu.memory_space<vmem>> -> memref<1x128x64xf32, #tpu.memory_space<vmem>>
      %dma_wait3A_301 = tpu.memref_squeeze %dma_wait3A_300 : memref<1x128x64xf32, #tpu.memory_space<vmem>> -> memref<128x64xf32, #tpu.memory_space<vmem>>
      %dma_wait3A_302 = arith.constant 0 : i32
      %dma_wait3A_303 = tpu.memref_slice %arg6[%add3A_295, %dma_wait3A_302] : memref<160x128xi32, #tpu.memory_space<vmem>> -> memref<1x128xi32, #tpu.memory_space<vmem>>
      %dma_wait3A_304 = tpu.memref_squeeze %dma_wait3A_303 : memref<1x128xi32, #tpu.memory_space<vmem>> -> memref<128xi32, #tpu.memory_space<vmem>>
      %dma_wait3A_305 = arith.constant 0 : i32
      %dma_wait3A_306 = arith.constant 0 : i32
      %dma_wait3A_307 = tpu.memref_slice %arg2[%arg0, %dma_wait3A_305, %dma_wait3A_306] : memref<2x10000x64xf32, #tpu.memory_space<hbm>> -> memref<1x10000x64xf32, #tpu.memory_space<hbm>>
      %dma_wait3A_308 = tpu.memref_squeeze %dma_wait3A_307 : memref<1x10000x64xf32, #tpu.memory_space<hbm>> -> memref<10000x64xf32, #tpu.memory_space<hbm>>
      %dma_wait3A_309 = arith.constant 0 : i32
      %dma_wait3A_310 = arith.constant 0 : i32
      %dma_wait3A_311 = tpu.memref_slice %dma_wait3A_308[%dma_wait3A_309, %dma_wait3A_310] : memref<10000x64xf32, #tpu.memory_space<hbm>> -> memref<10000x64xf32, #tpu.memory_space<hbm>>
      %dma_wait3A_312 = tpu.memref_slice %arg10[%dma_wait3A_297] : memref<5x!tpu.dma_semaphore, #tpu.memory_space<semaphore_mem>> -> memref<1x!tpu.dma_semaphore, #tpu.memory_space<semaphore_mem>>
      %dma_wait3A_313 = tpu.memref_squeeze %dma_wait3A_312 : memref<1x!tpu.dma_semaphore, #tpu.memory_space<semaphore_mem>> -> memref<!tpu.dma_semaphore, #tpu.memory_space<semaphore_mem>>
      tpu.wait_indirect_dma semaphore(%dma_wait3A_313 : memref<!tpu.dma_semaphore, #tpu.memory_space<semaphore_mem>>) src(%dma_wait3A_311 : memref<10000x64xf32, #tpu.memory_space<hbm>>) dst(%dma_wait3A_301 : memref<128x64xf32, #tpu.memory_space<vmem>>)
      %dma_start3A_314 = arith.constant 3 : i32
      %dma_start3A_315 = arith.constant 3 : i32
      %dma_start3A_316 = arith.constant 0 : i32
      %dma_start3A_317 = arith.constant 0 : i32
      %dma_start3A_318 = tpu.memref_slice %arg8[%dma_start3A_314, %dma_start3A_316, %dma_start3A_317] : memref<5x128x64xf32, #tpu.memory_space<vmem>> -> memref<1x128x64xf32, #tpu.memory_space<vmem>>
      %dma_start3A_319 = tpu.memref_squeeze %dma_start3A_318 : memref<1x128x64xf32, #tpu.memory_space<vmem>> -> memref<128x64xf32, #tpu.memory_space<vmem>>
      %dma_start3A_320 = arith.constant 0 : i32
      %dma_start3A_321 = tpu.memref_slice %arg7[%add3A_295, %dma_start3A_320] : memref<160x128xi32, #tpu.memory_space<vmem>> -> memref<1x128xi32, #tpu.memory_space<vmem>>
      %dma_start3A_322 = tpu.memref_squeeze %dma_start3A_321 : memref<1x128xi32, #tpu.memory_space<vmem>> -> memref<128xi32, #tpu.memory_space<vmem>>
      %dma_start3A_323 = arith.constant 0 : i32
      %dma_start3A_324 = arith.constant 0 : i32
      %dma_start3A_325 = tpu.memref_slice %arg9[%dma_start3A_323, %dma_start3A_324] : memref<10240x64xf32, #tpu.memory_space<vmem_shared>> -> memref<10240x64xf32, #tpu.memory_space<vmem_shared>>
      %dma_start3A_326 = tpu.memref_slice %arg11[%dma_start3A_315] : memref<5x!tpu.dma_semaphore, #tpu.memory_space<semaphore_mem>> -> memref<1x!tpu.dma_semaphore, #tpu.memory_space<semaphore_mem>>
      %dma_start3A_327 = tpu.memref_squeeze %dma_start3A_326 : memref<1x!tpu.dma_semaphore, #tpu.memory_space<semaphore_mem>> -> memref<!tpu.dma_semaphore, #tpu.memory_space<semaphore_mem>>
      tpu.enqueue_indirect_dma source(%dma_start3A_319 : memref<128x64xf32, #tpu.memory_space<vmem>>) target(%dma_start3A_325 : memref<10240x64xf32, #tpu.memory_space<vmem_shared>>) offsets(%dma_start3A_322 : memref<128xi32, #tpu.memory_space<vmem>>) semaphore(%dma_start3A_327 : memref<!tpu.dma_semaphore, #tpu.memory_space<semaphore_mem>>) {add = true}
      %mul3A_328 = arith.constant 5 : i32
      %mul3A_329 = arith.muli %scan3A_176, %mul3A_328 : i32
      %add3A_330 = arith.constant 0 : i32
      %add3A_331 = arith.addi %add3A_330, %mul3A_329 : i32
      %add3A_332 = arith.constant 4 : i32
      %add3A_333 = arith.addi %add3A_331, %add3A_332 : i32
      %dma_wait3A_334 = arith.constant 4 : i32
      %dma_wait3A_335 = arith.constant 4 : i32
      %dma_wait3A_336 = arith.constant 0 : i32
      %dma_wait3A_337 = arith.constant 0 : i32
      %dma_wait3A_338 = tpu.memref_slice %arg8[%dma_wait3A_334, %dma_wait3A_336, %dma_wait3A_337] : memref<5x128x64xf32, #tpu.memory_space<vmem>> -> memref<1x128x64xf32, #tpu.memory_space<vmem>>
      %dma_wait3A_339 = tpu.memref_squeeze %dma_wait3A_338 : memref<1x128x64xf32, #tpu.memory_space<vmem>> -> memref<128x64xf32, #tpu.memory_space<vmem>>
      %dma_wait3A_340 = arith.constant 0 : i32
      %dma_wait3A_341 = tpu.memref_slice %arg6[%add3A_333, %dma_wait3A_340] : memref<160x128xi32, #tpu.memory_space<vmem>> -> memref<1x128xi32, #tpu.memory_space<vmem>>
      %dma_wait3A_342 = tpu.memref_squeeze %dma_wait3A_341 : memref<1x128xi32, #tpu.memory_space<vmem>> -> memref<128xi32, #tpu.memory_space<vmem>>
      %dma_wait3A_343 = arith.constant 0 : i32
      %dma_wait3A_344 = arith.constant 0 : i32
      %dma_wait3A_345 = tpu.memref_slice %arg2[%arg0, %dma_wait3A_343, %dma_wait3A_344] : memref<2x10000x64xf32, #tpu.memory_space<hbm>> -> memref<1x10000x64xf32, #tpu.memory_space<hbm>>
      %dma_wait3A_346 = tpu.memref_squeeze %dma_wait3A_345 : memref<1x10000x64xf32, #tpu.memory_space<hbm>> -> memref<10000x64xf32, #tpu.memory_space<hbm>>
      %dma_wait3A_347 = arith.constant 0 : i32
      %dma_wait3A_348 = arith.constant 0 : i32
      %dma_wait3A_349 = tpu.memref_slice %dma_wait3A_346[%dma_wait3A_347, %dma_wait3A_348] : memref<10000x64xf32, #tpu.memory_space<hbm>> -> memref<10000x64xf32, #tpu.memory_space<hbm>>
      %dma_wait3A_350 = tpu.memref_slice %arg10[%dma_wait3A_335] : memref<5x!tpu.dma_semaphore, #tpu.memory_space<semaphore_mem>> -> memref<1x!tpu.dma_semaphore, #tpu.memory_space<semaphore_mem>>
      %dma_wait3A_351 = tpu.memref_squeeze %dma_wait3A_350 : memref<1x!tpu.dma_semaphore, #tpu.memory_space<semaphore_mem>> -> memref<!tpu.dma_semaphore, #tpu.memory_space<semaphore_mem>>
      tpu.wait_indirect_dma semaphore(%dma_wait3A_351 : memref<!tpu.dma_semaphore, #tpu.memory_space<semaphore_mem>>) src(%dma_wait3A_349 : memref<10000x64xf32, #tpu.memory_space<hbm>>) dst(%dma_wait3A_339 : memref<128x64xf32, #tpu.memory_space<vmem>>)
      %dma_start3A_352 = arith.constant 4 : i32
      %dma_start3A_353 = arith.constant 4 : i32
      %dma_start3A_354 = arith.constant 0 : i32
      %dma_start3A_355 = arith.constant 0 : i32
      %dma_start3A_356 = tpu.memref_slice %arg8[%dma_start3A_352, %dma_start3A_354, %dma_start3A_355] : memref<5x128x64xf32, #tpu.memory_space<vmem>> -> memref<1x128x64xf32, #tpu.memory_space<vmem>>
      %dma_start3A_357 = tpu.memref_squeeze %dma_start3A_356 : memref<1x128x64xf32, #tpu.memory_space<vmem>> -> memref<128x64xf32, #tpu.memory_space<vmem>>
      %dma_start3A_358 = arith.constant 0 : i32
      %dma_start3A_359 = tpu.memref_slice %arg7[%add3A_333, %dma_start3A_358] : memref<160x128xi32, #tpu.memory_space<vmem>> -> memref<1x128xi32, #tpu.memory_space<vmem>>
      %dma_start3A_360 = tpu.memref_squeeze %dma_start3A_359 : memref<1x128xi32, #tpu.memory_space<vmem>> -> memref<128xi32, #tpu.memory_space<vmem>>
      %dma_start3A_361 = arith.constant 0 : i32
      %dma_start3A_362 = arith.constant 0 : i32
      %dma_start3A_363 = tpu.memref_slice %arg9[%dma_start3A_361, %dma_start3A_362] : memref<10240x64xf32, #tpu.memory_space<vmem_shared>> -> memref<10240x64xf32, #tpu.memory_space<vmem_shared>>
      %dma_start3A_364 = tpu.memref_slice %arg11[%dma_start3A_353] : memref<5x!tpu.dma_semaphore, #tpu.memory_space<semaphore_mem>> -> memref<1x!tpu.dma_semaphore, #tpu.memory_space<semaphore_mem>>
      %dma_start3A_365 = tpu.memref_squeeze %dma_start3A_364 : memref<1x!tpu.dma_semaphore, #tpu.memory_space<semaphore_mem>> -> memref<!tpu.dma_semaphore, #tpu.memory_space<semaphore_mem>>
      tpu.enqueue_indirect_dma source(%dma_start3A_357 : memref<128x64xf32, #tpu.memory_space<vmem>>) target(%dma_start3A_363 : memref<10240x64xf32, #tpu.memory_space<vmem_shared>>) offsets(%dma_start3A_360 : memref<128xi32, #tpu.memory_space<vmem>>) semaphore(%dma_start3A_365 : memref<!tpu.dma_semaphore, #tpu.memory_space<semaphore_mem>>) {add = true}
      %lt3A = arith.constant 31 : i32
      %lt3A_366 = arith.cmpi slt, %scan3A_176, %lt3A : i32
      %convert_element_type3A = arith.extui %lt3A_366 : i1 to i32
      %cond3A = arith.constant 0 : i32
      %cond3A_367 = arith.cmpi ne, %convert_element_type3A, %cond3A : i32
      scf.if %cond3A_367 {
        %mul3A_368 = arith.constant 5 : i32
        %mul3A_369 = arith.muli %scan3A_176, %mul3A_368 : i32
        %add3A_370 = arith.constant 0 : i32
        %add3A_371 = arith.addi %add3A_370, %mul3A_369 : i32
        %add3A_372 = arith.constant 0 : i32
        %add3A_373 = arith.addi %add3A_371, %add3A_372 : i32
        %dma_wait3A_374 = arith.constant 0 : i32
        %dma_wait3A_375 = arith.constant 0 : i32
        %dma_wait3A_376 = arith.constant 0 : i32
        %dma_wait3A_377 = arith.constant 0 : i32
        %dma_wait3A_378 = tpu.memref_slice %arg8[%dma_wait3A_374, %dma_wait3A_376, %dma_wait3A_377] : memref<5x128x64xf32, #tpu.memory_space<vmem>> -> memref<1x128x64xf32, #tpu.memory_space<vmem>>
        %dma_wait3A_379 = tpu.memref_squeeze %dma_wait3A_378 : memref<1x128x64xf32, #tpu.memory_space<vmem>> -> memref<128x64xf32, #tpu.memory_space<vmem>>
        %dma_wait3A_380 = arith.constant 0 : i32
        %dma_wait3A_381 = tpu.memref_slice %arg7[%add3A_373, %dma_wait3A_380] : memref<160x128xi32, #tpu.memory_space<vmem>> -> memref<1x128xi32, #tpu.memory_space<vmem>>
        %dma_wait3A_382 = tpu.memref_squeeze %dma_wait3A_381 : memref<1x128xi32, #tpu.memory_space<vmem>> -> memref<128xi32, #tpu.memory_space<vmem>>
        %dma_wait3A_383 = arith.constant 0 : i32
        %dma_wait3A_384 = arith.constant 0 : i32
        %dma_wait3A_385 = tpu.memref_slice %arg9[%dma_wait3A_383, %dma_wait3A_384] : memref<10240x64xf32, #tpu.memory_space<vmem_shared>> -> memref<10240x64xf32, #tpu.memory_space<vmem_shared>>
        %dma_wait3A_386 = tpu.memref_slice %arg11[%dma_wait3A_375] : memref<5x!tpu.dma_semaphore, #tpu.memory_space<semaphore_mem>> -> memref<1x!tpu.dma_semaphore, #tpu.memory_space<semaphore_mem>>
        %dma_wait3A_387 = tpu.memref_squeeze %dma_wait3A_386 : memref<1x!tpu.dma_semaphore, #tpu.memory_space<semaphore_mem>> -> memref<!tpu.dma_semaphore, #tpu.memory_space<semaphore_mem>>
        tpu.wait_indirect_dma semaphore(%dma_wait3A_387 : memref<!tpu.dma_semaphore, #tpu.memory_space<semaphore_mem>>) src(%dma_wait3A_379 : memref<128x64xf32, #tpu.memory_space<vmem>>) dst(%dma_wait3A_385 : memref<10240x64xf32, #tpu.memory_space<vmem_shared>>)
        %add3A_388 = arith.constant 5 : i32
        %add3A_389 = arith.addi %add3A_373, %add3A_388 : i32
        %dma_start3A_390 = arith.constant 0 : i32
        %dma_start3A_391 = arith.constant 0 : i32
        %dma_start3A_392 = arith.constant 0 : i32
        %dma_start3A_393 = arith.constant 0 : i32
        %dma_start3A_394 = tpu.memref_slice %arg8[%dma_start3A_390, %dma_start3A_392, %dma_start3A_393] : memref<5x128x64xf32, #tpu.memory_space<vmem>> -> memref<1x128x64xf32, #tpu.memory_space<vmem>>
        %dma_start3A_395 = tpu.memref_squeeze %dma_start3A_394 : memref<1x128x64xf32, #tpu.memory_space<vmem>> -> memref<128x64xf32, #tpu.memory_space<vmem>>
        %dma_start3A_396 = arith.constant 0 : i32
        %dma_start3A_397 = tpu.memref_slice %arg6[%add3A_389, %dma_start3A_396] : memref<160x128xi32, #tpu.memory_space<vmem>> -> memref<1x128xi32, #tpu.memory_space<vmem>>
        %dma_start3A_398 = tpu.memref_squeeze %dma_start3A_397 : memref<1x128xi32, #tpu.memory_space<vmem>> -> memref<128xi32, #tpu.memory_space<vmem>>
        %dma_start3A_399 = arith.constant 0 : i32
        %dma_start3A_400 = arith.constant 0 : i32
        %dma_start3A_401 = tpu.memref_slice %arg2[%arg0, %dma_start3A_399, %dma_start3A_400] : memref<2x10000x64xf32, #tpu.memory_space<hbm>> -> memref<1x10000x64xf32, #tpu.memory_space<hbm>>
        %dma_start3A_402 = tpu.memref_squeeze %dma_start3A_401 : memref<1x10000x64xf32, #tpu.memory_space<hbm>> -> memref<10000x64xf32, #tpu.memory_space<hbm>>
        %dma_start3A_403 = arith.constant 0 : i32
        %dma_start3A_404 = arith.constant 0 : i32
        %dma_start3A_405 = tpu.memref_slice %dma_start3A_402[%dma_start3A_403, %dma_start3A_404] : memref<10000x64xf32, #tpu.memory_space<hbm>> -> memref<10000x64xf32, #tpu.memory_space<hbm>>
        %dma_start3A_406 = tpu.memref_slice %arg10[%dma_start3A_391] : memref<5x!tpu.dma_semaphore, #tpu.memory_space<semaphore_mem>> -> memref<1x!tpu.dma_semaphore, #tpu.memory_space<semaphore_mem>>
        %dma_start3A_407 = tpu.memref_squeeze %dma_start3A_406 : memref<1x!tpu.dma_semaphore, #tpu.memory_space<semaphore_mem>> -> memref<!tpu.dma_semaphore, #tpu.memory_space<semaphore_mem>>
        tpu.enqueue_indirect_dma source(%dma_start3A_405 : memref<10000x64xf32, #tpu.memory_space<hbm>>) target(%dma_start3A_395 : memref<128x64xf32, #tpu.memory_space<vmem>>) offsets(%dma_start3A_398 : memref<128xi32, #tpu.memory_space<vmem>>) semaphore(%dma_start3A_407 : memref<!tpu.dma_semaphore, #tpu.memory_space<semaphore_mem>>)
        %mul3A_408 = arith.constant 5 : i32
        %mul3A_409 = arith.muli %scan3A_176, %mul3A_408 : i32
        %add3A_410 = arith.constant 0 : i32
        %add3A_411 = arith.addi %add3A_410, %mul3A_409 : i32
        %add3A_412 = arith.constant 1 : i32
        %add3A_413 = arith.addi %add3A_411, %add3A_412 : i32
        %dma_wait3A_414 = arith.constant 1 : i32
        %dma_wait3A_415 = arith.constant 1 : i32
        %dma_wait3A_416 = arith.constant 0 : i32
        %dma_wait3A_417 = arith.constant 0 : i32
        %dma_wait3A_418 = tpu.memref_slice %arg8[%dma_wait3A_414, %dma_wait3A_416, %dma_wait3A_417] : memref<5x128x64xf32, #tpu.memory_space<vmem>> -> memref<1x128x64xf32, #tpu.memory_space<vmem>>
        %dma_wait3A_419 = tpu.memref_squeeze %dma_wait3A_418 : memref<1x128x64xf32, #tpu.memory_space<vmem>> -> memref<128x64xf32, #tpu.memory_space<vmem>>
        %dma_wait3A_420 = arith.constant 0 : i32
        %dma_wait3A_421 = tpu.memref_slice %arg7[%add3A_413, %dma_wait3A_420] : memref<160x128xi32, #tpu.memory_space<vmem>> -> memref<1x128xi32, #tpu.memory_space<vmem>>
        %dma_wait3A_422 = tpu.memref_squeeze %dma_wait3A_421 : memref<1x128xi32, #tpu.memory_space<vmem>> -> memref<128xi32, #tpu.memory_space<vmem>>
        %dma_wait3A_423 = arith.constant 0 : i32
        %dma_wait3A_424 = arith.constant 0 : i32
        %dma_wait3A_425 = tpu.memref_slice %arg9[%dma_wait3A_423, %dma_wait3A_424] : memref<10240x64xf32, #tpu.memory_space<vmem_shared>> -> memref<10240x64xf32, #tpu.memory_space<vmem_shared>>
        %dma_wait3A_426 = tpu.memref_slice %arg11[%dma_wait3A_415] : memref<5x!tpu.dma_semaphore, #tpu.memory_space<semaphore_mem>> -> memref<1x!tpu.dma_semaphore, #tpu.memory_space<semaphore_mem>>
        %dma_wait3A_427 = tpu.memref_squeeze %dma_wait3A_426 : memref<1x!tpu.dma_semaphore, #tpu.memory_space<semaphore_mem>> -> memref<!tpu.dma_semaphore, #tpu.memory_space<semaphore_mem>>
        tpu.wait_indirect_dma semaphore(%dma_wait3A_427 : memref<!tpu.dma_semaphore, #tpu.memory_space<semaphore_mem>>) src(%dma_wait3A_419 : memref<128x64xf32, #tpu.memory_space<vmem>>) dst(%dma_wait3A_425 : memref<10240x64xf32, #tpu.memory_space<vmem_shared>>)
        %add3A_428 = arith.constant 5 : i32
        %add3A_429 = arith.addi %add3A_413, %add3A_428 : i32
        %dma_start3A_430 = arith.constant 1 : i32
        %dma_start3A_431 = arith.constant 1 : i32
        %dma_start3A_432 = arith.constant 0 : i32
        %dma_start3A_433 = arith.constant 0 : i32
        %dma_start3A_434 = tpu.memref_slice %arg8[%dma_start3A_430, %dma_start3A_432, %dma_start3A_433] : memref<5x128x64xf32, #tpu.memory_space<vmem>> -> memref<1x128x64xf32, #tpu.memory_space<vmem>>
        %dma_start3A_435 = tpu.memref_squeeze %dma_start3A_434 : memref<1x128x64xf32, #tpu.memory_space<vmem>> -> memref<128x64xf32, #tpu.memory_space<vmem>>
        %dma_start3A_436 = arith.constant 0 : i32
        %dma_start3A_437 = tpu.memref_slice %arg6[%add3A_429, %dma_start3A_436] : memref<160x128xi32, #tpu.memory_space<vmem>> -> memref<1x128xi32, #tpu.memory_space<vmem>>
        %dma_start3A_438 = tpu.memref_squeeze %dma_start3A_437 : memref<1x128xi32, #tpu.memory_space<vmem>> -> memref<128xi32, #tpu.memory_space<vmem>>
        %dma_start3A_439 = arith.constant 0 : i32
        %dma_start3A_440 = arith.constant 0 : i32
        %dma_start3A_441 = tpu.memref_slice %arg2[%arg0, %dma_start3A_439, %dma_start3A_440] : memref<2x10000x64xf32, #tpu.memory_space<hbm>> -> memref<1x10000x64xf32, #tpu.memory_space<hbm>>
        %dma_start3A_442 = tpu.memref_squeeze %dma_start3A_441 : memref<1x10000x64xf32, #tpu.memory_space<hbm>> -> memref<10000x64xf32, #tpu.memory_space<hbm>>
        %dma_start3A_443 = arith.constant 0 : i32
        %dma_start3A_444 = arith.constant 0 : i32
        %dma_start3A_445 = tpu.memref_slice %dma_start3A_442[%dma_start3A_443, %dma_start3A_444] : memref<10000x64xf32, #tpu.memory_space<hbm>> -> memref<10000x64xf32, #tpu.memory_space<hbm>>
        %dma_start3A_446 = tpu.memref_slice %arg10[%dma_start3A_431] : memref<5x!tpu.dma_semaphore, #tpu.memory_space<semaphore_mem>> -> memref<1x!tpu.dma_semaphore, #tpu.memory_space<semaphore_mem>>
        %dma_start3A_447 = tpu.memref_squeeze %dma_start3A_446 : memref<1x!tpu.dma_semaphore, #tpu.memory_space<semaphore_mem>> -> memref<!tpu.dma_semaphore, #tpu.memory_space<semaphore_mem>>
        tpu.enqueue_indirect_dma source(%dma_start3A_445 : memref<10000x64xf32, #tpu.memory_space<hbm>>) target(%dma_start3A_435 : memref<128x64xf32, #tpu.memory_space<vmem>>) offsets(%dma_start3A_438 : memref<128xi32, #tpu.memory_space<vmem>>) semaphore(%dma_start3A_447 : memref<!tpu.dma_semaphore, #tpu.memory_space<semaphore_mem>>)
        %mul3A_448 = arith.constant 5 : i32
        %mul3A_449 = arith.muli %scan3A_176, %mul3A_448 : i32
        %add3A_450 = arith.constant 0 : i32
        %add3A_451 = arith.addi %add3A_450, %mul3A_449 : i32
        %add3A_452 = arith.constant 2 : i32
        %add3A_453 = arith.addi %add3A_451, %add3A_452 : i32
        %dma_wait3A_454 = arith.constant 2 : i32
        %dma_wait3A_455 = arith.constant 2 : i32
        %dma_wait3A_456 = arith.constant 0 : i32
        %dma_wait3A_457 = arith.constant 0 : i32
        %dma_wait3A_458 = tpu.memref_slice %arg8[%dma_wait3A_454, %dma_wait3A_456, %dma_wait3A_457] : memref<5x128x64xf32, #tpu.memory_space<vmem>> -> memref<1x128x64xf32, #tpu.memory_space<vmem>>
        %dma_wait3A_459 = tpu.memref_squeeze %dma_wait3A_458 : memref<1x128x64xf32, #tpu.memory_space<vmem>> -> memref<128x64xf32, #tpu.memory_space<vmem>>
        %dma_wait3A_460 = arith.constant 0 : i32
        %dma_wait3A_461 = tpu.memref_slice %arg7[%add3A_453, %dma_wait3A_460] : memref<160x128xi32, #tpu.memory_space<vmem>> -> memref<1x128xi32, #tpu.memory_space<vmem>>
        %dma_wait3A_462 = tpu.memref_squeeze %dma_wait3A_461 : memref<1x128xi32, #tpu.memory_space<vmem>> -> memref<128xi32, #tpu.memory_space<vmem>>
        %dma_wait3A_463 = arith.constant 0 : i32
        %dma_wait3A_464 = arith.constant 0 : i32
        %dma_wait3A_465 = tpu.memref_slice %arg9[%dma_wait3A_463, %dma_wait3A_464] : memref<10240x64xf32, #tpu.memory_space<vmem_shared>> -> memref<10240x64xf32, #tpu.memory_space<vmem_shared>>
        %dma_wait3A_466 = tpu.memref_slice %arg11[%dma_wait3A_455] : memref<5x!tpu.dma_semaphore, #tpu.memory_space<semaphore_mem>> -> memref<1x!tpu.dma_semaphore, #tpu.memory_space<semaphore_mem>>
        %dma_wait3A_467 = tpu.memref_squeeze %dma_wait3A_466 : memref<1x!tpu.dma_semaphore, #tpu.memory_space<semaphore_mem>> -> memref<!tpu.dma_semaphore, #tpu.memory_space<semaphore_mem>>
        tpu.wait_indirect_dma semaphore(%dma_wait3A_467 : memref<!tpu.dma_semaphore, #tpu.memory_space<semaphore_mem>>) src(%dma_wait3A_459 : memref<128x64xf32, #tpu.memory_space<vmem>>) dst(%dma_wait3A_465 : memref<10240x64xf32, #tpu.memory_space<vmem_shared>>)
        %add3A_468 = arith.constant 5 : i32
        %add3A_469 = arith.addi %add3A_453, %add3A_468 : i32
        %dma_start3A_470 = arith.constant 2 : i32
        %dma_start3A_471 = arith.constant 2 : i32
        %dma_start3A_472 = arith.constant 0 : i32
        %dma_start3A_473 = arith.constant 0 : i32
        %dma_start3A_474 = tpu.memref_slice %arg8[%dma_start3A_470, %dma_start3A_472, %dma_start3A_473] : memref<5x128x64xf32, #tpu.memory_space<vmem>> -> memref<1x128x64xf32, #tpu.memory_space<vmem>>
        %dma_start3A_475 = tpu.memref_squeeze %dma_start3A_474 : memref<1x128x64xf32, #tpu.memory_space<vmem>> -> memref<128x64xf32, #tpu.memory_space<vmem>>
        %dma_start3A_476 = arith.constant 0 : i32
        %dma_start3A_477 = tpu.memref_slice %arg6[%add3A_469, %dma_start3A_476] : memref<160x128xi32, #tpu.memory_space<vmem>> -> memref<1x128xi32, #tpu.memory_space<vmem>>
        %dma_start3A_478 = tpu.memref_squeeze %dma_start3A_477 : memref<1x128xi32, #tpu.memory_space<vmem>> -> memref<128xi32, #tpu.memory_space<vmem>>
        %dma_start3A_479 = arith.constant 0 : i32
        %dma_start3A_480 = arith.constant 0 : i32
        %dma_start3A_481 = tpu.memref_slice %arg2[%arg0, %dma_start3A_479, %dma_start3A_480] : memref<2x10000x64xf32, #tpu.memory_space<hbm>> -> memref<1x10000x64xf32, #tpu.memory_space<hbm>>
        %dma_start3A_482 = tpu.memref_squeeze %dma_start3A_481 : memref<1x10000x64xf32, #tpu.memory_space<hbm>> -> memref<10000x64xf32, #tpu.memory_space<hbm>>
        %dma_start3A_483 = arith.constant 0 : i32
        %dma_start3A_484 = arith.constant 0 : i32
        %dma_start3A_485 = tpu.memref_slice %dma_start3A_482[%dma_start3A_483, %dma_start3A_484] : memref<10000x64xf32, #tpu.memory_space<hbm>> -> memref<10000x64xf32, #tpu.memory_space<hbm>>
        %dma_start3A_486 = tpu.memref_slice %arg10[%dma_start3A_471] : memref<5x!tpu.dma_semaphore, #tpu.memory_space<semaphore_mem>> -> memref<1x!tpu.dma_semaphore, #tpu.memory_space<semaphore_mem>>
        %dma_start3A_487 = tpu.memref_squeeze %dma_start3A_486 : memref<1x!tpu.dma_semaphore, #tpu.memory_space<semaphore_mem>> -> memref<!tpu.dma_semaphore, #tpu.memory_space<semaphore_mem>>
        tpu.enqueue_indirect_dma source(%dma_start3A_485 : memref<10000x64xf32, #tpu.memory_space<hbm>>) target(%dma_start3A_475 : memref<128x64xf32, #tpu.memory_space<vmem>>) offsets(%dma_start3A_478 : memref<128xi32, #tpu.memory_space<vmem>>) semaphore(%dma_start3A_487 : memref<!tpu.dma_semaphore, #tpu.memory_space<semaphore_mem>>)
        %mul3A_488 = arith.constant 5 : i32
        %mul3A_489 = arith.muli %scan3A_176, %mul3A_488 : i32
        %add3A_490 = arith.constant 0 : i32
        %add3A_491 = arith.addi %add3A_490, %mul3A_489 : i32
        %add3A_492 = arith.constant 3 : i32
        %add3A_493 = arith.addi %add3A_491, %add3A_492 : i32
        %dma_wait3A_494 = arith.constant 3 : i32
        %dma_wait3A_495 = arith.constant 3 : i32
        %dma_wait3A_496 = arith.constant 0 : i32
        %dma_wait3A_497 = arith.constant 0 : i32
        %dma_wait3A_498 = tpu.memref_slice %arg8[%dma_wait3A_494, %dma_wait3A_496, %dma_wait3A_497] : memref<5x128x64xf32, #tpu.memory_space<vmem>> -> memref<1x128x64xf32, #tpu.memory_space<vmem>>
        %dma_wait3A_499 = tpu.memref_squeeze %dma_wait3A_498 : memref<1x128x64xf32, #tpu.memory_space<vmem>> -> memref<128x64xf32, #tpu.memory_space<vmem>>
        %dma_wait3A_500 = arith.constant 0 : i32
        %dma_wait3A_501 = tpu.memref_slice %arg7[%add3A_493, %dma_wait3A_500] : memref<160x128xi32, #tpu.memory_space<vmem>> -> memref<1x128xi32, #tpu.memory_space<vmem>>
        %dma_wait3A_502 = tpu.memref_squeeze %dma_wait3A_501 : memref<1x128xi32, #tpu.memory_space<vmem>> -> memref<128xi32, #tpu.memory_space<vmem>>
        %dma_wait3A_503 = arith.constant 0 : i32
        %dma_wait3A_504 = arith.constant 0 : i32
        %dma_wait3A_505 = tpu.memref_slice %arg9[%dma_wait3A_503, %dma_wait3A_504] : memref<10240x64xf32, #tpu.memory_space<vmem_shared>> -> memref<10240x64xf32, #tpu.memory_space<vmem_shared>>
        %dma_wait3A_506 = tpu.memref_slice %arg11[%dma_wait3A_495] : memref<5x!tpu.dma_semaphore, #tpu.memory_space<semaphore_mem>> -> memref<1x!tpu.dma_semaphore, #tpu.memory_space<semaphore_mem>>
        %dma_wait3A_507 = tpu.memref_squeeze %dma_wait3A_506 : memref<1x!tpu.dma_semaphore, #tpu.memory_space<semaphore_mem>> -> memref<!tpu.dma_semaphore, #tpu.memory_space<semaphore_mem>>
        tpu.wait_indirect_dma semaphore(%dma_wait3A_507 : memref<!tpu.dma_semaphore, #tpu.memory_space<semaphore_mem>>) src(%dma_wait3A_499 : memref<128x64xf32, #tpu.memory_space<vmem>>) dst(%dma_wait3A_505 : memref<10240x64xf32, #tpu.memory_space<vmem_shared>>)
        %add3A_508 = arith.constant 5 : i32
        %add3A_509 = arith.addi %add3A_493, %add3A_508 : i32
        %dma_start3A_510 = arith.constant 3 : i32
        %dma_start3A_511 = arith.constant 3 : i32
        %dma_start3A_512 = arith.constant 0 : i32
        %dma_start3A_513 = arith.constant 0 : i32
        %dma_start3A_514 = tpu.memref_slice %arg8[%dma_start3A_510, %dma_start3A_512, %dma_start3A_513] : memref<5x128x64xf32, #tpu.memory_space<vmem>> -> memref<1x128x64xf32, #tpu.memory_space<vmem>>
        %dma_start3A_515 = tpu.memref_squeeze %dma_start3A_514 : memref<1x128x64xf32, #tpu.memory_space<vmem>> -> memref<128x64xf32, #tpu.memory_space<vmem>>
        %dma_start3A_516 = arith.constant 0 : i32
        %dma_start3A_517 = tpu.memref_slice %arg6[%add3A_509, %dma_start3A_516] : memref<160x128xi32, #tpu.memory_space<vmem>> -> memref<1x128xi32, #tpu.memory_space<vmem>>
        %dma_start3A_518 = tpu.memref_squeeze %dma_start3A_517 : memref<1x128xi32, #tpu.memory_space<vmem>> -> memref<128xi32, #tpu.memory_space<vmem>>
        %dma_start3A_519 = arith.constant 0 : i32
        %dma_start3A_520 = arith.constant 0 : i32
        %dma_start3A_521 = tpu.memref_slice %arg2[%arg0, %dma_start3A_519, %dma_start3A_520] : memref<2x10000x64xf32, #tpu.memory_space<hbm>> -> memref<1x10000x64xf32, #tpu.memory_space<hbm>>
        %dma_start3A_522 = tpu.memref_squeeze %dma_start3A_521 : memref<1x10000x64xf32, #tpu.memory_space<hbm>> -> memref<10000x64xf32, #tpu.memory_space<hbm>>
        %dma_start3A_523 = arith.constant 0 : i32
        %dma_start3A_524 = arith.constant 0 : i32
        %dma_start3A_525 = tpu.memref_slice %dma_start3A_522[%dma_start3A_523, %dma_start3A_524] : memref<10000x64xf32, #tpu.memory_space<hbm>> -> memref<10000x64xf32, #tpu.memory_space<hbm>>
        %dma_start3A_526 = tpu.memref_slice %arg10[%dma_start3A_511] : memref<5x!tpu.dma_semaphore, #tpu.memory_space<semaphore_mem>> -> memref<1x!tpu.dma_semaphore, #tpu.memory_space<semaphore_mem>>
        %dma_start3A_527 = tpu.memref_squeeze %dma_start3A_526 : memref<1x!tpu.dma_semaphore, #tpu.memory_space<semaphore_mem>> -> memref<!tpu.dma_semaphore, #tpu.memory_space<semaphore_mem>>
        tpu.enqueue_indirect_dma source(%dma_start3A_525 : memref<10000x64xf32, #tpu.memory_space<hbm>>) target(%dma_start3A_515 : memref<128x64xf32, #tpu.memory_space<vmem>>) offsets(%dma_start3A_518 : memref<128xi32, #tpu.memory_space<vmem>>) semaphore(%dma_start3A_527 : memref<!tpu.dma_semaphore, #tpu.memory_space<semaphore_mem>>)
        %mul3A_528 = arith.constant 5 : i32
        %mul3A_529 = arith.muli %scan3A_176, %mul3A_528 : i32
        %add3A_530 = arith.constant 0 : i32
        %add3A_531 = arith.addi %add3A_530, %mul3A_529 : i32
        %add3A_532 = arith.constant 4 : i32
        %add3A_533 = arith.addi %add3A_531, %add3A_532 : i32
        %dma_wait3A_534 = arith.constant 4 : i32
        %dma_wait3A_535 = arith.constant 4 : i32
        %dma_wait3A_536 = arith.constant 0 : i32
        %dma_wait3A_537 = arith.constant 0 : i32
        %dma_wait3A_538 = tpu.memref_slice %arg8[%dma_wait3A_534, %dma_wait3A_536, %dma_wait3A_537] : memref<5x128x64xf32, #tpu.memory_space<vmem>> -> memref<1x128x64xf32, #tpu.memory_space<vmem>>
        %dma_wait3A_539 = tpu.memref_squeeze %dma_wait3A_538 : memref<1x128x64xf32, #tpu.memory_space<vmem>> -> memref<128x64xf32, #tpu.memory_space<vmem>>
        %dma_wait3A_540 = arith.constant 0 : i32
        %dma_wait3A_541 = tpu.memref_slice %arg7[%add3A_533, %dma_wait3A_540] : memref<160x128xi32, #tpu.memory_space<vmem>> -> memref<1x128xi32, #tpu.memory_space<vmem>>
        %dma_wait3A_542 = tpu.memref_squeeze %dma_wait3A_541 : memref<1x128xi32, #tpu.memory_space<vmem>> -> memref<128xi32, #tpu.memory_space<vmem>>
        %dma_wait3A_543 = arith.constant 0 : i32
        %dma_wait3A_544 = arith.constant 0 : i32
        %dma_wait3A_545 = tpu.memref_slice %arg9[%dma_wait3A_543, %dma_wait3A_544] : memref<10240x64xf32, #tpu.memory_space<vmem_shared>> -> memref<10240x64xf32, #tpu.memory_space<vmem_shared>>
        %dma_wait3A_546 = tpu.memref_slice %arg11[%dma_wait3A_535] : memref<5x!tpu.dma_semaphore, #tpu.memory_space<semaphore_mem>> -> memref<1x!tpu.dma_semaphore, #tpu.memory_space<semaphore_mem>>
        %dma_wait3A_547 = tpu.memref_squeeze %dma_wait3A_546 : memref<1x!tpu.dma_semaphore, #tpu.memory_space<semaphore_mem>> -> memref<!tpu.dma_semaphore, #tpu.memory_space<semaphore_mem>>
        tpu.wait_indirect_dma semaphore(%dma_wait3A_547 : memref<!tpu.dma_semaphore, #tpu.memory_space<semaphore_mem>>) src(%dma_wait3A_539 : memref<128x64xf32, #tpu.memory_space<vmem>>) dst(%dma_wait3A_545 : memref<10240x64xf32, #tpu.memory_space<vmem_shared>>)
        %add3A_548 = arith.constant 5 : i32
        %add3A_549 = arith.addi %add3A_533, %add3A_548 : i32
        %dma_start3A_550 = arith.constant 4 : i32
        %dma_start3A_551 = arith.constant 4 : i32
        %dma_start3A_552 = arith.constant 0 : i32
        %dma_start3A_553 = arith.constant 0 : i32
        %dma_start3A_554 = tpu.memref_slice %arg8[%dma_start3A_550, %dma_start3A_552, %dma_start3A_553] : memref<5x128x64xf32, #tpu.memory_space<vmem>> -> memref<1x128x64xf32, #tpu.memory_space<vmem>>
        %dma_start3A_555 = tpu.memref_squeeze %dma_start3A_554 : memref<1x128x64xf32, #tpu.memory_space<vmem>> -> memref<128x64xf32, #tpu.memory_space<vmem>>
        %dma_start3A_556 = arith.constant 0 : i32
        %dma_start3A_557 = tpu.memref_slice %arg6[%add3A_549, %dma_start3A_556] : memref<160x128xi32, #tpu.memory_space<vmem>> -> memref<1x128xi32, #tpu.memory_space<vmem>>
        %dma_start3A_558 = tpu.memref_squeeze %dma_start3A_557 : memref<1x128xi32, #tpu.memory_space<vmem>> -> memref<128xi32, #tpu.memory_space<vmem>>
        %dma_start3A_559 = arith.constant 0 : i32
        %dma_start3A_560 = arith.constant 0 : i32
        %dma_start3A_561 = tpu.memref_slice %arg2[%arg0, %dma_start3A_559, %dma_start3A_560] : memref<2x10000x64xf32, #tpu.memory_space<hbm>> -> memref<1x10000x64xf32, #tpu.memory_space<hbm>>
        %dma_start3A_562 = tpu.memref_squeeze %dma_start3A_561 : memref<1x10000x64xf32, #tpu.memory_space<hbm>> -> memref<10000x64xf32, #tpu.memory_space<hbm>>
        %dma_start3A_563 = arith.constant 0 : i32
        %dma_start3A_564 = arith.constant 0 : i32
        %dma_start3A_565 = tpu.memref_slice %dma_start3A_562[%dma_start3A_563, %dma_start3A_564] : memref<10000x64xf32, #tpu.memory_space<hbm>> -> memref<10000x64xf32, #tpu.memory_space<hbm>>
        %dma_start3A_566 = tpu.memref_slice %arg10[%dma_start3A_551] : memref<5x!tpu.dma_semaphore, #tpu.memory_space<semaphore_mem>> -> memref<1x!tpu.dma_semaphore, #tpu.memory_space<semaphore_mem>>
        %dma_start3A_567 = tpu.memref_squeeze %dma_start3A_566 : memref<1x!tpu.dma_semaphore, #tpu.memory_space<semaphore_mem>> -> memref<!tpu.dma_semaphore, #tpu.memory_space<semaphore_mem>>
        tpu.enqueue_indirect_dma source(%dma_start3A_565 : memref<10000x64xf32, #tpu.memory_space<hbm>>) target(%dma_start3A_555 : memref<128x64xf32, #tpu.memory_space<vmem>>) offsets(%dma_start3A_558 : memref<128xi32, #tpu.memory_space<vmem>>) semaphore(%dma_start3A_567 : memref<!tpu.dma_semaphore, #tpu.memory_space<semaphore_mem>>)
      } else {
      }
    }
    %scan3A_100 = arith.constant 32 : i32
    %dma_wait3A = arith.constant 0 : i32
    %dma_wait3A_101 = arith.constant 155 : i32
    %dma_wait3A_102 = arith.constant 0 : i32
    %dma_wait3A_103 = arith.constant 0 : i32
    %dma_wait3A_104 = arith.constant 0 : i32
    %dma_wait3A_105 = tpu.memref_slice %arg8[%dma_wait3A, %dma_wait3A_103, %dma_wait3A_104] : memref<5x128x64xf32, #tpu.memory_space<vmem>> -> memref<1x128x64xf32, #tpu.memory_space<vmem>>
    %dma_wait3A_106 = tpu.memref_squeeze %dma_wait3A_105 : memref<1x128x64xf32, #tpu.memory_space<vmem>> -> memref<128x64xf32, #tpu.memory_space<vmem>>
    %dma_wait3A_107 = arith.constant 0 : i32
    %dma_wait3A_108 = tpu.memref_slice %arg7[%dma_wait3A_101, %dma_wait3A_107] : memref<160x128xi32, #tpu.memory_space<vmem>> -> memref<1x128xi32, #tpu.memory_space<vmem>>
    %dma_wait3A_109 = tpu.memref_squeeze %dma_wait3A_108 : memref<1x128xi32, #tpu.memory_space<vmem>> -> memref<128xi32, #tpu.memory_space<vmem>>
    %dma_wait3A_110 = arith.constant 0 : i32
    %dma_wait3A_111 = arith.constant 0 : i32
    %dma_wait3A_112 = tpu.memref_slice %arg9[%dma_wait3A_110, %dma_wait3A_111] : memref<10240x64xf32, #tpu.memory_space<vmem_shared>> -> memref<10240x64xf32, #tpu.memory_space<vmem_shared>>
    %dma_wait3A_113 = tpu.memref_slice %arg11[%dma_wait3A_102] : memref<5x!tpu.dma_semaphore, #tpu.memory_space<semaphore_mem>> -> memref<1x!tpu.dma_semaphore, #tpu.memory_space<semaphore_mem>>
    %dma_wait3A_114 = tpu.memref_squeeze %dma_wait3A_113 : memref<1x!tpu.dma_semaphore, #tpu.memory_space<semaphore_mem>> -> memref<!tpu.dma_semaphore, #tpu.memory_space<semaphore_mem>>
    tpu.wait_indirect_dma semaphore(%dma_wait3A_114 : memref<!tpu.dma_semaphore, #tpu.memory_space<semaphore_mem>>) src(%dma_wait3A_106 : memref<128x64xf32, #tpu.memory_space<vmem>>) dst(%dma_wait3A_112 : memref<10240x64xf32, #tpu.memory_space<vmem_shared>>)
    %dma_wait3A_115 = arith.constant 1 : i32
    %dma_wait3A_116 = arith.constant 156 : i32
    %dma_wait3A_117 = arith.constant 1 : i32
    %dma_wait3A_118 = arith.constant 0 : i32
    %dma_wait3A_119 = arith.constant 0 : i32
    %dma_wait3A_120 = tpu.memref_slice %arg8[%dma_wait3A_115, %dma_wait3A_118, %dma_wait3A_119] : memref<5x128x64xf32, #tpu.memory_space<vmem>> -> memref<1x128x64xf32, #tpu.memory_space<vmem>>
    %dma_wait3A_121 = tpu.memref_squeeze %dma_wait3A_120 : memref<1x128x64xf32, #tpu.memory_space<vmem>> -> memref<128x64xf32, #tpu.memory_space<vmem>>
    %dma_wait3A_122 = arith.constant 0 : i32
    %dma_wait3A_123 = tpu.memref_slice %arg7[%dma_wait3A_116, %dma_wait3A_122] : memref<160x128xi32, #tpu.memory_space<vmem>> -> memref<1x128xi32, #tpu.memory_space<vmem>>
    %dma_wait3A_124 = tpu.memref_squeeze %dma_wait3A_123 : memref<1x128xi32, #tpu.memory_space<vmem>> -> memref<128xi32, #tpu.memory_space<vmem>>
    %dma_wait3A_125 = arith.constant 0 : i32
    %dma_wait3A_126 = arith.constant 0 : i32
    %dma_wait3A_127 = tpu.memref_slice %arg9[%dma_wait3A_125, %dma_wait3A_126] : memref<10240x64xf32, #tpu.memory_space<vmem_shared>> -> memref<10240x64xf32, #tpu.memory_space<vmem_shared>>
    %dma_wait3A_128 = tpu.memref_slice %arg11[%dma_wait3A_117] : memref<5x!tpu.dma_semaphore, #tpu.memory_space<semaphore_mem>> -> memref<1x!tpu.dma_semaphore, #tpu.memory_space<semaphore_mem>>
    %dma_wait3A_129 = tpu.memref_squeeze %dma_wait3A_128 : memref<1x!tpu.dma_semaphore, #tpu.memory_space<semaphore_mem>> -> memref<!tpu.dma_semaphore, #tpu.memory_space<semaphore_mem>>
    tpu.wait_indirect_dma semaphore(%dma_wait3A_129 : memref<!tpu.dma_semaphore, #tpu.memory_space<semaphore_mem>>) src(%dma_wait3A_121 : memref<128x64xf32, #tpu.memory_space<vmem>>) dst(%dma_wait3A_127 : memref<10240x64xf32, #tpu.memory_space<vmem_shared>>)
    %dma_wait3A_130 = arith.constant 2 : i32
    %dma_wait3A_131 = arith.constant 157 : i32
    %dma_wait3A_132 = arith.constant 2 : i32
    %dma_wait3A_133 = arith.constant 0 : i32
    %dma_wait3A_134 = arith.constant 0 : i32
    %dma_wait3A_135 = tpu.memref_slice %arg8[%dma_wait3A_130, %dma_wait3A_133, %dma_wait3A_134] : memref<5x128x64xf32, #tpu.memory_space<vmem>> -> memref<1x128x64xf32, #tpu.memory_space<vmem>>
    %dma_wait3A_136 = tpu.memref_squeeze %dma_wait3A_135 : memref<1x128x64xf32, #tpu.memory_space<vmem>> -> memref<128x64xf32, #tpu.memory_space<vmem>>
    %dma_wait3A_137 = arith.constant 0 : i32
    %dma_wait3A_138 = tpu.memref_slice %arg7[%dma_wait3A_131, %dma_wait3A_137] : memref<160x128xi32, #tpu.memory_space<vmem>> -> memref<1x128xi32, #tpu.memory_space<vmem>>
    %dma_wait3A_139 = tpu.memref_squeeze %dma_wait3A_138 : memref<1x128xi32, #tpu.memory_space<vmem>> -> memref<128xi32, #tpu.memory_space<vmem>>
    %dma_wait3A_140 = arith.constant 0 : i32
    %dma_wait3A_141 = arith.constant 0 : i32
    %dma_wait3A_142 = tpu.memref_slice %arg9[%dma_wait3A_140, %dma_wait3A_141] : memref<10240x64xf32, #tpu.memory_space<vmem_shared>> -> memref<10240x64xf32, #tpu.memory_space<vmem_shared>>
    %dma_wait3A_143 = tpu.memref_slice %arg11[%dma_wait3A_132] : memref<5x!tpu.dma_semaphore, #tpu.memory_space<semaphore_mem>> -> memref<1x!tpu.dma_semaphore, #tpu.memory_space<semaphore_mem>>
    %dma_wait3A_144 = tpu.memref_squeeze %dma_wait3A_143 : memref<1x!tpu.dma_semaphore, #tpu.memory_space<semaphore_mem>> -> memref<!tpu.dma_semaphore, #tpu.memory_space<semaphore_mem>>
    tpu.wait_indirect_dma semaphore(%dma_wait3A_144 : memref<!tpu.dma_semaphore, #tpu.memory_space<semaphore_mem>>) src(%dma_wait3A_136 : memref<128x64xf32, #tpu.memory_space<vmem>>) dst(%dma_wait3A_142 : memref<10240x64xf32, #tpu.memory_space<vmem_shared>>)
    %dma_wait3A_145 = arith.constant 3 : i32
    %dma_wait3A_146 = arith.constant 158 : i32
    %dma_wait3A_147 = arith.constant 3 : i32
    %dma_wait3A_148 = arith.constant 0 : i32
    %dma_wait3A_149 = arith.constant 0 : i32
    %dma_wait3A_150 = tpu.memref_slice %arg8[%dma_wait3A_145, %dma_wait3A_148, %dma_wait3A_149] : memref<5x128x64xf32, #tpu.memory_space<vmem>> -> memref<1x128x64xf32, #tpu.memory_space<vmem>>
    %dma_wait3A_151 = tpu.memref_squeeze %dma_wait3A_150 : memref<1x128x64xf32, #tpu.memory_space<vmem>> -> memref<128x64xf32, #tpu.memory_space<vmem>>
    %dma_wait3A_152 = arith.constant 0 : i32
    %dma_wait3A_153 = tpu.memref_slice %arg7[%dma_wait3A_146, %dma_wait3A_152] : memref<160x128xi32, #tpu.memory_space<vmem>> -> memref<1x128xi32, #tpu.memory_space<vmem>>
    %dma_wait3A_154 = tpu.memref_squeeze %dma_wait3A_153 : memref<1x128xi32, #tpu.memory_space<vmem>> -> memref<128xi32, #tpu.memory_space<vmem>>
    %dma_wait3A_155 = arith.constant 0 : i32
    %dma_wait3A_156 = arith.constant 0 : i32
    %dma_wait3A_157 = tpu.memref_slice %arg9[%dma_wait3A_155, %dma_wait3A_156] : memref<10240x64xf32, #tpu.memory_space<vmem_shared>> -> memref<10240x64xf32, #tpu.memory_space<vmem_shared>>
    %dma_wait3A_158 = tpu.memref_slice %arg11[%dma_wait3A_147] : memref<5x!tpu.dma_semaphore, #tpu.memory_space<semaphore_mem>> -> memref<1x!tpu.dma_semaphore, #tpu.memory_space<semaphore_mem>>
    %dma_wait3A_159 = tpu.memref_squeeze %dma_wait3A_158 : memref<1x!tpu.dma_semaphore, #tpu.memory_space<semaphore_mem>> -> memref<!tpu.dma_semaphore, #tpu.memory_space<semaphore_mem>>
    tpu.wait_indirect_dma semaphore(%dma_wait3A_159 : memref<!tpu.dma_semaphore, #tpu.memory_space<semaphore_mem>>) src(%dma_wait3A_151 : memref<128x64xf32, #tpu.memory_space<vmem>>) dst(%dma_wait3A_157 : memref<10240x64xf32, #tpu.memory_space<vmem_shared>>)
    %dma_wait3A_160 = arith.constant 4 : i32
    %dma_wait3A_161 = arith.constant 159 : i32
    %dma_wait3A_162 = arith.constant 4 : i32
    %dma_wait3A_163 = arith.constant 0 : i32
    %dma_wait3A_164 = arith.constant 0 : i32
    %dma_wait3A_165 = tpu.memref_slice %arg8[%dma_wait3A_160, %dma_wait3A_163, %dma_wait3A_164] : memref<5x128x64xf32, #tpu.memory_space<vmem>> -> memref<1x128x64xf32, #tpu.memory_space<vmem>>
    %dma_wait3A_166 = tpu.memref_squeeze %dma_wait3A_165 : memref<1x128x64xf32, #tpu.memory_space<vmem>> -> memref<128x64xf32, #tpu.memory_space<vmem>>
    %dma_wait3A_167 = arith.constant 0 : i32
    %dma_wait3A_168 = tpu.memref_slice %arg7[%dma_wait3A_161, %dma_wait3A_167] : memref<160x128xi32, #tpu.memory_space<vmem>> -> memref<1x128xi32, #tpu.memory_space<vmem>>
    %dma_wait3A_169 = tpu.memref_squeeze %dma_wait3A_168 : memref<1x128xi32, #tpu.memory_space<vmem>> -> memref<128xi32, #tpu.memory_space<vmem>>
    %dma_wait3A_170 = arith.constant 0 : i32
    %dma_wait3A_171 = arith.constant 0 : i32
    %dma_wait3A_172 = tpu.memref_slice %arg9[%dma_wait3A_170, %dma_wait3A_171] : memref<10240x64xf32, #tpu.memory_space<vmem_shared>> -> memref<10240x64xf32, #tpu.memory_space<vmem_shared>>
    %dma_wait3A_173 = tpu.memref_slice %arg11[%dma_wait3A_162] : memref<5x!tpu.dma_semaphore, #tpu.memory_space<semaphore_mem>> -> memref<1x!tpu.dma_semaphore, #tpu.memory_space<semaphore_mem>>
    %dma_wait3A_174 = tpu.memref_squeeze %dma_wait3A_173 : memref<1x!tpu.dma_semaphore, #tpu.memory_space<semaphore_mem>> -> memref<!tpu.dma_semaphore, #tpu.memory_space<semaphore_mem>>
    tpu.wait_indirect_dma semaphore(%dma_wait3A_174 : memref<!tpu.dma_semaphore, #tpu.memory_space<semaphore_mem>>) src(%dma_wait3A_166 : memref<128x64xf32, #tpu.memory_space<vmem>>) dst(%dma_wait3A_172 : memref<10240x64xf32, #tpu.memory_space<vmem_shared>>)
    %barrier3A_175 = arith.constant 0 : index
    tpu.barrier barrier_id(%barrier3A_175)
    "tpu.region"() ({
      %run_scoped3A_176 = tpu.sem_alloc : memref<!tpu.dma_semaphore, #tpu.memory_space<semaphore_mem>>
      %dma_start3A_177 = arith.constant 0 : i32
      %dma_start3A_178 = tpu.memref_slice %arg5[%arg0, %mul3A_0, %dma_start3A_177] : memref<2x10240x64xf32, #tpu.memory_space<hbm>> -> memref<1x640x64xf32, #tpu.memory_space<hbm>>
      %dma_start3A_179 = tpu.memref_squeeze %dma_start3A_178 : memref<1x640x64xf32, #tpu.memory_space<hbm>> -> memref<640x64xf32, #tpu.memory_space<hbm>>
      %dma_start3A_180 = arith.constant 0 : i32
      %dma_start3A_181 = tpu.memref_slice %arg9[%mul3A_0, %dma_start3A_180] : memref<10240x64xf32, #tpu.memory_space<vmem_shared>> -> memref<640x64xf32, #tpu.memory_space<vmem_shared>>
      tpu.enqueue_dma source(%dma_start3A_181 : memref<640x64xf32, #tpu.memory_space<vmem_shared>>) target(%dma_start3A_179 : memref<640x64xf32, #tpu.memory_space<hbm>>) target_semaphore(%run_scoped3A_176 : memref<!tpu.dma_semaphore, #tpu.memory_space<semaphore_mem>>)
      %dma_wait3A_182 = arith.constant 0 : i32
      %dma_wait3A_183 = tpu.memref_slice %arg5[%arg0, %mul3A_0, %dma_wait3A_182] : memref<2x10240x64xf32, #tpu.memory_space<hbm>> -> memref<1x640x64xf32, #tpu.memory_space<hbm>>
      %dma_wait3A_184 = tpu.memref_squeeze %dma_wait3A_183 : memref<1x640x64xf32, #tpu.memory_space<hbm>> -> memref<640x64xf32, #tpu.memory_space<hbm>>
      %dma_wait3A_185 = arith.constant 0 : i32
      %dma_wait3A_186 = tpu.memref_slice %arg9[%mul3A_0, %dma_wait3A_185] : memref<10240x64xf32, #tpu.memory_space<vmem_shared>> -> memref<640x64xf32, #tpu.memory_space<vmem_shared>>
      tpu.wait_dma2 semaphore(%run_scoped3A_176 : memref<!tpu.dma_semaphore, #tpu.memory_space<semaphore_mem>>) src(%dma_wait3A_186 : memref<640x64xf32, #tpu.memory_space<vmem_shared>>) dst(%dma_wait3A_184 : memref<640x64xf32, #tpu.memory_space<hbm>>)
      tpu.yield
    }) : () -> ()
    return
  }
}

#map = affine_map<(d0, d1) -> (0, 0, 0)>
#map1 = affine_map<(d0, d1) -> (0, 0, 0, 0)>
#map2 = affine_map<(d0, d1) -> (0, 0)>
module attributes {stable_mosaic.version = 14 : i64} {
  func.func @agg(%arg0: i32, %arg1: i32, %arg2: memref<2x10000x16xf32, #tpu.memory_space<hbm>>, %arg3: memref<2x16x160x128xi32, #tpu.memory_space<hbm>>, %arg4: memref<10240x16xf32, #tpu.memory_space<hbm>>, %arg5: memref<2x10240x16xf32, #tpu.memory_space<hbm>>, %arg6: memref<160x128xi32, #tpu.memory_space<vmem>>, %arg7: memref<160x128xi32, #tpu.memory_space<vmem>>, %arg8: memref<5x128x16xf32, #tpu.memory_space<vmem>>, %arg9: memref<10240x16xf32, #tpu.memory_space<vmem_shared>>, %arg10: memref<5x!tpu.dma_semaphore, #tpu.memory_space<semaphore_mem>>, %arg11: memref<5x!tpu.dma_semaphore, #tpu.memory_space<semaphore_mem>>) attributes {dimension_semantics = [#tpu.dimension_semantics<core_parallel>, #tpu.dimension_semantics<subcore_parallel>], iteration_bounds = array<i64: 2, 16>, scalar_prefetch = 0 : i64, scratch_operands = 6 : i64, tpu.core_type = #tpu.core_type<sc_vector_subcore>, window_params = [{transform_indices = #map}, {transform_indices = #map1}, {transform_indices = #map2}, {transform_indices = #map}]} {
    %mul3A = arith.constant 640 : i32
    %mul3A_0 = arith.muli %arg1, %mul3A : i32
    "tpu.region"() ({
      %run_scoped3A_197 = tpu.sem_alloc : memref<!tpu.dma_semaphore, #tpu.memory_space<semaphore_mem>>
      %dma_start3A_198 = arith.constant 0 : i32
      %dma_start3A_199 = tpu.memref_slice %arg9[%mul3A_0, %dma_start3A_198] : memref<10240x16xf32, #tpu.memory_space<vmem_shared>> -> memref<640x16xf32, #tpu.memory_space<vmem_shared>>
      %dma_start3A_200 = arith.constant 0 : i32
      %dma_start3A_201 = tpu.memref_slice %arg4[%mul3A_0, %dma_start3A_200] : memref<10240x16xf32, #tpu.memory_space<hbm>> -> memref<640x16xf32, #tpu.memory_space<hbm>>
      tpu.enqueue_dma source(%dma_start3A_201 : memref<640x16xf32, #tpu.memory_space<hbm>>) target(%dma_start3A_199 : memref<640x16xf32, #tpu.memory_space<vmem_shared>>) target_semaphore(%run_scoped3A_197 : memref<!tpu.dma_semaphore, #tpu.memory_space<semaphore_mem>>)
      %dma_wait3A_202 = arith.constant 0 : i32
      %dma_wait3A_203 = tpu.memref_slice %arg9[%mul3A_0, %dma_wait3A_202] : memref<10240x16xf32, #tpu.memory_space<vmem_shared>> -> memref<640x16xf32, #tpu.memory_space<vmem_shared>>
      %dma_wait3A_204 = arith.constant 0 : i32
      %dma_wait3A_205 = tpu.memref_slice %arg4[%mul3A_0, %dma_wait3A_204] : memref<10240x16xf32, #tpu.memory_space<hbm>> -> memref<640x16xf32, #tpu.memory_space<hbm>>
      tpu.wait_dma2 semaphore(%run_scoped3A_197 : memref<!tpu.dma_semaphore, #tpu.memory_space<semaphore_mem>>) src(%dma_wait3A_205 : memref<640x16xf32, #tpu.memory_space<hbm>>) dst(%dma_wait3A_203 : memref<640x16xf32, #tpu.memory_space<vmem_shared>>)
      tpu.yield
    }) : () -> ()
    %barrier3A = arith.constant 0 : index
    tpu.barrier barrier_id(%barrier3A)
    %run_scoped3A = arith.constant 0 : i32
    "tpu.region"() ({
      %run_scoped3A_197 = tpu.sem_alloc : memref<!tpu.dma_semaphore, #tpu.memory_space<semaphore_mem>>
      %dma_start3A_198 = arith.constant 0 : i32
      %dma_start3A_199 = arith.constant 0 : i32
      %dma_start3A_200 = tpu.memref_slice %arg3[%run_scoped3A, %arg1, %dma_start3A_198, %dma_start3A_199] : memref<2x16x160x128xi32, #tpu.memory_space<hbm>> -> memref<1x1x160x128xi32, #tpu.memory_space<hbm>>
      %dma_start3A_201 = tpu.memref_squeeze %dma_start3A_200 : memref<1x1x160x128xi32, #tpu.memory_space<hbm>> -> memref<160x128xi32, #tpu.memory_space<hbm>>
      %dma_start3A_202 = arith.constant 0 : i32
      %dma_start3A_203 = arith.constant 0 : i32
      %dma_start3A_204 = tpu.memref_slice %arg3[%run_scoped3A, %arg1, %dma_start3A_202, %dma_start3A_203] : memref<2x16x160x128xi32, #tpu.memory_space<hbm>> -> memref<1x1x160x128xi32, #tpu.memory_space<hbm>>
      %dma_start3A_205 = tpu.memref_squeeze %dma_start3A_204 : memref<1x1x160x128xi32, #tpu.memory_space<hbm>> -> memref<160x128xi32, #tpu.memory_space<hbm>>
      tpu.enqueue_dma source(%dma_start3A_205 : memref<160x128xi32, #tpu.memory_space<hbm>>) target(%arg6 : memref<160x128xi32, #tpu.memory_space<vmem>>) target_semaphore(%run_scoped3A_197 : memref<!tpu.dma_semaphore, #tpu.memory_space<semaphore_mem>>)
      %dma_wait3A_206 = arith.constant 0 : i32
      %dma_wait3A_207 = arith.constant 0 : i32
      %dma_wait3A_208 = tpu.memref_slice %arg3[%run_scoped3A, %arg1, %dma_wait3A_206, %dma_wait3A_207] : memref<2x16x160x128xi32, #tpu.memory_space<hbm>> -> memref<1x1x160x128xi32, #tpu.memory_space<hbm>>
      %dma_wait3A_209 = tpu.memref_squeeze %dma_wait3A_208 : memref<1x1x160x128xi32, #tpu.memory_space<hbm>> -> memref<160x128xi32, #tpu.memory_space<hbm>>
      %dma_wait3A_210 = arith.constant 0 : i32
      %dma_wait3A_211 = arith.constant 0 : i32
      %dma_wait3A_212 = tpu.memref_slice %arg3[%run_scoped3A, %arg1, %dma_wait3A_210, %dma_wait3A_211] : memref<2x16x160x128xi32, #tpu.memory_space<hbm>> -> memref<1x1x160x128xi32, #tpu.memory_space<hbm>>
      %dma_wait3A_213 = tpu.memref_squeeze %dma_wait3A_212 : memref<1x1x160x128xi32, #tpu.memory_space<hbm>> -> memref<160x128xi32, #tpu.memory_space<hbm>>
      tpu.wait_dma2 semaphore(%run_scoped3A_197 : memref<!tpu.dma_semaphore, #tpu.memory_space<semaphore_mem>>) src(%dma_wait3A_213 : memref<160x128xi32, #tpu.memory_space<hbm>>) dst(%arg6 : memref<160x128xi32, #tpu.memory_space<vmem>>)
      tpu.yield
    }) : () -> ()
    %run_scoped3A_1 = arith.constant 1 : i32
    "tpu.region"() ({
      %run_scoped3A_197 = tpu.sem_alloc : memref<!tpu.dma_semaphore, #tpu.memory_space<semaphore_mem>>
      %dma_start3A_198 = arith.constant 0 : i32
      %dma_start3A_199 = arith.constant 0 : i32
      %dma_start3A_200 = tpu.memref_slice %arg3[%run_scoped3A_1, %arg1, %dma_start3A_198, %dma_start3A_199] : memref<2x16x160x128xi32, #tpu.memory_space<hbm>> -> memref<1x1x160x128xi32, #tpu.memory_space<hbm>>
      %dma_start3A_201 = tpu.memref_squeeze %dma_start3A_200 : memref<1x1x160x128xi32, #tpu.memory_space<hbm>> -> memref<160x128xi32, #tpu.memory_space<hbm>>
      %dma_start3A_202 = arith.constant 0 : i32
      %dma_start3A_203 = arith.constant 0 : i32
      %dma_start3A_204 = tpu.memref_slice %arg3[%run_scoped3A_1, %arg1, %dma_start3A_202, %dma_start3A_203] : memref<2x16x160x128xi32, #tpu.memory_space<hbm>> -> memref<1x1x160x128xi32, #tpu.memory_space<hbm>>
      %dma_start3A_205 = tpu.memref_squeeze %dma_start3A_204 : memref<1x1x160x128xi32, #tpu.memory_space<hbm>> -> memref<160x128xi32, #tpu.memory_space<hbm>>
      tpu.enqueue_dma source(%dma_start3A_205 : memref<160x128xi32, #tpu.memory_space<hbm>>) target(%arg7 : memref<160x128xi32, #tpu.memory_space<vmem>>) target_semaphore(%run_scoped3A_197 : memref<!tpu.dma_semaphore, #tpu.memory_space<semaphore_mem>>)
      %dma_wait3A_206 = arith.constant 0 : i32
      %dma_wait3A_207 = arith.constant 0 : i32
      %dma_wait3A_208 = tpu.memref_slice %arg3[%run_scoped3A_1, %arg1, %dma_wait3A_206, %dma_wait3A_207] : memref<2x16x160x128xi32, #tpu.memory_space<hbm>> -> memref<1x1x160x128xi32, #tpu.memory_space<hbm>>
      %dma_wait3A_209 = tpu.memref_squeeze %dma_wait3A_208 : memref<1x1x160x128xi32, #tpu.memory_space<hbm>> -> memref<160x128xi32, #tpu.memory_space<hbm>>
      %dma_wait3A_210 = arith.constant 0 : i32
      %dma_wait3A_211 = arith.constant 0 : i32
      %dma_wait3A_212 = tpu.memref_slice %arg3[%run_scoped3A_1, %arg1, %dma_wait3A_210, %dma_wait3A_211] : memref<2x16x160x128xi32, #tpu.memory_space<hbm>> -> memref<1x1x160x128xi32, #tpu.memory_space<hbm>>
      %dma_wait3A_213 = tpu.memref_squeeze %dma_wait3A_212 : memref<1x1x160x128xi32, #tpu.memory_space<hbm>> -> memref<160x128xi32, #tpu.memory_space<hbm>>
      tpu.wait_dma2 semaphore(%run_scoped3A_197 : memref<!tpu.dma_semaphore, #tpu.memory_space<semaphore_mem>>) src(%dma_wait3A_213 : memref<160x128xi32, #tpu.memory_space<hbm>>) dst(%arg7 : memref<160x128xi32, #tpu.memory_space<vmem>>)
      tpu.yield
    }) : () -> ()
    %mul3A_2 = arith.constant 80 : i32
    %mul3A_3 = arith.muli %arg0, %mul3A_2 : i32
    %add3A = arith.constant 0 : i32
    %add3A_4 = arith.addi %mul3A_3, %add3A : i32
    %dma_start3A = arith.constant 0 : i32
    %dma_start3A_5 = arith.constant 0 : i32
    %dma_start3A_6 = arith.constant 0 : i32
    %dma_start3A_7 = arith.constant 0 : i32
    %dma_start3A_8 = tpu.memref_slice %arg8[%dma_start3A, %dma_start3A_6, %dma_start3A_7] : memref<5x128x16xf32, #tpu.memory_space<vmem>> -> memref<1x128x16xf32, #tpu.memory_space<vmem>>
    %dma_start3A_9 = tpu.memref_squeeze %dma_start3A_8 : memref<1x128x16xf32, #tpu.memory_space<vmem>> -> memref<128x16xf32, #tpu.memory_space<vmem>>
    %dma_start3A_10 = arith.constant 0 : i32
    %dma_start3A_11 = tpu.memref_slice %arg6[%add3A_4, %dma_start3A_10] : memref<160x128xi32, #tpu.memory_space<vmem>> -> memref<1x128xi32, #tpu.memory_space<vmem>>
    %dma_start3A_12 = tpu.memref_squeeze %dma_start3A_11 : memref<1x128xi32, #tpu.memory_space<vmem>> -> memref<128xi32, #tpu.memory_space<vmem>>
    %dma_start3A_13 = arith.constant 0 : i32
    %dma_start3A_14 = arith.constant 0 : i32
    %dma_start3A_15 = tpu.memref_slice %arg2[%arg0, %dma_start3A_13, %dma_start3A_14] : memref<2x10000x16xf32, #tpu.memory_space<hbm>> -> memref<1x10000x16xf32, #tpu.memory_space<hbm>>
    %dma_start3A_16 = tpu.memref_squeeze %dma_start3A_15 : memref<1x10000x16xf32, #tpu.memory_space<hbm>> -> memref<10000x16xf32, #tpu.memory_space<hbm>>
    %dma_start3A_17 = arith.constant 0 : i32
    %dma_start3A_18 = arith.constant 0 : i32
    %dma_start3A_19 = tpu.memref_slice %dma_start3A_16[%dma_start3A_17, %dma_start3A_18] : memref<10000x16xf32, #tpu.memory_space<hbm>> -> memref<10000x16xf32, #tpu.memory_space<hbm>>
    %dma_start3A_20 = tpu.memref_slice %arg10[%dma_start3A_5] : memref<5x!tpu.dma_semaphore, #tpu.memory_space<semaphore_mem>> -> memref<1x!tpu.dma_semaphore, #tpu.memory_space<semaphore_mem>>
    %dma_start3A_21 = tpu.memref_squeeze %dma_start3A_20 : memref<1x!tpu.dma_semaphore, #tpu.memory_space<semaphore_mem>> -> memref<!tpu.dma_semaphore, #tpu.memory_space<semaphore_mem>>
    tpu.enqueue_indirect_dma source(%dma_start3A_19 : memref<10000x16xf32, #tpu.memory_space<hbm>>) target(%dma_start3A_9 : memref<128x16xf32, #tpu.memory_space<vmem>>) offsets(%dma_start3A_12 : memref<128xi32, #tpu.memory_space<vmem>>) semaphore(%dma_start3A_21 : memref<!tpu.dma_semaphore, #tpu.memory_space<semaphore_mem>>)
    %add3A_22 = arith.constant 1 : i32
    %add3A_23 = arith.addi %mul3A_3, %add3A_22 : i32
    %dma_start3A_24 = arith.constant 1 : i32
    %dma_start3A_25 = arith.constant 1 : i32
    %dma_start3A_26 = arith.constant 0 : i32
    %dma_start3A_27 = arith.constant 0 : i32
    %dma_start3A_28 = tpu.memref_slice %arg8[%dma_start3A_24, %dma_start3A_26, %dma_start3A_27] : memref<5x128x16xf32, #tpu.memory_space<vmem>> -> memref<1x128x16xf32, #tpu.memory_space<vmem>>
    %dma_start3A_29 = tpu.memref_squeeze %dma_start3A_28 : memref<1x128x16xf32, #tpu.memory_space<vmem>> -> memref<128x16xf32, #tpu.memory_space<vmem>>
    %dma_start3A_30 = arith.constant 0 : i32
    %dma_start3A_31 = tpu.memref_slice %arg6[%add3A_23, %dma_start3A_30] : memref<160x128xi32, #tpu.memory_space<vmem>> -> memref<1x128xi32, #tpu.memory_space<vmem>>
    %dma_start3A_32 = tpu.memref_squeeze %dma_start3A_31 : memref<1x128xi32, #tpu.memory_space<vmem>> -> memref<128xi32, #tpu.memory_space<vmem>>
    %dma_start3A_33 = arith.constant 0 : i32
    %dma_start3A_34 = arith.constant 0 : i32
    %dma_start3A_35 = tpu.memref_slice %arg2[%arg0, %dma_start3A_33, %dma_start3A_34] : memref<2x10000x16xf32, #tpu.memory_space<hbm>> -> memref<1x10000x16xf32, #tpu.memory_space<hbm>>
    %dma_start3A_36 = tpu.memref_squeeze %dma_start3A_35 : memref<1x10000x16xf32, #tpu.memory_space<hbm>> -> memref<10000x16xf32, #tpu.memory_space<hbm>>
    %dma_start3A_37 = arith.constant 0 : i32
    %dma_start3A_38 = arith.constant 0 : i32
    %dma_start3A_39 = tpu.memref_slice %dma_start3A_36[%dma_start3A_37, %dma_start3A_38] : memref<10000x16xf32, #tpu.memory_space<hbm>> -> memref<10000x16xf32, #tpu.memory_space<hbm>>
    %dma_start3A_40 = tpu.memref_slice %arg10[%dma_start3A_25] : memref<5x!tpu.dma_semaphore, #tpu.memory_space<semaphore_mem>> -> memref<1x!tpu.dma_semaphore, #tpu.memory_space<semaphore_mem>>
    %dma_start3A_41 = tpu.memref_squeeze %dma_start3A_40 : memref<1x!tpu.dma_semaphore, #tpu.memory_space<semaphore_mem>> -> memref<!tpu.dma_semaphore, #tpu.memory_space<semaphore_mem>>
    tpu.enqueue_indirect_dma source(%dma_start3A_39 : memref<10000x16xf32, #tpu.memory_space<hbm>>) target(%dma_start3A_29 : memref<128x16xf32, #tpu.memory_space<vmem>>) offsets(%dma_start3A_32 : memref<128xi32, #tpu.memory_space<vmem>>) semaphore(%dma_start3A_41 : memref<!tpu.dma_semaphore, #tpu.memory_space<semaphore_mem>>)
    %add3A_42 = arith.constant 2 : i32
    %add3A_43 = arith.addi %mul3A_3, %add3A_42 : i32
    %dma_start3A_44 = arith.constant 2 : i32
    %dma_start3A_45 = arith.constant 2 : i32
    %dma_start3A_46 = arith.constant 0 : i32
    %dma_start3A_47 = arith.constant 0 : i32
    %dma_start3A_48 = tpu.memref_slice %arg8[%dma_start3A_44, %dma_start3A_46, %dma_start3A_47] : memref<5x128x16xf32, #tpu.memory_space<vmem>> -> memref<1x128x16xf32, #tpu.memory_space<vmem>>
    %dma_start3A_49 = tpu.memref_squeeze %dma_start3A_48 : memref<1x128x16xf32, #tpu.memory_space<vmem>> -> memref<128x16xf32, #tpu.memory_space<vmem>>
    %dma_start3A_50 = arith.constant 0 : i32
    %dma_start3A_51 = tpu.memref_slice %arg6[%add3A_43, %dma_start3A_50] : memref<160x128xi32, #tpu.memory_space<vmem>> -> memref<1x128xi32, #tpu.memory_space<vmem>>
    %dma_start3A_52 = tpu.memref_squeeze %dma_start3A_51 : memref<1x128xi32, #tpu.memory_space<vmem>> -> memref<128xi32, #tpu.memory_space<vmem>>
    %dma_start3A_53 = arith.constant 0 : i32
    %dma_start3A_54 = arith.constant 0 : i32
    %dma_start3A_55 = tpu.memref_slice %arg2[%arg0, %dma_start3A_53, %dma_start3A_54] : memref<2x10000x16xf32, #tpu.memory_space<hbm>> -> memref<1x10000x16xf32, #tpu.memory_space<hbm>>
    %dma_start3A_56 = tpu.memref_squeeze %dma_start3A_55 : memref<1x10000x16xf32, #tpu.memory_space<hbm>> -> memref<10000x16xf32, #tpu.memory_space<hbm>>
    %dma_start3A_57 = arith.constant 0 : i32
    %dma_start3A_58 = arith.constant 0 : i32
    %dma_start3A_59 = tpu.memref_slice %dma_start3A_56[%dma_start3A_57, %dma_start3A_58] : memref<10000x16xf32, #tpu.memory_space<hbm>> -> memref<10000x16xf32, #tpu.memory_space<hbm>>
    %dma_start3A_60 = tpu.memref_slice %arg10[%dma_start3A_45] : memref<5x!tpu.dma_semaphore, #tpu.memory_space<semaphore_mem>> -> memref<1x!tpu.dma_semaphore, #tpu.memory_space<semaphore_mem>>
    %dma_start3A_61 = tpu.memref_squeeze %dma_start3A_60 : memref<1x!tpu.dma_semaphore, #tpu.memory_space<semaphore_mem>> -> memref<!tpu.dma_semaphore, #tpu.memory_space<semaphore_mem>>
    tpu.enqueue_indirect_dma source(%dma_start3A_59 : memref<10000x16xf32, #tpu.memory_space<hbm>>) target(%dma_start3A_49 : memref<128x16xf32, #tpu.memory_space<vmem>>) offsets(%dma_start3A_52 : memref<128xi32, #tpu.memory_space<vmem>>) semaphore(%dma_start3A_61 : memref<!tpu.dma_semaphore, #tpu.memory_space<semaphore_mem>>)
    %add3A_62 = arith.constant 3 : i32
    %add3A_63 = arith.addi %mul3A_3, %add3A_62 : i32
    %dma_start3A_64 = arith.constant 3 : i32
    %dma_start3A_65 = arith.constant 3 : i32
    %dma_start3A_66 = arith.constant 0 : i32
    %dma_start3A_67 = arith.constant 0 : i32
    %dma_start3A_68 = tpu.memref_slice %arg8[%dma_start3A_64, %dma_start3A_66, %dma_start3A_67] : memref<5x128x16xf32, #tpu.memory_space<vmem>> -> memref<1x128x16xf32, #tpu.memory_space<vmem>>
    %dma_start3A_69 = tpu.memref_squeeze %dma_start3A_68 : memref<1x128x16xf32, #tpu.memory_space<vmem>> -> memref<128x16xf32, #tpu.memory_space<vmem>>
    %dma_start3A_70 = arith.constant 0 : i32
    %dma_start3A_71 = tpu.memref_slice %arg6[%add3A_63, %dma_start3A_70] : memref<160x128xi32, #tpu.memory_space<vmem>> -> memref<1x128xi32, #tpu.memory_space<vmem>>
    %dma_start3A_72 = tpu.memref_squeeze %dma_start3A_71 : memref<1x128xi32, #tpu.memory_space<vmem>> -> memref<128xi32, #tpu.memory_space<vmem>>
    %dma_start3A_73 = arith.constant 0 : i32
    %dma_start3A_74 = arith.constant 0 : i32
    %dma_start3A_75 = tpu.memref_slice %arg2[%arg0, %dma_start3A_73, %dma_start3A_74] : memref<2x10000x16xf32, #tpu.memory_space<hbm>> -> memref<1x10000x16xf32, #tpu.memory_space<hbm>>
    %dma_start3A_76 = tpu.memref_squeeze %dma_start3A_75 : memref<1x10000x16xf32, #tpu.memory_space<hbm>> -> memref<10000x16xf32, #tpu.memory_space<hbm>>
    %dma_start3A_77 = arith.constant 0 : i32
    %dma_start3A_78 = arith.constant 0 : i32
    %dma_start3A_79 = tpu.memref_slice %dma_start3A_76[%dma_start3A_77, %dma_start3A_78] : memref<10000x16xf32, #tpu.memory_space<hbm>> -> memref<10000x16xf32, #tpu.memory_space<hbm>>
    %dma_start3A_80 = tpu.memref_slice %arg10[%dma_start3A_65] : memref<5x!tpu.dma_semaphore, #tpu.memory_space<semaphore_mem>> -> memref<1x!tpu.dma_semaphore, #tpu.memory_space<semaphore_mem>>
    %dma_start3A_81 = tpu.memref_squeeze %dma_start3A_80 : memref<1x!tpu.dma_semaphore, #tpu.memory_space<semaphore_mem>> -> memref<!tpu.dma_semaphore, #tpu.memory_space<semaphore_mem>>
    tpu.enqueue_indirect_dma source(%dma_start3A_79 : memref<10000x16xf32, #tpu.memory_space<hbm>>) target(%dma_start3A_69 : memref<128x16xf32, #tpu.memory_space<vmem>>) offsets(%dma_start3A_72 : memref<128xi32, #tpu.memory_space<vmem>>) semaphore(%dma_start3A_81 : memref<!tpu.dma_semaphore, #tpu.memory_space<semaphore_mem>>)
    %add3A_82 = arith.constant 4 : i32
    %add3A_83 = arith.addi %mul3A_3, %add3A_82 : i32
    %dma_start3A_84 = arith.constant 4 : i32
    %dma_start3A_85 = arith.constant 4 : i32
    %dma_start3A_86 = arith.constant 0 : i32
    %dma_start3A_87 = arith.constant 0 : i32
    %dma_start3A_88 = tpu.memref_slice %arg8[%dma_start3A_84, %dma_start3A_86, %dma_start3A_87] : memref<5x128x16xf32, #tpu.memory_space<vmem>> -> memref<1x128x16xf32, #tpu.memory_space<vmem>>
    %dma_start3A_89 = tpu.memref_squeeze %dma_start3A_88 : memref<1x128x16xf32, #tpu.memory_space<vmem>> -> memref<128x16xf32, #tpu.memory_space<vmem>>
    %dma_start3A_90 = arith.constant 0 : i32
    %dma_start3A_91 = tpu.memref_slice %arg6[%add3A_83, %dma_start3A_90] : memref<160x128xi32, #tpu.memory_space<vmem>> -> memref<1x128xi32, #tpu.memory_space<vmem>>
    %dma_start3A_92 = tpu.memref_squeeze %dma_start3A_91 : memref<1x128xi32, #tpu.memory_space<vmem>> -> memref<128xi32, #tpu.memory_space<vmem>>
    %dma_start3A_93 = arith.constant 0 : i32
    %dma_start3A_94 = arith.constant 0 : i32
    %dma_start3A_95 = tpu.memref_slice %arg2[%arg0, %dma_start3A_93, %dma_start3A_94] : memref<2x10000x16xf32, #tpu.memory_space<hbm>> -> memref<1x10000x16xf32, #tpu.memory_space<hbm>>
    %dma_start3A_96 = tpu.memref_squeeze %dma_start3A_95 : memref<1x10000x16xf32, #tpu.memory_space<hbm>> -> memref<10000x16xf32, #tpu.memory_space<hbm>>
    %dma_start3A_97 = arith.constant 0 : i32
    %dma_start3A_98 = arith.constant 0 : i32
    %dma_start3A_99 = tpu.memref_slice %dma_start3A_96[%dma_start3A_97, %dma_start3A_98] : memref<10000x16xf32, #tpu.memory_space<hbm>> -> memref<10000x16xf32, #tpu.memory_space<hbm>>
    %dma_start3A_100 = tpu.memref_slice %arg10[%dma_start3A_85] : memref<5x!tpu.dma_semaphore, #tpu.memory_space<semaphore_mem>> -> memref<1x!tpu.dma_semaphore, #tpu.memory_space<semaphore_mem>>
    %dma_start3A_101 = tpu.memref_squeeze %dma_start3A_100 : memref<1x!tpu.dma_semaphore, #tpu.memory_space<semaphore_mem>> -> memref<!tpu.dma_semaphore, #tpu.memory_space<semaphore_mem>>
    tpu.enqueue_indirect_dma source(%dma_start3A_99 : memref<10000x16xf32, #tpu.memory_space<hbm>>) target(%dma_start3A_89 : memref<128x16xf32, #tpu.memory_space<vmem>>) offsets(%dma_start3A_92 : memref<128xi32, #tpu.memory_space<vmem>>) semaphore(%dma_start3A_101 : memref<!tpu.dma_semaphore, #tpu.memory_space<semaphore_mem>>)
    %scan3A = arith.constant 0 : i32
    %scan3A_102 = arith.constant 0 : i32
    %scan3A_103 = arith.constant 16 : i32
    %scan3A_104 = arith.addi %scan3A_102, %scan3A_103 : i32
    %scan3A_105 = arith.constant 1 : i32
    scf.for %scan3A_197 = %scan3A_102 to %scan3A_104 step %scan3A_105  : i32 {
      %mul3A_198 = arith.constant 5 : i32
      %mul3A_199 = arith.muli %scan3A_197, %mul3A_198 : i32
      %add3A_200 = arith.addi %mul3A_3, %mul3A_199 : i32
      %add3A_201 = arith.constant 0 : i32
      %add3A_202 = arith.addi %add3A_200, %add3A_201 : i32
      %dma_wait3A_203 = arith.constant 0 : i32
      %dma_wait3A_204 = arith.constant 0 : i32
      %dma_wait3A_205 = arith.constant 0 : i32
      %dma_wait3A_206 = arith.constant 0 : i32
      %dma_wait3A_207 = tpu.memref_slice %arg8[%dma_wait3A_203, %dma_wait3A_205, %dma_wait3A_206] : memref<5x128x16xf32, #tpu.memory_space<vmem>> -> memref<1x128x16xf32, #tpu.memory_space<vmem>>
      %dma_wait3A_208 = tpu.memref_squeeze %dma_wait3A_207 : memref<1x128x16xf32, #tpu.memory_space<vmem>> -> memref<128x16xf32, #tpu.memory_space<vmem>>
      %dma_wait3A_209 = arith.constant 0 : i32
      %dma_wait3A_210 = tpu.memref_slice %arg6[%add3A_202, %dma_wait3A_209] : memref<160x128xi32, #tpu.memory_space<vmem>> -> memref<1x128xi32, #tpu.memory_space<vmem>>
      %dma_wait3A_211 = tpu.memref_squeeze %dma_wait3A_210 : memref<1x128xi32, #tpu.memory_space<vmem>> -> memref<128xi32, #tpu.memory_space<vmem>>
      %dma_wait3A_212 = arith.constant 0 : i32
      %dma_wait3A_213 = arith.constant 0 : i32
      %dma_wait3A_214 = tpu.memref_slice %arg2[%arg0, %dma_wait3A_212, %dma_wait3A_213] : memref<2x10000x16xf32, #tpu.memory_space<hbm>> -> memref<1x10000x16xf32, #tpu.memory_space<hbm>>
      %dma_wait3A_215 = tpu.memref_squeeze %dma_wait3A_214 : memref<1x10000x16xf32, #tpu.memory_space<hbm>> -> memref<10000x16xf32, #tpu.memory_space<hbm>>
      %dma_wait3A_216 = arith.constant 0 : i32
      %dma_wait3A_217 = arith.constant 0 : i32
      %dma_wait3A_218 = tpu.memref_slice %dma_wait3A_215[%dma_wait3A_216, %dma_wait3A_217] : memref<10000x16xf32, #tpu.memory_space<hbm>> -> memref<10000x16xf32, #tpu.memory_space<hbm>>
      %dma_wait3A_219 = tpu.memref_slice %arg10[%dma_wait3A_204] : memref<5x!tpu.dma_semaphore, #tpu.memory_space<semaphore_mem>> -> memref<1x!tpu.dma_semaphore, #tpu.memory_space<semaphore_mem>>
      %dma_wait3A_220 = tpu.memref_squeeze %dma_wait3A_219 : memref<1x!tpu.dma_semaphore, #tpu.memory_space<semaphore_mem>> -> memref<!tpu.dma_semaphore, #tpu.memory_space<semaphore_mem>>
      tpu.wait_indirect_dma semaphore(%dma_wait3A_220 : memref<!tpu.dma_semaphore, #tpu.memory_space<semaphore_mem>>) src(%dma_wait3A_218 : memref<10000x16xf32, #tpu.memory_space<hbm>>) dst(%dma_wait3A_208 : memref<128x16xf32, #tpu.memory_space<vmem>>)
      %dma_start3A_221 = arith.constant 0 : i32
      %dma_start3A_222 = arith.constant 0 : i32
      %dma_start3A_223 = arith.constant 0 : i32
      %dma_start3A_224 = arith.constant 0 : i32
      %dma_start3A_225 = tpu.memref_slice %arg8[%dma_start3A_221, %dma_start3A_223, %dma_start3A_224] : memref<5x128x16xf32, #tpu.memory_space<vmem>> -> memref<1x128x16xf32, #tpu.memory_space<vmem>>
      %dma_start3A_226 = tpu.memref_squeeze %dma_start3A_225 : memref<1x128x16xf32, #tpu.memory_space<vmem>> -> memref<128x16xf32, #tpu.memory_space<vmem>>
      %dma_start3A_227 = arith.constant 0 : i32
      %dma_start3A_228 = tpu.memref_slice %arg7[%add3A_202, %dma_start3A_227] : memref<160x128xi32, #tpu.memory_space<vmem>> -> memref<1x128xi32, #tpu.memory_space<vmem>>
      %dma_start3A_229 = tpu.memref_squeeze %dma_start3A_228 : memref<1x128xi32, #tpu.memory_space<vmem>> -> memref<128xi32, #tpu.memory_space<vmem>>
      %dma_start3A_230 = arith.constant 0 : i32
      %dma_start3A_231 = arith.constant 0 : i32
      %dma_start3A_232 = tpu.memref_slice %arg9[%dma_start3A_230, %dma_start3A_231] : memref<10240x16xf32, #tpu.memory_space<vmem_shared>> -> memref<10240x16xf32, #tpu.memory_space<vmem_shared>>
      %dma_start3A_233 = tpu.memref_slice %arg11[%dma_start3A_222] : memref<5x!tpu.dma_semaphore, #tpu.memory_space<semaphore_mem>> -> memref<1x!tpu.dma_semaphore, #tpu.memory_space<semaphore_mem>>
      %dma_start3A_234 = tpu.memref_squeeze %dma_start3A_233 : memref<1x!tpu.dma_semaphore, #tpu.memory_space<semaphore_mem>> -> memref<!tpu.dma_semaphore, #tpu.memory_space<semaphore_mem>>
      tpu.enqueue_indirect_dma source(%dma_start3A_226 : memref<128x16xf32, #tpu.memory_space<vmem>>) target(%dma_start3A_232 : memref<10240x16xf32, #tpu.memory_space<vmem_shared>>) offsets(%dma_start3A_229 : memref<128xi32, #tpu.memory_space<vmem>>) semaphore(%dma_start3A_234 : memref<!tpu.dma_semaphore, #tpu.memory_space<semaphore_mem>>) {add = true}
      %mul3A_235 = arith.constant 5 : i32
      %mul3A_236 = arith.muli %scan3A_197, %mul3A_235 : i32
      %add3A_237 = arith.addi %mul3A_3, %mul3A_236 : i32
      %add3A_238 = arith.constant 1 : i32
      %add3A_239 = arith.addi %add3A_237, %add3A_238 : i32
      %dma_wait3A_240 = arith.constant 1 : i32
      %dma_wait3A_241 = arith.constant 1 : i32
      %dma_wait3A_242 = arith.constant 0 : i32
      %dma_wait3A_243 = arith.constant 0 : i32
      %dma_wait3A_244 = tpu.memref_slice %arg8[%dma_wait3A_240, %dma_wait3A_242, %dma_wait3A_243] : memref<5x128x16xf32, #tpu.memory_space<vmem>> -> memref<1x128x16xf32, #tpu.memory_space<vmem>>
      %dma_wait3A_245 = tpu.memref_squeeze %dma_wait3A_244 : memref<1x128x16xf32, #tpu.memory_space<vmem>> -> memref<128x16xf32, #tpu.memory_space<vmem>>
      %dma_wait3A_246 = arith.constant 0 : i32
      %dma_wait3A_247 = tpu.memref_slice %arg6[%add3A_239, %dma_wait3A_246] : memref<160x128xi32, #tpu.memory_space<vmem>> -> memref<1x128xi32, #tpu.memory_space<vmem>>
      %dma_wait3A_248 = tpu.memref_squeeze %dma_wait3A_247 : memref<1x128xi32, #tpu.memory_space<vmem>> -> memref<128xi32, #tpu.memory_space<vmem>>
      %dma_wait3A_249 = arith.constant 0 : i32
      %dma_wait3A_250 = arith.constant 0 : i32
      %dma_wait3A_251 = tpu.memref_slice %arg2[%arg0, %dma_wait3A_249, %dma_wait3A_250] : memref<2x10000x16xf32, #tpu.memory_space<hbm>> -> memref<1x10000x16xf32, #tpu.memory_space<hbm>>
      %dma_wait3A_252 = tpu.memref_squeeze %dma_wait3A_251 : memref<1x10000x16xf32, #tpu.memory_space<hbm>> -> memref<10000x16xf32, #tpu.memory_space<hbm>>
      %dma_wait3A_253 = arith.constant 0 : i32
      %dma_wait3A_254 = arith.constant 0 : i32
      %dma_wait3A_255 = tpu.memref_slice %dma_wait3A_252[%dma_wait3A_253, %dma_wait3A_254] : memref<10000x16xf32, #tpu.memory_space<hbm>> -> memref<10000x16xf32, #tpu.memory_space<hbm>>
      %dma_wait3A_256 = tpu.memref_slice %arg10[%dma_wait3A_241] : memref<5x!tpu.dma_semaphore, #tpu.memory_space<semaphore_mem>> -> memref<1x!tpu.dma_semaphore, #tpu.memory_space<semaphore_mem>>
      %dma_wait3A_257 = tpu.memref_squeeze %dma_wait3A_256 : memref<1x!tpu.dma_semaphore, #tpu.memory_space<semaphore_mem>> -> memref<!tpu.dma_semaphore, #tpu.memory_space<semaphore_mem>>
      tpu.wait_indirect_dma semaphore(%dma_wait3A_257 : memref<!tpu.dma_semaphore, #tpu.memory_space<semaphore_mem>>) src(%dma_wait3A_255 : memref<10000x16xf32, #tpu.memory_space<hbm>>) dst(%dma_wait3A_245 : memref<128x16xf32, #tpu.memory_space<vmem>>)
      %dma_start3A_258 = arith.constant 1 : i32
      %dma_start3A_259 = arith.constant 1 : i32
      %dma_start3A_260 = arith.constant 0 : i32
      %dma_start3A_261 = arith.constant 0 : i32
      %dma_start3A_262 = tpu.memref_slice %arg8[%dma_start3A_258, %dma_start3A_260, %dma_start3A_261] : memref<5x128x16xf32, #tpu.memory_space<vmem>> -> memref<1x128x16xf32, #tpu.memory_space<vmem>>
      %dma_start3A_263 = tpu.memref_squeeze %dma_start3A_262 : memref<1x128x16xf32, #tpu.memory_space<vmem>> -> memref<128x16xf32, #tpu.memory_space<vmem>>
      %dma_start3A_264 = arith.constant 0 : i32
      %dma_start3A_265 = tpu.memref_slice %arg7[%add3A_239, %dma_start3A_264] : memref<160x128xi32, #tpu.memory_space<vmem>> -> memref<1x128xi32, #tpu.memory_space<vmem>>
      %dma_start3A_266 = tpu.memref_squeeze %dma_start3A_265 : memref<1x128xi32, #tpu.memory_space<vmem>> -> memref<128xi32, #tpu.memory_space<vmem>>
      %dma_start3A_267 = arith.constant 0 : i32
      %dma_start3A_268 = arith.constant 0 : i32
      %dma_start3A_269 = tpu.memref_slice %arg9[%dma_start3A_267, %dma_start3A_268] : memref<10240x16xf32, #tpu.memory_space<vmem_shared>> -> memref<10240x16xf32, #tpu.memory_space<vmem_shared>>
      %dma_start3A_270 = tpu.memref_slice %arg11[%dma_start3A_259] : memref<5x!tpu.dma_semaphore, #tpu.memory_space<semaphore_mem>> -> memref<1x!tpu.dma_semaphore, #tpu.memory_space<semaphore_mem>>
      %dma_start3A_271 = tpu.memref_squeeze %dma_start3A_270 : memref<1x!tpu.dma_semaphore, #tpu.memory_space<semaphore_mem>> -> memref<!tpu.dma_semaphore, #tpu.memory_space<semaphore_mem>>
      tpu.enqueue_indirect_dma source(%dma_start3A_263 : memref<128x16xf32, #tpu.memory_space<vmem>>) target(%dma_start3A_269 : memref<10240x16xf32, #tpu.memory_space<vmem_shared>>) offsets(%dma_start3A_266 : memref<128xi32, #tpu.memory_space<vmem>>) semaphore(%dma_start3A_271 : memref<!tpu.dma_semaphore, #tpu.memory_space<semaphore_mem>>) {add = true}
      %mul3A_272 = arith.constant 5 : i32
      %mul3A_273 = arith.muli %scan3A_197, %mul3A_272 : i32
      %add3A_274 = arith.addi %mul3A_3, %mul3A_273 : i32
      %add3A_275 = arith.constant 2 : i32
      %add3A_276 = arith.addi %add3A_274, %add3A_275 : i32
      %dma_wait3A_277 = arith.constant 2 : i32
      %dma_wait3A_278 = arith.constant 2 : i32
      %dma_wait3A_279 = arith.constant 0 : i32
      %dma_wait3A_280 = arith.constant 0 : i32
      %dma_wait3A_281 = tpu.memref_slice %arg8[%dma_wait3A_277, %dma_wait3A_279, %dma_wait3A_280] : memref<5x128x16xf32, #tpu.memory_space<vmem>> -> memref<1x128x16xf32, #tpu.memory_space<vmem>>
      %dma_wait3A_282 = tpu.memref_squeeze %dma_wait3A_281 : memref<1x128x16xf32, #tpu.memory_space<vmem>> -> memref<128x16xf32, #tpu.memory_space<vmem>>
      %dma_wait3A_283 = arith.constant 0 : i32
      %dma_wait3A_284 = tpu.memref_slice %arg6[%add3A_276, %dma_wait3A_283] : memref<160x128xi32, #tpu.memory_space<vmem>> -> memref<1x128xi32, #tpu.memory_space<vmem>>
      %dma_wait3A_285 = tpu.memref_squeeze %dma_wait3A_284 : memref<1x128xi32, #tpu.memory_space<vmem>> -> memref<128xi32, #tpu.memory_space<vmem>>
      %dma_wait3A_286 = arith.constant 0 : i32
      %dma_wait3A_287 = arith.constant 0 : i32
      %dma_wait3A_288 = tpu.memref_slice %arg2[%arg0, %dma_wait3A_286, %dma_wait3A_287] : memref<2x10000x16xf32, #tpu.memory_space<hbm>> -> memref<1x10000x16xf32, #tpu.memory_space<hbm>>
      %dma_wait3A_289 = tpu.memref_squeeze %dma_wait3A_288 : memref<1x10000x16xf32, #tpu.memory_space<hbm>> -> memref<10000x16xf32, #tpu.memory_space<hbm>>
      %dma_wait3A_290 = arith.constant 0 : i32
      %dma_wait3A_291 = arith.constant 0 : i32
      %dma_wait3A_292 = tpu.memref_slice %dma_wait3A_289[%dma_wait3A_290, %dma_wait3A_291] : memref<10000x16xf32, #tpu.memory_space<hbm>> -> memref<10000x16xf32, #tpu.memory_space<hbm>>
      %dma_wait3A_293 = tpu.memref_slice %arg10[%dma_wait3A_278] : memref<5x!tpu.dma_semaphore, #tpu.memory_space<semaphore_mem>> -> memref<1x!tpu.dma_semaphore, #tpu.memory_space<semaphore_mem>>
      %dma_wait3A_294 = tpu.memref_squeeze %dma_wait3A_293 : memref<1x!tpu.dma_semaphore, #tpu.memory_space<semaphore_mem>> -> memref<!tpu.dma_semaphore, #tpu.memory_space<semaphore_mem>>
      tpu.wait_indirect_dma semaphore(%dma_wait3A_294 : memref<!tpu.dma_semaphore, #tpu.memory_space<semaphore_mem>>) src(%dma_wait3A_292 : memref<10000x16xf32, #tpu.memory_space<hbm>>) dst(%dma_wait3A_282 : memref<128x16xf32, #tpu.memory_space<vmem>>)
      %dma_start3A_295 = arith.constant 2 : i32
      %dma_start3A_296 = arith.constant 2 : i32
      %dma_start3A_297 = arith.constant 0 : i32
      %dma_start3A_298 = arith.constant 0 : i32
      %dma_start3A_299 = tpu.memref_slice %arg8[%dma_start3A_295, %dma_start3A_297, %dma_start3A_298] : memref<5x128x16xf32, #tpu.memory_space<vmem>> -> memref<1x128x16xf32, #tpu.memory_space<vmem>>
      %dma_start3A_300 = tpu.memref_squeeze %dma_start3A_299 : memref<1x128x16xf32, #tpu.memory_space<vmem>> -> memref<128x16xf32, #tpu.memory_space<vmem>>
      %dma_start3A_301 = arith.constant 0 : i32
      %dma_start3A_302 = tpu.memref_slice %arg7[%add3A_276, %dma_start3A_301] : memref<160x128xi32, #tpu.memory_space<vmem>> -> memref<1x128xi32, #tpu.memory_space<vmem>>
      %dma_start3A_303 = tpu.memref_squeeze %dma_start3A_302 : memref<1x128xi32, #tpu.memory_space<vmem>> -> memref<128xi32, #tpu.memory_space<vmem>>
      %dma_start3A_304 = arith.constant 0 : i32
      %dma_start3A_305 = arith.constant 0 : i32
      %dma_start3A_306 = tpu.memref_slice %arg9[%dma_start3A_304, %dma_start3A_305] : memref<10240x16xf32, #tpu.memory_space<vmem_shared>> -> memref<10240x16xf32, #tpu.memory_space<vmem_shared>>
      %dma_start3A_307 = tpu.memref_slice %arg11[%dma_start3A_296] : memref<5x!tpu.dma_semaphore, #tpu.memory_space<semaphore_mem>> -> memref<1x!tpu.dma_semaphore, #tpu.memory_space<semaphore_mem>>
      %dma_start3A_308 = tpu.memref_squeeze %dma_start3A_307 : memref<1x!tpu.dma_semaphore, #tpu.memory_space<semaphore_mem>> -> memref<!tpu.dma_semaphore, #tpu.memory_space<semaphore_mem>>
      tpu.enqueue_indirect_dma source(%dma_start3A_300 : memref<128x16xf32, #tpu.memory_space<vmem>>) target(%dma_start3A_306 : memref<10240x16xf32, #tpu.memory_space<vmem_shared>>) offsets(%dma_start3A_303 : memref<128xi32, #tpu.memory_space<vmem>>) semaphore(%dma_start3A_308 : memref<!tpu.dma_semaphore, #tpu.memory_space<semaphore_mem>>) {add = true}
      %mul3A_309 = arith.constant 5 : i32
      %mul3A_310 = arith.muli %scan3A_197, %mul3A_309 : i32
      %add3A_311 = arith.addi %mul3A_3, %mul3A_310 : i32
      %add3A_312 = arith.constant 3 : i32
      %add3A_313 = arith.addi %add3A_311, %add3A_312 : i32
      %dma_wait3A_314 = arith.constant 3 : i32
      %dma_wait3A_315 = arith.constant 3 : i32
      %dma_wait3A_316 = arith.constant 0 : i32
      %dma_wait3A_317 = arith.constant 0 : i32
      %dma_wait3A_318 = tpu.memref_slice %arg8[%dma_wait3A_314, %dma_wait3A_316, %dma_wait3A_317] : memref<5x128x16xf32, #tpu.memory_space<vmem>> -> memref<1x128x16xf32, #tpu.memory_space<vmem>>
      %dma_wait3A_319 = tpu.memref_squeeze %dma_wait3A_318 : memref<1x128x16xf32, #tpu.memory_space<vmem>> -> memref<128x16xf32, #tpu.memory_space<vmem>>
      %dma_wait3A_320 = arith.constant 0 : i32
      %dma_wait3A_321 = tpu.memref_slice %arg6[%add3A_313, %dma_wait3A_320] : memref<160x128xi32, #tpu.memory_space<vmem>> -> memref<1x128xi32, #tpu.memory_space<vmem>>
      %dma_wait3A_322 = tpu.memref_squeeze %dma_wait3A_321 : memref<1x128xi32, #tpu.memory_space<vmem>> -> memref<128xi32, #tpu.memory_space<vmem>>
      %dma_wait3A_323 = arith.constant 0 : i32
      %dma_wait3A_324 = arith.constant 0 : i32
      %dma_wait3A_325 = tpu.memref_slice %arg2[%arg0, %dma_wait3A_323, %dma_wait3A_324] : memref<2x10000x16xf32, #tpu.memory_space<hbm>> -> memref<1x10000x16xf32, #tpu.memory_space<hbm>>
      %dma_wait3A_326 = tpu.memref_squeeze %dma_wait3A_325 : memref<1x10000x16xf32, #tpu.memory_space<hbm>> -> memref<10000x16xf32, #tpu.memory_space<hbm>>
      %dma_wait3A_327 = arith.constant 0 : i32
      %dma_wait3A_328 = arith.constant 0 : i32
      %dma_wait3A_329 = tpu.memref_slice %dma_wait3A_326[%dma_wait3A_327, %dma_wait3A_328] : memref<10000x16xf32, #tpu.memory_space<hbm>> -> memref<10000x16xf32, #tpu.memory_space<hbm>>
      %dma_wait3A_330 = tpu.memref_slice %arg10[%dma_wait3A_315] : memref<5x!tpu.dma_semaphore, #tpu.memory_space<semaphore_mem>> -> memref<1x!tpu.dma_semaphore, #tpu.memory_space<semaphore_mem>>
      %dma_wait3A_331 = tpu.memref_squeeze %dma_wait3A_330 : memref<1x!tpu.dma_semaphore, #tpu.memory_space<semaphore_mem>> -> memref<!tpu.dma_semaphore, #tpu.memory_space<semaphore_mem>>
      tpu.wait_indirect_dma semaphore(%dma_wait3A_331 : memref<!tpu.dma_semaphore, #tpu.memory_space<semaphore_mem>>) src(%dma_wait3A_329 : memref<10000x16xf32, #tpu.memory_space<hbm>>) dst(%dma_wait3A_319 : memref<128x16xf32, #tpu.memory_space<vmem>>)
      %dma_start3A_332 = arith.constant 3 : i32
      %dma_start3A_333 = arith.constant 3 : i32
      %dma_start3A_334 = arith.constant 0 : i32
      %dma_start3A_335 = arith.constant 0 : i32
      %dma_start3A_336 = tpu.memref_slice %arg8[%dma_start3A_332, %dma_start3A_334, %dma_start3A_335] : memref<5x128x16xf32, #tpu.memory_space<vmem>> -> memref<1x128x16xf32, #tpu.memory_space<vmem>>
      %dma_start3A_337 = tpu.memref_squeeze %dma_start3A_336 : memref<1x128x16xf32, #tpu.memory_space<vmem>> -> memref<128x16xf32, #tpu.memory_space<vmem>>
      %dma_start3A_338 = arith.constant 0 : i32
      %dma_start3A_339 = tpu.memref_slice %arg7[%add3A_313, %dma_start3A_338] : memref<160x128xi32, #tpu.memory_space<vmem>> -> memref<1x128xi32, #tpu.memory_space<vmem>>
      %dma_start3A_340 = tpu.memref_squeeze %dma_start3A_339 : memref<1x128xi32, #tpu.memory_space<vmem>> -> memref<128xi32, #tpu.memory_space<vmem>>
      %dma_start3A_341 = arith.constant 0 : i32
      %dma_start3A_342 = arith.constant 0 : i32
      %dma_start3A_343 = tpu.memref_slice %arg9[%dma_start3A_341, %dma_start3A_342] : memref<10240x16xf32, #tpu.memory_space<vmem_shared>> -> memref<10240x16xf32, #tpu.memory_space<vmem_shared>>
      %dma_start3A_344 = tpu.memref_slice %arg11[%dma_start3A_333] : memref<5x!tpu.dma_semaphore, #tpu.memory_space<semaphore_mem>> -> memref<1x!tpu.dma_semaphore, #tpu.memory_space<semaphore_mem>>
      %dma_start3A_345 = tpu.memref_squeeze %dma_start3A_344 : memref<1x!tpu.dma_semaphore, #tpu.memory_space<semaphore_mem>> -> memref<!tpu.dma_semaphore, #tpu.memory_space<semaphore_mem>>
      tpu.enqueue_indirect_dma source(%dma_start3A_337 : memref<128x16xf32, #tpu.memory_space<vmem>>) target(%dma_start3A_343 : memref<10240x16xf32, #tpu.memory_space<vmem_shared>>) offsets(%dma_start3A_340 : memref<128xi32, #tpu.memory_space<vmem>>) semaphore(%dma_start3A_345 : memref<!tpu.dma_semaphore, #tpu.memory_space<semaphore_mem>>) {add = true}
      %mul3A_346 = arith.constant 5 : i32
      %mul3A_347 = arith.muli %scan3A_197, %mul3A_346 : i32
      %add3A_348 = arith.addi %mul3A_3, %mul3A_347 : i32
      %add3A_349 = arith.constant 4 : i32
      %add3A_350 = arith.addi %add3A_348, %add3A_349 : i32
      %dma_wait3A_351 = arith.constant 4 : i32
      %dma_wait3A_352 = arith.constant 4 : i32
      %dma_wait3A_353 = arith.constant 0 : i32
      %dma_wait3A_354 = arith.constant 0 : i32
      %dma_wait3A_355 = tpu.memref_slice %arg8[%dma_wait3A_351, %dma_wait3A_353, %dma_wait3A_354] : memref<5x128x16xf32, #tpu.memory_space<vmem>> -> memref<1x128x16xf32, #tpu.memory_space<vmem>>
      %dma_wait3A_356 = tpu.memref_squeeze %dma_wait3A_355 : memref<1x128x16xf32, #tpu.memory_space<vmem>> -> memref<128x16xf32, #tpu.memory_space<vmem>>
      %dma_wait3A_357 = arith.constant 0 : i32
      %dma_wait3A_358 = tpu.memref_slice %arg6[%add3A_350, %dma_wait3A_357] : memref<160x128xi32, #tpu.memory_space<vmem>> -> memref<1x128xi32, #tpu.memory_space<vmem>>
      %dma_wait3A_359 = tpu.memref_squeeze %dma_wait3A_358 : memref<1x128xi32, #tpu.memory_space<vmem>> -> memref<128xi32, #tpu.memory_space<vmem>>
      %dma_wait3A_360 = arith.constant 0 : i32
      %dma_wait3A_361 = arith.constant 0 : i32
      %dma_wait3A_362 = tpu.memref_slice %arg2[%arg0, %dma_wait3A_360, %dma_wait3A_361] : memref<2x10000x16xf32, #tpu.memory_space<hbm>> -> memref<1x10000x16xf32, #tpu.memory_space<hbm>>
      %dma_wait3A_363 = tpu.memref_squeeze %dma_wait3A_362 : memref<1x10000x16xf32, #tpu.memory_space<hbm>> -> memref<10000x16xf32, #tpu.memory_space<hbm>>
      %dma_wait3A_364 = arith.constant 0 : i32
      %dma_wait3A_365 = arith.constant 0 : i32
      %dma_wait3A_366 = tpu.memref_slice %dma_wait3A_363[%dma_wait3A_364, %dma_wait3A_365] : memref<10000x16xf32, #tpu.memory_space<hbm>> -> memref<10000x16xf32, #tpu.memory_space<hbm>>
      %dma_wait3A_367 = tpu.memref_slice %arg10[%dma_wait3A_352] : memref<5x!tpu.dma_semaphore, #tpu.memory_space<semaphore_mem>> -> memref<1x!tpu.dma_semaphore, #tpu.memory_space<semaphore_mem>>
      %dma_wait3A_368 = tpu.memref_squeeze %dma_wait3A_367 : memref<1x!tpu.dma_semaphore, #tpu.memory_space<semaphore_mem>> -> memref<!tpu.dma_semaphore, #tpu.memory_space<semaphore_mem>>
      tpu.wait_indirect_dma semaphore(%dma_wait3A_368 : memref<!tpu.dma_semaphore, #tpu.memory_space<semaphore_mem>>) src(%dma_wait3A_366 : memref<10000x16xf32, #tpu.memory_space<hbm>>) dst(%dma_wait3A_356 : memref<128x16xf32, #tpu.memory_space<vmem>>)
      %dma_start3A_369 = arith.constant 4 : i32
      %dma_start3A_370 = arith.constant 4 : i32
      %dma_start3A_371 = arith.constant 0 : i32
      %dma_start3A_372 = arith.constant 0 : i32
      %dma_start3A_373 = tpu.memref_slice %arg8[%dma_start3A_369, %dma_start3A_371, %dma_start3A_372] : memref<5x128x16xf32, #tpu.memory_space<vmem>> -> memref<1x128x16xf32, #tpu.memory_space<vmem>>
      %dma_start3A_374 = tpu.memref_squeeze %dma_start3A_373 : memref<1x128x16xf32, #tpu.memory_space<vmem>> -> memref<128x16xf32, #tpu.memory_space<vmem>>
      %dma_start3A_375 = arith.constant 0 : i32
      %dma_start3A_376 = tpu.memref_slice %arg7[%add3A_350, %dma_start3A_375] : memref<160x128xi32, #tpu.memory_space<vmem>> -> memref<1x128xi32, #tpu.memory_space<vmem>>
      %dma_start3A_377 = tpu.memref_squeeze %dma_start3A_376 : memref<1x128xi32, #tpu.memory_space<vmem>> -> memref<128xi32, #tpu.memory_space<vmem>>
      %dma_start3A_378 = arith.constant 0 : i32
      %dma_start3A_379 = arith.constant 0 : i32
      %dma_start3A_380 = tpu.memref_slice %arg9[%dma_start3A_378, %dma_start3A_379] : memref<10240x16xf32, #tpu.memory_space<vmem_shared>> -> memref<10240x16xf32, #tpu.memory_space<vmem_shared>>
      %dma_start3A_381 = tpu.memref_slice %arg11[%dma_start3A_370] : memref<5x!tpu.dma_semaphore, #tpu.memory_space<semaphore_mem>> -> memref<1x!tpu.dma_semaphore, #tpu.memory_space<semaphore_mem>>
      %dma_start3A_382 = tpu.memref_squeeze %dma_start3A_381 : memref<1x!tpu.dma_semaphore, #tpu.memory_space<semaphore_mem>> -> memref<!tpu.dma_semaphore, #tpu.memory_space<semaphore_mem>>
      tpu.enqueue_indirect_dma source(%dma_start3A_374 : memref<128x16xf32, #tpu.memory_space<vmem>>) target(%dma_start3A_380 : memref<10240x16xf32, #tpu.memory_space<vmem_shared>>) offsets(%dma_start3A_377 : memref<128xi32, #tpu.memory_space<vmem>>) semaphore(%dma_start3A_382 : memref<!tpu.dma_semaphore, #tpu.memory_space<semaphore_mem>>) {add = true}
      %lt3A = arith.constant 15 : i32
      %lt3A_383 = arith.cmpi slt, %scan3A_197, %lt3A : i32
      %convert_element_type3A = arith.extui %lt3A_383 : i1 to i32
      %cond3A = arith.constant 0 : i32
      %cond3A_384 = arith.cmpi ne, %convert_element_type3A, %cond3A : i32
      scf.if %cond3A_384 {
        %mul3A_385 = arith.constant 5 : i32
        %mul3A_386 = arith.muli %scan3A_197, %mul3A_385 : i32
        %add3A_387 = arith.addi %mul3A_3, %mul3A_386 : i32
        %add3A_388 = arith.constant 0 : i32
        %add3A_389 = arith.addi %add3A_387, %add3A_388 : i32
        %dma_wait3A_390 = arith.constant 0 : i32
        %dma_wait3A_391 = arith.constant 0 : i32
        %dma_wait3A_392 = arith.constant 0 : i32
        %dma_wait3A_393 = arith.constant 0 : i32
        %dma_wait3A_394 = tpu.memref_slice %arg8[%dma_wait3A_390, %dma_wait3A_392, %dma_wait3A_393] : memref<5x128x16xf32, #tpu.memory_space<vmem>> -> memref<1x128x16xf32, #tpu.memory_space<vmem>>
        %dma_wait3A_395 = tpu.memref_squeeze %dma_wait3A_394 : memref<1x128x16xf32, #tpu.memory_space<vmem>> -> memref<128x16xf32, #tpu.memory_space<vmem>>
        %dma_wait3A_396 = arith.constant 0 : i32
        %dma_wait3A_397 = tpu.memref_slice %arg7[%add3A_389, %dma_wait3A_396] : memref<160x128xi32, #tpu.memory_space<vmem>> -> memref<1x128xi32, #tpu.memory_space<vmem>>
        %dma_wait3A_398 = tpu.memref_squeeze %dma_wait3A_397 : memref<1x128xi32, #tpu.memory_space<vmem>> -> memref<128xi32, #tpu.memory_space<vmem>>
        %dma_wait3A_399 = arith.constant 0 : i32
        %dma_wait3A_400 = arith.constant 0 : i32
        %dma_wait3A_401 = tpu.memref_slice %arg9[%dma_wait3A_399, %dma_wait3A_400] : memref<10240x16xf32, #tpu.memory_space<vmem_shared>> -> memref<10240x16xf32, #tpu.memory_space<vmem_shared>>
        %dma_wait3A_402 = tpu.memref_slice %arg11[%dma_wait3A_391] : memref<5x!tpu.dma_semaphore, #tpu.memory_space<semaphore_mem>> -> memref<1x!tpu.dma_semaphore, #tpu.memory_space<semaphore_mem>>
        %dma_wait3A_403 = tpu.memref_squeeze %dma_wait3A_402 : memref<1x!tpu.dma_semaphore, #tpu.memory_space<semaphore_mem>> -> memref<!tpu.dma_semaphore, #tpu.memory_space<semaphore_mem>>
        tpu.wait_indirect_dma semaphore(%dma_wait3A_403 : memref<!tpu.dma_semaphore, #tpu.memory_space<semaphore_mem>>) src(%dma_wait3A_395 : memref<128x16xf32, #tpu.memory_space<vmem>>) dst(%dma_wait3A_401 : memref<10240x16xf32, #tpu.memory_space<vmem_shared>>)
        %add3A_404 = arith.constant 5 : i32
        %add3A_405 = arith.addi %add3A_389, %add3A_404 : i32
        %dma_start3A_406 = arith.constant 0 : i32
        %dma_start3A_407 = arith.constant 0 : i32
        %dma_start3A_408 = arith.constant 0 : i32
        %dma_start3A_409 = arith.constant 0 : i32
        %dma_start3A_410 = tpu.memref_slice %arg8[%dma_start3A_406, %dma_start3A_408, %dma_start3A_409] : memref<5x128x16xf32, #tpu.memory_space<vmem>> -> memref<1x128x16xf32, #tpu.memory_space<vmem>>
        %dma_start3A_411 = tpu.memref_squeeze %dma_start3A_410 : memref<1x128x16xf32, #tpu.memory_space<vmem>> -> memref<128x16xf32, #tpu.memory_space<vmem>>
        %dma_start3A_412 = arith.constant 0 : i32
        %dma_start3A_413 = tpu.memref_slice %arg6[%add3A_405, %dma_start3A_412] : memref<160x128xi32, #tpu.memory_space<vmem>> -> memref<1x128xi32, #tpu.memory_space<vmem>>
        %dma_start3A_414 = tpu.memref_squeeze %dma_start3A_413 : memref<1x128xi32, #tpu.memory_space<vmem>> -> memref<128xi32, #tpu.memory_space<vmem>>
        %dma_start3A_415 = arith.constant 0 : i32
        %dma_start3A_416 = arith.constant 0 : i32
        %dma_start3A_417 = tpu.memref_slice %arg2[%arg0, %dma_start3A_415, %dma_start3A_416] : memref<2x10000x16xf32, #tpu.memory_space<hbm>> -> memref<1x10000x16xf32, #tpu.memory_space<hbm>>
        %dma_start3A_418 = tpu.memref_squeeze %dma_start3A_417 : memref<1x10000x16xf32, #tpu.memory_space<hbm>> -> memref<10000x16xf32, #tpu.memory_space<hbm>>
        %dma_start3A_419 = arith.constant 0 : i32
        %dma_start3A_420 = arith.constant 0 : i32
        %dma_start3A_421 = tpu.memref_slice %dma_start3A_418[%dma_start3A_419, %dma_start3A_420] : memref<10000x16xf32, #tpu.memory_space<hbm>> -> memref<10000x16xf32, #tpu.memory_space<hbm>>
        %dma_start3A_422 = tpu.memref_slice %arg10[%dma_start3A_407] : memref<5x!tpu.dma_semaphore, #tpu.memory_space<semaphore_mem>> -> memref<1x!tpu.dma_semaphore, #tpu.memory_space<semaphore_mem>>
        %dma_start3A_423 = tpu.memref_squeeze %dma_start3A_422 : memref<1x!tpu.dma_semaphore, #tpu.memory_space<semaphore_mem>> -> memref<!tpu.dma_semaphore, #tpu.memory_space<semaphore_mem>>
        tpu.enqueue_indirect_dma source(%dma_start3A_421 : memref<10000x16xf32, #tpu.memory_space<hbm>>) target(%dma_start3A_411 : memref<128x16xf32, #tpu.memory_space<vmem>>) offsets(%dma_start3A_414 : memref<128xi32, #tpu.memory_space<vmem>>) semaphore(%dma_start3A_423 : memref<!tpu.dma_semaphore, #tpu.memory_space<semaphore_mem>>)
        %mul3A_424 = arith.constant 5 : i32
        %mul3A_425 = arith.muli %scan3A_197, %mul3A_424 : i32
        %add3A_426 = arith.addi %mul3A_3, %mul3A_425 : i32
        %add3A_427 = arith.constant 1 : i32
        %add3A_428 = arith.addi %add3A_426, %add3A_427 : i32
        %dma_wait3A_429 = arith.constant 1 : i32
        %dma_wait3A_430 = arith.constant 1 : i32
        %dma_wait3A_431 = arith.constant 0 : i32
        %dma_wait3A_432 = arith.constant 0 : i32
        %dma_wait3A_433 = tpu.memref_slice %arg8[%dma_wait3A_429, %dma_wait3A_431, %dma_wait3A_432] : memref<5x128x16xf32, #tpu.memory_space<vmem>> -> memref<1x128x16xf32, #tpu.memory_space<vmem>>
        %dma_wait3A_434 = tpu.memref_squeeze %dma_wait3A_433 : memref<1x128x16xf32, #tpu.memory_space<vmem>> -> memref<128x16xf32, #tpu.memory_space<vmem>>
        %dma_wait3A_435 = arith.constant 0 : i32
        %dma_wait3A_436 = tpu.memref_slice %arg7[%add3A_428, %dma_wait3A_435] : memref<160x128xi32, #tpu.memory_space<vmem>> -> memref<1x128xi32, #tpu.memory_space<vmem>>
        %dma_wait3A_437 = tpu.memref_squeeze %dma_wait3A_436 : memref<1x128xi32, #tpu.memory_space<vmem>> -> memref<128xi32, #tpu.memory_space<vmem>>
        %dma_wait3A_438 = arith.constant 0 : i32
        %dma_wait3A_439 = arith.constant 0 : i32
        %dma_wait3A_440 = tpu.memref_slice %arg9[%dma_wait3A_438, %dma_wait3A_439] : memref<10240x16xf32, #tpu.memory_space<vmem_shared>> -> memref<10240x16xf32, #tpu.memory_space<vmem_shared>>
        %dma_wait3A_441 = tpu.memref_slice %arg11[%dma_wait3A_430] : memref<5x!tpu.dma_semaphore, #tpu.memory_space<semaphore_mem>> -> memref<1x!tpu.dma_semaphore, #tpu.memory_space<semaphore_mem>>
        %dma_wait3A_442 = tpu.memref_squeeze %dma_wait3A_441 : memref<1x!tpu.dma_semaphore, #tpu.memory_space<semaphore_mem>> -> memref<!tpu.dma_semaphore, #tpu.memory_space<semaphore_mem>>
        tpu.wait_indirect_dma semaphore(%dma_wait3A_442 : memref<!tpu.dma_semaphore, #tpu.memory_space<semaphore_mem>>) src(%dma_wait3A_434 : memref<128x16xf32, #tpu.memory_space<vmem>>) dst(%dma_wait3A_440 : memref<10240x16xf32, #tpu.memory_space<vmem_shared>>)
        %add3A_443 = arith.constant 5 : i32
        %add3A_444 = arith.addi %add3A_428, %add3A_443 : i32
        %dma_start3A_445 = arith.constant 1 : i32
        %dma_start3A_446 = arith.constant 1 : i32
        %dma_start3A_447 = arith.constant 0 : i32
        %dma_start3A_448 = arith.constant 0 : i32
        %dma_start3A_449 = tpu.memref_slice %arg8[%dma_start3A_445, %dma_start3A_447, %dma_start3A_448] : memref<5x128x16xf32, #tpu.memory_space<vmem>> -> memref<1x128x16xf32, #tpu.memory_space<vmem>>
        %dma_start3A_450 = tpu.memref_squeeze %dma_start3A_449 : memref<1x128x16xf32, #tpu.memory_space<vmem>> -> memref<128x16xf32, #tpu.memory_space<vmem>>
        %dma_start3A_451 = arith.constant 0 : i32
        %dma_start3A_452 = tpu.memref_slice %arg6[%add3A_444, %dma_start3A_451] : memref<160x128xi32, #tpu.memory_space<vmem>> -> memref<1x128xi32, #tpu.memory_space<vmem>>
        %dma_start3A_453 = tpu.memref_squeeze %dma_start3A_452 : memref<1x128xi32, #tpu.memory_space<vmem>> -> memref<128xi32, #tpu.memory_space<vmem>>
        %dma_start3A_454 = arith.constant 0 : i32
        %dma_start3A_455 = arith.constant 0 : i32
        %dma_start3A_456 = tpu.memref_slice %arg2[%arg0, %dma_start3A_454, %dma_start3A_455] : memref<2x10000x16xf32, #tpu.memory_space<hbm>> -> memref<1x10000x16xf32, #tpu.memory_space<hbm>>
        %dma_start3A_457 = tpu.memref_squeeze %dma_start3A_456 : memref<1x10000x16xf32, #tpu.memory_space<hbm>> -> memref<10000x16xf32, #tpu.memory_space<hbm>>
        %dma_start3A_458 = arith.constant 0 : i32
        %dma_start3A_459 = arith.constant 0 : i32
        %dma_start3A_460 = tpu.memref_slice %dma_start3A_457[%dma_start3A_458, %dma_start3A_459] : memref<10000x16xf32, #tpu.memory_space<hbm>> -> memref<10000x16xf32, #tpu.memory_space<hbm>>
        %dma_start3A_461 = tpu.memref_slice %arg10[%dma_start3A_446] : memref<5x!tpu.dma_semaphore, #tpu.memory_space<semaphore_mem>> -> memref<1x!tpu.dma_semaphore, #tpu.memory_space<semaphore_mem>>
        %dma_start3A_462 = tpu.memref_squeeze %dma_start3A_461 : memref<1x!tpu.dma_semaphore, #tpu.memory_space<semaphore_mem>> -> memref<!tpu.dma_semaphore, #tpu.memory_space<semaphore_mem>>
        tpu.enqueue_indirect_dma source(%dma_start3A_460 : memref<10000x16xf32, #tpu.memory_space<hbm>>) target(%dma_start3A_450 : memref<128x16xf32, #tpu.memory_space<vmem>>) offsets(%dma_start3A_453 : memref<128xi32, #tpu.memory_space<vmem>>) semaphore(%dma_start3A_462 : memref<!tpu.dma_semaphore, #tpu.memory_space<semaphore_mem>>)
        %mul3A_463 = arith.constant 5 : i32
        %mul3A_464 = arith.muli %scan3A_197, %mul3A_463 : i32
        %add3A_465 = arith.addi %mul3A_3, %mul3A_464 : i32
        %add3A_466 = arith.constant 2 : i32
        %add3A_467 = arith.addi %add3A_465, %add3A_466 : i32
        %dma_wait3A_468 = arith.constant 2 : i32
        %dma_wait3A_469 = arith.constant 2 : i32
        %dma_wait3A_470 = arith.constant 0 : i32
        %dma_wait3A_471 = arith.constant 0 : i32
        %dma_wait3A_472 = tpu.memref_slice %arg8[%dma_wait3A_468, %dma_wait3A_470, %dma_wait3A_471] : memref<5x128x16xf32, #tpu.memory_space<vmem>> -> memref<1x128x16xf32, #tpu.memory_space<vmem>>
        %dma_wait3A_473 = tpu.memref_squeeze %dma_wait3A_472 : memref<1x128x16xf32, #tpu.memory_space<vmem>> -> memref<128x16xf32, #tpu.memory_space<vmem>>
        %dma_wait3A_474 = arith.constant 0 : i32
        %dma_wait3A_475 = tpu.memref_slice %arg7[%add3A_467, %dma_wait3A_474] : memref<160x128xi32, #tpu.memory_space<vmem>> -> memref<1x128xi32, #tpu.memory_space<vmem>>
        %dma_wait3A_476 = tpu.memref_squeeze %dma_wait3A_475 : memref<1x128xi32, #tpu.memory_space<vmem>> -> memref<128xi32, #tpu.memory_space<vmem>>
        %dma_wait3A_477 = arith.constant 0 : i32
        %dma_wait3A_478 = arith.constant 0 : i32
        %dma_wait3A_479 = tpu.memref_slice %arg9[%dma_wait3A_477, %dma_wait3A_478] : memref<10240x16xf32, #tpu.memory_space<vmem_shared>> -> memref<10240x16xf32, #tpu.memory_space<vmem_shared>>
        %dma_wait3A_480 = tpu.memref_slice %arg11[%dma_wait3A_469] : memref<5x!tpu.dma_semaphore, #tpu.memory_space<semaphore_mem>> -> memref<1x!tpu.dma_semaphore, #tpu.memory_space<semaphore_mem>>
        %dma_wait3A_481 = tpu.memref_squeeze %dma_wait3A_480 : memref<1x!tpu.dma_semaphore, #tpu.memory_space<semaphore_mem>> -> memref<!tpu.dma_semaphore, #tpu.memory_space<semaphore_mem>>
        tpu.wait_indirect_dma semaphore(%dma_wait3A_481 : memref<!tpu.dma_semaphore, #tpu.memory_space<semaphore_mem>>) src(%dma_wait3A_473 : memref<128x16xf32, #tpu.memory_space<vmem>>) dst(%dma_wait3A_479 : memref<10240x16xf32, #tpu.memory_space<vmem_shared>>)
        %add3A_482 = arith.constant 5 : i32
        %add3A_483 = arith.addi %add3A_467, %add3A_482 : i32
        %dma_start3A_484 = arith.constant 2 : i32
        %dma_start3A_485 = arith.constant 2 : i32
        %dma_start3A_486 = arith.constant 0 : i32
        %dma_start3A_487 = arith.constant 0 : i32
        %dma_start3A_488 = tpu.memref_slice %arg8[%dma_start3A_484, %dma_start3A_486, %dma_start3A_487] : memref<5x128x16xf32, #tpu.memory_space<vmem>> -> memref<1x128x16xf32, #tpu.memory_space<vmem>>
        %dma_start3A_489 = tpu.memref_squeeze %dma_start3A_488 : memref<1x128x16xf32, #tpu.memory_space<vmem>> -> memref<128x16xf32, #tpu.memory_space<vmem>>
        %dma_start3A_490 = arith.constant 0 : i32
        %dma_start3A_491 = tpu.memref_slice %arg6[%add3A_483, %dma_start3A_490] : memref<160x128xi32, #tpu.memory_space<vmem>> -> memref<1x128xi32, #tpu.memory_space<vmem>>
        %dma_start3A_492 = tpu.memref_squeeze %dma_start3A_491 : memref<1x128xi32, #tpu.memory_space<vmem>> -> memref<128xi32, #tpu.memory_space<vmem>>
        %dma_start3A_493 = arith.constant 0 : i32
        %dma_start3A_494 = arith.constant 0 : i32
        %dma_start3A_495 = tpu.memref_slice %arg2[%arg0, %dma_start3A_493, %dma_start3A_494] : memref<2x10000x16xf32, #tpu.memory_space<hbm>> -> memref<1x10000x16xf32, #tpu.memory_space<hbm>>
        %dma_start3A_496 = tpu.memref_squeeze %dma_start3A_495 : memref<1x10000x16xf32, #tpu.memory_space<hbm>> -> memref<10000x16xf32, #tpu.memory_space<hbm>>
        %dma_start3A_497 = arith.constant 0 : i32
        %dma_start3A_498 = arith.constant 0 : i32
        %dma_start3A_499 = tpu.memref_slice %dma_start3A_496[%dma_start3A_497, %dma_start3A_498] : memref<10000x16xf32, #tpu.memory_space<hbm>> -> memref<10000x16xf32, #tpu.memory_space<hbm>>
        %dma_start3A_500 = tpu.memref_slice %arg10[%dma_start3A_485] : memref<5x!tpu.dma_semaphore, #tpu.memory_space<semaphore_mem>> -> memref<1x!tpu.dma_semaphore, #tpu.memory_space<semaphore_mem>>
        %dma_start3A_501 = tpu.memref_squeeze %dma_start3A_500 : memref<1x!tpu.dma_semaphore, #tpu.memory_space<semaphore_mem>> -> memref<!tpu.dma_semaphore, #tpu.memory_space<semaphore_mem>>
        tpu.enqueue_indirect_dma source(%dma_start3A_499 : memref<10000x16xf32, #tpu.memory_space<hbm>>) target(%dma_start3A_489 : memref<128x16xf32, #tpu.memory_space<vmem>>) offsets(%dma_start3A_492 : memref<128xi32, #tpu.memory_space<vmem>>) semaphore(%dma_start3A_501 : memref<!tpu.dma_semaphore, #tpu.memory_space<semaphore_mem>>)
        %mul3A_502 = arith.constant 5 : i32
        %mul3A_503 = arith.muli %scan3A_197, %mul3A_502 : i32
        %add3A_504 = arith.addi %mul3A_3, %mul3A_503 : i32
        %add3A_505 = arith.constant 3 : i32
        %add3A_506 = arith.addi %add3A_504, %add3A_505 : i32
        %dma_wait3A_507 = arith.constant 3 : i32
        %dma_wait3A_508 = arith.constant 3 : i32
        %dma_wait3A_509 = arith.constant 0 : i32
        %dma_wait3A_510 = arith.constant 0 : i32
        %dma_wait3A_511 = tpu.memref_slice %arg8[%dma_wait3A_507, %dma_wait3A_509, %dma_wait3A_510] : memref<5x128x16xf32, #tpu.memory_space<vmem>> -> memref<1x128x16xf32, #tpu.memory_space<vmem>>
        %dma_wait3A_512 = tpu.memref_squeeze %dma_wait3A_511 : memref<1x128x16xf32, #tpu.memory_space<vmem>> -> memref<128x16xf32, #tpu.memory_space<vmem>>
        %dma_wait3A_513 = arith.constant 0 : i32
        %dma_wait3A_514 = tpu.memref_slice %arg7[%add3A_506, %dma_wait3A_513] : memref<160x128xi32, #tpu.memory_space<vmem>> -> memref<1x128xi32, #tpu.memory_space<vmem>>
        %dma_wait3A_515 = tpu.memref_squeeze %dma_wait3A_514 : memref<1x128xi32, #tpu.memory_space<vmem>> -> memref<128xi32, #tpu.memory_space<vmem>>
        %dma_wait3A_516 = arith.constant 0 : i32
        %dma_wait3A_517 = arith.constant 0 : i32
        %dma_wait3A_518 = tpu.memref_slice %arg9[%dma_wait3A_516, %dma_wait3A_517] : memref<10240x16xf32, #tpu.memory_space<vmem_shared>> -> memref<10240x16xf32, #tpu.memory_space<vmem_shared>>
        %dma_wait3A_519 = tpu.memref_slice %arg11[%dma_wait3A_508] : memref<5x!tpu.dma_semaphore, #tpu.memory_space<semaphore_mem>> -> memref<1x!tpu.dma_semaphore, #tpu.memory_space<semaphore_mem>>
        %dma_wait3A_520 = tpu.memref_squeeze %dma_wait3A_519 : memref<1x!tpu.dma_semaphore, #tpu.memory_space<semaphore_mem>> -> memref<!tpu.dma_semaphore, #tpu.memory_space<semaphore_mem>>
        tpu.wait_indirect_dma semaphore(%dma_wait3A_520 : memref<!tpu.dma_semaphore, #tpu.memory_space<semaphore_mem>>) src(%dma_wait3A_512 : memref<128x16xf32, #tpu.memory_space<vmem>>) dst(%dma_wait3A_518 : memref<10240x16xf32, #tpu.memory_space<vmem_shared>>)
        %add3A_521 = arith.constant 5 : i32
        %add3A_522 = arith.addi %add3A_506, %add3A_521 : i32
        %dma_start3A_523 = arith.constant 3 : i32
        %dma_start3A_524 = arith.constant 3 : i32
        %dma_start3A_525 = arith.constant 0 : i32
        %dma_start3A_526 = arith.constant 0 : i32
        %dma_start3A_527 = tpu.memref_slice %arg8[%dma_start3A_523, %dma_start3A_525, %dma_start3A_526] : memref<5x128x16xf32, #tpu.memory_space<vmem>> -> memref<1x128x16xf32, #tpu.memory_space<vmem>>
        %dma_start3A_528 = tpu.memref_squeeze %dma_start3A_527 : memref<1x128x16xf32, #tpu.memory_space<vmem>> -> memref<128x16xf32, #tpu.memory_space<vmem>>
        %dma_start3A_529 = arith.constant 0 : i32
        %dma_start3A_530 = tpu.memref_slice %arg6[%add3A_522, %dma_start3A_529] : memref<160x128xi32, #tpu.memory_space<vmem>> -> memref<1x128xi32, #tpu.memory_space<vmem>>
        %dma_start3A_531 = tpu.memref_squeeze %dma_start3A_530 : memref<1x128xi32, #tpu.memory_space<vmem>> -> memref<128xi32, #tpu.memory_space<vmem>>
        %dma_start3A_532 = arith.constant 0 : i32
        %dma_start3A_533 = arith.constant 0 : i32
        %dma_start3A_534 = tpu.memref_slice %arg2[%arg0, %dma_start3A_532, %dma_start3A_533] : memref<2x10000x16xf32, #tpu.memory_space<hbm>> -> memref<1x10000x16xf32, #tpu.memory_space<hbm>>
        %dma_start3A_535 = tpu.memref_squeeze %dma_start3A_534 : memref<1x10000x16xf32, #tpu.memory_space<hbm>> -> memref<10000x16xf32, #tpu.memory_space<hbm>>
        %dma_start3A_536 = arith.constant 0 : i32
        %dma_start3A_537 = arith.constant 0 : i32
        %dma_start3A_538 = tpu.memref_slice %dma_start3A_535[%dma_start3A_536, %dma_start3A_537] : memref<10000x16xf32, #tpu.memory_space<hbm>> -> memref<10000x16xf32, #tpu.memory_space<hbm>>
        %dma_start3A_539 = tpu.memref_slice %arg10[%dma_start3A_524] : memref<5x!tpu.dma_semaphore, #tpu.memory_space<semaphore_mem>> -> memref<1x!tpu.dma_semaphore, #tpu.memory_space<semaphore_mem>>
        %dma_start3A_540 = tpu.memref_squeeze %dma_start3A_539 : memref<1x!tpu.dma_semaphore, #tpu.memory_space<semaphore_mem>> -> memref<!tpu.dma_semaphore, #tpu.memory_space<semaphore_mem>>
        tpu.enqueue_indirect_dma source(%dma_start3A_538 : memref<10000x16xf32, #tpu.memory_space<hbm>>) target(%dma_start3A_528 : memref<128x16xf32, #tpu.memory_space<vmem>>) offsets(%dma_start3A_531 : memref<128xi32, #tpu.memory_space<vmem>>) semaphore(%dma_start3A_540 : memref<!tpu.dma_semaphore, #tpu.memory_space<semaphore_mem>>)
        %mul3A_541 = arith.constant 5 : i32
        %mul3A_542 = arith.muli %scan3A_197, %mul3A_541 : i32
        %add3A_543 = arith.addi %mul3A_3, %mul3A_542 : i32
        %add3A_544 = arith.constant 4 : i32
        %add3A_545 = arith.addi %add3A_543, %add3A_544 : i32
        %dma_wait3A_546 = arith.constant 4 : i32
        %dma_wait3A_547 = arith.constant 4 : i32
        %dma_wait3A_548 = arith.constant 0 : i32
        %dma_wait3A_549 = arith.constant 0 : i32
        %dma_wait3A_550 = tpu.memref_slice %arg8[%dma_wait3A_546, %dma_wait3A_548, %dma_wait3A_549] : memref<5x128x16xf32, #tpu.memory_space<vmem>> -> memref<1x128x16xf32, #tpu.memory_space<vmem>>
        %dma_wait3A_551 = tpu.memref_squeeze %dma_wait3A_550 : memref<1x128x16xf32, #tpu.memory_space<vmem>> -> memref<128x16xf32, #tpu.memory_space<vmem>>
        %dma_wait3A_552 = arith.constant 0 : i32
        %dma_wait3A_553 = tpu.memref_slice %arg7[%add3A_545, %dma_wait3A_552] : memref<160x128xi32, #tpu.memory_space<vmem>> -> memref<1x128xi32, #tpu.memory_space<vmem>>
        %dma_wait3A_554 = tpu.memref_squeeze %dma_wait3A_553 : memref<1x128xi32, #tpu.memory_space<vmem>> -> memref<128xi32, #tpu.memory_space<vmem>>
        %dma_wait3A_555 = arith.constant 0 : i32
        %dma_wait3A_556 = arith.constant 0 : i32
        %dma_wait3A_557 = tpu.memref_slice %arg9[%dma_wait3A_555, %dma_wait3A_556] : memref<10240x16xf32, #tpu.memory_space<vmem_shared>> -> memref<10240x16xf32, #tpu.memory_space<vmem_shared>>
        %dma_wait3A_558 = tpu.memref_slice %arg11[%dma_wait3A_547] : memref<5x!tpu.dma_semaphore, #tpu.memory_space<semaphore_mem>> -> memref<1x!tpu.dma_semaphore, #tpu.memory_space<semaphore_mem>>
        %dma_wait3A_559 = tpu.memref_squeeze %dma_wait3A_558 : memref<1x!tpu.dma_semaphore, #tpu.memory_space<semaphore_mem>> -> memref<!tpu.dma_semaphore, #tpu.memory_space<semaphore_mem>>
        tpu.wait_indirect_dma semaphore(%dma_wait3A_559 : memref<!tpu.dma_semaphore, #tpu.memory_space<semaphore_mem>>) src(%dma_wait3A_551 : memref<128x16xf32, #tpu.memory_space<vmem>>) dst(%dma_wait3A_557 : memref<10240x16xf32, #tpu.memory_space<vmem_shared>>)
        %add3A_560 = arith.constant 5 : i32
        %add3A_561 = arith.addi %add3A_545, %add3A_560 : i32
        %dma_start3A_562 = arith.constant 4 : i32
        %dma_start3A_563 = arith.constant 4 : i32
        %dma_start3A_564 = arith.constant 0 : i32
        %dma_start3A_565 = arith.constant 0 : i32
        %dma_start3A_566 = tpu.memref_slice %arg8[%dma_start3A_562, %dma_start3A_564, %dma_start3A_565] : memref<5x128x16xf32, #tpu.memory_space<vmem>> -> memref<1x128x16xf32, #tpu.memory_space<vmem>>
        %dma_start3A_567 = tpu.memref_squeeze %dma_start3A_566 : memref<1x128x16xf32, #tpu.memory_space<vmem>> -> memref<128x16xf32, #tpu.memory_space<vmem>>
        %dma_start3A_568 = arith.constant 0 : i32
        %dma_start3A_569 = tpu.memref_slice %arg6[%add3A_561, %dma_start3A_568] : memref<160x128xi32, #tpu.memory_space<vmem>> -> memref<1x128xi32, #tpu.memory_space<vmem>>
        %dma_start3A_570 = tpu.memref_squeeze %dma_start3A_569 : memref<1x128xi32, #tpu.memory_space<vmem>> -> memref<128xi32, #tpu.memory_space<vmem>>
        %dma_start3A_571 = arith.constant 0 : i32
        %dma_start3A_572 = arith.constant 0 : i32
        %dma_start3A_573 = tpu.memref_slice %arg2[%arg0, %dma_start3A_571, %dma_start3A_572] : memref<2x10000x16xf32, #tpu.memory_space<hbm>> -> memref<1x10000x16xf32, #tpu.memory_space<hbm>>
        %dma_start3A_574 = tpu.memref_squeeze %dma_start3A_573 : memref<1x10000x16xf32, #tpu.memory_space<hbm>> -> memref<10000x16xf32, #tpu.memory_space<hbm>>
        %dma_start3A_575 = arith.constant 0 : i32
        %dma_start3A_576 = arith.constant 0 : i32
        %dma_start3A_577 = tpu.memref_slice %dma_start3A_574[%dma_start3A_575, %dma_start3A_576] : memref<10000x16xf32, #tpu.memory_space<hbm>> -> memref<10000x16xf32, #tpu.memory_space<hbm>>
        %dma_start3A_578 = tpu.memref_slice %arg10[%dma_start3A_563] : memref<5x!tpu.dma_semaphore, #tpu.memory_space<semaphore_mem>> -> memref<1x!tpu.dma_semaphore, #tpu.memory_space<semaphore_mem>>
        %dma_start3A_579 = tpu.memref_squeeze %dma_start3A_578 : memref<1x!tpu.dma_semaphore, #tpu.memory_space<semaphore_mem>> -> memref<!tpu.dma_semaphore, #tpu.memory_space<semaphore_mem>>
        tpu.enqueue_indirect_dma source(%dma_start3A_577 : memref<10000x16xf32, #tpu.memory_space<hbm>>) target(%dma_start3A_567 : memref<128x16xf32, #tpu.memory_space<vmem>>) offsets(%dma_start3A_570 : memref<128xi32, #tpu.memory_space<vmem>>) semaphore(%dma_start3A_579 : memref<!tpu.dma_semaphore, #tpu.memory_space<semaphore_mem>>)
      } else {
      }
    }
    %scan3A_106 = arith.constant 16 : i32
    %add3A_107 = arith.constant 75 : i32
    %add3A_108 = arith.addi %mul3A_3, %add3A_107 : i32
    %add3A_109 = arith.constant 0 : i32
    %add3A_110 = arith.addi %add3A_108, %add3A_109 : i32
    %dma_wait3A = arith.constant 0 : i32
    %dma_wait3A_111 = arith.constant 0 : i32
    %dma_wait3A_112 = arith.constant 0 : i32
    %dma_wait3A_113 = arith.constant 0 : i32
    %dma_wait3A_114 = tpu.memref_slice %arg8[%dma_wait3A, %dma_wait3A_112, %dma_wait3A_113] : memref<5x128x16xf32, #tpu.memory_space<vmem>> -> memref<1x128x16xf32, #tpu.memory_space<vmem>>
    %dma_wait3A_115 = tpu.memref_squeeze %dma_wait3A_114 : memref<1x128x16xf32, #tpu.memory_space<vmem>> -> memref<128x16xf32, #tpu.memory_space<vmem>>
    %dma_wait3A_116 = arith.constant 0 : i32
    %dma_wait3A_117 = tpu.memref_slice %arg7[%add3A_110, %dma_wait3A_116] : memref<160x128xi32, #tpu.memory_space<vmem>> -> memref<1x128xi32, #tpu.memory_space<vmem>>
    %dma_wait3A_118 = tpu.memref_squeeze %dma_wait3A_117 : memref<1x128xi32, #tpu.memory_space<vmem>> -> memref<128xi32, #tpu.memory_space<vmem>>
    %dma_wait3A_119 = arith.constant 0 : i32
    %dma_wait3A_120 = arith.constant 0 : i32
    %dma_wait3A_121 = tpu.memref_slice %arg9[%dma_wait3A_119, %dma_wait3A_120] : memref<10240x16xf32, #tpu.memory_space<vmem_shared>> -> memref<10240x16xf32, #tpu.memory_space<vmem_shared>>
    %dma_wait3A_122 = tpu.memref_slice %arg11[%dma_wait3A_111] : memref<5x!tpu.dma_semaphore, #tpu.memory_space<semaphore_mem>> -> memref<1x!tpu.dma_semaphore, #tpu.memory_space<semaphore_mem>>
    %dma_wait3A_123 = tpu.memref_squeeze %dma_wait3A_122 : memref<1x!tpu.dma_semaphore, #tpu.memory_space<semaphore_mem>> -> memref<!tpu.dma_semaphore, #tpu.memory_space<semaphore_mem>>
    tpu.wait_indirect_dma semaphore(%dma_wait3A_123 : memref<!tpu.dma_semaphore, #tpu.memory_space<semaphore_mem>>) src(%dma_wait3A_115 : memref<128x16xf32, #tpu.memory_space<vmem>>) dst(%dma_wait3A_121 : memref<10240x16xf32, #tpu.memory_space<vmem_shared>>)
    %add3A_124 = arith.constant 75 : i32
    %add3A_125 = arith.addi %mul3A_3, %add3A_124 : i32
    %add3A_126 = arith.constant 1 : i32
    %add3A_127 = arith.addi %add3A_125, %add3A_126 : i32
    %dma_wait3A_128 = arith.constant 1 : i32
    %dma_wait3A_129 = arith.constant 1 : i32
    %dma_wait3A_130 = arith.constant 0 : i32
    %dma_wait3A_131 = arith.constant 0 : i32
    %dma_wait3A_132 = tpu.memref_slice %arg8[%dma_wait3A_128, %dma_wait3A_130, %dma_wait3A_131] : memref<5x128x16xf32, #tpu.memory_space<vmem>> -> memref<1x128x16xf32, #tpu.memory_space<vmem>>
    %dma_wait3A_133 = tpu.memref_squeeze %dma_wait3A_132 : memref<1x128x16xf32, #tpu.memory_space<vmem>> -> memref<128x16xf32, #tpu.memory_space<vmem>>
    %dma_wait3A_134 = arith.constant 0 : i32
    %dma_wait3A_135 = tpu.memref_slice %arg7[%add3A_127, %dma_wait3A_134] : memref<160x128xi32, #tpu.memory_space<vmem>> -> memref<1x128xi32, #tpu.memory_space<vmem>>
    %dma_wait3A_136 = tpu.memref_squeeze %dma_wait3A_135 : memref<1x128xi32, #tpu.memory_space<vmem>> -> memref<128xi32, #tpu.memory_space<vmem>>
    %dma_wait3A_137 = arith.constant 0 : i32
    %dma_wait3A_138 = arith.constant 0 : i32
    %dma_wait3A_139 = tpu.memref_slice %arg9[%dma_wait3A_137, %dma_wait3A_138] : memref<10240x16xf32, #tpu.memory_space<vmem_shared>> -> memref<10240x16xf32, #tpu.memory_space<vmem_shared>>
    %dma_wait3A_140 = tpu.memref_slice %arg11[%dma_wait3A_129] : memref<5x!tpu.dma_semaphore, #tpu.memory_space<semaphore_mem>> -> memref<1x!tpu.dma_semaphore, #tpu.memory_space<semaphore_mem>>
    %dma_wait3A_141 = tpu.memref_squeeze %dma_wait3A_140 : memref<1x!tpu.dma_semaphore, #tpu.memory_space<semaphore_mem>> -> memref<!tpu.dma_semaphore, #tpu.memory_space<semaphore_mem>>
    tpu.wait_indirect_dma semaphore(%dma_wait3A_141 : memref<!tpu.dma_semaphore, #tpu.memory_space<semaphore_mem>>) src(%dma_wait3A_133 : memref<128x16xf32, #tpu.memory_space<vmem>>) dst(%dma_wait3A_139 : memref<10240x16xf32, #tpu.memory_space<vmem_shared>>)
    %add3A_142 = arith.constant 75 : i32
    %add3A_143 = arith.addi %mul3A_3, %add3A_142 : i32
    %add3A_144 = arith.constant 2 : i32
    %add3A_145 = arith.addi %add3A_143, %add3A_144 : i32
    %dma_wait3A_146 = arith.constant 2 : i32
    %dma_wait3A_147 = arith.constant 2 : i32
    %dma_wait3A_148 = arith.constant 0 : i32
    %dma_wait3A_149 = arith.constant 0 : i32
    %dma_wait3A_150 = tpu.memref_slice %arg8[%dma_wait3A_146, %dma_wait3A_148, %dma_wait3A_149] : memref<5x128x16xf32, #tpu.memory_space<vmem>> -> memref<1x128x16xf32, #tpu.memory_space<vmem>>
    %dma_wait3A_151 = tpu.memref_squeeze %dma_wait3A_150 : memref<1x128x16xf32, #tpu.memory_space<vmem>> -> memref<128x16xf32, #tpu.memory_space<vmem>>
    %dma_wait3A_152 = arith.constant 0 : i32
    %dma_wait3A_153 = tpu.memref_slice %arg7[%add3A_145, %dma_wait3A_152] : memref<160x128xi32, #tpu.memory_space<vmem>> -> memref<1x128xi32, #tpu.memory_space<vmem>>
    %dma_wait3A_154 = tpu.memref_squeeze %dma_wait3A_153 : memref<1x128xi32, #tpu.memory_space<vmem>> -> memref<128xi32, #tpu.memory_space<vmem>>
    %dma_wait3A_155 = arith.constant 0 : i32
    %dma_wait3A_156 = arith.constant 0 : i32
    %dma_wait3A_157 = tpu.memref_slice %arg9[%dma_wait3A_155, %dma_wait3A_156] : memref<10240x16xf32, #tpu.memory_space<vmem_shared>> -> memref<10240x16xf32, #tpu.memory_space<vmem_shared>>
    %dma_wait3A_158 = tpu.memref_slice %arg11[%dma_wait3A_147] : memref<5x!tpu.dma_semaphore, #tpu.memory_space<semaphore_mem>> -> memref<1x!tpu.dma_semaphore, #tpu.memory_space<semaphore_mem>>
    %dma_wait3A_159 = tpu.memref_squeeze %dma_wait3A_158 : memref<1x!tpu.dma_semaphore, #tpu.memory_space<semaphore_mem>> -> memref<!tpu.dma_semaphore, #tpu.memory_space<semaphore_mem>>
    tpu.wait_indirect_dma semaphore(%dma_wait3A_159 : memref<!tpu.dma_semaphore, #tpu.memory_space<semaphore_mem>>) src(%dma_wait3A_151 : memref<128x16xf32, #tpu.memory_space<vmem>>) dst(%dma_wait3A_157 : memref<10240x16xf32, #tpu.memory_space<vmem_shared>>)
    %add3A_160 = arith.constant 75 : i32
    %add3A_161 = arith.addi %mul3A_3, %add3A_160 : i32
    %add3A_162 = arith.constant 3 : i32
    %add3A_163 = arith.addi %add3A_161, %add3A_162 : i32
    %dma_wait3A_164 = arith.constant 3 : i32
    %dma_wait3A_165 = arith.constant 3 : i32
    %dma_wait3A_166 = arith.constant 0 : i32
    %dma_wait3A_167 = arith.constant 0 : i32
    %dma_wait3A_168 = tpu.memref_slice %arg8[%dma_wait3A_164, %dma_wait3A_166, %dma_wait3A_167] : memref<5x128x16xf32, #tpu.memory_space<vmem>> -> memref<1x128x16xf32, #tpu.memory_space<vmem>>
    %dma_wait3A_169 = tpu.memref_squeeze %dma_wait3A_168 : memref<1x128x16xf32, #tpu.memory_space<vmem>> -> memref<128x16xf32, #tpu.memory_space<vmem>>
    %dma_wait3A_170 = arith.constant 0 : i32
    %dma_wait3A_171 = tpu.memref_slice %arg7[%add3A_163, %dma_wait3A_170] : memref<160x128xi32, #tpu.memory_space<vmem>> -> memref<1x128xi32, #tpu.memory_space<vmem>>
    %dma_wait3A_172 = tpu.memref_squeeze %dma_wait3A_171 : memref<1x128xi32, #tpu.memory_space<vmem>> -> memref<128xi32, #tpu.memory_space<vmem>>
    %dma_wait3A_173 = arith.constant 0 : i32
    %dma_wait3A_174 = arith.constant 0 : i32
    %dma_wait3A_175 = tpu.memref_slice %arg9[%dma_wait3A_173, %dma_wait3A_174] : memref<10240x16xf32, #tpu.memory_space<vmem_shared>> -> memref<10240x16xf32, #tpu.memory_space<vmem_shared>>
    %dma_wait3A_176 = tpu.memref_slice %arg11[%dma_wait3A_165] : memref<5x!tpu.dma_semaphore, #tpu.memory_space<semaphore_mem>> -> memref<1x!tpu.dma_semaphore, #tpu.memory_space<semaphore_mem>>
    %dma_wait3A_177 = tpu.memref_squeeze %dma_wait3A_176 : memref<1x!tpu.dma_semaphore, #tpu.memory_space<semaphore_mem>> -> memref<!tpu.dma_semaphore, #tpu.memory_space<semaphore_mem>>
    tpu.wait_indirect_dma semaphore(%dma_wait3A_177 : memref<!tpu.dma_semaphore, #tpu.memory_space<semaphore_mem>>) src(%dma_wait3A_169 : memref<128x16xf32, #tpu.memory_space<vmem>>) dst(%dma_wait3A_175 : memref<10240x16xf32, #tpu.memory_space<vmem_shared>>)
    %add3A_178 = arith.constant 75 : i32
    %add3A_179 = arith.addi %mul3A_3, %add3A_178 : i32
    %add3A_180 = arith.constant 4 : i32
    %add3A_181 = arith.addi %add3A_179, %add3A_180 : i32
    %dma_wait3A_182 = arith.constant 4 : i32
    %dma_wait3A_183 = arith.constant 4 : i32
    %dma_wait3A_184 = arith.constant 0 : i32
    %dma_wait3A_185 = arith.constant 0 : i32
    %dma_wait3A_186 = tpu.memref_slice %arg8[%dma_wait3A_182, %dma_wait3A_184, %dma_wait3A_185] : memref<5x128x16xf32, #tpu.memory_space<vmem>> -> memref<1x128x16xf32, #tpu.memory_space<vmem>>
    %dma_wait3A_187 = tpu.memref_squeeze %dma_wait3A_186 : memref<1x128x16xf32, #tpu.memory_space<vmem>> -> memref<128x16xf32, #tpu.memory_space<vmem>>
    %dma_wait3A_188 = arith.constant 0 : i32
    %dma_wait3A_189 = tpu.memref_slice %arg7[%add3A_181, %dma_wait3A_188] : memref<160x128xi32, #tpu.memory_space<vmem>> -> memref<1x128xi32, #tpu.memory_space<vmem>>
    %dma_wait3A_190 = tpu.memref_squeeze %dma_wait3A_189 : memref<1x128xi32, #tpu.memory_space<vmem>> -> memref<128xi32, #tpu.memory_space<vmem>>
    %dma_wait3A_191 = arith.constant 0 : i32
    %dma_wait3A_192 = arith.constant 0 : i32
    %dma_wait3A_193 = tpu.memref_slice %arg9[%dma_wait3A_191, %dma_wait3A_192] : memref<10240x16xf32, #tpu.memory_space<vmem_shared>> -> memref<10240x16xf32, #tpu.memory_space<vmem_shared>>
    %dma_wait3A_194 = tpu.memref_slice %arg11[%dma_wait3A_183] : memref<5x!tpu.dma_semaphore, #tpu.memory_space<semaphore_mem>> -> memref<1x!tpu.dma_semaphore, #tpu.memory_space<semaphore_mem>>
    %dma_wait3A_195 = tpu.memref_squeeze %dma_wait3A_194 : memref<1x!tpu.dma_semaphore, #tpu.memory_space<semaphore_mem>> -> memref<!tpu.dma_semaphore, #tpu.memory_space<semaphore_mem>>
    tpu.wait_indirect_dma semaphore(%dma_wait3A_195 : memref<!tpu.dma_semaphore, #tpu.memory_space<semaphore_mem>>) src(%dma_wait3A_187 : memref<128x16xf32, #tpu.memory_space<vmem>>) dst(%dma_wait3A_193 : memref<10240x16xf32, #tpu.memory_space<vmem_shared>>)
    %barrier3A_196 = arith.constant 0 : index
    tpu.barrier barrier_id(%barrier3A_196)
    "tpu.region"() ({
      %run_scoped3A_197 = tpu.sem_alloc : memref<!tpu.dma_semaphore, #tpu.memory_space<semaphore_mem>>
      %dma_start3A_198 = arith.constant 0 : i32
      %dma_start3A_199 = tpu.memref_slice %arg5[%arg0, %mul3A_0, %dma_start3A_198] : memref<2x10240x16xf32, #tpu.memory_space<hbm>> -> memref<1x640x16xf32, #tpu.memory_space<hbm>>
      %dma_start3A_200 = tpu.memref_squeeze %dma_start3A_199 : memref<1x640x16xf32, #tpu.memory_space<hbm>> -> memref<640x16xf32, #tpu.memory_space<hbm>>
      %dma_start3A_201 = arith.constant 0 : i32
      %dma_start3A_202 = tpu.memref_slice %arg9[%mul3A_0, %dma_start3A_201] : memref<10240x16xf32, #tpu.memory_space<vmem_shared>> -> memref<640x16xf32, #tpu.memory_space<vmem_shared>>
      tpu.enqueue_dma source(%dma_start3A_202 : memref<640x16xf32, #tpu.memory_space<vmem_shared>>) target(%dma_start3A_200 : memref<640x16xf32, #tpu.memory_space<hbm>>) target_semaphore(%run_scoped3A_197 : memref<!tpu.dma_semaphore, #tpu.memory_space<semaphore_mem>>)
      %dma_wait3A_203 = arith.constant 0 : i32
      %dma_wait3A_204 = tpu.memref_slice %arg5[%arg0, %mul3A_0, %dma_wait3A_203] : memref<2x10240x16xf32, #tpu.memory_space<hbm>> -> memref<1x640x16xf32, #tpu.memory_space<hbm>>
      %dma_wait3A_205 = tpu.memref_squeeze %dma_wait3A_204 : memref<1x640x16xf32, #tpu.memory_space<hbm>> -> memref<640x16xf32, #tpu.memory_space<hbm>>
      %dma_wait3A_206 = arith.constant 0 : i32
      %dma_wait3A_207 = tpu.memref_slice %arg9[%mul3A_0, %dma_wait3A_206] : memref<10240x16xf32, #tpu.memory_space<vmem_shared>> -> memref<640x16xf32, #tpu.memory_space<vmem_shared>>
      tpu.wait_dma2 semaphore(%run_scoped3A_197 : memref<!tpu.dma_semaphore, #tpu.memory_space<semaphore_mem>>) src(%dma_wait3A_207 : memref<640x16xf32, #tpu.memory_space<vmem_shared>>) dst(%dma_wait3A_205 : memref<640x16xf32, #tpu.memory_space<hbm>>)
      tpu.yield
    }) : () -> ()
    return
  }
}

#map = affine_map<(d0, d1) -> (0, 0, 0)>
#map1 = affine_map<(d0, d1) -> (0, 0, 0, 0)>
#map2 = affine_map<(d0, d1) -> (0, 0)>
module attributes {stable_mosaic.version = 14 : i64} {
  func.func @agg(%arg0: i32, %arg1: i32, %arg2: memref<2x10000x64xf32, #tpu.memory_space<hbm>>, %arg3: memref<2x16x160x128xi32, #tpu.memory_space<hbm>>, %arg4: memref<10240x64xf32, #tpu.memory_space<hbm>>, %arg5: memref<2x10240x64xf32, #tpu.memory_space<hbm>>, %arg6: memref<160x128xi32, #tpu.memory_space<vmem>>, %arg7: memref<160x128xi32, #tpu.memory_space<vmem>>, %arg8: memref<5x128x64xf32, #tpu.memory_space<vmem>>, %arg9: memref<10240x64xf32, #tpu.memory_space<vmem_shared>>, %arg10: memref<5x!tpu.dma_semaphore, #tpu.memory_space<semaphore_mem>>, %arg11: memref<5x!tpu.dma_semaphore, #tpu.memory_space<semaphore_mem>>) attributes {dimension_semantics = [#tpu.dimension_semantics<core_parallel>, #tpu.dimension_semantics<subcore_parallel>], iteration_bounds = array<i64: 2, 16>, scalar_prefetch = 0 : i64, scratch_operands = 6 : i64, tpu.core_type = #tpu.core_type<sc_vector_subcore>, window_params = [{transform_indices = #map}, {transform_indices = #map1}, {transform_indices = #map2}, {transform_indices = #map}]} {
    %mul3A = arith.constant 640 : i32
    %mul3A_0 = arith.muli %arg1, %mul3A : i32
    "tpu.region"() ({
      %run_scoped3A_176 = tpu.sem_alloc : memref<!tpu.dma_semaphore, #tpu.memory_space<semaphore_mem>>
      %dma_start3A_177 = arith.constant 0 : i32
      %dma_start3A_178 = tpu.memref_slice %arg9[%mul3A_0, %dma_start3A_177] : memref<10240x64xf32, #tpu.memory_space<vmem_shared>> -> memref<640x64xf32, #tpu.memory_space<vmem_shared>>
      %dma_start3A_179 = arith.constant 0 : i32
      %dma_start3A_180 = tpu.memref_slice %arg4[%mul3A_0, %dma_start3A_179] : memref<10240x64xf32, #tpu.memory_space<hbm>> -> memref<640x64xf32, #tpu.memory_space<hbm>>
      tpu.enqueue_dma source(%dma_start3A_180 : memref<640x64xf32, #tpu.memory_space<hbm>>) target(%dma_start3A_178 : memref<640x64xf32, #tpu.memory_space<vmem_shared>>) target_semaphore(%run_scoped3A_176 : memref<!tpu.dma_semaphore, #tpu.memory_space<semaphore_mem>>)
      %dma_wait3A_181 = arith.constant 0 : i32
      %dma_wait3A_182 = tpu.memref_slice %arg9[%mul3A_0, %dma_wait3A_181] : memref<10240x64xf32, #tpu.memory_space<vmem_shared>> -> memref<640x64xf32, #tpu.memory_space<vmem_shared>>
      %dma_wait3A_183 = arith.constant 0 : i32
      %dma_wait3A_184 = tpu.memref_slice %arg4[%mul3A_0, %dma_wait3A_183] : memref<10240x64xf32, #tpu.memory_space<hbm>> -> memref<640x64xf32, #tpu.memory_space<hbm>>
      tpu.wait_dma2 semaphore(%run_scoped3A_176 : memref<!tpu.dma_semaphore, #tpu.memory_space<semaphore_mem>>) src(%dma_wait3A_184 : memref<640x64xf32, #tpu.memory_space<hbm>>) dst(%dma_wait3A_182 : memref<640x64xf32, #tpu.memory_space<vmem_shared>>)
      tpu.yield
    }) : () -> ()
    %barrier3A = arith.constant 0 : index
    tpu.barrier barrier_id(%barrier3A)
    %run_scoped3A = arith.constant 0 : i32
    "tpu.region"() ({
      %run_scoped3A_176 = tpu.sem_alloc : memref<!tpu.dma_semaphore, #tpu.memory_space<semaphore_mem>>
      %dma_start3A_177 = arith.constant 0 : i32
      %dma_start3A_178 = arith.constant 0 : i32
      %dma_start3A_179 = tpu.memref_slice %arg3[%run_scoped3A, %arg1, %dma_start3A_177, %dma_start3A_178] : memref<2x16x160x128xi32, #tpu.memory_space<hbm>> -> memref<1x1x160x128xi32, #tpu.memory_space<hbm>>
      %dma_start3A_180 = tpu.memref_squeeze %dma_start3A_179 : memref<1x1x160x128xi32, #tpu.memory_space<hbm>> -> memref<160x128xi32, #tpu.memory_space<hbm>>
      %dma_start3A_181 = arith.constant 0 : i32
      %dma_start3A_182 = arith.constant 0 : i32
      %dma_start3A_183 = tpu.memref_slice %arg3[%run_scoped3A, %arg1, %dma_start3A_181, %dma_start3A_182] : memref<2x16x160x128xi32, #tpu.memory_space<hbm>> -> memref<1x1x160x128xi32, #tpu.memory_space<hbm>>
      %dma_start3A_184 = tpu.memref_squeeze %dma_start3A_183 : memref<1x1x160x128xi32, #tpu.memory_space<hbm>> -> memref<160x128xi32, #tpu.memory_space<hbm>>
      tpu.enqueue_dma source(%dma_start3A_184 : memref<160x128xi32, #tpu.memory_space<hbm>>) target(%arg6 : memref<160x128xi32, #tpu.memory_space<vmem>>) target_semaphore(%run_scoped3A_176 : memref<!tpu.dma_semaphore, #tpu.memory_space<semaphore_mem>>)
      %dma_wait3A_185 = arith.constant 0 : i32
      %dma_wait3A_186 = arith.constant 0 : i32
      %dma_wait3A_187 = tpu.memref_slice %arg3[%run_scoped3A, %arg1, %dma_wait3A_185, %dma_wait3A_186] : memref<2x16x160x128xi32, #tpu.memory_space<hbm>> -> memref<1x1x160x128xi32, #tpu.memory_space<hbm>>
      %dma_wait3A_188 = tpu.memref_squeeze %dma_wait3A_187 : memref<1x1x160x128xi32, #tpu.memory_space<hbm>> -> memref<160x128xi32, #tpu.memory_space<hbm>>
      %dma_wait3A_189 = arith.constant 0 : i32
      %dma_wait3A_190 = arith.constant 0 : i32
      %dma_wait3A_191 = tpu.memref_slice %arg3[%run_scoped3A, %arg1, %dma_wait3A_189, %dma_wait3A_190] : memref<2x16x160x128xi32, #tpu.memory_space<hbm>> -> memref<1x1x160x128xi32, #tpu.memory_space<hbm>>
      %dma_wait3A_192 = tpu.memref_squeeze %dma_wait3A_191 : memref<1x1x160x128xi32, #tpu.memory_space<hbm>> -> memref<160x128xi32, #tpu.memory_space<hbm>>
      tpu.wait_dma2 semaphore(%run_scoped3A_176 : memref<!tpu.dma_semaphore, #tpu.memory_space<semaphore_mem>>) src(%dma_wait3A_192 : memref<160x128xi32, #tpu.memory_space<hbm>>) dst(%arg6 : memref<160x128xi32, #tpu.memory_space<vmem>>)
      tpu.yield
    }) : () -> ()
    %run_scoped3A_1 = arith.constant 1 : i32
    "tpu.region"() ({
      %run_scoped3A_176 = tpu.sem_alloc : memref<!tpu.dma_semaphore, #tpu.memory_space<semaphore_mem>>
      %dma_start3A_177 = arith.constant 0 : i32
      %dma_start3A_178 = arith.constant 0 : i32
      %dma_start3A_179 = tpu.memref_slice %arg3[%run_scoped3A_1, %arg1, %dma_start3A_177, %dma_start3A_178] : memref<2x16x160x128xi32, #tpu.memory_space<hbm>> -> memref<1x1x160x128xi32, #tpu.memory_space<hbm>>
      %dma_start3A_180 = tpu.memref_squeeze %dma_start3A_179 : memref<1x1x160x128xi32, #tpu.memory_space<hbm>> -> memref<160x128xi32, #tpu.memory_space<hbm>>
      %dma_start3A_181 = arith.constant 0 : i32
      %dma_start3A_182 = arith.constant 0 : i32
      %dma_start3A_183 = tpu.memref_slice %arg3[%run_scoped3A_1, %arg1, %dma_start3A_181, %dma_start3A_182] : memref<2x16x160x128xi32, #tpu.memory_space<hbm>> -> memref<1x1x160x128xi32, #tpu.memory_space<hbm>>
      %dma_start3A_184 = tpu.memref_squeeze %dma_start3A_183 : memref<1x1x160x128xi32, #tpu.memory_space<hbm>> -> memref<160x128xi32, #tpu.memory_space<hbm>>
      tpu.enqueue_dma source(%dma_start3A_184 : memref<160x128xi32, #tpu.memory_space<hbm>>) target(%arg7 : memref<160x128xi32, #tpu.memory_space<vmem>>) target_semaphore(%run_scoped3A_176 : memref<!tpu.dma_semaphore, #tpu.memory_space<semaphore_mem>>)
      %dma_wait3A_185 = arith.constant 0 : i32
      %dma_wait3A_186 = arith.constant 0 : i32
      %dma_wait3A_187 = tpu.memref_slice %arg3[%run_scoped3A_1, %arg1, %dma_wait3A_185, %dma_wait3A_186] : memref<2x16x160x128xi32, #tpu.memory_space<hbm>> -> memref<1x1x160x128xi32, #tpu.memory_space<hbm>>
      %dma_wait3A_188 = tpu.memref_squeeze %dma_wait3A_187 : memref<1x1x160x128xi32, #tpu.memory_space<hbm>> -> memref<160x128xi32, #tpu.memory_space<hbm>>
      %dma_wait3A_189 = arith.constant 0 : i32
      %dma_wait3A_190 = arith.constant 0 : i32
      %dma_wait3A_191 = tpu.memref_slice %arg3[%run_scoped3A_1, %arg1, %dma_wait3A_189, %dma_wait3A_190] : memref<2x16x160x128xi32, #tpu.memory_space<hbm>> -> memref<1x1x160x128xi32, #tpu.memory_space<hbm>>
      %dma_wait3A_192 = tpu.memref_squeeze %dma_wait3A_191 : memref<1x1x160x128xi32, #tpu.memory_space<hbm>> -> memref<160x128xi32, #tpu.memory_space<hbm>>
      tpu.wait_dma2 semaphore(%run_scoped3A_176 : memref<!tpu.dma_semaphore, #tpu.memory_space<semaphore_mem>>) src(%dma_wait3A_192 : memref<160x128xi32, #tpu.memory_space<hbm>>) dst(%arg7 : memref<160x128xi32, #tpu.memory_space<vmem>>)
      tpu.yield
    }) : () -> ()
    %dma_start3A = arith.constant 0 : i32
    %dma_start3A_2 = arith.constant 0 : i32
    %dma_start3A_3 = arith.constant 0 : i32
    %dma_start3A_4 = arith.constant 0 : i32
    %dma_start3A_5 = arith.constant 0 : i32
    %dma_start3A_6 = tpu.memref_slice %arg8[%dma_start3A_2, %dma_start3A_4, %dma_start3A_5] : memref<5x128x64xf32, #tpu.memory_space<vmem>> -> memref<1x128x64xf32, #tpu.memory_space<vmem>>
    %dma_start3A_7 = tpu.memref_squeeze %dma_start3A_6 : memref<1x128x64xf32, #tpu.memory_space<vmem>> -> memref<128x64xf32, #tpu.memory_space<vmem>>
    %dma_start3A_8 = arith.constant 0 : i32
    %dma_start3A_9 = tpu.memref_slice %arg6[%dma_start3A, %dma_start3A_8] : memref<160x128xi32, #tpu.memory_space<vmem>> -> memref<1x128xi32, #tpu.memory_space<vmem>>
    %dma_start3A_10 = tpu.memref_squeeze %dma_start3A_9 : memref<1x128xi32, #tpu.memory_space<vmem>> -> memref<128xi32, #tpu.memory_space<vmem>>
    %dma_start3A_11 = arith.constant 0 : i32
    %dma_start3A_12 = arith.constant 0 : i32
    %dma_start3A_13 = tpu.memref_slice %arg2[%arg0, %dma_start3A_11, %dma_start3A_12] : memref<2x10000x64xf32, #tpu.memory_space<hbm>> -> memref<1x10000x64xf32, #tpu.memory_space<hbm>>
    %dma_start3A_14 = tpu.memref_squeeze %dma_start3A_13 : memref<1x10000x64xf32, #tpu.memory_space<hbm>> -> memref<10000x64xf32, #tpu.memory_space<hbm>>
    %dma_start3A_15 = arith.constant 0 : i32
    %dma_start3A_16 = arith.constant 0 : i32
    %dma_start3A_17 = tpu.memref_slice %dma_start3A_14[%dma_start3A_15, %dma_start3A_16] : memref<10000x64xf32, #tpu.memory_space<hbm>> -> memref<10000x64xf32, #tpu.memory_space<hbm>>
    %dma_start3A_18 = tpu.memref_slice %arg10[%dma_start3A_3] : memref<5x!tpu.dma_semaphore, #tpu.memory_space<semaphore_mem>> -> memref<1x!tpu.dma_semaphore, #tpu.memory_space<semaphore_mem>>
    %dma_start3A_19 = tpu.memref_squeeze %dma_start3A_18 : memref<1x!tpu.dma_semaphore, #tpu.memory_space<semaphore_mem>> -> memref<!tpu.dma_semaphore, #tpu.memory_space<semaphore_mem>>
    tpu.enqueue_indirect_dma source(%dma_start3A_17 : memref<10000x64xf32, #tpu.memory_space<hbm>>) target(%dma_start3A_7 : memref<128x64xf32, #tpu.memory_space<vmem>>) offsets(%dma_start3A_10 : memref<128xi32, #tpu.memory_space<vmem>>) semaphore(%dma_start3A_19 : memref<!tpu.dma_semaphore, #tpu.memory_space<semaphore_mem>>)
    %dma_start3A_20 = arith.constant 1 : i32
    %dma_start3A_21 = arith.constant 1 : i32
    %dma_start3A_22 = arith.constant 1 : i32
    %dma_start3A_23 = arith.constant 0 : i32
    %dma_start3A_24 = arith.constant 0 : i32
    %dma_start3A_25 = tpu.memref_slice %arg8[%dma_start3A_21, %dma_start3A_23, %dma_start3A_24] : memref<5x128x64xf32, #tpu.memory_space<vmem>> -> memref<1x128x64xf32, #tpu.memory_space<vmem>>
    %dma_start3A_26 = tpu.memref_squeeze %dma_start3A_25 : memref<1x128x64xf32, #tpu.memory_space<vmem>> -> memref<128x64xf32, #tpu.memory_space<vmem>>
    %dma_start3A_27 = arith.constant 0 : i32
    %dma_start3A_28 = tpu.memref_slice %arg6[%dma_start3A_20, %dma_start3A_27] : memref<160x128xi32, #tpu.memory_space<vmem>> -> memref<1x128xi32, #tpu.memory_space<vmem>>
    %dma_start3A_29 = tpu.memref_squeeze %dma_start3A_28 : memref<1x128xi32, #tpu.memory_space<vmem>> -> memref<128xi32, #tpu.memory_space<vmem>>
    %dma_start3A_30 = arith.constant 0 : i32
    %dma_start3A_31 = arith.constant 0 : i32
    %dma_start3A_32 = tpu.memref_slice %arg2[%arg0, %dma_start3A_30, %dma_start3A_31] : memref<2x10000x64xf32, #tpu.memory_space<hbm>> -> memref<1x10000x64xf32, #tpu.memory_space<hbm>>
    %dma_start3A_33 = tpu.memref_squeeze %dma_start3A_32 : memref<1x10000x64xf32, #tpu.memory_space<hbm>> -> memref<10000x64xf32, #tpu.memory_space<hbm>>
    %dma_start3A_34 = arith.constant 0 : i32
    %dma_start3A_35 = arith.constant 0 : i32
    %dma_start3A_36 = tpu.memref_slice %dma_start3A_33[%dma_start3A_34, %dma_start3A_35] : memref<10000x64xf32, #tpu.memory_space<hbm>> -> memref<10000x64xf32, #tpu.memory_space<hbm>>
    %dma_start3A_37 = tpu.memref_slice %arg10[%dma_start3A_22] : memref<5x!tpu.dma_semaphore, #tpu.memory_space<semaphore_mem>> -> memref<1x!tpu.dma_semaphore, #tpu.memory_space<semaphore_mem>>
    %dma_start3A_38 = tpu.memref_squeeze %dma_start3A_37 : memref<1x!tpu.dma_semaphore, #tpu.memory_space<semaphore_mem>> -> memref<!tpu.dma_semaphore, #tpu.memory_space<semaphore_mem>>
    tpu.enqueue_indirect_dma source(%dma_start3A_36 : memref<10000x64xf32, #tpu.memory_space<hbm>>) target(%dma_start3A_26 : memref<128x64xf32, #tpu.memory_space<vmem>>) offsets(%dma_start3A_29 : memref<128xi32, #tpu.memory_space<vmem>>) semaphore(%dma_start3A_38 : memref<!tpu.dma_semaphore, #tpu.memory_space<semaphore_mem>>)
    %dma_start3A_39 = arith.constant 2 : i32
    %dma_start3A_40 = arith.constant 2 : i32
    %dma_start3A_41 = arith.constant 2 : i32
    %dma_start3A_42 = arith.constant 0 : i32
    %dma_start3A_43 = arith.constant 0 : i32
    %dma_start3A_44 = tpu.memref_slice %arg8[%dma_start3A_40, %dma_start3A_42, %dma_start3A_43] : memref<5x128x64xf32, #tpu.memory_space<vmem>> -> memref<1x128x64xf32, #tpu.memory_space<vmem>>
    %dma_start3A_45 = tpu.memref_squeeze %dma_start3A_44 : memref<1x128x64xf32, #tpu.memory_space<vmem>> -> memref<128x64xf32, #tpu.memory_space<vmem>>
    %dma_start3A_46 = arith.constant 0 : i32
    %dma_start3A_47 = tpu.memref_slice %arg6[%dma_start3A_39, %dma_start3A_46] : memref<160x128xi32, #tpu.memory_space<vmem>> -> memref<1x128xi32, #tpu.memory_space<vmem>>
    %dma_start3A_48 = tpu.memref_squeeze %dma_start3A_47 : memref<1x128xi32, #tpu.memory_space<vmem>> -> memref<128xi32, #tpu.memory_space<vmem>>
    %dma_start3A_49 = arith.constant 0 : i32
    %dma_start3A_50 = arith.constant 0 : i32
    %dma_start3A_51 = tpu.memref_slice %arg2[%arg0, %dma_start3A_49, %dma_start3A_50] : memref<2x10000x64xf32, #tpu.memory_space<hbm>> -> memref<1x10000x64xf32, #tpu.memory_space<hbm>>
    %dma_start3A_52 = tpu.memref_squeeze %dma_start3A_51 : memref<1x10000x64xf32, #tpu.memory_space<hbm>> -> memref<10000x64xf32, #tpu.memory_space<hbm>>
    %dma_start3A_53 = arith.constant 0 : i32
    %dma_start3A_54 = arith.constant 0 : i32
    %dma_start3A_55 = tpu.memref_slice %dma_start3A_52[%dma_start3A_53, %dma_start3A_54] : memref<10000x64xf32, #tpu.memory_space<hbm>> -> memref<10000x64xf32, #tpu.memory_space<hbm>>
    %dma_start3A_56 = tpu.memref_slice %arg10[%dma_start3A_41] : memref<5x!tpu.dma_semaphore, #tpu.memory_space<semaphore_mem>> -> memref<1x!tpu.dma_semaphore, #tpu.memory_space<semaphore_mem>>
    %dma_start3A_57 = tpu.memref_squeeze %dma_start3A_56 : memref<1x!tpu.dma_semaphore, #tpu.memory_space<semaphore_mem>> -> memref<!tpu.dma_semaphore, #tpu.memory_space<semaphore_mem>>
    tpu.enqueue_indirect_dma source(%dma_start3A_55 : memref<10000x64xf32, #tpu.memory_space<hbm>>) target(%dma_start3A_45 : memref<128x64xf32, #tpu.memory_space<vmem>>) offsets(%dma_start3A_48 : memref<128xi32, #tpu.memory_space<vmem>>) semaphore(%dma_start3A_57 : memref<!tpu.dma_semaphore, #tpu.memory_space<semaphore_mem>>)
    %dma_start3A_58 = arith.constant 3 : i32
    %dma_start3A_59 = arith.constant 3 : i32
    %dma_start3A_60 = arith.constant 3 : i32
    %dma_start3A_61 = arith.constant 0 : i32
    %dma_start3A_62 = arith.constant 0 : i32
    %dma_start3A_63 = tpu.memref_slice %arg8[%dma_start3A_59, %dma_start3A_61, %dma_start3A_62] : memref<5x128x64xf32, #tpu.memory_space<vmem>> -> memref<1x128x64xf32, #tpu.memory_space<vmem>>
    %dma_start3A_64 = tpu.memref_squeeze %dma_start3A_63 : memref<1x128x64xf32, #tpu.memory_space<vmem>> -> memref<128x64xf32, #tpu.memory_space<vmem>>
    %dma_start3A_65 = arith.constant 0 : i32
    %dma_start3A_66 = tpu.memref_slice %arg6[%dma_start3A_58, %dma_start3A_65] : memref<160x128xi32, #tpu.memory_space<vmem>> -> memref<1x128xi32, #tpu.memory_space<vmem>>
    %dma_start3A_67 = tpu.memref_squeeze %dma_start3A_66 : memref<1x128xi32, #tpu.memory_space<vmem>> -> memref<128xi32, #tpu.memory_space<vmem>>
    %dma_start3A_68 = arith.constant 0 : i32
    %dma_start3A_69 = arith.constant 0 : i32
    %dma_start3A_70 = tpu.memref_slice %arg2[%arg0, %dma_start3A_68, %dma_start3A_69] : memref<2x10000x64xf32, #tpu.memory_space<hbm>> -> memref<1x10000x64xf32, #tpu.memory_space<hbm>>
    %dma_start3A_71 = tpu.memref_squeeze %dma_start3A_70 : memref<1x10000x64xf32, #tpu.memory_space<hbm>> -> memref<10000x64xf32, #tpu.memory_space<hbm>>
    %dma_start3A_72 = arith.constant 0 : i32
    %dma_start3A_73 = arith.constant 0 : i32
    %dma_start3A_74 = tpu.memref_slice %dma_start3A_71[%dma_start3A_72, %dma_start3A_73] : memref<10000x64xf32, #tpu.memory_space<hbm>> -> memref<10000x64xf32, #tpu.memory_space<hbm>>
    %dma_start3A_75 = tpu.memref_slice %arg10[%dma_start3A_60] : memref<5x!tpu.dma_semaphore, #tpu.memory_space<semaphore_mem>> -> memref<1x!tpu.dma_semaphore, #tpu.memory_space<semaphore_mem>>
    %dma_start3A_76 = tpu.memref_squeeze %dma_start3A_75 : memref<1x!tpu.dma_semaphore, #tpu.memory_space<semaphore_mem>> -> memref<!tpu.dma_semaphore, #tpu.memory_space<semaphore_mem>>
    tpu.enqueue_indirect_dma source(%dma_start3A_74 : memref<10000x64xf32, #tpu.memory_space<hbm>>) target(%dma_start3A_64 : memref<128x64xf32, #tpu.memory_space<vmem>>) offsets(%dma_start3A_67 : memref<128xi32, #tpu.memory_space<vmem>>) semaphore(%dma_start3A_76 : memref<!tpu.dma_semaphore, #tpu.memory_space<semaphore_mem>>)
    %dma_start3A_77 = arith.constant 4 : i32
    %dma_start3A_78 = arith.constant 4 : i32
    %dma_start3A_79 = arith.constant 4 : i32
    %dma_start3A_80 = arith.constant 0 : i32
    %dma_start3A_81 = arith.constant 0 : i32
    %dma_start3A_82 = tpu.memref_slice %arg8[%dma_start3A_78, %dma_start3A_80, %dma_start3A_81] : memref<5x128x64xf32, #tpu.memory_space<vmem>> -> memref<1x128x64xf32, #tpu.memory_space<vmem>>
    %dma_start3A_83 = tpu.memref_squeeze %dma_start3A_82 : memref<1x128x64xf32, #tpu.memory_space<vmem>> -> memref<128x64xf32, #tpu.memory_space<vmem>>
    %dma_start3A_84 = arith.constant 0 : i32
    %dma_start3A_85 = tpu.memref_slice %arg6[%dma_start3A_77, %dma_start3A_84] : memref<160x128xi32, #tpu.memory_space<vmem>> -> memref<1x128xi32, #tpu.memory_space<vmem>>
    %dma_start3A_86 = tpu.memref_squeeze %dma_start3A_85 : memref<1x128xi32, #tpu.memory_space<vmem>> -> memref<128xi32, #tpu.memory_space<vmem>>
    %dma_start3A_87 = arith.constant 0 : i32
    %dma_start3A_88 = arith.constant 0 : i32
    %dma_start3A_89 = tpu.memref_slice %arg2[%arg0, %dma_start3A_87, %dma_start3A_88] : memref<2x10000x64xf32, #tpu.memory_space<hbm>> -> memref<1x10000x64xf32, #tpu.memory_space<hbm>>
    %dma_start3A_90 = tpu.memref_squeeze %dma_start3A_89 : memref<1x10000x64xf32, #tpu.memory_space<hbm>> -> memref<10000x64xf32, #tpu.memory_space<hbm>>
    %dma_start3A_91 = arith.constant 0 : i32
    %dma_start3A_92 = arith.constant 0 : i32
    %dma_start3A_93 = tpu.memref_slice %dma_start3A_90[%dma_start3A_91, %dma_start3A_92] : memref<10000x64xf32, #tpu.memory_space<hbm>> -> memref<10000x64xf32, #tpu.memory_space<hbm>>
    %dma_start3A_94 = tpu.memref_slice %arg10[%dma_start3A_79] : memref<5x!tpu.dma_semaphore, #tpu.memory_space<semaphore_mem>> -> memref<1x!tpu.dma_semaphore, #tpu.memory_space<semaphore_mem>>
    %dma_start3A_95 = tpu.memref_squeeze %dma_start3A_94 : memref<1x!tpu.dma_semaphore, #tpu.memory_space<semaphore_mem>> -> memref<!tpu.dma_semaphore, #tpu.memory_space<semaphore_mem>>
    tpu.enqueue_indirect_dma source(%dma_start3A_93 : memref<10000x64xf32, #tpu.memory_space<hbm>>) target(%dma_start3A_83 : memref<128x64xf32, #tpu.memory_space<vmem>>) offsets(%dma_start3A_86 : memref<128xi32, #tpu.memory_space<vmem>>) semaphore(%dma_start3A_95 : memref<!tpu.dma_semaphore, #tpu.memory_space<semaphore_mem>>)
    %scan3A = arith.constant 0 : i32
    %scan3A_96 = arith.constant 0 : i32
    %scan3A_97 = arith.constant 32 : i32
    %scan3A_98 = arith.addi %scan3A_96, %scan3A_97 : i32
    %scan3A_99 = arith.constant 1 : i32
    scf.for %scan3A_176 = %scan3A_96 to %scan3A_98 step %scan3A_99  : i32 {
      %mul3A_177 = arith.constant 5 : i32
      %mul3A_178 = arith.muli %scan3A_176, %mul3A_177 : i32
      %add3A = arith.constant 0 : i32
      %add3A_179 = arith.addi %add3A, %mul3A_178 : i32
      %add3A_180 = arith.constant 0 : i32
      %add3A_181 = arith.addi %add3A_179, %add3A_180 : i32
      %dma_wait3A_182 = arith.constant 0 : i32
      %dma_wait3A_183 = arith.constant 0 : i32
      %dma_wait3A_184 = arith.constant 0 : i32
      %dma_wait3A_185 = arith.constant 0 : i32
      %dma_wait3A_186 = tpu.memref_slice %arg8[%dma_wait3A_182, %dma_wait3A_184, %dma_wait3A_185] : memref<5x128x64xf32, #tpu.memory_space<vmem>> -> memref<1x128x64xf32, #tpu.memory_space<vmem>>
      %dma_wait3A_187 = tpu.memref_squeeze %dma_wait3A_186 : memref<1x128x64xf32, #tpu.memory_space<vmem>> -> memref<128x64xf32, #tpu.memory_space<vmem>>
      %dma_wait3A_188 = arith.constant 0 : i32
      %dma_wait3A_189 = tpu.memref_slice %arg6[%add3A_181, %dma_wait3A_188] : memref<160x128xi32, #tpu.memory_space<vmem>> -> memref<1x128xi32, #tpu.memory_space<vmem>>
      %dma_wait3A_190 = tpu.memref_squeeze %dma_wait3A_189 : memref<1x128xi32, #tpu.memory_space<vmem>> -> memref<128xi32, #tpu.memory_space<vmem>>
      %dma_wait3A_191 = arith.constant 0 : i32
      %dma_wait3A_192 = arith.constant 0 : i32
      %dma_wait3A_193 = tpu.memref_slice %arg2[%arg0, %dma_wait3A_191, %dma_wait3A_192] : memref<2x10000x64xf32, #tpu.memory_space<hbm>> -> memref<1x10000x64xf32, #tpu.memory_space<hbm>>
      %dma_wait3A_194 = tpu.memref_squeeze %dma_wait3A_193 : memref<1x10000x64xf32, #tpu.memory_space<hbm>> -> memref<10000x64xf32, #tpu.memory_space<hbm>>
      %dma_wait3A_195 = arith.constant 0 : i32
      %dma_wait3A_196 = arith.constant 0 : i32
      %dma_wait3A_197 = tpu.memref_slice %dma_wait3A_194[%dma_wait3A_195, %dma_wait3A_196] : memref<10000x64xf32, #tpu.memory_space<hbm>> -> memref<10000x64xf32, #tpu.memory_space<hbm>>
      %dma_wait3A_198 = tpu.memref_slice %arg10[%dma_wait3A_183] : memref<5x!tpu.dma_semaphore, #tpu.memory_space<semaphore_mem>> -> memref<1x!tpu.dma_semaphore, #tpu.memory_space<semaphore_mem>>
      %dma_wait3A_199 = tpu.memref_squeeze %dma_wait3A_198 : memref<1x!tpu.dma_semaphore, #tpu.memory_space<semaphore_mem>> -> memref<!tpu.dma_semaphore, #tpu.memory_space<semaphore_mem>>
      tpu.wait_indirect_dma semaphore(%dma_wait3A_199 : memref<!tpu.dma_semaphore, #tpu.memory_space<semaphore_mem>>) src(%dma_wait3A_197 : memref<10000x64xf32, #tpu.memory_space<hbm>>) dst(%dma_wait3A_187 : memref<128x64xf32, #tpu.memory_space<vmem>>)
      %dma_start3A_200 = arith.constant 0 : i32
      %dma_start3A_201 = arith.constant 0 : i32
      %dma_start3A_202 = arith.constant 0 : i32
      %dma_start3A_203 = arith.constant 0 : i32
      %dma_start3A_204 = tpu.memref_slice %arg8[%dma_start3A_200, %dma_start3A_202, %dma_start3A_203] : memref<5x128x64xf32, #tpu.memory_space<vmem>> -> memref<1x128x64xf32, #tpu.memory_space<vmem>>
      %dma_start3A_205 = tpu.memref_squeeze %dma_start3A_204 : memref<1x128x64xf32, #tpu.memory_space<vmem>> -> memref<128x64xf32, #tpu.memory_space<vmem>>
      %dma_start3A_206 = arith.constant 0 : i32
      %dma_start3A_207 = tpu.memref_slice %arg7[%add3A_181, %dma_start3A_206] : memref<160x128xi32, #tpu.memory_space<vmem>> -> memref<1x128xi32, #tpu.memory_space<vmem>>
      %dma_start3A_208 = tpu.memref_squeeze %dma_start3A_207 : memref<1x128xi32, #tpu.memory_space<vmem>> -> memref<128xi32, #tpu.memory_space<vmem>>
      %dma_start3A_209 = arith.constant 0 : i32
      %dma_start3A_210 = arith.constant 0 : i32
      %dma_start3A_211 = tpu.memref_slice %arg9[%dma_start3A_209, %dma_start3A_210] : memref<10240x64xf32, #tpu.memory_space<vmem_shared>> -> memref<10240x64xf32, #tpu.memory_space<vmem_shared>>
      %dma_start3A_212 = tpu.memref_slice %arg11[%dma_start3A_201] : memref<5x!tpu.dma_semaphore, #tpu.memory_space<semaphore_mem>> -> memref<1x!tpu.dma_semaphore, #tpu.memory_space<semaphore_mem>>
      %dma_start3A_213 = tpu.memref_squeeze %dma_start3A_212 : memref<1x!tpu.dma_semaphore, #tpu.memory_space<semaphore_mem>> -> memref<!tpu.dma_semaphore, #tpu.memory_space<semaphore_mem>>
      tpu.enqueue_indirect_dma source(%dma_start3A_205 : memref<128x64xf32, #tpu.memory_space<vmem>>) target(%dma_start3A_211 : memref<10240x64xf32, #tpu.memory_space<vmem_shared>>) offsets(%dma_start3A_208 : memref<128xi32, #tpu.memory_space<vmem>>) semaphore(%dma_start3A_213 : memref<!tpu.dma_semaphore, #tpu.memory_space<semaphore_mem>>) {add = true}
      %mul3A_214 = arith.constant 5 : i32
      %mul3A_215 = arith.muli %scan3A_176, %mul3A_214 : i32
      %add3A_216 = arith.constant 0 : i32
      %add3A_217 = arith.addi %add3A_216, %mul3A_215 : i32
      %add3A_218 = arith.constant 1 : i32
      %add3A_219 = arith.addi %add3A_217, %add3A_218 : i32
      %dma_wait3A_220 = arith.constant 1 : i32
      %dma_wait3A_221 = arith.constant 1 : i32
      %dma_wait3A_222 = arith.constant 0 : i32
      %dma_wait3A_223 = arith.constant 0 : i32
      %dma_wait3A_224 = tpu.memref_slice %arg8[%dma_wait3A_220, %dma_wait3A_222, %dma_wait3A_223] : memref<5x128x64xf32, #tpu.memory_space<vmem>> -> memref<1x128x64xf32, #tpu.memory_space<vmem>>
      %dma_wait3A_225 = tpu.memref_squeeze %dma_wait3A_224 : memref<1x128x64xf32, #tpu.memory_space<vmem>> -> memref<128x64xf32, #tpu.memory_space<vmem>>
      %dma_wait3A_226 = arith.constant 0 : i32
      %dma_wait3A_227 = tpu.memref_slice %arg6[%add3A_219, %dma_wait3A_226] : memref<160x128xi32, #tpu.memory_space<vmem>> -> memref<1x128xi32, #tpu.memory_space<vmem>>
      %dma_wait3A_228 = tpu.memref_squeeze %dma_wait3A_227 : memref<1x128xi32, #tpu.memory_space<vmem>> -> memref<128xi32, #tpu.memory_space<vmem>>
      %dma_wait3A_229 = arith.constant 0 : i32
      %dma_wait3A_230 = arith.constant 0 : i32
      %dma_wait3A_231 = tpu.memref_slice %arg2[%arg0, %dma_wait3A_229, %dma_wait3A_230] : memref<2x10000x64xf32, #tpu.memory_space<hbm>> -> memref<1x10000x64xf32, #tpu.memory_space<hbm>>
      %dma_wait3A_232 = tpu.memref_squeeze %dma_wait3A_231 : memref<1x10000x64xf32, #tpu.memory_space<hbm>> -> memref<10000x64xf32, #tpu.memory_space<hbm>>
      %dma_wait3A_233 = arith.constant 0 : i32
      %dma_wait3A_234 = arith.constant 0 : i32
      %dma_wait3A_235 = tpu.memref_slice %dma_wait3A_232[%dma_wait3A_233, %dma_wait3A_234] : memref<10000x64xf32, #tpu.memory_space<hbm>> -> memref<10000x64xf32, #tpu.memory_space<hbm>>
      %dma_wait3A_236 = tpu.memref_slice %arg10[%dma_wait3A_221] : memref<5x!tpu.dma_semaphore, #tpu.memory_space<semaphore_mem>> -> memref<1x!tpu.dma_semaphore, #tpu.memory_space<semaphore_mem>>
      %dma_wait3A_237 = tpu.memref_squeeze %dma_wait3A_236 : memref<1x!tpu.dma_semaphore, #tpu.memory_space<semaphore_mem>> -> memref<!tpu.dma_semaphore, #tpu.memory_space<semaphore_mem>>
      tpu.wait_indirect_dma semaphore(%dma_wait3A_237 : memref<!tpu.dma_semaphore, #tpu.memory_space<semaphore_mem>>) src(%dma_wait3A_235 : memref<10000x64xf32, #tpu.memory_space<hbm>>) dst(%dma_wait3A_225 : memref<128x64xf32, #tpu.memory_space<vmem>>)
      %dma_start3A_238 = arith.constant 1 : i32
      %dma_start3A_239 = arith.constant 1 : i32
      %dma_start3A_240 = arith.constant 0 : i32
      %dma_start3A_241 = arith.constant 0 : i32
      %dma_start3A_242 = tpu.memref_slice %arg8[%dma_start3A_238, %dma_start3A_240, %dma_start3A_241] : memref<5x128x64xf32, #tpu.memory_space<vmem>> -> memref<1x128x64xf32, #tpu.memory_space<vmem>>
      %dma_start3A_243 = tpu.memref_squeeze %dma_start3A_242 : memref<1x128x64xf32, #tpu.memory_space<vmem>> -> memref<128x64xf32, #tpu.memory_space<vmem>>
      %dma_start3A_244 = arith.constant 0 : i32
      %dma_start3A_245 = tpu.memref_slice %arg7[%add3A_219, %dma_start3A_244] : memref<160x128xi32, #tpu.memory_space<vmem>> -> memref<1x128xi32, #tpu.memory_space<vmem>>
      %dma_start3A_246 = tpu.memref_squeeze %dma_start3A_245 : memref<1x128xi32, #tpu.memory_space<vmem>> -> memref<128xi32, #tpu.memory_space<vmem>>
      %dma_start3A_247 = arith.constant 0 : i32
      %dma_start3A_248 = arith.constant 0 : i32
      %dma_start3A_249 = tpu.memref_slice %arg9[%dma_start3A_247, %dma_start3A_248] : memref<10240x64xf32, #tpu.memory_space<vmem_shared>> -> memref<10240x64xf32, #tpu.memory_space<vmem_shared>>
      %dma_start3A_250 = tpu.memref_slice %arg11[%dma_start3A_239] : memref<5x!tpu.dma_semaphore, #tpu.memory_space<semaphore_mem>> -> memref<1x!tpu.dma_semaphore, #tpu.memory_space<semaphore_mem>>
      %dma_start3A_251 = tpu.memref_squeeze %dma_start3A_250 : memref<1x!tpu.dma_semaphore, #tpu.memory_space<semaphore_mem>> -> memref<!tpu.dma_semaphore, #tpu.memory_space<semaphore_mem>>
      tpu.enqueue_indirect_dma source(%dma_start3A_243 : memref<128x64xf32, #tpu.memory_space<vmem>>) target(%dma_start3A_249 : memref<10240x64xf32, #tpu.memory_space<vmem_shared>>) offsets(%dma_start3A_246 : memref<128xi32, #tpu.memory_space<vmem>>) semaphore(%dma_start3A_251 : memref<!tpu.dma_semaphore, #tpu.memory_space<semaphore_mem>>) {add = true}
      %mul3A_252 = arith.constant 5 : i32
      %mul3A_253 = arith.muli %scan3A_176, %mul3A_252 : i32
      %add3A_254 = arith.constant 0 : i32
      %add3A_255 = arith.addi %add3A_254, %mul3A_253 : i32
      %add3A_256 = arith.constant 2 : i32
      %add3A_257 = arith.addi %add3A_255, %add3A_256 : i32
      %dma_wait3A_258 = arith.constant 2 : i32
      %dma_wait3A_259 = arith.constant 2 : i32
      %dma_wait3A_260 = arith.constant 0 : i32
      %dma_wait3A_261 = arith.constant 0 : i32
      %dma_wait3A_262 = tpu.memref_slice %arg8[%dma_wait3A_258, %dma_wait3A_260, %dma_wait3A_261] : memref<5x128x64xf32, #tpu.memory_space<vmem>> -> memref<1x128x64xf32, #tpu.memory_space<vmem>>
      %dma_wait3A_263 = tpu.memref_squeeze %dma_wait3A_262 : memref<1x128x64xf32, #tpu.memory_space<vmem>> -> memref<128x64xf32, #tpu.memory_space<vmem>>
      %dma_wait3A_264 = arith.constant 0 : i32
      %dma_wait3A_265 = tpu.memref_slice %arg6[%add3A_257, %dma_wait3A_264] : memref<160x128xi32, #tpu.memory_space<vmem>> -> memref<1x128xi32, #tpu.memory_space<vmem>>
      %dma_wait3A_266 = tpu.memref_squeeze %dma_wait3A_265 : memref<1x128xi32, #tpu.memory_space<vmem>> -> memref<128xi32, #tpu.memory_space<vmem>>
      %dma_wait3A_267 = arith.constant 0 : i32
      %dma_wait3A_268 = arith.constant 0 : i32
      %dma_wait3A_269 = tpu.memref_slice %arg2[%arg0, %dma_wait3A_267, %dma_wait3A_268] : memref<2x10000x64xf32, #tpu.memory_space<hbm>> -> memref<1x10000x64xf32, #tpu.memory_space<hbm>>
      %dma_wait3A_270 = tpu.memref_squeeze %dma_wait3A_269 : memref<1x10000x64xf32, #tpu.memory_space<hbm>> -> memref<10000x64xf32, #tpu.memory_space<hbm>>
      %dma_wait3A_271 = arith.constant 0 : i32
      %dma_wait3A_272 = arith.constant 0 : i32
      %dma_wait3A_273 = tpu.memref_slice %dma_wait3A_270[%dma_wait3A_271, %dma_wait3A_272] : memref<10000x64xf32, #tpu.memory_space<hbm>> -> memref<10000x64xf32, #tpu.memory_space<hbm>>
      %dma_wait3A_274 = tpu.memref_slice %arg10[%dma_wait3A_259] : memref<5x!tpu.dma_semaphore, #tpu.memory_space<semaphore_mem>> -> memref<1x!tpu.dma_semaphore, #tpu.memory_space<semaphore_mem>>
      %dma_wait3A_275 = tpu.memref_squeeze %dma_wait3A_274 : memref<1x!tpu.dma_semaphore, #tpu.memory_space<semaphore_mem>> -> memref<!tpu.dma_semaphore, #tpu.memory_space<semaphore_mem>>
      tpu.wait_indirect_dma semaphore(%dma_wait3A_275 : memref<!tpu.dma_semaphore, #tpu.memory_space<semaphore_mem>>) src(%dma_wait3A_273 : memref<10000x64xf32, #tpu.memory_space<hbm>>) dst(%dma_wait3A_263 : memref<128x64xf32, #tpu.memory_space<vmem>>)
      %dma_start3A_276 = arith.constant 2 : i32
      %dma_start3A_277 = arith.constant 2 : i32
      %dma_start3A_278 = arith.constant 0 : i32
      %dma_start3A_279 = arith.constant 0 : i32
      %dma_start3A_280 = tpu.memref_slice %arg8[%dma_start3A_276, %dma_start3A_278, %dma_start3A_279] : memref<5x128x64xf32, #tpu.memory_space<vmem>> -> memref<1x128x64xf32, #tpu.memory_space<vmem>>
      %dma_start3A_281 = tpu.memref_squeeze %dma_start3A_280 : memref<1x128x64xf32, #tpu.memory_space<vmem>> -> memref<128x64xf32, #tpu.memory_space<vmem>>
      %dma_start3A_282 = arith.constant 0 : i32
      %dma_start3A_283 = tpu.memref_slice %arg7[%add3A_257, %dma_start3A_282] : memref<160x128xi32, #tpu.memory_space<vmem>> -> memref<1x128xi32, #tpu.memory_space<vmem>>
      %dma_start3A_284 = tpu.memref_squeeze %dma_start3A_283 : memref<1x128xi32, #tpu.memory_space<vmem>> -> memref<128xi32, #tpu.memory_space<vmem>>
      %dma_start3A_285 = arith.constant 0 : i32
      %dma_start3A_286 = arith.constant 0 : i32
      %dma_start3A_287 = tpu.memref_slice %arg9[%dma_start3A_285, %dma_start3A_286] : memref<10240x64xf32, #tpu.memory_space<vmem_shared>> -> memref<10240x64xf32, #tpu.memory_space<vmem_shared>>
      %dma_start3A_288 = tpu.memref_slice %arg11[%dma_start3A_277] : memref<5x!tpu.dma_semaphore, #tpu.memory_space<semaphore_mem>> -> memref<1x!tpu.dma_semaphore, #tpu.memory_space<semaphore_mem>>
      %dma_start3A_289 = tpu.memref_squeeze %dma_start3A_288 : memref<1x!tpu.dma_semaphore, #tpu.memory_space<semaphore_mem>> -> memref<!tpu.dma_semaphore, #tpu.memory_space<semaphore_mem>>
      tpu.enqueue_indirect_dma source(%dma_start3A_281 : memref<128x64xf32, #tpu.memory_space<vmem>>) target(%dma_start3A_287 : memref<10240x64xf32, #tpu.memory_space<vmem_shared>>) offsets(%dma_start3A_284 : memref<128xi32, #tpu.memory_space<vmem>>) semaphore(%dma_start3A_289 : memref<!tpu.dma_semaphore, #tpu.memory_space<semaphore_mem>>) {add = true}
      %mul3A_290 = arith.constant 5 : i32
      %mul3A_291 = arith.muli %scan3A_176, %mul3A_290 : i32
      %add3A_292 = arith.constant 0 : i32
      %add3A_293 = arith.addi %add3A_292, %mul3A_291 : i32
      %add3A_294 = arith.constant 3 : i32
      %add3A_295 = arith.addi %add3A_293, %add3A_294 : i32
      %dma_wait3A_296 = arith.constant 3 : i32
      %dma_wait3A_297 = arith.constant 3 : i32
      %dma_wait3A_298 = arith.constant 0 : i32
      %dma_wait3A_299 = arith.constant 0 : i32
      %dma_wait3A_300 = tpu.memref_slice %arg8[%dma_wait3A_296, %dma_wait3A_298, %dma_wait3A_299] : memref<5x128x64xf32, #tpu.memory_space<vmem>> -> memref<1x128x64xf32, #tpu.memory_space<vmem>>
      %dma_wait3A_301 = tpu.memref_squeeze %dma_wait3A_300 : memref<1x128x64xf32, #tpu.memory_space<vmem>> -> memref<128x64xf32, #tpu.memory_space<vmem>>
      %dma_wait3A_302 = arith.constant 0 : i32
      %dma_wait3A_303 = tpu.memref_slice %arg6[%add3A_295, %dma_wait3A_302] : memref<160x128xi32, #tpu.memory_space<vmem>> -> memref<1x128xi32, #tpu.memory_space<vmem>>
      %dma_wait3A_304 = tpu.memref_squeeze %dma_wait3A_303 : memref<1x128xi32, #tpu.memory_space<vmem>> -> memref<128xi32, #tpu.memory_space<vmem>>
      %dma_wait3A_305 = arith.constant 0 : i32
      %dma_wait3A_306 = arith.constant 0 : i32
      %dma_wait3A_307 = tpu.memref_slice %arg2[%arg0, %dma_wait3A_305, %dma_wait3A_306] : memref<2x10000x64xf32, #tpu.memory_space<hbm>> -> memref<1x10000x64xf32, #tpu.memory_space<hbm>>
      %dma_wait3A_308 = tpu.memref_squeeze %dma_wait3A_307 : memref<1x10000x64xf32, #tpu.memory_space<hbm>> -> memref<10000x64xf32, #tpu.memory_space<hbm>>
      %dma_wait3A_309 = arith.constant 0 : i32
      %dma_wait3A_310 = arith.constant 0 : i32
      %dma_wait3A_311 = tpu.memref_slice %dma_wait3A_308[%dma_wait3A_309, %dma_wait3A_310] : memref<10000x64xf32, #tpu.memory_space<hbm>> -> memref<10000x64xf32, #tpu.memory_space<hbm>>
      %dma_wait3A_312 = tpu.memref_slice %arg10[%dma_wait3A_297] : memref<5x!tpu.dma_semaphore, #tpu.memory_space<semaphore_mem>> -> memref<1x!tpu.dma_semaphore, #tpu.memory_space<semaphore_mem>>
      %dma_wait3A_313 = tpu.memref_squeeze %dma_wait3A_312 : memref<1x!tpu.dma_semaphore, #tpu.memory_space<semaphore_mem>> -> memref<!tpu.dma_semaphore, #tpu.memory_space<semaphore_mem>>
      tpu.wait_indirect_dma semaphore(%dma_wait3A_313 : memref<!tpu.dma_semaphore, #tpu.memory_space<semaphore_mem>>) src(%dma_wait3A_311 : memref<10000x64xf32, #tpu.memory_space<hbm>>) dst(%dma_wait3A_301 : memref<128x64xf32, #tpu.memory_space<vmem>>)
      %dma_start3A_314 = arith.constant 3 : i32
      %dma_start3A_315 = arith.constant 3 : i32
      %dma_start3A_316 = arith.constant 0 : i32
      %dma_start3A_317 = arith.constant 0 : i32
      %dma_start3A_318 = tpu.memref_slice %arg8[%dma_start3A_314, %dma_start3A_316, %dma_start3A_317] : memref<5x128x64xf32, #tpu.memory_space<vmem>> -> memref<1x128x64xf32, #tpu.memory_space<vmem>>
      %dma_start3A_319 = tpu.memref_squeeze %dma_start3A_318 : memref<1x128x64xf32, #tpu.memory_space<vmem>> -> memref<128x64xf32, #tpu.memory_space<vmem>>
      %dma_start3A_320 = arith.constant 0 : i32
      %dma_start3A_321 = tpu.memref_slice %arg7[%add3A_295, %dma_start3A_320] : memref<160x128xi32, #tpu.memory_space<vmem>> -> memref<1x128xi32, #tpu.memory_space<vmem>>
      %dma_start3A_322 = tpu.memref_squeeze %dma_start3A_321 : memref<1x128xi32, #tpu.memory_space<vmem>> -> memref<128xi32, #tpu.memory_space<vmem>>
      %dma_start3A_323 = arith.constant 0 : i32
      %dma_start3A_324 = arith.constant 0 : i32
      %dma_start3A_325 = tpu.memref_slice %arg9[%dma_start3A_323, %dma_start3A_324] : memref<10240x64xf32, #tpu.memory_space<vmem_shared>> -> memref<10240x64xf32, #tpu.memory_space<vmem_shared>>
      %dma_start3A_326 = tpu.memref_slice %arg11[%dma_start3A_315] : memref<5x!tpu.dma_semaphore, #tpu.memory_space<semaphore_mem>> -> memref<1x!tpu.dma_semaphore, #tpu.memory_space<semaphore_mem>>
      %dma_start3A_327 = tpu.memref_squeeze %dma_start3A_326 : memref<1x!tpu.dma_semaphore, #tpu.memory_space<semaphore_mem>> -> memref<!tpu.dma_semaphore, #tpu.memory_space<semaphore_mem>>
      tpu.enqueue_indirect_dma source(%dma_start3A_319 : memref<128x64xf32, #tpu.memory_space<vmem>>) target(%dma_start3A_325 : memref<10240x64xf32, #tpu.memory_space<vmem_shared>>) offsets(%dma_start3A_322 : memref<128xi32, #tpu.memory_space<vmem>>) semaphore(%dma_start3A_327 : memref<!tpu.dma_semaphore, #tpu.memory_space<semaphore_mem>>) {add = true}
      %mul3A_328 = arith.constant 5 : i32
      %mul3A_329 = arith.muli %scan3A_176, %mul3A_328 : i32
      %add3A_330 = arith.constant 0 : i32
      %add3A_331 = arith.addi %add3A_330, %mul3A_329 : i32
      %add3A_332 = arith.constant 4 : i32
      %add3A_333 = arith.addi %add3A_331, %add3A_332 : i32
      %dma_wait3A_334 = arith.constant 4 : i32
      %dma_wait3A_335 = arith.constant 4 : i32
      %dma_wait3A_336 = arith.constant 0 : i32
      %dma_wait3A_337 = arith.constant 0 : i32
      %dma_wait3A_338 = tpu.memref_slice %arg8[%dma_wait3A_334, %dma_wait3A_336, %dma_wait3A_337] : memref<5x128x64xf32, #tpu.memory_space<vmem>> -> memref<1x128x64xf32, #tpu.memory_space<vmem>>
      %dma_wait3A_339 = tpu.memref_squeeze %dma_wait3A_338 : memref<1x128x64xf32, #tpu.memory_space<vmem>> -> memref<128x64xf32, #tpu.memory_space<vmem>>
      %dma_wait3A_340 = arith.constant 0 : i32
      %dma_wait3A_341 = tpu.memref_slice %arg6[%add3A_333, %dma_wait3A_340] : memref<160x128xi32, #tpu.memory_space<vmem>> -> memref<1x128xi32, #tpu.memory_space<vmem>>
      %dma_wait3A_342 = tpu.memref_squeeze %dma_wait3A_341 : memref<1x128xi32, #tpu.memory_space<vmem>> -> memref<128xi32, #tpu.memory_space<vmem>>
      %dma_wait3A_343 = arith.constant 0 : i32
      %dma_wait3A_344 = arith.constant 0 : i32
      %dma_wait3A_345 = tpu.memref_slice %arg2[%arg0, %dma_wait3A_343, %dma_wait3A_344] : memref<2x10000x64xf32, #tpu.memory_space<hbm>> -> memref<1x10000x64xf32, #tpu.memory_space<hbm>>
      %dma_wait3A_346 = tpu.memref_squeeze %dma_wait3A_345 : memref<1x10000x64xf32, #tpu.memory_space<hbm>> -> memref<10000x64xf32, #tpu.memory_space<hbm>>
      %dma_wait3A_347 = arith.constant 0 : i32
      %dma_wait3A_348 = arith.constant 0 : i32
      %dma_wait3A_349 = tpu.memref_slice %dma_wait3A_346[%dma_wait3A_347, %dma_wait3A_348] : memref<10000x64xf32, #tpu.memory_space<hbm>> -> memref<10000x64xf32, #tpu.memory_space<hbm>>
      %dma_wait3A_350 = tpu.memref_slice %arg10[%dma_wait3A_335] : memref<5x!tpu.dma_semaphore, #tpu.memory_space<semaphore_mem>> -> memref<1x!tpu.dma_semaphore, #tpu.memory_space<semaphore_mem>>
      %dma_wait3A_351 = tpu.memref_squeeze %dma_wait3A_350 : memref<1x!tpu.dma_semaphore, #tpu.memory_space<semaphore_mem>> -> memref<!tpu.dma_semaphore, #tpu.memory_space<semaphore_mem>>
      tpu.wait_indirect_dma semaphore(%dma_wait3A_351 : memref<!tpu.dma_semaphore, #tpu.memory_space<semaphore_mem>>) src(%dma_wait3A_349 : memref<10000x64xf32, #tpu.memory_space<hbm>>) dst(%dma_wait3A_339 : memref<128x64xf32, #tpu.memory_space<vmem>>)
      %dma_start3A_352 = arith.constant 4 : i32
      %dma_start3A_353 = arith.constant 4 : i32
      %dma_start3A_354 = arith.constant 0 : i32
      %dma_start3A_355 = arith.constant 0 : i32
      %dma_start3A_356 = tpu.memref_slice %arg8[%dma_start3A_352, %dma_start3A_354, %dma_start3A_355] : memref<5x128x64xf32, #tpu.memory_space<vmem>> -> memref<1x128x64xf32, #tpu.memory_space<vmem>>
      %dma_start3A_357 = tpu.memref_squeeze %dma_start3A_356 : memref<1x128x64xf32, #tpu.memory_space<vmem>> -> memref<128x64xf32, #tpu.memory_space<vmem>>
      %dma_start3A_358 = arith.constant 0 : i32
      %dma_start3A_359 = tpu.memref_slice %arg7[%add3A_333, %dma_start3A_358] : memref<160x128xi32, #tpu.memory_space<vmem>> -> memref<1x128xi32, #tpu.memory_space<vmem>>
      %dma_start3A_360 = tpu.memref_squeeze %dma_start3A_359 : memref<1x128xi32, #tpu.memory_space<vmem>> -> memref<128xi32, #tpu.memory_space<vmem>>
      %dma_start3A_361 = arith.constant 0 : i32
      %dma_start3A_362 = arith.constant 0 : i32
      %dma_start3A_363 = tpu.memref_slice %arg9[%dma_start3A_361, %dma_start3A_362] : memref<10240x64xf32, #tpu.memory_space<vmem_shared>> -> memref<10240x64xf32, #tpu.memory_space<vmem_shared>>
      %dma_start3A_364 = tpu.memref_slice %arg11[%dma_start3A_353] : memref<5x!tpu.dma_semaphore, #tpu.memory_space<semaphore_mem>> -> memref<1x!tpu.dma_semaphore, #tpu.memory_space<semaphore_mem>>
      %dma_start3A_365 = tpu.memref_squeeze %dma_start3A_364 : memref<1x!tpu.dma_semaphore, #tpu.memory_space<semaphore_mem>> -> memref<!tpu.dma_semaphore, #tpu.memory_space<semaphore_mem>>
      tpu.enqueue_indirect_dma source(%dma_start3A_357 : memref<128x64xf32, #tpu.memory_space<vmem>>) target(%dma_start3A_363 : memref<10240x64xf32, #tpu.memory_space<vmem_shared>>) offsets(%dma_start3A_360 : memref<128xi32, #tpu.memory_space<vmem>>) semaphore(%dma_start3A_365 : memref<!tpu.dma_semaphore, #tpu.memory_space<semaphore_mem>>) {add = true}
      %lt3A = arith.constant 31 : i32
      %lt3A_366 = arith.cmpi slt, %scan3A_176, %lt3A : i32
      %convert_element_type3A = arith.extui %lt3A_366 : i1 to i32
      %cond3A = arith.constant 0 : i32
      %cond3A_367 = arith.cmpi ne, %convert_element_type3A, %cond3A : i32
      scf.if %cond3A_367 {
        %mul3A_368 = arith.constant 5 : i32
        %mul3A_369 = arith.muli %scan3A_176, %mul3A_368 : i32
        %add3A_370 = arith.constant 0 : i32
        %add3A_371 = arith.addi %add3A_370, %mul3A_369 : i32
        %add3A_372 = arith.constant 0 : i32
        %add3A_373 = arith.addi %add3A_371, %add3A_372 : i32
        %dma_wait3A_374 = arith.constant 0 : i32
        %dma_wait3A_375 = arith.constant 0 : i32
        %dma_wait3A_376 = arith.constant 0 : i32
        %dma_wait3A_377 = arith.constant 0 : i32
        %dma_wait3A_378 = tpu.memref_slice %arg8[%dma_wait3A_374, %dma_wait3A_376, %dma_wait3A_377] : memref<5x128x64xf32, #tpu.memory_space<vmem>> -> memref<1x128x64xf32, #tpu.memory_space<vmem>>
        %dma_wait3A_379 = tpu.memref_squeeze %dma_wait3A_378 : memref<1x128x64xf32, #tpu.memory_space<vmem>> -> memref<128x64xf32, #tpu.memory_space<vmem>>
        %dma_wait3A_380 = arith.constant 0 : i32
        %dma_wait3A_381 = tpu.memref_slice %arg7[%add3A_373, %dma_wait3A_380] : memref<160x128xi32, #tpu.memory_space<vmem>> -> memref<1x128xi32, #tpu.memory_space<vmem>>
        %dma_wait3A_382 = tpu.memref_squeeze %dma_wait3A_381 : memref<1x128xi32, #tpu.memory_space<vmem>> -> memref<128xi32, #tpu.memory_space<vmem>>
        %dma_wait3A_383 = arith.constant 0 : i32
        %dma_wait3A_384 = arith.constant 0 : i32
        %dma_wait3A_385 = tpu.memref_slice %arg9[%dma_wait3A_383, %dma_wait3A_384] : memref<10240x64xf32, #tpu.memory_space<vmem_shared>> -> memref<10240x64xf32, #tpu.memory_space<vmem_shared>>
        %dma_wait3A_386 = tpu.memref_slice %arg11[%dma_wait3A_375] : memref<5x!tpu.dma_semaphore, #tpu.memory_space<semaphore_mem>> -> memref<1x!tpu.dma_semaphore, #tpu.memory_space<semaphore_mem>>
        %dma_wait3A_387 = tpu.memref_squeeze %dma_wait3A_386 : memref<1x!tpu.dma_semaphore, #tpu.memory_space<semaphore_mem>> -> memref<!tpu.dma_semaphore, #tpu.memory_space<semaphore_mem>>
        tpu.wait_indirect_dma semaphore(%dma_wait3A_387 : memref<!tpu.dma_semaphore, #tpu.memory_space<semaphore_mem>>) src(%dma_wait3A_379 : memref<128x64xf32, #tpu.memory_space<vmem>>) dst(%dma_wait3A_385 : memref<10240x64xf32, #tpu.memory_space<vmem_shared>>)
        %add3A_388 = arith.constant 5 : i32
        %add3A_389 = arith.addi %add3A_373, %add3A_388 : i32
        %dma_start3A_390 = arith.constant 0 : i32
        %dma_start3A_391 = arith.constant 0 : i32
        %dma_start3A_392 = arith.constant 0 : i32
        %dma_start3A_393 = arith.constant 0 : i32
        %dma_start3A_394 = tpu.memref_slice %arg8[%dma_start3A_390, %dma_start3A_392, %dma_start3A_393] : memref<5x128x64xf32, #tpu.memory_space<vmem>> -> memref<1x128x64xf32, #tpu.memory_space<vmem>>
        %dma_start3A_395 = tpu.memref_squeeze %dma_start3A_394 : memref<1x128x64xf32, #tpu.memory_space<vmem>> -> memref<128x64xf32, #tpu.memory_space<vmem>>
        %dma_start3A_396 = arith.constant 0 : i32
        %dma_start3A_397 = tpu.memref_slice %arg6[%add3A_389, %dma_start3A_396] : memref<160x128xi32, #tpu.memory_space<vmem>> -> memref<1x128xi32, #tpu.memory_space<vmem>>
        %dma_start3A_398 = tpu.memref_squeeze %dma_start3A_397 : memref<1x128xi32, #tpu.memory_space<vmem>> -> memref<128xi32, #tpu.memory_space<vmem>>
        %dma_start3A_399 = arith.constant 0 : i32
        %dma_start3A_400 = arith.constant 0 : i32
        %dma_start3A_401 = tpu.memref_slice %arg2[%arg0, %dma_start3A_399, %dma_start3A_400] : memref<2x10000x64xf32, #tpu.memory_space<hbm>> -> memref<1x10000x64xf32, #tpu.memory_space<hbm>>
        %dma_start3A_402 = tpu.memref_squeeze %dma_start3A_401 : memref<1x10000x64xf32, #tpu.memory_space<hbm>> -> memref<10000x64xf32, #tpu.memory_space<hbm>>
        %dma_start3A_403 = arith.constant 0 : i32
        %dma_start3A_404 = arith.constant 0 : i32
        %dma_start3A_405 = tpu.memref_slice %dma_start3A_402[%dma_start3A_403, %dma_start3A_404] : memref<10000x64xf32, #tpu.memory_space<hbm>> -> memref<10000x64xf32, #tpu.memory_space<hbm>>
        %dma_start3A_406 = tpu.memref_slice %arg10[%dma_start3A_391] : memref<5x!tpu.dma_semaphore, #tpu.memory_space<semaphore_mem>> -> memref<1x!tpu.dma_semaphore, #tpu.memory_space<semaphore_mem>>
        %dma_start3A_407 = tpu.memref_squeeze %dma_start3A_406 : memref<1x!tpu.dma_semaphore, #tpu.memory_space<semaphore_mem>> -> memref<!tpu.dma_semaphore, #tpu.memory_space<semaphore_mem>>
        tpu.enqueue_indirect_dma source(%dma_start3A_405 : memref<10000x64xf32, #tpu.memory_space<hbm>>) target(%dma_start3A_395 : memref<128x64xf32, #tpu.memory_space<vmem>>) offsets(%dma_start3A_398 : memref<128xi32, #tpu.memory_space<vmem>>) semaphore(%dma_start3A_407 : memref<!tpu.dma_semaphore, #tpu.memory_space<semaphore_mem>>)
        %mul3A_408 = arith.constant 5 : i32
        %mul3A_409 = arith.muli %scan3A_176, %mul3A_408 : i32
        %add3A_410 = arith.constant 0 : i32
        %add3A_411 = arith.addi %add3A_410, %mul3A_409 : i32
        %add3A_412 = arith.constant 1 : i32
        %add3A_413 = arith.addi %add3A_411, %add3A_412 : i32
        %dma_wait3A_414 = arith.constant 1 : i32
        %dma_wait3A_415 = arith.constant 1 : i32
        %dma_wait3A_416 = arith.constant 0 : i32
        %dma_wait3A_417 = arith.constant 0 : i32
        %dma_wait3A_418 = tpu.memref_slice %arg8[%dma_wait3A_414, %dma_wait3A_416, %dma_wait3A_417] : memref<5x128x64xf32, #tpu.memory_space<vmem>> -> memref<1x128x64xf32, #tpu.memory_space<vmem>>
        %dma_wait3A_419 = tpu.memref_squeeze %dma_wait3A_418 : memref<1x128x64xf32, #tpu.memory_space<vmem>> -> memref<128x64xf32, #tpu.memory_space<vmem>>
        %dma_wait3A_420 = arith.constant 0 : i32
        %dma_wait3A_421 = tpu.memref_slice %arg7[%add3A_413, %dma_wait3A_420] : memref<160x128xi32, #tpu.memory_space<vmem>> -> memref<1x128xi32, #tpu.memory_space<vmem>>
        %dma_wait3A_422 = tpu.memref_squeeze %dma_wait3A_421 : memref<1x128xi32, #tpu.memory_space<vmem>> -> memref<128xi32, #tpu.memory_space<vmem>>
        %dma_wait3A_423 = arith.constant 0 : i32
        %dma_wait3A_424 = arith.constant 0 : i32
        %dma_wait3A_425 = tpu.memref_slice %arg9[%dma_wait3A_423, %dma_wait3A_424] : memref<10240x64xf32, #tpu.memory_space<vmem_shared>> -> memref<10240x64xf32, #tpu.memory_space<vmem_shared>>
        %dma_wait3A_426 = tpu.memref_slice %arg11[%dma_wait3A_415] : memref<5x!tpu.dma_semaphore, #tpu.memory_space<semaphore_mem>> -> memref<1x!tpu.dma_semaphore, #tpu.memory_space<semaphore_mem>>
        %dma_wait3A_427 = tpu.memref_squeeze %dma_wait3A_426 : memref<1x!tpu.dma_semaphore, #tpu.memory_space<semaphore_mem>> -> memref<!tpu.dma_semaphore, #tpu.memory_space<semaphore_mem>>
        tpu.wait_indirect_dma semaphore(%dma_wait3A_427 : memref<!tpu.dma_semaphore, #tpu.memory_space<semaphore_mem>>) src(%dma_wait3A_419 : memref<128x64xf32, #tpu.memory_space<vmem>>) dst(%dma_wait3A_425 : memref<10240x64xf32, #tpu.memory_space<vmem_shared>>)
        %add3A_428 = arith.constant 5 : i32
        %add3A_429 = arith.addi %add3A_413, %add3A_428 : i32
        %dma_start3A_430 = arith.constant 1 : i32
        %dma_start3A_431 = arith.constant 1 : i32
        %dma_start3A_432 = arith.constant 0 : i32
        %dma_start3A_433 = arith.constant 0 : i32
        %dma_start3A_434 = tpu.memref_slice %arg8[%dma_start3A_430, %dma_start3A_432, %dma_start3A_433] : memref<5x128x64xf32, #tpu.memory_space<vmem>> -> memref<1x128x64xf32, #tpu.memory_space<vmem>>
        %dma_start3A_435 = tpu.memref_squeeze %dma_start3A_434 : memref<1x128x64xf32, #tpu.memory_space<vmem>> -> memref<128x64xf32, #tpu.memory_space<vmem>>
        %dma_start3A_436 = arith.constant 0 : i32
        %dma_start3A_437 = tpu.memref_slice %arg6[%add3A_429, %dma_start3A_436] : memref<160x128xi32, #tpu.memory_space<vmem>> -> memref<1x128xi32, #tpu.memory_space<vmem>>
        %dma_start3A_438 = tpu.memref_squeeze %dma_start3A_437 : memref<1x128xi32, #tpu.memory_space<vmem>> -> memref<128xi32, #tpu.memory_space<vmem>>
        %dma_start3A_439 = arith.constant 0 : i32
        %dma_start3A_440 = arith.constant 0 : i32
        %dma_start3A_441 = tpu.memref_slice %arg2[%arg0, %dma_start3A_439, %dma_start3A_440] : memref<2x10000x64xf32, #tpu.memory_space<hbm>> -> memref<1x10000x64xf32, #tpu.memory_space<hbm>>
        %dma_start3A_442 = tpu.memref_squeeze %dma_start3A_441 : memref<1x10000x64xf32, #tpu.memory_space<hbm>> -> memref<10000x64xf32, #tpu.memory_space<hbm>>
        %dma_start3A_443 = arith.constant 0 : i32
        %dma_start3A_444 = arith.constant 0 : i32
        %dma_start3A_445 = tpu.memref_slice %dma_start3A_442[%dma_start3A_443, %dma_start3A_444] : memref<10000x64xf32, #tpu.memory_space<hbm>> -> memref<10000x64xf32, #tpu.memory_space<hbm>>
        %dma_start3A_446 = tpu.memref_slice %arg10[%dma_start3A_431] : memref<5x!tpu.dma_semaphore, #tpu.memory_space<semaphore_mem>> -> memref<1x!tpu.dma_semaphore, #tpu.memory_space<semaphore_mem>>
        %dma_start3A_447 = tpu.memref_squeeze %dma_start3A_446 : memref<1x!tpu.dma_semaphore, #tpu.memory_space<semaphore_mem>> -> memref<!tpu.dma_semaphore, #tpu.memory_space<semaphore_mem>>
        tpu.enqueue_indirect_dma source(%dma_start3A_445 : memref<10000x64xf32, #tpu.memory_space<hbm>>) target(%dma_start3A_435 : memref<128x64xf32, #tpu.memory_space<vmem>>) offsets(%dma_start3A_438 : memref<128xi32, #tpu.memory_space<vmem>>) semaphore(%dma_start3A_447 : memref<!tpu.dma_semaphore, #tpu.memory_space<semaphore_mem>>)
        %mul3A_448 = arith.constant 5 : i32
        %mul3A_449 = arith.muli %scan3A_176, %mul3A_448 : i32
        %add3A_450 = arith.constant 0 : i32
        %add3A_451 = arith.addi %add3A_450, %mul3A_449 : i32
        %add3A_452 = arith.constant 2 : i32
        %add3A_453 = arith.addi %add3A_451, %add3A_452 : i32
        %dma_wait3A_454 = arith.constant 2 : i32
        %dma_wait3A_455 = arith.constant 2 : i32
        %dma_wait3A_456 = arith.constant 0 : i32
        %dma_wait3A_457 = arith.constant 0 : i32
        %dma_wait3A_458 = tpu.memref_slice %arg8[%dma_wait3A_454, %dma_wait3A_456, %dma_wait3A_457] : memref<5x128x64xf32, #tpu.memory_space<vmem>> -> memref<1x128x64xf32, #tpu.memory_space<vmem>>
        %dma_wait3A_459 = tpu.memref_squeeze %dma_wait3A_458 : memref<1x128x64xf32, #tpu.memory_space<vmem>> -> memref<128x64xf32, #tpu.memory_space<vmem>>
        %dma_wait3A_460 = arith.constant 0 : i32
        %dma_wait3A_461 = tpu.memref_slice %arg7[%add3A_453, %dma_wait3A_460] : memref<160x128xi32, #tpu.memory_space<vmem>> -> memref<1x128xi32, #tpu.memory_space<vmem>>
        %dma_wait3A_462 = tpu.memref_squeeze %dma_wait3A_461 : memref<1x128xi32, #tpu.memory_space<vmem>> -> memref<128xi32, #tpu.memory_space<vmem>>
        %dma_wait3A_463 = arith.constant 0 : i32
        %dma_wait3A_464 = arith.constant 0 : i32
        %dma_wait3A_465 = tpu.memref_slice %arg9[%dma_wait3A_463, %dma_wait3A_464] : memref<10240x64xf32, #tpu.memory_space<vmem_shared>> -> memref<10240x64xf32, #tpu.memory_space<vmem_shared>>
        %dma_wait3A_466 = tpu.memref_slice %arg11[%dma_wait3A_455] : memref<5x!tpu.dma_semaphore, #tpu.memory_space<semaphore_mem>> -> memref<1x!tpu.dma_semaphore, #tpu.memory_space<semaphore_mem>>
        %dma_wait3A_467 = tpu.memref_squeeze %dma_wait3A_466 : memref<1x!tpu.dma_semaphore, #tpu.memory_space<semaphore_mem>> -> memref<!tpu.dma_semaphore, #tpu.memory_space<semaphore_mem>>
        tpu.wait_indirect_dma semaphore(%dma_wait3A_467 : memref<!tpu.dma_semaphore, #tpu.memory_space<semaphore_mem>>) src(%dma_wait3A_459 : memref<128x64xf32, #tpu.memory_space<vmem>>) dst(%dma_wait3A_465 : memref<10240x64xf32, #tpu.memory_space<vmem_shared>>)
        %add3A_468 = arith.constant 5 : i32
        %add3A_469 = arith.addi %add3A_453, %add3A_468 : i32
        %dma_start3A_470 = arith.constant 2 : i32
        %dma_start3A_471 = arith.constant 2 : i32
        %dma_start3A_472 = arith.constant 0 : i32
        %dma_start3A_473 = arith.constant 0 : i32
        %dma_start3A_474 = tpu.memref_slice %arg8[%dma_start3A_470, %dma_start3A_472, %dma_start3A_473] : memref<5x128x64xf32, #tpu.memory_space<vmem>> -> memref<1x128x64xf32, #tpu.memory_space<vmem>>
        %dma_start3A_475 = tpu.memref_squeeze %dma_start3A_474 : memref<1x128x64xf32, #tpu.memory_space<vmem>> -> memref<128x64xf32, #tpu.memory_space<vmem>>
        %dma_start3A_476 = arith.constant 0 : i32
        %dma_start3A_477 = tpu.memref_slice %arg6[%add3A_469, %dma_start3A_476] : memref<160x128xi32, #tpu.memory_space<vmem>> -> memref<1x128xi32, #tpu.memory_space<vmem>>
        %dma_start3A_478 = tpu.memref_squeeze %dma_start3A_477 : memref<1x128xi32, #tpu.memory_space<vmem>> -> memref<128xi32, #tpu.memory_space<vmem>>
        %dma_start3A_479 = arith.constant 0 : i32
        %dma_start3A_480 = arith.constant 0 : i32
        %dma_start3A_481 = tpu.memref_slice %arg2[%arg0, %dma_start3A_479, %dma_start3A_480] : memref<2x10000x64xf32, #tpu.memory_space<hbm>> -> memref<1x10000x64xf32, #tpu.memory_space<hbm>>
        %dma_start3A_482 = tpu.memref_squeeze %dma_start3A_481 : memref<1x10000x64xf32, #tpu.memory_space<hbm>> -> memref<10000x64xf32, #tpu.memory_space<hbm>>
        %dma_start3A_483 = arith.constant 0 : i32
        %dma_start3A_484 = arith.constant 0 : i32
        %dma_start3A_485 = tpu.memref_slice %dma_start3A_482[%dma_start3A_483, %dma_start3A_484] : memref<10000x64xf32, #tpu.memory_space<hbm>> -> memref<10000x64xf32, #tpu.memory_space<hbm>>
        %dma_start3A_486 = tpu.memref_slice %arg10[%dma_start3A_471] : memref<5x!tpu.dma_semaphore, #tpu.memory_space<semaphore_mem>> -> memref<1x!tpu.dma_semaphore, #tpu.memory_space<semaphore_mem>>
        %dma_start3A_487 = tpu.memref_squeeze %dma_start3A_486 : memref<1x!tpu.dma_semaphore, #tpu.memory_space<semaphore_mem>> -> memref<!tpu.dma_semaphore, #tpu.memory_space<semaphore_mem>>
        tpu.enqueue_indirect_dma source(%dma_start3A_485 : memref<10000x64xf32, #tpu.memory_space<hbm>>) target(%dma_start3A_475 : memref<128x64xf32, #tpu.memory_space<vmem>>) offsets(%dma_start3A_478 : memref<128xi32, #tpu.memory_space<vmem>>) semaphore(%dma_start3A_487 : memref<!tpu.dma_semaphore, #tpu.memory_space<semaphore_mem>>)
        %mul3A_488 = arith.constant 5 : i32
        %mul3A_489 = arith.muli %scan3A_176, %mul3A_488 : i32
        %add3A_490 = arith.constant 0 : i32
        %add3A_491 = arith.addi %add3A_490, %mul3A_489 : i32
        %add3A_492 = arith.constant 3 : i32
        %add3A_493 = arith.addi %add3A_491, %add3A_492 : i32
        %dma_wait3A_494 = arith.constant 3 : i32
        %dma_wait3A_495 = arith.constant 3 : i32
        %dma_wait3A_496 = arith.constant 0 : i32
        %dma_wait3A_497 = arith.constant 0 : i32
        %dma_wait3A_498 = tpu.memref_slice %arg8[%dma_wait3A_494, %dma_wait3A_496, %dma_wait3A_497] : memref<5x128x64xf32, #tpu.memory_space<vmem>> -> memref<1x128x64xf32, #tpu.memory_space<vmem>>
        %dma_wait3A_499 = tpu.memref_squeeze %dma_wait3A_498 : memref<1x128x64xf32, #tpu.memory_space<vmem>> -> memref<128x64xf32, #tpu.memory_space<vmem>>
        %dma_wait3A_500 = arith.constant 0 : i32
        %dma_wait3A_501 = tpu.memref_slice %arg7[%add3A_493, %dma_wait3A_500] : memref<160x128xi32, #tpu.memory_space<vmem>> -> memref<1x128xi32, #tpu.memory_space<vmem>>
        %dma_wait3A_502 = tpu.memref_squeeze %dma_wait3A_501 : memref<1x128xi32, #tpu.memory_space<vmem>> -> memref<128xi32, #tpu.memory_space<vmem>>
        %dma_wait3A_503 = arith.constant 0 : i32
        %dma_wait3A_504 = arith.constant 0 : i32
        %dma_wait3A_505 = tpu.memref_slice %arg9[%dma_wait3A_503, %dma_wait3A_504] : memref<10240x64xf32, #tpu.memory_space<vmem_shared>> -> memref<10240x64xf32, #tpu.memory_space<vmem_shared>>
        %dma_wait3A_506 = tpu.memref_slice %arg11[%dma_wait3A_495] : memref<5x!tpu.dma_semaphore, #tpu.memory_space<semaphore_mem>> -> memref<1x!tpu.dma_semaphore, #tpu.memory_space<semaphore_mem>>
        %dma_wait3A_507 = tpu.memref_squeeze %dma_wait3A_506 : memref<1x!tpu.dma_semaphore, #tpu.memory_space<semaphore_mem>> -> memref<!tpu.dma_semaphore, #tpu.memory_space<semaphore_mem>>
        tpu.wait_indirect_dma semaphore(%dma_wait3A_507 : memref<!tpu.dma_semaphore, #tpu.memory_space<semaphore_mem>>) src(%dma_wait3A_499 : memref<128x64xf32, #tpu.memory_space<vmem>>) dst(%dma_wait3A_505 : memref<10240x64xf32, #tpu.memory_space<vmem_shared>>)
        %add3A_508 = arith.constant 5 : i32
        %add3A_509 = arith.addi %add3A_493, %add3A_508 : i32
        %dma_start3A_510 = arith.constant 3 : i32
        %dma_start3A_511 = arith.constant 3 : i32
        %dma_start3A_512 = arith.constant 0 : i32
        %dma_start3A_513 = arith.constant 0 : i32
        %dma_start3A_514 = tpu.memref_slice %arg8[%dma_start3A_510, %dma_start3A_512, %dma_start3A_513] : memref<5x128x64xf32, #tpu.memory_space<vmem>> -> memref<1x128x64xf32, #tpu.memory_space<vmem>>
        %dma_start3A_515 = tpu.memref_squeeze %dma_start3A_514 : memref<1x128x64xf32, #tpu.memory_space<vmem>> -> memref<128x64xf32, #tpu.memory_space<vmem>>
        %dma_start3A_516 = arith.constant 0 : i32
        %dma_start3A_517 = tpu.memref_slice %arg6[%add3A_509, %dma_start3A_516] : memref<160x128xi32, #tpu.memory_space<vmem>> -> memref<1x128xi32, #tpu.memory_space<vmem>>
        %dma_start3A_518 = tpu.memref_squeeze %dma_start3A_517 : memref<1x128xi32, #tpu.memory_space<vmem>> -> memref<128xi32, #tpu.memory_space<vmem>>
        %dma_start3A_519 = arith.constant 0 : i32
        %dma_start3A_520 = arith.constant 0 : i32
        %dma_start3A_521 = tpu.memref_slice %arg2[%arg0, %dma_start3A_519, %dma_start3A_520] : memref<2x10000x64xf32, #tpu.memory_space<hbm>> -> memref<1x10000x64xf32, #tpu.memory_space<hbm>>
        %dma_start3A_522 = tpu.memref_squeeze %dma_start3A_521 : memref<1x10000x64xf32, #tpu.memory_space<hbm>> -> memref<10000x64xf32, #tpu.memory_space<hbm>>
        %dma_start3A_523 = arith.constant 0 : i32
        %dma_start3A_524 = arith.constant 0 : i32
        %dma_start3A_525 = tpu.memref_slice %dma_start3A_522[%dma_start3A_523, %dma_start3A_524] : memref<10000x64xf32, #tpu.memory_space<hbm>> -> memref<10000x64xf32, #tpu.memory_space<hbm>>
        %dma_start3A_526 = tpu.memref_slice %arg10[%dma_start3A_511] : memref<5x!tpu.dma_semaphore, #tpu.memory_space<semaphore_mem>> -> memref<1x!tpu.dma_semaphore, #tpu.memory_space<semaphore_mem>>
        %dma_start3A_527 = tpu.memref_squeeze %dma_start3A_526 : memref<1x!tpu.dma_semaphore, #tpu.memory_space<semaphore_mem>> -> memref<!tpu.dma_semaphore, #tpu.memory_space<semaphore_mem>>
        tpu.enqueue_indirect_dma source(%dma_start3A_525 : memref<10000x64xf32, #tpu.memory_space<hbm>>) target(%dma_start3A_515 : memref<128x64xf32, #tpu.memory_space<vmem>>) offsets(%dma_start3A_518 : memref<128xi32, #tpu.memory_space<vmem>>) semaphore(%dma_start3A_527 : memref<!tpu.dma_semaphore, #tpu.memory_space<semaphore_mem>>)
        %mul3A_528 = arith.constant 5 : i32
        %mul3A_529 = arith.muli %scan3A_176, %mul3A_528 : i32
        %add3A_530 = arith.constant 0 : i32
        %add3A_531 = arith.addi %add3A_530, %mul3A_529 : i32
        %add3A_532 = arith.constant 4 : i32
        %add3A_533 = arith.addi %add3A_531, %add3A_532 : i32
        %dma_wait3A_534 = arith.constant 4 : i32
        %dma_wait3A_535 = arith.constant 4 : i32
        %dma_wait3A_536 = arith.constant 0 : i32
        %dma_wait3A_537 = arith.constant 0 : i32
        %dma_wait3A_538 = tpu.memref_slice %arg8[%dma_wait3A_534, %dma_wait3A_536, %dma_wait3A_537] : memref<5x128x64xf32, #tpu.memory_space<vmem>> -> memref<1x128x64xf32, #tpu.memory_space<vmem>>
        %dma_wait3A_539 = tpu.memref_squeeze %dma_wait3A_538 : memref<1x128x64xf32, #tpu.memory_space<vmem>> -> memref<128x64xf32, #tpu.memory_space<vmem>>
        %dma_wait3A_540 = arith.constant 0 : i32
        %dma_wait3A_541 = tpu.memref_slice %arg7[%add3A_533, %dma_wait3A_540] : memref<160x128xi32, #tpu.memory_space<vmem>> -> memref<1x128xi32, #tpu.memory_space<vmem>>
        %dma_wait3A_542 = tpu.memref_squeeze %dma_wait3A_541 : memref<1x128xi32, #tpu.memory_space<vmem>> -> memref<128xi32, #tpu.memory_space<vmem>>
        %dma_wait3A_543 = arith.constant 0 : i32
        %dma_wait3A_544 = arith.constant 0 : i32
        %dma_wait3A_545 = tpu.memref_slice %arg9[%dma_wait3A_543, %dma_wait3A_544] : memref<10240x64xf32, #tpu.memory_space<vmem_shared>> -> memref<10240x64xf32, #tpu.memory_space<vmem_shared>>
        %dma_wait3A_546 = tpu.memref_slice %arg11[%dma_wait3A_535] : memref<5x!tpu.dma_semaphore, #tpu.memory_space<semaphore_mem>> -> memref<1x!tpu.dma_semaphore, #tpu.memory_space<semaphore_mem>>
        %dma_wait3A_547 = tpu.memref_squeeze %dma_wait3A_546 : memref<1x!tpu.dma_semaphore, #tpu.memory_space<semaphore_mem>> -> memref<!tpu.dma_semaphore, #tpu.memory_space<semaphore_mem>>
        tpu.wait_indirect_dma semaphore(%dma_wait3A_547 : memref<!tpu.dma_semaphore, #tpu.memory_space<semaphore_mem>>) src(%dma_wait3A_539 : memref<128x64xf32, #tpu.memory_space<vmem>>) dst(%dma_wait3A_545 : memref<10240x64xf32, #tpu.memory_space<vmem_shared>>)
        %add3A_548 = arith.constant 5 : i32
        %add3A_549 = arith.addi %add3A_533, %add3A_548 : i32
        %dma_start3A_550 = arith.constant 4 : i32
        %dma_start3A_551 = arith.constant 4 : i32
        %dma_start3A_552 = arith.constant 0 : i32
        %dma_start3A_553 = arith.constant 0 : i32
        %dma_start3A_554 = tpu.memref_slice %arg8[%dma_start3A_550, %dma_start3A_552, %dma_start3A_553] : memref<5x128x64xf32, #tpu.memory_space<vmem>> -> memref<1x128x64xf32, #tpu.memory_space<vmem>>
        %dma_start3A_555 = tpu.memref_squeeze %dma_start3A_554 : memref<1x128x64xf32, #tpu.memory_space<vmem>> -> memref<128x64xf32, #tpu.memory_space<vmem>>
        %dma_start3A_556 = arith.constant 0 : i32
        %dma_start3A_557 = tpu.memref_slice %arg6[%add3A_549, %dma_start3A_556] : memref<160x128xi32, #tpu.memory_space<vmem>> -> memref<1x128xi32, #tpu.memory_space<vmem>>
        %dma_start3A_558 = tpu.memref_squeeze %dma_start3A_557 : memref<1x128xi32, #tpu.memory_space<vmem>> -> memref<128xi32, #tpu.memory_space<vmem>>
        %dma_start3A_559 = arith.constant 0 : i32
        %dma_start3A_560 = arith.constant 0 : i32
        %dma_start3A_561 = tpu.memref_slice %arg2[%arg0, %dma_start3A_559, %dma_start3A_560] : memref<2x10000x64xf32, #tpu.memory_space<hbm>> -> memref<1x10000x64xf32, #tpu.memory_space<hbm>>
        %dma_start3A_562 = tpu.memref_squeeze %dma_start3A_561 : memref<1x10000x64xf32, #tpu.memory_space<hbm>> -> memref<10000x64xf32, #tpu.memory_space<hbm>>
        %dma_start3A_563 = arith.constant 0 : i32
        %dma_start3A_564 = arith.constant 0 : i32
        %dma_start3A_565 = tpu.memref_slice %dma_start3A_562[%dma_start3A_563, %dma_start3A_564] : memref<10000x64xf32, #tpu.memory_space<hbm>> -> memref<10000x64xf32, #tpu.memory_space<hbm>>
        %dma_start3A_566 = tpu.memref_slice %arg10[%dma_start3A_551] : memref<5x!tpu.dma_semaphore, #tpu.memory_space<semaphore_mem>> -> memref<1x!tpu.dma_semaphore, #tpu.memory_space<semaphore_mem>>
        %dma_start3A_567 = tpu.memref_squeeze %dma_start3A_566 : memref<1x!tpu.dma_semaphore, #tpu.memory_space<semaphore_mem>> -> memref<!tpu.dma_semaphore, #tpu.memory_space<semaphore_mem>>
        tpu.enqueue_indirect_dma source(%dma_start3A_565 : memref<10000x64xf32, #tpu.memory_space<hbm>>) target(%dma_start3A_555 : memref<128x64xf32, #tpu.memory_space<vmem>>) offsets(%dma_start3A_558 : memref<128xi32, #tpu.memory_space<vmem>>) semaphore(%dma_start3A_567 : memref<!tpu.dma_semaphore, #tpu.memory_space<semaphore_mem>>)
      } else {
      }
    }
    %scan3A_100 = arith.constant 32 : i32
    %dma_wait3A = arith.constant 0 : i32
    %dma_wait3A_101 = arith.constant 155 : i32
    %dma_wait3A_102 = arith.constant 0 : i32
    %dma_wait3A_103 = arith.constant 0 : i32
    %dma_wait3A_104 = arith.constant 0 : i32
    %dma_wait3A_105 = tpu.memref_slice %arg8[%dma_wait3A, %dma_wait3A_103, %dma_wait3A_104] : memref<5x128x64xf32, #tpu.memory_space<vmem>> -> memref<1x128x64xf32, #tpu.memory_space<vmem>>
    %dma_wait3A_106 = tpu.memref_squeeze %dma_wait3A_105 : memref<1x128x64xf32, #tpu.memory_space<vmem>> -> memref<128x64xf32, #tpu.memory_space<vmem>>
    %dma_wait3A_107 = arith.constant 0 : i32
    %dma_wait3A_108 = tpu.memref_slice %arg7[%dma_wait3A_101, %dma_wait3A_107] : memref<160x128xi32, #tpu.memory_space<vmem>> -> memref<1x128xi32, #tpu.memory_space<vmem>>
    %dma_wait3A_109 = tpu.memref_squeeze %dma_wait3A_108 : memref<1x128xi32, #tpu.memory_space<vmem>> -> memref<128xi32, #tpu.memory_space<vmem>>
    %dma_wait3A_110 = arith.constant 0 : i32
    %dma_wait3A_111 = arith.constant 0 : i32
    %dma_wait3A_112 = tpu.memref_slice %arg9[%dma_wait3A_110, %dma_wait3A_111] : memref<10240x64xf32, #tpu.memory_space<vmem_shared>> -> memref<10240x64xf32, #tpu.memory_space<vmem_shared>>
    %dma_wait3A_113 = tpu.memref_slice %arg11[%dma_wait3A_102] : memref<5x!tpu.dma_semaphore, #tpu.memory_space<semaphore_mem>> -> memref<1x!tpu.dma_semaphore, #tpu.memory_space<semaphore_mem>>
    %dma_wait3A_114 = tpu.memref_squeeze %dma_wait3A_113 : memref<1x!tpu.dma_semaphore, #tpu.memory_space<semaphore_mem>> -> memref<!tpu.dma_semaphore, #tpu.memory_space<semaphore_mem>>
    tpu.wait_indirect_dma semaphore(%dma_wait3A_114 : memref<!tpu.dma_semaphore, #tpu.memory_space<semaphore_mem>>) src(%dma_wait3A_106 : memref<128x64xf32, #tpu.memory_space<vmem>>) dst(%dma_wait3A_112 : memref<10240x64xf32, #tpu.memory_space<vmem_shared>>)
    %dma_wait3A_115 = arith.constant 1 : i32
    %dma_wait3A_116 = arith.constant 156 : i32
    %dma_wait3A_117 = arith.constant 1 : i32
    %dma_wait3A_118 = arith.constant 0 : i32
    %dma_wait3A_119 = arith.constant 0 : i32
    %dma_wait3A_120 = tpu.memref_slice %arg8[%dma_wait3A_115, %dma_wait3A_118, %dma_wait3A_119] : memref<5x128x64xf32, #tpu.memory_space<vmem>> -> memref<1x128x64xf32, #tpu.memory_space<vmem>>
    %dma_wait3A_121 = tpu.memref_squeeze %dma_wait3A_120 : memref<1x128x64xf32, #tpu.memory_space<vmem>> -> memref<128x64xf32, #tpu.memory_space<vmem>>
    %dma_wait3A_122 = arith.constant 0 : i32
    %dma_wait3A_123 = tpu.memref_slice %arg7[%dma_wait3A_116, %dma_wait3A_122] : memref<160x128xi32, #tpu.memory_space<vmem>> -> memref<1x128xi32, #tpu.memory_space<vmem>>
    %dma_wait3A_124 = tpu.memref_squeeze %dma_wait3A_123 : memref<1x128xi32, #tpu.memory_space<vmem>> -> memref<128xi32, #tpu.memory_space<vmem>>
    %dma_wait3A_125 = arith.constant 0 : i32
    %dma_wait3A_126 = arith.constant 0 : i32
    %dma_wait3A_127 = tpu.memref_slice %arg9[%dma_wait3A_125, %dma_wait3A_126] : memref<10240x64xf32, #tpu.memory_space<vmem_shared>> -> memref<10240x64xf32, #tpu.memory_space<vmem_shared>>
    %dma_wait3A_128 = tpu.memref_slice %arg11[%dma_wait3A_117] : memref<5x!tpu.dma_semaphore, #tpu.memory_space<semaphore_mem>> -> memref<1x!tpu.dma_semaphore, #tpu.memory_space<semaphore_mem>>
    %dma_wait3A_129 = tpu.memref_squeeze %dma_wait3A_128 : memref<1x!tpu.dma_semaphore, #tpu.memory_space<semaphore_mem>> -> memref<!tpu.dma_semaphore, #tpu.memory_space<semaphore_mem>>
    tpu.wait_indirect_dma semaphore(%dma_wait3A_129 : memref<!tpu.dma_semaphore, #tpu.memory_space<semaphore_mem>>) src(%dma_wait3A_121 : memref<128x64xf32, #tpu.memory_space<vmem>>) dst(%dma_wait3A_127 : memref<10240x64xf32, #tpu.memory_space<vmem_shared>>)
    %dma_wait3A_130 = arith.constant 2 : i32
    %dma_wait3A_131 = arith.constant 157 : i32
    %dma_wait3A_132 = arith.constant 2 : i32
    %dma_wait3A_133 = arith.constant 0 : i32
    %dma_wait3A_134 = arith.constant 0 : i32
    %dma_wait3A_135 = tpu.memref_slice %arg8[%dma_wait3A_130, %dma_wait3A_133, %dma_wait3A_134] : memref<5x128x64xf32, #tpu.memory_space<vmem>> -> memref<1x128x64xf32, #tpu.memory_space<vmem>>
    %dma_wait3A_136 = tpu.memref_squeeze %dma_wait3A_135 : memref<1x128x64xf32, #tpu.memory_space<vmem>> -> memref<128x64xf32, #tpu.memory_space<vmem>>
    %dma_wait3A_137 = arith.constant 0 : i32
    %dma_wait3A_138 = tpu.memref_slice %arg7[%dma_wait3A_131, %dma_wait3A_137] : memref<160x128xi32, #tpu.memory_space<vmem>> -> memref<1x128xi32, #tpu.memory_space<vmem>>
    %dma_wait3A_139 = tpu.memref_squeeze %dma_wait3A_138 : memref<1x128xi32, #tpu.memory_space<vmem>> -> memref<128xi32, #tpu.memory_space<vmem>>
    %dma_wait3A_140 = arith.constant 0 : i32
    %dma_wait3A_141 = arith.constant 0 : i32
    %dma_wait3A_142 = tpu.memref_slice %arg9[%dma_wait3A_140, %dma_wait3A_141] : memref<10240x64xf32, #tpu.memory_space<vmem_shared>> -> memref<10240x64xf32, #tpu.memory_space<vmem_shared>>
    %dma_wait3A_143 = tpu.memref_slice %arg11[%dma_wait3A_132] : memref<5x!tpu.dma_semaphore, #tpu.memory_space<semaphore_mem>> -> memref<1x!tpu.dma_semaphore, #tpu.memory_space<semaphore_mem>>
    %dma_wait3A_144 = tpu.memref_squeeze %dma_wait3A_143 : memref<1x!tpu.dma_semaphore, #tpu.memory_space<semaphore_mem>> -> memref<!tpu.dma_semaphore, #tpu.memory_space<semaphore_mem>>
    tpu.wait_indirect_dma semaphore(%dma_wait3A_144 : memref<!tpu.dma_semaphore, #tpu.memory_space<semaphore_mem>>) src(%dma_wait3A_136 : memref<128x64xf32, #tpu.memory_space<vmem>>) dst(%dma_wait3A_142 : memref<10240x64xf32, #tpu.memory_space<vmem_shared>>)
    %dma_wait3A_145 = arith.constant 3 : i32
    %dma_wait3A_146 = arith.constant 158 : i32
    %dma_wait3A_147 = arith.constant 3 : i32
    %dma_wait3A_148 = arith.constant 0 : i32
    %dma_wait3A_149 = arith.constant 0 : i32
    %dma_wait3A_150 = tpu.memref_slice %arg8[%dma_wait3A_145, %dma_wait3A_148, %dma_wait3A_149] : memref<5x128x64xf32, #tpu.memory_space<vmem>> -> memref<1x128x64xf32, #tpu.memory_space<vmem>>
    %dma_wait3A_151 = tpu.memref_squeeze %dma_wait3A_150 : memref<1x128x64xf32, #tpu.memory_space<vmem>> -> memref<128x64xf32, #tpu.memory_space<vmem>>
    %dma_wait3A_152 = arith.constant 0 : i32
    %dma_wait3A_153 = tpu.memref_slice %arg7[%dma_wait3A_146, %dma_wait3A_152] : memref<160x128xi32, #tpu.memory_space<vmem>> -> memref<1x128xi32, #tpu.memory_space<vmem>>
    %dma_wait3A_154 = tpu.memref_squeeze %dma_wait3A_153 : memref<1x128xi32, #tpu.memory_space<vmem>> -> memref<128xi32, #tpu.memory_space<vmem>>
    %dma_wait3A_155 = arith.constant 0 : i32
    %dma_wait3A_156 = arith.constant 0 : i32
    %dma_wait3A_157 = tpu.memref_slice %arg9[%dma_wait3A_155, %dma_wait3A_156] : memref<10240x64xf32, #tpu.memory_space<vmem_shared>> -> memref<10240x64xf32, #tpu.memory_space<vmem_shared>>
    %dma_wait3A_158 = tpu.memref_slice %arg11[%dma_wait3A_147] : memref<5x!tpu.dma_semaphore, #tpu.memory_space<semaphore_mem>> -> memref<1x!tpu.dma_semaphore, #tpu.memory_space<semaphore_mem>>
    %dma_wait3A_159 = tpu.memref_squeeze %dma_wait3A_158 : memref<1x!tpu.dma_semaphore, #tpu.memory_space<semaphore_mem>> -> memref<!tpu.dma_semaphore, #tpu.memory_space<semaphore_mem>>
    tpu.wait_indirect_dma semaphore(%dma_wait3A_159 : memref<!tpu.dma_semaphore, #tpu.memory_space<semaphore_mem>>) src(%dma_wait3A_151 : memref<128x64xf32, #tpu.memory_space<vmem>>) dst(%dma_wait3A_157 : memref<10240x64xf32, #tpu.memory_space<vmem_shared>>)
    %dma_wait3A_160 = arith.constant 4 : i32
    %dma_wait3A_161 = arith.constant 159 : i32
    %dma_wait3A_162 = arith.constant 4 : i32
    %dma_wait3A_163 = arith.constant 0 : i32
    %dma_wait3A_164 = arith.constant 0 : i32
    %dma_wait3A_165 = tpu.memref_slice %arg8[%dma_wait3A_160, %dma_wait3A_163, %dma_wait3A_164] : memref<5x128x64xf32, #tpu.memory_space<vmem>> -> memref<1x128x64xf32, #tpu.memory_space<vmem>>
    %dma_wait3A_166 = tpu.memref_squeeze %dma_wait3A_165 : memref<1x128x64xf32, #tpu.memory_space<vmem>> -> memref<128x64xf32, #tpu.memory_space<vmem>>
    %dma_wait3A_167 = arith.constant 0 : i32
    %dma_wait3A_168 = tpu.memref_slice %arg7[%dma_wait3A_161, %dma_wait3A_167] : memref<160x128xi32, #tpu.memory_space<vmem>> -> memref<1x128xi32, #tpu.memory_space<vmem>>
    %dma_wait3A_169 = tpu.memref_squeeze %dma_wait3A_168 : memref<1x128xi32, #tpu.memory_space<vmem>> -> memref<128xi32, #tpu.memory_space<vmem>>
    %dma_wait3A_170 = arith.constant 0 : i32
    %dma_wait3A_171 = arith.constant 0 : i32
    %dma_wait3A_172 = tpu.memref_slice %arg9[%dma_wait3A_170, %dma_wait3A_171] : memref<10240x64xf32, #tpu.memory_space<vmem_shared>> -> memref<10240x64xf32, #tpu.memory_space<vmem_shared>>
    %dma_wait3A_173 = tpu.memref_slice %arg11[%dma_wait3A_162] : memref<5x!tpu.dma_semaphore, #tpu.memory_space<semaphore_mem>> -> memref<1x!tpu.dma_semaphore, #tpu.memory_space<semaphore_mem>>
    %dma_wait3A_174 = tpu.memref_squeeze %dma_wait3A_173 : memref<1x!tpu.dma_semaphore, #tpu.memory_space<semaphore_mem>> -> memref<!tpu.dma_semaphore, #tpu.memory_space<semaphore_mem>>
    tpu.wait_indirect_dma semaphore(%dma_wait3A_174 : memref<!tpu.dma_semaphore, #tpu.memory_space<semaphore_mem>>) src(%dma_wait3A_166 : memref<128x64xf32, #tpu.memory_space<vmem>>) dst(%dma_wait3A_172 : memref<10240x64xf32, #tpu.memory_space<vmem_shared>>)
    %barrier3A_175 = arith.constant 0 : index
    tpu.barrier barrier_id(%barrier3A_175)
    "tpu.region"() ({
      %run_scoped3A_176 = tpu.sem_alloc : memref<!tpu.dma_semaphore, #tpu.memory_space<semaphore_mem>>
      %dma_start3A_177 = arith.constant 0 : i32
      %dma_start3A_178 = tpu.memref_slice %arg5[%arg0, %mul3A_0, %dma_start3A_177] : memref<2x10240x64xf32, #tpu.memory_space<hbm>> -> memref<1x640x64xf32, #tpu.memory_space<hbm>>
      %dma_start3A_179 = tpu.memref_squeeze %dma_start3A_178 : memref<1x640x64xf32, #tpu.memory_space<hbm>> -> memref<640x64xf32, #tpu.memory_space<hbm>>
      %dma_start3A_180 = arith.constant 0 : i32
      %dma_start3A_181 = tpu.memref_slice %arg9[%mul3A_0, %dma_start3A_180] : memref<10240x64xf32, #tpu.memory_space<vmem_shared>> -> memref<640x64xf32, #tpu.memory_space<vmem_shared>>
      tpu.enqueue_dma source(%dma_start3A_181 : memref<640x64xf32, #tpu.memory_space<vmem_shared>>) target(%dma_start3A_179 : memref<640x64xf32, #tpu.memory_space<hbm>>) target_semaphore(%run_scoped3A_176 : memref<!tpu.dma_semaphore, #tpu.memory_space<semaphore_mem>>)
      %dma_wait3A_182 = arith.constant 0 : i32
      %dma_wait3A_183 = tpu.memref_slice %arg5[%arg0, %mul3A_0, %dma_wait3A_182] : memref<2x10240x64xf32, #tpu.memory_space<hbm>> -> memref<1x640x64xf32, #tpu.memory_space<hbm>>
      %dma_wait3A_184 = tpu.memref_squeeze %dma_wait3A_183 : memref<1x640x64xf32, #tpu.memory_space<hbm>> -> memref<640x64xf32, #tpu.memory_space<hbm>>
      %dma_wait3A_185 = arith.constant 0 : i32
      %dma_wait3A_186 = tpu.memref_slice %arg9[%mul3A_0, %dma_wait3A_185] : memref<10240x64xf32, #tpu.memory_space<vmem_shared>> -> memref<640x64xf32, #tpu.memory_space<vmem_shared>>
      tpu.wait_dma2 semaphore(%run_scoped3A_176 : memref<!tpu.dma_semaphore, #tpu.memory_space<semaphore_mem>>) src(%dma_wait3A_186 : memref<640x64xf32, #tpu.memory_space<vmem_shared>>) dst(%dma_wait3A_184 : memref<640x64xf32, #tpu.memory_space<hbm>>)
      tpu.yield
    }) : () -> ()
    return
  }
}

module attributes {stable_mosaic.version = 14 : i64} {
  func.func @_tc1_body(%arg0: i32, %arg1: memref<1000x128xf32, #tpu.memory_space<vmem>>, %arg2: memref<128x128xf32, #tpu.memory_space<vmem>>, %arg3: memref<2x1000x16xf32, #tpu.memory_space<vmem>>, %arg4: memref<2x1000x64xf32, #tpu.memory_space<vmem>>) attributes {dimension_semantics = [#tpu.dimension_semantics<arbitrary>], iteration_bounds = array<i64: 10>, scalar_prefetch = 0 : i64, scratch_operands = 0 : i64, tpu.core_type = #tpu.core_type<tc>, window_params = [{transform_indices = @transform_0, window_bounds = array<i64: 1000, 128>}, {pipeline_mode = #tpu.pipeline_mode<synchronous>, transform_indices = @transform_1, window_bounds = array<i64: 128, 128>}, {transform_indices = @transform_2, window_bounds = array<i64: 2, 1000, 16>}, {transform_indices = @transform_3, window_bounds = array<i64: 2, 1000, 64>}]} {
    %get3A = arith.constant 0 : index
    %get3A_0 = arith.constant 0 : index
    %get3A_1 = arith.constant 0 : index
    %get3A_2 = vector.load %arg3[%get3A, %get3A_0, %get3A_1] : memref<2x1000x16xf32, #tpu.memory_space<vmem>>, vector<1x1000x1xf32>
    %get3A_3 = vector.shape_cast %get3A_2 : vector<1x1000x1xf32> to vector<1000x1xf32>
    %get3A_4 = arith.constant 1 : index
    %get3A_5 = arith.constant 0 : index
    %get3A_6 = arith.constant 0 : index
    %get3A_7 = vector.load %arg3[%get3A_4, %get3A_5, %get3A_6] : memref<2x1000x16xf32, #tpu.memory_space<vmem>>, vector<1x1000x1xf32>
    %get3A_8 = vector.shape_cast %get3A_7 : vector<1x1000x1xf32> to vector<1000x1xf32>
    %add3A = arith.addf %get3A_3, %get3A_8 : vector<1000x1xf32>
    %add3A_9 = arith.constant 1.000000e+00 : f32
    %add3A_10 = vector.broadcast %add3A_9 : f32 to vector<1000x1xf32>
    %add3A_11 = arith.addf %add3A, %add3A_10 : vector<1000x1xf32>
    %rsqrt3A = math.rsqrt %add3A_11 : vector<1000x1xf32>
    %get3A_12 = arith.constant 0 : index
    %get3A_13 = arith.constant 0 : index
    %get3A_14 = vector.load %arg1[%get3A_12, %get3A_13] : memref<1000x128xf32, #tpu.memory_space<vmem>>, vector<1000x128xf32>
    %get3A_15 = arith.constant 0 : index
    %get3A_16 = arith.constant 0 : index
    %get3A_17 = vector.load %arg2[%get3A_15, %get3A_16] : memref<128x128xf32, #tpu.memory_space<vmem>>, vector<128x128xf32>
    %dot_general3A = arith.constant dense<0.000000e+00> : vector<1000x128xf32>
    %dot_general3A_18 = tpu.matmul %get3A_14, %get3A_17, %dot_general3A {dimension_numbers = #tpu.dot_dimension_numbers<[1], [0], [0], [1], [0, 0, 1, 1], [], []>, transpose_lhs_hint = false} : vector<1000x128xf32>, vector<128x128xf32>, vector<1000x128xf32> -> vector<1000x128xf32>
    %mul3A = vector.broadcast %rsqrt3A : vector<1000x1xf32> to vector<1000x128xf32>
    %mul3A_19 = arith.mulf %mul3A, %dot_general3A_18 : vector<1000x128xf32>
    %slice3A = vector.extract_strided_slice %mul3A_19 {offsets = [0, 0], sizes = [1000, 64], strides = [1, 1]} : vector<1000x128xf32> to vector<1000x64xf32>
    %swap3A = arith.constant 0 : index
    %swap3A_20 = arith.constant 0 : index
    %swap3A_21 = arith.constant 0 : index
    %swap3A_22 = vector.load %arg4[%swap3A, %swap3A_20, %swap3A_21] : memref<2x1000x64xf32, #tpu.memory_space<vmem>>, vector<1x1000x64xf32>
    %swap3A_23 = vector.shape_cast %swap3A_22 : vector<1x1000x64xf32> to vector<1000x64xf32>
    %swap3A_24 = vector.shape_cast %slice3A : vector<1000x64xf32> to vector<1x1000x64xf32>
    tpu.vector_store %arg4[%swap3A, %swap3A_20, %swap3A_21], %swap3A_24 {strides = array<i32>} : memref<2x1000x64xf32, #tpu.memory_space<vmem>>, vector<1x1000x64xf32>,
    %slice3A_25 = vector.extract_strided_slice %mul3A_19 {offsets = [0, 64], sizes = [1000, 64], strides = [1, 1]} : vector<1000x128xf32> to vector<1000x64xf32>
    %swap3A_26 = arith.constant 1 : index
    %swap3A_27 = arith.constant 0 : index
    %swap3A_28 = arith.constant 0 : index
    %swap3A_29 = vector.load %arg4[%swap3A_26, %swap3A_27, %swap3A_28] : memref<2x1000x64xf32, #tpu.memory_space<vmem>>, vector<1x1000x64xf32>
    %swap3A_30 = vector.shape_cast %swap3A_29 : vector<1x1000x64xf32> to vector<1000x64xf32>
    %swap3A_31 = vector.shape_cast %slice3A_25 : vector<1000x64xf32> to vector<1x1000x64xf32>
    tpu.vector_store %arg4[%swap3A_26, %swap3A_27, %swap3A_28], %swap3A_31 {strides = array<i32>} : memref<2x1000x64xf32, #tpu.memory_space<vmem>>, vector<1x1000x64xf32>,
    return
  }
  func.func @transform_0(%arg0: i32) -> (i32, i32) {
    %c0_i32 = arith.constant 0 : i32
    %c0_i32_0 = arith.constant 0 : i32
    return %arg0, %c0_i32 : i32, i32
  }
  func.func @transform_1(%arg0: i32) -> (i32, i32) {
    %c0_i32 = arith.constant 0 : i32
    %c0_i32_0 = arith.constant 0 : i32
    %c0_i32_1 = arith.constant 0 : i32
    return %c0_i32, %c0_i32_0 : i32, i32
  }
  func.func @transform_2(%arg0: i32) -> (i32, i32, i32) {
    %c0_i32 = arith.constant 0 : i32
    %c0_i32_0 = arith.constant 0 : i32
    %c0_i32_1 = arith.constant 0 : i32
    return %c0_i32, %arg0, %c0_i32_0 : i32, i32, i32
  }
  func.func @transform_3(%arg0: i32) -> (i32, i32, i32) {
    %c0_i32 = arith.constant 0 : i32
    %c0_i32_0 = arith.constant 0 : i32
    %c0_i32_1 = arith.constant 0 : i32
    return %c0_i32, %arg0, %c0_i32_0 : i32, i32, i32
  }
}

module attributes {stable_mosaic.version = 14 : i64} {
  func.func @_tc2_body(%arg0: i32, %arg1: memref<2x1000x64xf32, #tpu.memory_space<vmem>>, %arg2: memref<2x1000x64xf32, #tpu.memory_space<vmem>>, %arg3: memref<2x1000x16xf32, #tpu.memory_space<vmem>>, %arg4: memref<1x128xf32, #tpu.memory_space<vmem>>, %arg5: memref<128x128xf32, #tpu.memory_space<vmem>>, %arg6: memref<2x1000x64xf32, #tpu.memory_space<vmem>>) attributes {dimension_semantics = [#tpu.dimension_semantics<arbitrary>], iteration_bounds = array<i64: 10>, scalar_prefetch = 0 : i64, scratch_operands = 0 : i64, tpu.core_type = #tpu.core_type<tc>, window_params = [{transform_indices = @transform_0, window_bounds = array<i64: 2, 1000, 64>}, {transform_indices = @transform_1, window_bounds = array<i64: 2, 1000, 64>}, {transform_indices = @transform_2, window_bounds = array<i64: 2, 1000, 16>}, {pipeline_mode = #tpu.pipeline_mode<synchronous>, transform_indices = @transform_3, window_bounds = array<i64: 1, 128>}, {pipeline_mode = #tpu.pipeline_mode<synchronous>, transform_indices = @transform_4, window_bounds = array<i64: 128, 128>}, {transform_indices = @transform_5, window_bounds = array<i64: 2, 1000, 64>}]} {
    %get3A = arith.constant 0 : index
    %get3A_0 = arith.constant 0 : index
    %get3A_1 = arith.constant 0 : index
    %get3A_2 = vector.load %arg3[%get3A, %get3A_0, %get3A_1] : memref<2x1000x16xf32, #tpu.memory_space<vmem>>, vector<1x1000x1xf32>
    %get3A_3 = vector.shape_cast %get3A_2 : vector<1x1000x1xf32> to vector<1000x1xf32>
    %get3A_4 = arith.constant 1 : index
    %get3A_5 = arith.constant 0 : index
    %get3A_6 = arith.constant 0 : index
    %get3A_7 = vector.load %arg3[%get3A_4, %get3A_5, %get3A_6] : memref<2x1000x16xf32, #tpu.memory_space<vmem>>, vector<1x1000x1xf32>
    %get3A_8 = vector.shape_cast %get3A_7 : vector<1x1000x1xf32> to vector<1000x1xf32>
    %add3A = arith.addf %get3A_3, %get3A_8 : vector<1000x1xf32>
    %add3A_9 = arith.constant 1.000000e+00 : f32
    %add3A_10 = vector.broadcast %add3A_9 : f32 to vector<1000x1xf32>
    %add3A_11 = arith.addf %add3A, %add3A_10 : vector<1000x1xf32>
    %rsqrt3A = math.rsqrt %add3A_11 : vector<1000x1xf32>
    %get3A_12 = arith.constant 0 : index
    %get3A_13 = arith.constant 0 : index
    %get3A_14 = arith.constant 0 : index
    %get3A_15 = vector.load %arg1[%get3A_12, %get3A_13, %get3A_14] : memref<2x1000x64xf32, #tpu.memory_space<vmem>>, vector<1x1000x64xf32>
    %get3A_16 = vector.shape_cast %get3A_15 : vector<1x1000x64xf32> to vector<1000x64xf32>
    %get3A_17 = arith.constant 0 : index
    %get3A_18 = arith.constant 0 : index
    %get3A_19 = arith.constant 0 : index
    %get3A_20 = vector.load %arg2[%get3A_17, %get3A_18, %get3A_19] : memref<2x1000x64xf32, #tpu.memory_space<vmem>>, vector<1x1000x64xf32>
    %get3A_21 = vector.shape_cast %get3A_20 : vector<1x1000x64xf32> to vector<1000x64xf32>
    %add3A_22 = arith.addf %get3A_16, %get3A_21 : vector<1000x64xf32>
    %get3A_23 = arith.constant 1 : index
    %get3A_24 = arith.constant 0 : index
    %get3A_25 = arith.constant 0 : index
    %get3A_26 = vector.load %arg1[%get3A_23, %get3A_24, %get3A_25] : memref<2x1000x64xf32, #tpu.memory_space<vmem>>, vector<1x1000x64xf32>
    %get3A_27 = vector.shape_cast %get3A_26 : vector<1x1000x64xf32> to vector<1000x64xf32>
    %get3A_28 = arith.constant 1 : index
    %get3A_29 = arith.constant 0 : index
    %get3A_30 = arith.constant 0 : index
    %get3A_31 = vector.load %arg2[%get3A_28, %get3A_29, %get3A_30] : memref<2x1000x64xf32, #tpu.memory_space<vmem>>, vector<1x1000x64xf32>
    %get3A_32 = vector.shape_cast %get3A_31 : vector<1x1000x64xf32> to vector<1000x64xf32>
    %add3A_33 = arith.addf %get3A_27, %get3A_32 : vector<1000x64xf32>
    %concatenate3A = tpu.concatenate %add3A_22, %add3A_33 in 1 : vector<1000x64xf32>, vector<1000x64xf32> -> vector<1000x128xf32>
    %mul3A = vector.broadcast %rsqrt3A : vector<1000x1xf32> to vector<1000x128xf32>
    %mul3A_34 = arith.mulf %mul3A, %concatenate3A : vector<1000x128xf32>
    %get3A_35 = arith.constant 0 : index
    %get3A_36 = arith.constant 0 : index
    %get3A_37 = vector.load %arg4[%get3A_35, %get3A_36] : memref<1x128xf32, #tpu.memory_space<vmem>>, vector<1x128xf32>
    %add3A_38 = vector.broadcast %get3A_37 : vector<1x128xf32> to vector<1000x128xf32>
    %add3A_39 = arith.addf %mul3A_34, %add3A_38 : vector<1000x128xf32>
    %max3A = arith.constant 0.000000e+00 : f32
    %max3A_40 = vector.broadcast %max3A : f32 to vector<1000x128xf32>
    %max3A_41 = arith.maximumf %add3A_39, %max3A_40 : vector<1000x128xf32>
    %get3A_42 = arith.constant 0 : index
    %get3A_43 = arith.constant 0 : index
    %get3A_44 = vector.load %arg5[%get3A_42, %get3A_43] : memref<128x128xf32, #tpu.memory_space<vmem>>, vector<128x128xf32>
    %dot_general3A = arith.constant dense<0.000000e+00> : vector<1000x128xf32>
    %dot_general3A_45 = tpu.matmul %max3A_41, %get3A_44, %dot_general3A {dimension_numbers = #tpu.dot_dimension_numbers<[1], [0], [0], [1], [0, 0, 1, 1], [], []>, transpose_lhs_hint = false} : vector<1000x128xf32>, vector<128x128xf32>, vector<1000x128xf32> -> vector<1000x128xf32>
    %mul3A_46 = vector.broadcast %rsqrt3A : vector<1000x1xf32> to vector<1000x128xf32>
    %mul3A_47 = arith.mulf %mul3A_46, %dot_general3A_45 : vector<1000x128xf32>
    %slice3A = vector.extract_strided_slice %mul3A_47 {offsets = [0, 0], sizes = [1000, 64], strides = [1, 1]} : vector<1000x128xf32> to vector<1000x64xf32>
    %swap3A = arith.constant 0 : index
    %swap3A_48 = arith.constant 0 : index
    %swap3A_49 = arith.constant 0 : index
    %swap3A_50 = vector.load %arg6[%swap3A, %swap3A_48, %swap3A_49] : memref<2x1000x64xf32, #tpu.memory_space<vmem>>, vector<1x1000x64xf32>
    %swap3A_51 = vector.shape_cast %swap3A_50 : vector<1x1000x64xf32> to vector<1000x64xf32>
    %swap3A_52 = vector.shape_cast %slice3A : vector<1000x64xf32> to vector<1x1000x64xf32>
    tpu.vector_store %arg6[%swap3A, %swap3A_48, %swap3A_49], %swap3A_52 {strides = array<i32>} : memref<2x1000x64xf32, #tpu.memory_space<vmem>>, vector<1x1000x64xf32>,
    %slice3A_53 = vector.extract_strided_slice %mul3A_47 {offsets = [0, 64], sizes = [1000, 64], strides = [1, 1]} : vector<1000x128xf32> to vector<1000x64xf32>
    %swap3A_54 = arith.constant 1 : index
    %swap3A_55 = arith.constant 0 : index
    %swap3A_56 = arith.constant 0 : index
    %swap3A_57 = vector.load %arg6[%swap3A_54, %swap3A_55, %swap3A_56] : memref<2x1000x64xf32, #tpu.memory_space<vmem>>, vector<1x1000x64xf32>
    %swap3A_58 = vector.shape_cast %swap3A_57 : vector<1x1000x64xf32> to vector<1000x64xf32>
    %swap3A_59 = vector.shape_cast %slice3A_53 : vector<1000x64xf32> to vector<1x1000x64xf32>
    tpu.vector_store %arg6[%swap3A_54, %swap3A_55, %swap3A_56], %swap3A_59 {strides = array<i32>} : memref<2x1000x64xf32, #tpu.memory_space<vmem>>, vector<1x1000x64xf32>,
    return
  }
  func.func @transform_0(%arg0: i32) -> (i32, i32, i32) {
    %c0_i32 = arith.constant 0 : i32
    %c0_i32_0 = arith.constant 0 : i32
    %c0_i32_1 = arith.constant 0 : i32
    return %c0_i32, %arg0, %c0_i32_0 : i32, i32, i32
  }
  func.func @transform_1(%arg0: i32) -> (i32, i32, i32) {
    %c0_i32 = arith.constant 0 : i32
    %c0_i32_0 = arith.constant 0 : i32
    %c0_i32_1 = arith.constant 0 : i32
    return %c0_i32, %arg0, %c0_i32_0 : i32, i32, i32
  }
  func.func @transform_2(%arg0: i32) -> (i32, i32, i32) {
    %c0_i32 = arith.constant 0 : i32
    %c0_i32_0 = arith.constant 0 : i32
    %c0_i32_1 = arith.constant 0 : i32
    return %c0_i32, %arg0, %c0_i32_0 : i32, i32, i32
  }
  func.func @transform_3(%arg0: i32) -> (i32, i32) {
    %c0_i32 = arith.constant 0 : i32
    %c0_i32_0 = arith.constant 0 : i32
    %c0_i32_1 = arith.constant 0 : i32
    return %c0_i32, %c0_i32_0 : i32, i32
  }
  func.func @transform_4(%arg0: i32) -> (i32, i32) {
    %c0_i32 = arith.constant 0 : i32
    %c0_i32_0 = arith.constant 0 : i32
    %c0_i32_1 = arith.constant 0 : i32
    return %c0_i32, %c0_i32_0 : i32, i32
  }
  func.func @transform_5(%arg0: i32) -> (i32, i32, i32) {
    %c0_i32 = arith.constant 0 : i32
    %c0_i32_0 = arith.constant 0 : i32
    %c0_i32_1 = arith.constant 0 : i32
    return %c0_i32, %arg0, %c0_i32_0 : i32, i32, i32
  }
}

module attributes {stable_mosaic.version = 14 : i64} {
  func.func @_tc3_body(%arg0: i32, %arg1: memref<2x1000x64xf32, #tpu.memory_space<vmem>>, %arg2: memref<2x1000x64xf32, #tpu.memory_space<vmem>>, %arg3: memref<2x1000x16xf32, #tpu.memory_space<vmem>>, %arg4: memref<1x128xf32, #tpu.memory_space<vmem>>, %arg5: memref<1000x128xf32, #tpu.memory_space<vmem>>) attributes {dimension_semantics = [#tpu.dimension_semantics<arbitrary>], iteration_bounds = array<i64: 10>, scalar_prefetch = 0 : i64, scratch_operands = 0 : i64, tpu.core_type = #tpu.core_type<tc>, window_params = [{transform_indices = @transform_0, window_bounds = array<i64: 2, 1000, 64>}, {transform_indices = @transform_1, window_bounds = array<i64: 2, 1000, 64>}, {transform_indices = @transform_2, window_bounds = array<i64: 2, 1000, 16>}, {pipeline_mode = #tpu.pipeline_mode<synchronous>, transform_indices = @transform_3, window_bounds = array<i64: 1, 128>}, {transform_indices = @transform_4, window_bounds = array<i64: 1000, 128>}]} {
    %get3A = arith.constant 0 : index
    %get3A_0 = arith.constant 0 : index
    %get3A_1 = arith.constant 0 : index
    %get3A_2 = vector.load %arg3[%get3A, %get3A_0, %get3A_1] : memref<2x1000x16xf32, #tpu.memory_space<vmem>>, vector<1x1000x1xf32>
    %get3A_3 = vector.shape_cast %get3A_2 : vector<1x1000x1xf32> to vector<1000x1xf32>
    %get3A_4 = arith.constant 1 : index
    %get3A_5 = arith.constant 0 : index
    %get3A_6 = arith.constant 0 : index
    %get3A_7 = vector.load %arg3[%get3A_4, %get3A_5, %get3A_6] : memref<2x1000x16xf32, #tpu.memory_space<vmem>>, vector<1x1000x1xf32>
    %get3A_8 = vector.shape_cast %get3A_7 : vector<1x1000x1xf32> to vector<1000x1xf32>
    %add3A = arith.addf %get3A_3, %get3A_8 : vector<1000x1xf32>
    %add3A_9 = arith.constant 1.000000e+00 : f32
    %add3A_10 = vector.broadcast %add3A_9 : f32 to vector<1000x1xf32>
    %add3A_11 = arith.addf %add3A, %add3A_10 : vector<1000x1xf32>
    %rsqrt3A = math.rsqrt %add3A_11 : vector<1000x1xf32>
    %get3A_12 = arith.constant 0 : index
    %get3A_13 = arith.constant 0 : index
    %get3A_14 = arith.constant 0 : index
    %get3A_15 = vector.load %arg1[%get3A_12, %get3A_13, %get3A_14] : memref<2x1000x64xf32, #tpu.memory_space<vmem>>, vector<1x1000x64xf32>
    %get3A_16 = vector.shape_cast %get3A_15 : vector<1x1000x64xf32> to vector<1000x64xf32>
    %get3A_17 = arith.constant 0 : index
    %get3A_18 = arith.constant 0 : index
    %get3A_19 = arith.constant 0 : index
    %get3A_20 = vector.load %arg2[%get3A_17, %get3A_18, %get3A_19] : memref<2x1000x64xf32, #tpu.memory_space<vmem>>, vector<1x1000x64xf32>
    %get3A_21 = vector.shape_cast %get3A_20 : vector<1x1000x64xf32> to vector<1000x64xf32>
    %add3A_22 = arith.addf %get3A_16, %get3A_21 : vector<1000x64xf32>
    %get3A_23 = arith.constant 1 : index
    %get3A_24 = arith.constant 0 : index
    %get3A_25 = arith.constant 0 : index
    %get3A_26 = vector.load %arg1[%get3A_23, %get3A_24, %get3A_25] : memref<2x1000x64xf32, #tpu.memory_space<vmem>>, vector<1x1000x64xf32>
    %get3A_27 = vector.shape_cast %get3A_26 : vector<1x1000x64xf32> to vector<1000x64xf32>
    %get3A_28 = arith.constant 1 : index
    %get3A_29 = arith.constant 0 : index
    %get3A_30 = arith.constant 0 : index
    %get3A_31 = vector.load %arg2[%get3A_28, %get3A_29, %get3A_30] : memref<2x1000x64xf32, #tpu.memory_space<vmem>>, vector<1x1000x64xf32>
    %get3A_32 = vector.shape_cast %get3A_31 : vector<1x1000x64xf32> to vector<1000x64xf32>
    %add3A_33 = arith.addf %get3A_27, %get3A_32 : vector<1000x64xf32>
    %concatenate3A = tpu.concatenate %add3A_22, %add3A_33 in 1 : vector<1000x64xf32>, vector<1000x64xf32> -> vector<1000x128xf32>
    %mul3A = vector.broadcast %rsqrt3A : vector<1000x1xf32> to vector<1000x128xf32>
    %mul3A_34 = arith.mulf %mul3A, %concatenate3A : vector<1000x128xf32>
    %get3A_35 = arith.constant 0 : index
    %get3A_36 = arith.constant 0 : index
    %get3A_37 = vector.load %arg4[%get3A_35, %get3A_36] : memref<1x128xf32, #tpu.memory_space<vmem>>, vector<1x128xf32>
    %add3A_38 = vector.broadcast %get3A_37 : vector<1x128xf32> to vector<1000x128xf32>
    %add3A_39 = arith.addf %mul3A_34, %add3A_38 : vector<1000x128xf32>
    %swap3A = arith.constant 0 : index
    %swap3A_40 = arith.constant 0 : index
    %swap3A_41 = vector.load %arg5[%swap3A, %swap3A_40] : memref<1000x128xf32, #tpu.memory_space<vmem>>, vector<1000x128xf32>
    tpu.vector_store %arg5[%swap3A, %swap3A_40], %add3A_39 {strides = array<i32>} : memref<1000x128xf32, #tpu.memory_space<vmem>>, vector<1000x128xf32>,
    return
  }
  func.func @transform_0(%arg0: i32) -> (i32, i32, i32) {
    %c0_i32 = arith.constant 0 : i32
    %c0_i32_0 = arith.constant 0 : i32
    %c0_i32_1 = arith.constant 0 : i32
    return %c0_i32, %arg0, %c0_i32_0 : i32, i32, i32
  }
  func.func @transform_1(%arg0: i32) -> (i32, i32, i32) {
    %c0_i32 = arith.constant 0 : i32
    %c0_i32_0 = arith.constant 0 : i32
    %c0_i32_1 = arith.constant 0 : i32
    return %c0_i32, %arg0, %c0_i32_0 : i32, i32, i32
  }
  func.func @transform_2(%arg0: i32) -> (i32, i32, i32) {
    %c0_i32 = arith.constant 0 : i32
    %c0_i32_0 = arith.constant 0 : i32
    %c0_i32_1 = arith.constant 0 : i32
    return %c0_i32, %arg0, %c0_i32_0 : i32, i32, i32
  }
  func.func @transform_3(%arg0: i32) -> (i32, i32) {
    %c0_i32 = arith.constant 0 : i32
    %c0_i32_0 = arith.constant 0 : i32
    %c0_i32_1 = arith.constant 0 : i32
    return %c0_i32, %c0_i32_0 : i32, i32
  }
  func.func @transform_4(%arg0: i32) -> (i32, i32) {
    %c0_i32 = arith.constant 0 : i32
    %c0_i32_0 = arith.constant 0 : i32
    return %arg0, %c0_i32 : i32, i32
  }
}

</mosaic_0001>

<sc_bundles>
// kernel: kernel.11.cloned.1.call-start
scs
__scs_entry_jumppad:
0x0: {  	(pc) =	sbr.rel $0x88, $3  }
0x1: {  	(tag) =	ssettag $0x0;
	lr =	simm.s32 $0x1  }
0x2: {  	[smem:$0x3F9B] =	sst lr;
	_ =	strace $0xD0000000  }
0x3: {  	_ = 	snop  }
0x4: {  	_ = 	snop  }
0x5: {  	_ = 	snop  }
0x6: {  	_ = 	snop  }
0x7: {  	_ = 	snop  }
__scs_overlays_trampoline_lowered:
0x8: {  	[smem:$0x3FAA] =	sst s0  }
0x9: {  	[smem:$0x3FAB] =	sst s1  }
0xa: {  	[smem:$0x3FAC] =	sst s2  }
0xb: {  	[smem:$0x3FAD] =	sst s3  }
0xc: {  	[smem:$0x3FAE] =	sst s4  }
0xd: {  	[smem:$0x3FAF] =	sst s5  }
0xe: {  	[smem:$0x3FB0] =	sst s6  }
0xf: {  	[smem:$0x3FB1] =	sst s7  }
0x10: {  	[smem:$0x3FB2] =	sst s8  }
0x11: {  	[smem:$0x3FB3] =	sst s9;
	s0 =	simm.s32 @!p0 $0x0  }
0x12: {  	s1 =	sld [smem:$0x3F99];
	s0 =	simm.s32 @p0 $0x1  }
0x13: {  	[smem:$0x3FB4] =	sst s0;
	s0 =	simm.s32 @!p1 $0x0  }
0x14: {  	s2 =	sld [smem:$0x3F98];
	s0 =	simm.s32 @p1 $0x1  }
0x15: {  	[smem:$0x3FB5] =	sst s0;
	s0 =	simm.s32 @!p2 $0x0  }
0x16: {  	s3 =	sld [smem:$0x3FDB];
	s0 =	simm.s32 @p2 $0x1  }
0x17: {  	s4 =	simm.s32 $0x1BF5;
	[smem:$0x3FB7] =	sst s0  }
0x18: {  	s0 =	sld [smem:$0x3F9A];
	_ =	swait.ge [sflag:s4], $0x0  }
0x19: {  	s7 =	sld [smem:$0x3F9B]  }
0x1a: {  	s8 =	sadd.s32 $0xFFFFE003, lr  }
0x1b: {  	s9 =	sadd.s32 $0xFFFFFEF7, lr;
	s5 =	simm.s32 $0xFFFFFFFF;
	p2 =	slt.u32 s8, $0xFFFFF086  }
0x1c: {  	p1 =	slt.u32 s9, $0xF7A;
	s5 =	simm.s32 @!p2 $0x0  }
0x1d: {  	s5 =	simm.s32 @p1 $0x1;
	p0 =	seq.s32 s7, s2  }
0x1e: {  	s7 =	smul.u32 @!p0 $0xF7A, s2;
	p2 =	seq.s32 @!p0 s5, $0x0  }
0x1f: {  	s9 =	smul.u32 $0xF7A, s1;
	s8 =	simm.s32 @!p0 $0x1BF5;
	p2 =	por !p2, p0  }
0x20: {  	[sflag:s8] =	ssyncset.s32 @!p0 $0xFFFFF086;
	s6 =	sadd.s32 @!p0 s3, s7;
	s7 =	simm.s32 @!p0 $0x108  }
0x21: {  	s3 =	sadd.s32 s3, s9;
	s6 =	sadd.s32 @!p0 $0x88, s6;
	s7 =	simm.s32 @p2 $0x1082  }
0x22: {  	[simem:s7], [sflag:s8] =	dma.local @!p0 [hbm:s6], $0xF7A  }
0x23: {  	s9 =	sor.u32 $0xD0000000, s2;
	s6 =	simm.s32 $0x108;
	_ =	swait.ge @!p0 [sflag:s8], $0x0  }
0x24: {  	s3 =	sadd.s32 $0x88, s3;
	s6 =	simm.s32 @!p1 $0x1082;
	[sflag:s4] =	ssyncset.s32 $0xFFFFF086  }
0x25: {  	[simem:s6], [sflag:s4] =	dma.local [hbm:s3], $0xF7A  }
0x26: {  	[smem:$0x3F9B] =	sst s1;
	(tag) =	ssettag s2;
	_ =	strace s9  }
0x27: {  	s1 =	sld [smem:$0x3FAB]  }
0x28: {  	s2 =	sld [smem:$0x3FAC]  }
0x29: {  	s4 =	sld [smem:$0x3FAE]  }
0x2a: {  	p0 =	seq.s32 s5, $0x0;
	s5 =	sld [smem:$0x3FAF]  }
0x2b: {  	s6 =	sld [smem:$0x3FB0]  }
0x2c: {  	s7 =	sld [smem:$0x3FB1]  }
0x2d: {  	s3 =	simm.s32 $0x108;
	s8 =	sld [smem:$0x3FB2]  }
0x2e: {  	s3 =	simm.s32 @!p0 $0x1082;
	s9 =	sld [smem:$0x3FB3]  }
0x2f: {  	lr =	sadd.s32 s0, s3;
	s0 =	sld [smem:$0x3FAA]  }
0x30: {  	s3 =	sld [smem:$0x3FAD]  }
0x31: {  	[smem:$0x3FB6] =	sst s10  }
0x32: {  	s10 =	sld [smem:$0x3FB4];
	_ =	sdelay $0x3  }
0x33: {  	p0 =	seq.s32 s10, $0x1;
	s10 =	sld [smem:$0x3FB6];
	_ =	sdelay $0x3  }
0x34: {  	[smem:$0x3FB6] =	sst s10  }
0x35: {  	s10 =	sld [smem:$0x3FB5];
	_ =	sdelay $0x3  }
0x36: {  	p1 =	seq.s32 s10, $0x1;
	s10 =	sld [smem:$0x3FB6];
	_ =	sdelay $0x3  }
0x37: {  	[smem:$0x3FB6] =	sst s10  }
0x38: {  	s10 =	sld [smem:$0x3FB7]  }
0x39: {  	_ = 	snop;
	(pc) =	sbr.ind lr, $3  }
0x3a: {  	_ = 	snop  }
0x3b: {  	_ = 	snop  }
0x3c: {  	p2 =	seq.s32 s10, $0x1;
	s10 =	sld [smem:$0x3FB6]  }
0x3d: {  	_ =	shalt  }
0x3e: {  	_ =	shalt  }
0x3f: {  	_ =	shalt  }
0x40: {  	_ =	shalt  }
0x41: {  	_ =	shalt  }
0x42: {  	_ =	shalt  }
0x43: {  	_ =	shalt  }
0x44: {  	_ =	shalt  }
0x45: {  	_ =	shalt  }
0x46: {  	_ =	shalt  }
0x47: {  	_ =	shalt  }
0x48: {  	_ =	shalt  }
0x49: {  	_ =	shalt  }
0x4a: {  	_ =	shalt  }
0x4b: {  	_ =	shalt  }
0x4c: {  	_ =	shalt  }
0x4d: {  	_ =	shalt  }
0x4e: {  	_ =	shalt  }
0x4f: {  	_ =	shalt  }
0x50: {  	_ =	shalt  }
0x51: {  	_ =	shalt  }
0x52: {  	_ =	shalt  }
0x53: {  	_ =	shalt  }
0x54: {  	_ =	shalt  }
0x55: {  	_ =	shalt  }
0x56: {  	_ =	shalt  }
0x57: {  	_ =	shalt  }
0x58: {  	_ =	shalt  }
0x59: {  	_ =	shalt  }
0x5a: {  	_ =	shalt  }
0x5b: {  	_ =	shalt  }
0x5c: {  	_ =	shalt  }
0x5d: {  	_ =	shalt  }
0x5e: {  	_ =	shalt  }
0x5f: {  	_ =	shalt  }
0x60: {  	_ =	shalt  }
0x61: {  	_ =	shalt  }
0x62: {  	_ =	shalt  }
0x63: {  	_ =	shalt  }
0x64: {  	_ =	shalt  }
0x65: {  	_ =	shalt  }
0x66: {  	_ =	shalt  }
0x67: {  	_ =	shalt  }
0x68: {  	_ =	shalt  }
0x69: {  	_ =	shalt  }
0x6a: {  	_ =	shalt  }
0x6b: {  	_ =	shalt  }
0x6c: {  	_ =	shalt  }
0x6d: {  	_ =	shalt  }
0x6e: {  	_ =	shalt  }
0x6f: {  	_ =	shalt  }
0x70: {  	_ =	shalt  }
0x71: {  	_ =	shalt  }
0x72: {  	_ =	shalt  }
0x73: {  	_ =	shalt  }
0x74: {  	_ =	shalt  }
0x75: {  	_ =	shalt  }
0x76: {  	_ =	shalt  }
0x77: {  	_ =	shalt  }
0x78: {  	_ =	shalt  }
0x79: {  	_ =	shalt  }
0x7a: {  	_ =	shalt  }
0x7b: {  	_ =	shalt  }
0x7c: {  	_ =	shalt  }
0x7d: {  	_ =	shalt  }
0x7e: {  	_ =	shalt  }
0x7f: {  	_ =	shalt  }
0x80: {  	_ =	shalt  }
0x81: {  	_ =	shalt  }
0x82: {  	_ =	shalt  }
0x83: {  	_ =	shalt  }
0x84: {  	_ =	shalt  }
0x85: {  	_ =	shalt  }
0x86: {  	_ =	shalt  }
0x87: {  	_ =	shalt  }
.Lfunc_end0:
.L_simem_size_0:
called_computation.1_lowered:
.L_overlay_start_0:
0x88: {  	s2 =	sld [smem:$0x3FD9]  }
0x89: {  	s3 =	sld [smem:$0x3FFE];
	_ =	sdelay $0x1  }
0x8a: {  	s1 =	srdreg.scid  }
0x8b: {  	s0 =	sand.u32 $0x1, s1  }
0x8c: {  	s17 =	sshll.u32 s0, $0xA;
	s2 =	sadd.s32 s3, s2  }
0x8d: {  	s2 =	sadd.s32 s2, s17  }
0x8e: {  	[smem:$0x3FC2] =	sst s2  }
0x8f: {  	_ = 	snop  }
0x90: {  	s2 =	sld [smem:$0x3FD0];
	(tm) =	ssettm $0x1  }
0x91: {  	s18 =	sld [smem:$0x3FFB];
	_ =	sdelay $0x3  }
0x92: {  	_ =	strace s18  }
0x93: {  	s3 =	sld [smem:$0x3FFC];
	_ =	sdelay $0x3  }
0x94: {  	_ =	strace s3  }
0x95: {  	s3 =	sld [smem:$0x3FFD];
	_ =	sdelay $0x3  }
0x96: {  	_ =	strace s3  }
0x97: {  	_ =	strace $0x8FFFFFFF  }
0x98: {  	s19 =	sld [smem:$0x3FDB];
	_ =	sdelay $0x1  }
0x99: {  	s4 =	simm.s32 $_scs_section_size  }
0x9a: {  	s5 =	simm.s32 $_size__tile_overlayer_lowered;
	s6 =	simm.s32 $_tile_overlayer_lowered  }
0x9b: {  	s22 =	simm.s32 $0x1BFF;
	s21 =	sshll.u32 s6, $0x1;
	s3 =	sadd.s32 s4, s19  }
0x9c: {  	s7 =	simm.s32 $0x0;
	s20 =	sshll.u32 s5, $0x1;
	s5 =	sadd.s32 s21, s3  }
0x9d: {  	[timem:s7], [sflag:s22] =	dma.local [hbm:s5], s20  }
0x9e: {  	_ =	swait.ge [sflag:s22], s20  }
0x9f: {  	s4 =	ssub.s32 $0x0, s20;
	[sflag:s22] =	ssyncset.done $0x0  }
0xa0: {  	[sflag:s22] =	ssyncadd.s32 s4;
	_ =	sdelay $0x1  }
0xa1: {  	s23 =	simm.s32 $0x1B8B  }
0xa2: {  	_ =	swait.ge [sflag:s23], $0x1  }
0xa3: {  	[sflag:s23] =	ssyncset.done $0x0  }
0xa4: {  	s25 =	simm.s32 $0x1B8E;
	s24 =	sld [smem:$0x3FFE];
	[sflag:s23] =	ssyncadd.s32 $0xFFFFFFFF  }
0xa5: {  	s26 =	simm.s32 $execute0_lowered;
	[smem:$0x3FD2] =	sst s25  }
0xa6: {  	s5 =	sshll.u32 s26, $0x1;
	_ =	strace $0x80000049;
	[dreg:$0x1] =	wrdreg $0xFFFFFFFF  }
0xa7: {  	s28 =	simm.s32 $_size_execute0_lowered;
	s3 =	sadd.s32 s3, s5;
	[dreg:$0x0] =	wrdreg $0x0  }
0xa8: {  	s5 =	sshll.u32 s28, $0x1;
	[dreg:$0x2] =	wrdreg s3  }
0xa9: {  	[dreg:$0x3] =	wrdreg s5  }
0xaa: {  	[dreg:$0x4] =	wrdreg $0xC0  }
0xab: {  	_ =	task [dreg:s7], $0x5FFFF  }
0xac: {  	[dreg:$0x1] =	wrdreg $0xFFFFFFFF  }
0xad: {  	[dreg:$0x0] =	wrdreg $0x60  }
0xae: {  	[dreg:$0x2] =	wrdreg s2  }
0xaf: {  	[dreg:$0x3] =	wrdreg s24  }
0xb0: {  	[dreg:$0x4] =	wrdreg $0x140000  }
0xb1: {  	[dreg:$0x5] =	wrdreg $0x9  }
0xb2: {  	_ =	task.clear_ibuf [dreg:s7], $0x6FFFF;
	_ =	strace $0x90000049  }
0xb3: {  	s29 =	simm.s32 $0x9;
	_ =	strace $0x8000004B  }
0xb4: {  	_ =	swait.ge [sflag:s29], $0x1  }
0xb5: {  	[sflag:s29] =	ssyncadd.s32 $0xFFFFFFFF  }
0xb6: {  	_ =	strace $0x9000004B  }
0xb7: {  	_ =	sfence  }
0xb8: {  	s30 =	sld [smem:$0x0];
	_ =	sdelay $0x2  }
0xb9: {  	s31 =	sshll.u32 s1, $0xD;
	s1 =	sshrl.u32 s1, $0x2  }
0xba: {  	s3 =	sand.u32 $0x4000, s31;
	s1 =	sadd.s32 s1, s30  }
0xbb: {  	s0 =	sor.u32 s3, s0;
	s1 =	sshll.u32 s1, $0x11  }
0xbc: {  	s0 =	sor.u32 s1, s0  }
0xbd: {  	s0 =	sadd.s32 $0x8F2B, s0  }
0xbe: {  	[sflag:s0] =	ssyncadd.remote.s32 $0x1  }
0xbf: {  	_ =	sfence.sel $0xFFFF  }
0xc0: {  	[dreg:$0x0] =	wrdreg $0xFFFFFFFF;
	(pc) =	sbr.abs _section_cstart, $3  }
0xc1: {  	[dreg:$0x1] =	wrdreg $0xFFFFFFFF  }
0xc2: {  	_ =	task.clear_ibuf [dreg:s7], $0x2FFFF;
	_ =	strace $0x9FFFFFFF  }
0xc3: {  	(tm) =	ssettm $0x7FFFFFFF  }
tec
execute0_lowered:
.L_overlay_start_1:
0x0: {  	(tag) =	ssettag $0x1  }
0x1: {  	s0 =	rddreg [dreg:$0x0]  }
0x2: {  	s1 =	rddreg [dreg:$0x1];
	s11 =	stileid.u32  }
0x3: {  	s3 =	srdreg.scid;
	s2 =	rddreg [dreg:$0x2];
	s14 =	simm.s32 $0x80  }
0x4: {  	s15 =	simm.s32 $0xA000;
	s16 =	simm.s32 $0xC000;
	s18 =	simm.s32 $0xE000  }
0x5: {  	s20 =	simm.s32 $0x10000;
	s28 =	simm.s32 $0x5;
	s29 =	simm.s32 $0x6  }
0x6: {  	s30 =	simm.s32 $0x7;
	s31 =	simm.s32 $0x8;
	s4 =	smul.u32 $0x5000, s11  }
0x7: {  	s17 =	simm.s32 $0x0;
	s5 =	smul.u32 $0xA000, s11;
	s6 =	sand.u32 $0x1, s3  }
0x8: {  	s3 =	simm.s32 $0x0;
	s25 =	sshll.u32 s11, $0x6;
	s7 =	smul.u32 $0xA0000, s6  }
0x9: {  	[smem:$0x7FF] =	sst s3;
	s9 =	ssub.s32 $0x2, s6;
	s26 =	smul.u32 $0x13880, s6  }
0xa: {  	s4 =	sshrl.u32 s4, $0x3;
	_ =	strace $0x8000004A;
	s23 =	sshrl.u32 s5, $0x3  }
0xb: {  	s24 =	sshrl.u32 s9, $0x1;
	s12 =	sadd.s32 s5, s2;
	s8 =	sadd.s32 s4, s1  }
0xc: {  	s22 =	sadd.s32 s5, s7;
	s7 =	sadd.s32 s23, s1;
	s10 =	ssub.s32 s9, s24  }
0xd: {  	s5 =	sor.u32 $0x1C0B, s25;
	s11 =	sshrl.u32 s12, $0x3;
	s12 =	simm.s32 $0xB  }
0xe: {  	s23 =	simm.s32 $0x1;
	s24 =	simm.s32 $0x2;
	s25 =	simm.s32 $0x3  }
0xf: {  	s4 =	sshrl.u32 s22, $0x3;
	s6 =	sadd.s32 $0x1C00, s8;
	s10 =	smax.u32 s10, $0x1  }
0x10: {  	s22 =	simm.s32 $0x12000;
	s1 =	sadd.s32 s4, s1;
	s4 =	sadd.s32 $0x65C00, s7  }
0x11: {  	s7 =	sadd.s32 $0xBC00, s8;
	s8 =	sadd.s32 s0, s26;
	s26 =	simm.s32 $0x4  }
0x12: {  	s0 =	simm.s32 $0xA;
	s9 =	sadd.s32 $0x79C00, s1;
	s1 =	simm.s32 $0x9  }
.LBB2_1:
0x13: {  	[spmem:s11], [sflag:s5] =	dma.local [hbm:s4], $0x1400  }
0x14: {  	_ =	swait.ge [sflag:s12], $0x1400  }
0x15: {  	[sflag:s12] =	ssyncset.done $0x0  }
0x16: {  	[sflag:s12] =	ssyncadd.s32 $0xFFFFEC00  }
0x17: {  	[bflag:$0x0] =	sbarrier.arrive $0xFFFF  }
0x18: {  	[tilespmem:s3], [sflag:$0xB] =	stream.linear.gather [hbm4b:s6+s3], $0x5000, $0x38;
	[tilespmem:$0x1E000] =	vst v63  }
0x19: {  	_ =	swait.ge [sflag:s12], $0x5000  }
0x1a: {  	[sflag:s12] =	ssyncset.done $0x0  }
0x1b: {  	s13 =	simm.s32 $0x5000;
	[sflag:s12] =	ssyncadd.s32 $0xFFFFB000  }
0x1c: {  	[tilespmem:s13], [sflag:$0xB] =	stream.linear.gather [hbm4b:s7+s3], $0x5000, $0x38;
	[tilespmem:$0x1E000] =	vst v63  }
0x1d: {  	_ =	swait.ge [sflag:s12], $0x5000  }
0x1e: {  	[sflag:s12] =	ssyncset.done $0x0  }
0x1f: {  	[sflag:s12] =	ssyncadd.s32 $0xFFFFB000  }
0x20: {  	[tilespmem:s15], [sflag:$0x1] =	stream.indirect.gather [hbm4b:s8+s14], $0x40, s3, s14, $0xb8;
	[tilespmem:$0x1E000] =	vst v63  }
0x21: {  	_ = 	snop  }
0x22: {  	[tilespmem:s16], [sflag:$0x2] =	stream.indirect.gather [hbm4b:s8+s14], $0x40, s14, s14, $0xb8;
	[tilespmem:$0x1E000] =	vst v63  }
0x23: {  	s21 =	simm.s32 $0x100  }
0x24: {  	[tilespmem:s18], [sflag:$0x3] =	stream.indirect.gather [hbm4b:s8+s14], $0x40, s21, s14, $0xb8;
	[tilespmem:$0x1E000] =	vst v63  }
0x25: {  	s19 =	simm.s32 $0x180  }
0x26: {  	[tilespmem:s20], [sflag:$0x4] =	stream.indirect.gather [hbm4b:s8+s14], $0x40, s19, s14, $0xb8;
	[tilespmem:$0x1E000] =	vst v63  }
0x27: {  	s21 =	simm.s32 $0x200  }
0x28: {  	[tilespmem:s22], [sflag:$0x5] =	stream.indirect.gather [hbm4b:s8+s14], $0x40, s21, s14, $0xb8;
	[tilespmem:$0x1E000] =	vst v63  }
0x29: {  	_ =	swait.ge [sflag:s23], $0x2000  }
0x2a: {  	[sflag:s23] =	ssyncset.done $0x0  }
0x2b: {  	s19 =	simm.s32 $0x5000;
	[sflag:s23] =	ssyncadd.s32 $0xFFFFE000  }
0x2c: {  	[spmem:s2] =	stream.indirect.scatter.add.f32 [tilespmem:s15], [sflag:$0x6], $0x40, s19, s14, $0xb8;
	[tilespmem:$0x1E000] =	vst v63  }
0x2d: {  	_ =	swait.ge [sflag:s24], $0x2000  }
0x2e: {  	[sflag:s24] =	ssyncset.done $0x0  }
0x2f: {  	s13 =	simm.s32 $0x5080;
	[sflag:s24] =	ssyncadd.s32 $0xFFFFE000  }
0x30: {  	[spmem:s2] =	stream.indirect.scatter.add.f32 [tilespmem:s16], [sflag:$0x7], $0x40, s13, s14, $0xb8;
	[tilespmem:$0x1E000] =	vst v63  }
0x31: {  	_ =	swait.ge [sflag:s25], $0x2000  }
0x32: {  	[sflag:s25] =	ssyncset.done $0x0  }
0x33: {  	s21 =	simm.s32 $0x5100;
	[sflag:s25] =	ssyncadd.s32 $0xFFFFE000  }
0x34: {  	[spmem:s2] =	stream.indirect.scatter.add.f32 [tilespmem:s18], [sflag:$0x8], $0x40, s21, s14, $0xb8;
	[tilespmem:$0x1E000] =	vst v63  }
0x35: {  	_ =	swait.ge [sflag:s26], $0x2000  }
0x36: {  	[sflag:s26] =	ssyncset.done $0x0  }
0x37: {  	s13 =	simm.s32 $0x5180;
	[sflag:s26] =	ssyncadd.s32 $0xFFFFE000  }
0x38: {  	[spmem:s2] =	stream.indirect.scatter.add.f32 [tilespmem:s20], [sflag:$0x9], $0x40, s13, s14, $0xb8;
	[tilespmem:$0x1E000] =	vst v63  }
0x39: {  	_ =	swait.ge [sflag:s28], $0x2000  }
0x3a: {  	[sflag:s28] =	ssyncset.done $0x0  }
0x3b: {  	s21 =	simm.s32 $0x5200;
	[sflag:s28] =	ssyncadd.s32 $0xFFFFE000  }
0x3c: {  	[spmem:s2] =	stream.indirect.scatter.add.f32 [tilespmem:s22], [sflag:$0xA], $0x40, s21, s14, $0xb8;
	[tilespmem:$0x1E000] =	vst v63  }
0x3d: {  	_ =	swait.ge [sflag:s29], $0x2000  }
0x3e: {  	[sflag:s29] =	ssyncset.done $0x0  }
0x3f: {  	s13 =	simm.s32 $0x280;
	[sflag:s29] =	ssyncadd.s32 $0xFFFFE000  }
0x40: {  	[tilespmem:s15], [sflag:$0x1] =	stream.indirect.gather [hbm4b:s8+s14], $0x40, s13, s14, $0xb8;
	[tilespmem:$0x1E000] =	vst v63  }
0x41: {  	_ =	swait.ge [sflag:s30], $0x2000  }
0x42: {  	[sflag:s30] =	ssyncset.done $0x0  }
0x43: {  	s21 =	simm.s32 $0x300;
	[sflag:s30] =	ssyncadd.s32 $0xFFFFE000  }
0x44: {  	[tilespmem:s16], [sflag:$0x2] =	stream.indirect.gather [hbm4b:s8+s14], $0x40, s21, s14, $0xb8;
	[tilespmem:$0x1E000] =	vst v63  }
0x45: {  	_ =	swait.ge [sflag:s31], $0x2000  }
0x46: {  	[sflag:s31] =	ssyncset.done $0x0  }
0x47: {  	s13 =	simm.s32 $0x380;
	[sflag:s31] =	ssyncadd.s32 $0xFFFFE000  }
0x48: {  	[tilespmem:s18], [sflag:$0x3] =	stream.indirect.gather [hbm4b:s8+s14], $0x40, s13, s14, $0xb8;
	[tilespmem:$0x1E000] =	vst v63  }
0x49: {  	_ =	swait.ge [sflag:s1], $0x2000  }
0x4a: {  	[sflag:s1] =	ssyncset.done $0x0  }
0x4b: {  	s21 =	simm.s32 $0x400;
	[sflag:s1] =	ssyncadd.s32 $0xFFFFE000  }
0x4c: {  	[tilespmem:s20], [sflag:$0x4] =	stream.indirect.gather [hbm4b:s8+s14], $0x40, s21, s14, $0xb8;
	[tilespmem:$0x1E000] =	vst v63  }
0x4d: {  	_ =	swait.ge [sflag:s0], $0x2000  }
0x4e: {  	[sflag:s0] =	ssyncset.done $0x0  }
0x4f: {  	s19 =	simm.s32 $0xA00;
	s21 =	simm.s32 $0x480;
	[sflag:s0] =	ssyncadd.s32 $0xFFFFE000  }
.LBB2_2:
0x50: {  	[tilespmem:s22], [sflag:$0x5] =	stream.indirect.gather [hbm4b:s8+s14], $0x40, s21, s14, $0xb8;
	[tilespmem:$0x1E000] =	vst v63  }
0x51: {  	s21 =	smov.u32 s19  }
0x52: {  	p0 =	sne.s32 s19, $0x12C00;
	s19 =	sadd.s32 $0xA00, s19;
	_ =	swait.ge [sflag:s23], $0x2000  }
0x53: {  	s21 =	sshra.s32 s21, $0x2;
	[sflag:s23] =	ssyncset.done $0x0  }
0x54: {  	s13 =	sadd.s32 $0x5000, s21;
	[sflag:s23] =	ssyncadd.s32 $0xFFFFE000  }
0x55: {  	[spmem:s2] =	stream.indirect.scatter.add.f32 [tilespmem:s15], [sflag:$0x6], $0x40, s13, s14, $0xb8;
	[tilespmem:$0x1E000] =	vst v63  }
0x56: {  	_ =	swait.ge [sflag:s24], $0x2000  }
0x57: {  	[sflag:s24] =	ssyncset.done $0x0  }
0x58: {  	s13 =	sadd.s32 $0x5080, s21;
	[sflag:s24] =	ssyncadd.s32 $0xFFFFE000  }
0x59: {  	[spmem:s2] =	stream.indirect.scatter.add.f32 [tilespmem:s16], [sflag:$0x7], $0x40, s13, s14, $0xb8;
	[tilespmem:$0x1E000] =	vst v63  }
0x5a: {  	_ =	swait.ge [sflag:s25], $0x2000  }
0x5b: {  	[sflag:s25] =	ssyncset.done $0x0  }
0x5c: {  	s13 =	sadd.s32 $0x5100, s21;
	[sflag:s25] =	ssyncadd.s32 $0xFFFFE000  }
0x5d: {  	[spmem:s2] =	stream.indirect.scatter.add.f32 [tilespmem:s18], [sflag:$0x8], $0x40, s13, s14, $0xb8;
	[tilespmem:$0x1E000] =	vst v63  }
0x5e: {  	_ =	swait.ge [sflag:s26], $0x2000  }
0x5f: {  	[sflag:s26] =	ssyncset.done $0x0  }
0x60: {  	s13 =	sadd.s32 $0x5180, s21;
	[sflag:s26] =	ssyncadd.s32 $0xFFFFE000  }
0x61: {  	[spmem:s2] =	stream.indirect.scatter.add.f32 [tilespmem:s20], [sflag:$0x9], $0x40, s13, s14, $0xb8;
	[tilespmem:$0x1E000] =	vst v63  }
0x62: {  	_ =	swait.ge [sflag:s28], $0x2000  }
0x63: {  	[sflag:s28] =	ssyncset.done $0x0  }
0x64: {  	s13 =	sadd.s32 $0x5200, s21;
	[sflag:s28] =	ssyncadd.s32 $0xFFFFE000  }
0x65: {  	[spmem:s2] =	stream.indirect.scatter.add.f32 [tilespmem:s22], [sflag:$0xA], $0x40, s13, s14, $0xb8;
	[tilespmem:$0x1E000] =	vst v63  }
0x66: {  	_ =	swait.ge [sflag:s29], $0x2000  }
0x67: {  	[sflag:s29] =	ssyncset.done $0x0  }
0x68: {  	s13 =	sadd.s32 $0x280, s21;
	[sflag:s29] =	ssyncadd.s32 $0xFFFFE000  }
0x69: {  	[tilespmem:s15], [sflag:$0x1] =	stream.indirect.gather [hbm4b:s8+s14], $0x40, s13, s14, $0xb8;
	[tilespmem:$0x1E000] =	vst v63  }
0x6a: {  	_ =	swait.ge [sflag:s30], $0x2000  }
0x6b: {  	[sflag:s30] =	ssyncset.done $0x0  }
0x6c: {  	s13 =	sadd.s32 $0x300, s21;
	[sflag:s30] =	ssyncadd.s32 $0xFFFFE000  }
0x6d: {  	[tilespmem:s16], [sflag:$0x2] =	stream.indirect.gather [hbm4b:s8+s14], $0x40, s13, s14, $0xb8;
	[tilespmem:$0x1E000] =	vst v63  }
0x6e: {  	_ =	swait.ge [sflag:s31], $0x2000  }
0x6f: {  	[sflag:s31] =	ssyncset.done $0x0  }
0x70: {  	s13 =	sadd.s32 $0x380, s21;
	[sflag:s31] =	ssyncadd.s32 $0xFFFFE000  }
0x71: {  	[tilespmem:s18], [sflag:$0x3] =	stream.indirect.gather [hbm4b:s8+s14], $0x40, s13, s14, $0xb8;
	[tilespmem:$0x1E000] =	vst v63  }
0x72: {  	_ =	swait.ge [sflag:s1], $0x2000  }
0x73: {  	[sflag:s1] =	ssyncset.done $0x0  }
.Ltmp0:
0x74: {  	s13 =	sadd.s32 $0x400, s21;
	[sflag:s1] =	ssyncadd.s32 $0xFFFFE000;
	(pc) =	sbr.rel @p0 .LBB2_2-.Ltmp0, $4  }
0x75: {  	[tilespmem:s20], [sflag:$0x4] =	stream.indirect.gather [hbm4b:s8+s14], $0x40, s13, s14, $0xb8;
	[tilespmem:$0x1E000] =	vst v63  }
0x76: {  	_ =	swait.ge [sflag:s0], $0x2000  }
0x77: {  	[sflag:s0] =	ssyncset.done $0x0  }
0x78: {  	s21 =	sadd.s32 $0x480, s21;
	[sflag:s0] =	ssyncadd.s32 $0xFFFFE000  }
0x79: {  	[tilespmem:s22], [sflag:$0x5] =	stream.indirect.gather [hbm4b:s8+s14], $0x40, s21, s14, $0xb8;
	[tilespmem:$0x1E000] =	vst v63  }
0x7a: {  	_ =	swait.ge [sflag:s23], $0x2000  }
0x7b: {  	[sflag:s23] =	ssyncset.done $0x0  }
0x7c: {  	s13 =	simm.s32 $0x9D80;
	[sflag:s23] =	ssyncadd.s32 $0xFFFFE000  }
0x7d: {  	[spmem:s2] =	stream.indirect.scatter.add.f32 [tilespmem:s15], [sflag:$0x6], $0x40, s13, s14, $0xb8;
	[tilespmem:$0x1E000] =	vst v63  }
0x7e: {  	_ =	swait.ge [sflag:s24], $0x2000  }
0x7f: {  	[sflag:s24] =	ssyncset.done $0x0  }
0x80: {  	s19 =	simm.s32 $0x9E00;
	[sflag:s24] =	ssyncadd.s32 $0xFFFFE000  }
0x81: {  	[spmem:s2] =	stream.indirect.scatter.add.f32 [tilespmem:s16], [sflag:$0x7], $0x40, s19, s14, $0xb8;
	[tilespmem:$0x1E000] =	vst v63  }
0x82: {  	_ =	swait.ge [sflag:s25], $0x2000  }
0x83: {  	[sflag:s25] =	ssyncset.done $0x0  }
0x84: {  	s21 =	simm.s32 $0x9E80;
	[sflag:s25] =	ssyncadd.s32 $0xFFFFE000  }
0x85: {  	[spmem:s2] =	stream.indirect.scatter.add.f32 [tilespmem:s18], [sflag:$0x8], $0x40, s21, s14, $0xb8;
	[tilespmem:$0x1E000] =	vst v63  }
0x86: {  	_ =	swait.ge [sflag:s26], $0x2000  }
0x87: {  	[sflag:s26] =	ssyncset.done $0x0  }
0x88: {  	s19 =	simm.s32 $0x9F00;
	[sflag:s26] =	ssyncadd.s32 $0xFFFFE000  }
0x89: {  	[spmem:s2] =	stream.indirect.scatter.add.f32 [tilespmem:s20], [sflag:$0x9], $0x40, s19, s14, $0xb8;
	[tilespmem:$0x1E000] =	vst v63  }
0x8a: {  	_ =	swait.ge [sflag:s28], $0x2000  }
0x8b: {  	[sflag:s28] =	ssyncset.done $0x0  }
0x8c: {  	s21 =	simm.s32 $0x9F80;
	[sflag:s28] =	ssyncadd.s32 $0xFFFFE000  }
0x8d: {  	[spmem:s2] =	stream.indirect.scatter.add.f32 [tilespmem:s22], [sflag:$0xA], $0x40, s21, s14, $0xb8;
	[tilespmem:$0x1E000] =	vst v63  }
0x8e: {  	_ =	swait.ge [sflag:s29], $0x2000  }
0x8f: {  	[sflag:s29] =	ssyncset.done $0x0  }
0x90: {  	[sflag:s29] =	ssyncadd.s32 $0xFFFFE000  }
0x91: {  	_ =	swait.ge [sflag:s30], $0x2000  }
0x92: {  	[sflag:s30] =	ssyncset.done $0x0  }
0x93: {  	[sflag:s30] =	ssyncadd.s32 $0xFFFFE000  }
0x94: {  	_ =	swait.ge [sflag:s31], $0x2000  }
0x95: {  	[sflag:s31] =	ssyncset.done $0x0  }
0x96: {  	[sflag:s31] =	ssyncadd.s32 $0xFFFFE000  }
0x97: {  	_ =	swait.ge [sflag:s1], $0x2000  }
0x98: {  	[sflag:s1] =	ssyncset.done $0x0  }
0x99: {  	[sflag:s1] =	ssyncadd.s32 $0xFFFFE000  }
0x9a: {  	_ =	swait.ge [sflag:s0], $0x2000  }
0x9b: {  	s17 =	sadd.s32 $0x1, s17;
	[sflag:s0] =	ssyncset.done $0x0  }
0x9c: {  	p0 =	sne.s32 s17, s10;
	[sflag:s0] =	ssyncadd.s32 $0xFFFFE000  }
.Ltmp1:
0x9d: {  	[bflag:$0x0] =	sbarrier.arrive $0xFFFF;
	(pc) =	sbr.rel @p0 .LBB2_1-.Ltmp1, $4  }
0x9e: {  	[hbm:s9], [sflag:s5] =	dma.local [spmem:s11], $0x1400  }
0x9f: {  	_ =	swait.ge [sflag:s12], $0x1400  }
0xa0: {  	[sflag:s12] =	ssyncset.done $0x0  }
0xa1: {  	[sflag:s12] =	ssyncadd.s32 $0xFFFFEC00  }
0xa2: {  	_ =	sfence.sel $0x180000  }
0xa3: {  	[bflag:$0x0] =	sbarrier.arrive $0xFFFF  }
0xa4: {  	_ =	strace $0x9000004A  }
0xa5: {  	s0 =	stileid.u32;
	[bflag:$0x2] =	sbarrier.arrive $0xFFFF  }
0xa6: {  	p0 =	sne.s32 s0, $0x0;
	s0 =	rddreg [dreg:$0x3]  }
0xa7: {  	s0 =	sadd.s32 @!p0 $0x100000, s0  }
0xa8: {  	[sflag:s0] =	ssyncadd.tile.s32 @!p0 $0x1;
	_ =	shalt  }
.Lfunc_end2:
_tile_overlayer_lowered:
.L_overlay_start_2:
0xa9: {  	(tag) =	ssettag $0x2  }
0xaa: {  	s0 =	rddreg [dreg:$0x0];
	s2 =	stileid.u32  }
0xab: {  	s1 =	rddreg [dreg:$0x1];
	p0 =	sne.s32 s2, $0x0  }
0xac: {  	s3 =	rddreg [dreg:$0x2];
	[bflag:$0x3] =	sbarrier.arrive $0xFFFF;
	s2 =	simm.s32 @!p0 $0x1C0B  }
0xad: {  	[timem:s3], [sflag:s2] =	dma.local @!p0 [hbm:s0], s1  }
0xae: {  	s0 =	simm.s32 @!p0 $0xB  }
0xaf: {  	_ =	swait.ge @!p0 [sflag:s0], s1  }
0xb0: {  	s1 =	ssub.s32 @!p0 $0x0, s1;
	[sflag:s0] =	ssyncset.done @!p0 $0x0  }
0xb1: {  	[sflag:s0] =	ssyncadd.s32 @!p0 s1  }
0xb2: {  	[bflag:$0x3] =	sbarrier.arrive $0xFFFF  }
0xb3: {  	_ =	shalt  }

// kernel: kernel.14.cloned.1.call-start
scs
__scs_entry_jumppad:
0x0: {  	(pc) =	sbr.rel $0x88, $3  }
0x1: {  	(tag) =	ssettag $0x0;
	lr =	simm.s32 $0x1  }
0x2: {  	[smem:$0x3F9B] =	sst lr;
	_ =	strace $0xD0000000  }
0x3: {  	_ = 	snop  }
0x4: {  	_ = 	snop  }
0x5: {  	_ = 	snop  }
0x6: {  	_ = 	snop  }
0x7: {  	_ = 	snop  }
__scs_overlays_trampoline_lowered:
0x8: {  	[smem:$0x3FAA] =	sst s0  }
0x9: {  	[smem:$0x3FAB] =	sst s1  }
0xa: {  	[smem:$0x3FAC] =	sst s2  }
0xb: {  	[smem:$0x3FAD] =	sst s3  }
0xc: {  	[smem:$0x3FAE] =	sst s4  }
0xd: {  	[smem:$0x3FAF] =	sst s5  }
0xe: {  	[smem:$0x3FB0] =	sst s6  }
0xf: {  	[smem:$0x3FB1] =	sst s7  }
0x10: {  	[smem:$0x3FB2] =	sst s8  }
0x11: {  	[smem:$0x3FB3] =	sst s9;
	s0 =	simm.s32 @!p0 $0x0  }
0x12: {  	s1 =	sld [smem:$0x3F99];
	s0 =	simm.s32 @p0 $0x1  }
0x13: {  	[smem:$0x3FB4] =	sst s0;
	s0 =	simm.s32 @!p1 $0x0  }
0x14: {  	s2 =	sld [smem:$0x3F98];
	s0 =	simm.s32 @p1 $0x1  }
0x15: {  	[smem:$0x3FB5] =	sst s0;
	s0 =	simm.s32 @!p2 $0x0  }
0x16: {  	s3 =	sld [smem:$0x3FDB];
	s0 =	simm.s32 @p2 $0x1  }
0x17: {  	s4 =	simm.s32 $0x1BF5;
	[smem:$0x3FB7] =	sst s0  }
0x18: {  	s0 =	sld [smem:$0x3F9A];
	_ =	swait.ge [sflag:s4], $0x0  }
0x19: {  	s7 =	sld [smem:$0x3F9B]  }
0x1a: {  	s8 =	sadd.s32 $0xFFFFE003, lr  }
0x1b: {  	s9 =	sadd.s32 $0xFFFFFEF7, lr;
	s5 =	simm.s32 $0xFFFFFFFF;
	p2 =	slt.u32 s8, $0xFFFFF086  }
0x1c: {  	p1 =	slt.u32 s9, $0xF7A;
	s5 =	simm.s32 @!p2 $0x0  }
0x1d: {  	s5 =	simm.s32 @p1 $0x1;
	p0 =	seq.s32 s7, s2  }
0x1e: {  	s7 =	smul.u32 @!p0 $0xF7A, s2;
	p2 =	seq.s32 @!p0 s5, $0x0  }
0x1f: {  	s9 =	smul.u32 $0xF7A, s1;
	s8 =	simm.s32 @!p0 $0x1BF5;
	p2 =	por !p2, p0  }
0x20: {  	[sflag:s8] =	ssyncset.s32 @!p0 $0xFFFFF086;
	s6 =	sadd.s32 @!p0 s3, s7;
	s7 =	simm.s32 @!p0 $0x108  }
0x21: {  	s3 =	sadd.s32 s3, s9;
	s6 =	sadd.s32 @!p0 $0x88, s6;
	s7 =	simm.s32 @p2 $0x1082  }
0x22: {  	[simem:s7], [sflag:s8] =	dma.local @!p0 [hbm:s6], $0xF7A  }
0x23: {  	s9 =	sor.u32 $0xD0000000, s2;
	s6 =	simm.s32 $0x108;
	_ =	swait.ge @!p0 [sflag:s8], $0x0  }
0x24: {  	s3 =	sadd.s32 $0x88, s3;
	s6 =	simm.s32 @!p1 $0x1082;
	[sflag:s4] =	ssyncset.s32 $0xFFFFF086  }
0x25: {  	[simem:s6], [sflag:s4] =	dma.local [hbm:s3], $0xF7A  }
0x26: {  	[smem:$0x3F9B] =	sst s1;
	(tag) =	ssettag s2;
	_ =	strace s9  }
0x27: {  	s1 =	sld [smem:$0x3FAB]  }
0x28: {  	s2 =	sld [smem:$0x3FAC]  }
0x29: {  	s4 =	sld [smem:$0x3FAE]  }
0x2a: {  	p0 =	seq.s32 s5, $0x0;
	s5 =	sld [smem:$0x3FAF]  }
0x2b: {  	s6 =	sld [smem:$0x3FB0]  }
0x2c: {  	s7 =	sld [smem:$0x3FB1]  }
0x2d: {  	s3 =	simm.s32 $0x108;
	s8 =	sld [smem:$0x3FB2]  }
0x2e: {  	s3 =	simm.s32 @!p0 $0x1082;
	s9 =	sld [smem:$0x3FB3]  }
0x2f: {  	lr =	sadd.s32 s0, s3;
	s0 =	sld [smem:$0x3FAA]  }
0x30: {  	s3 =	sld [smem:$0x3FAD]  }
0x31: {  	[smem:$0x3FB6] =	sst s10  }
0x32: {  	s10 =	sld [smem:$0x3FB4];
	_ =	sdelay $0x3  }
0x33: {  	p0 =	seq.s32 s10, $0x1;
	s10 =	sld [smem:$0x3FB6];
	_ =	sdelay $0x3  }
0x34: {  	[smem:$0x3FB6] =	sst s10  }
0x35: {  	s10 =	sld [smem:$0x3FB5];
	_ =	sdelay $0x3  }
0x36: {  	p1 =	seq.s32 s10, $0x1;
	s10 =	sld [smem:$0x3FB6];
	_ =	sdelay $0x3  }
0x37: {  	[smem:$0x3FB6] =	sst s10  }
0x38: {  	s10 =	sld [smem:$0x3FB7]  }
0x39: {  	_ = 	snop;
	(pc) =	sbr.ind lr, $3  }
0x3a: {  	_ = 	snop  }
0x3b: {  	_ = 	snop  }
0x3c: {  	p2 =	seq.s32 s10, $0x1;
	s10 =	sld [smem:$0x3FB6]  }
0x3d: {  	_ =	shalt  }
0x3e: {  	_ =	shalt  }
0x3f: {  	_ =	shalt  }
0x40: {  	_ =	shalt  }
0x41: {  	_ =	shalt  }
0x42: {  	_ =	shalt  }
0x43: {  	_ =	shalt  }
0x44: {  	_ =	shalt  }
0x45: {  	_ =	shalt  }
0x46: {  	_ =	shalt  }
0x47: {  	_ =	shalt  }
0x48: {  	_ =	shalt  }
0x49: {  	_ =	shalt  }
0x4a: {  	_ =	shalt  }
0x4b: {  	_ =	shalt  }
0x4c: {  	_ =	shalt  }
0x4d: {  	_ =	shalt  }
0x4e: {  	_ =	shalt  }
0x4f: {  	_ =	shalt  }
0x50: {  	_ =	shalt  }
0x51: {  	_ =	shalt  }
0x52: {  	_ =	shalt  }
0x53: {  	_ =	shalt  }
0x54: {  	_ =	shalt  }
0x55: {  	_ =	shalt  }
0x56: {  	_ =	shalt  }
0x57: {  	_ =	shalt  }
0x58: {  	_ =	shalt  }
0x59: {  	_ =	shalt  }
0x5a: {  	_ =	shalt  }
0x5b: {  	_ =	shalt  }
0x5c: {  	_ =	shalt  }
0x5d: {  	_ =	shalt  }
0x5e: {  	_ =	shalt  }
0x5f: {  	_ =	shalt  }
0x60: {  	_ =	shalt  }
0x61: {  	_ =	shalt  }
0x62: {  	_ =	shalt  }
0x63: {  	_ =	shalt  }
0x64: {  	_ =	shalt  }
0x65: {  	_ =	shalt  }
0x66: {  	_ =	shalt  }
0x67: {  	_ =	shalt  }
0x68: {  	_ =	shalt  }
0x69: {  	_ =	shalt  }
0x6a: {  	_ =	shalt  }
0x6b: {  	_ =	shalt  }
0x6c: {  	_ =	shalt  }
0x6d: {  	_ =	shalt  }
0x6e: {  	_ =	shalt  }
0x6f: {  	_ =	shalt  }
0x70: {  	_ =	shalt  }
0x71: {  	_ =	shalt  }
0x72: {  	_ =	shalt  }
0x73: {  	_ =	shalt  }
0x74: {  	_ =	shalt  }
0x75: {  	_ =	shalt  }
0x76: {  	_ =	shalt  }
0x77: {  	_ =	shalt  }
0x78: {  	_ =	shalt  }
0x79: {  	_ =	shalt  }
0x7a: {  	_ =	shalt  }
0x7b: {  	_ =	shalt  }
0x7c: {  	_ =	shalt  }
0x7d: {  	_ =	shalt  }
0x7e: {  	_ =	shalt  }
0x7f: {  	_ =	shalt  }
0x80: {  	_ =	shalt  }
0x81: {  	_ =	shalt  }
0x82: {  	_ =	shalt  }
0x83: {  	_ =	shalt  }
0x84: {  	_ =	shalt  }
0x85: {  	_ =	shalt  }
0x86: {  	_ =	shalt  }
0x87: {  	_ =	shalt  }
.Lfunc_end0:
.L_simem_size_0:
called_computation.2_lowered:
.L_overlay_start_0:
0x88: {  	s2 =	sld [smem:$0x3FD9]  }
0x89: {  	s3 =	sld [smem:$0x3FFE];
	_ =	sdelay $0x1  }
0x8a: {  	s1 =	srdreg.scid  }
0x8b: {  	s0 =	sand.u32 $0x1, s1  }
0x8c: {  	s17 =	sshll.u32 s0, $0xA;
	s2 =	sadd.s32 s3, s2  }
0x8d: {  	s2 =	sadd.s32 s2, s17  }
0x8e: {  	[smem:$0x3FC2] =	sst s2  }
0x8f: {  	_ = 	snop  }
0x90: {  	s2 =	sld [smem:$0x3FD0];
	(tm) =	ssettm $0x1  }
0x91: {  	s18 =	sld [smem:$0x3FFB];
	_ =	sdelay $0x3  }
0x92: {  	_ =	strace s18  }
0x93: {  	s3 =	sld [smem:$0x3FFC];
	_ =	sdelay $0x3  }
0x94: {  	_ =	strace s3  }
0x95: {  	s3 =	sld [smem:$0x3FFD];
	_ =	sdelay $0x3  }
0x96: {  	_ =	strace s3  }
0x97: {  	_ =	strace $0x8FFFFFFF  }
0x98: {  	s19 =	sld [smem:$0x3FDB];
	_ =	sdelay $0x1  }
0x99: {  	s4 =	simm.s32 $_scs_section_size  }
0x9a: {  	s5 =	simm.s32 $_size__tile_overlayer_lowered;
	s6 =	simm.s32 $_tile_overlayer_lowered  }
0x9b: {  	s22 =	simm.s32 $0x1BFF;
	s21 =	sshll.u32 s6, $0x1;
	s3 =	sadd.s32 s4, s19  }
0x9c: {  	s7 =	simm.s32 $0x0;
	s20 =	sshll.u32 s5, $0x1;
	s5 =	sadd.s32 s21, s3  }
0x9d: {  	[timem:s7], [sflag:s22] =	dma.local [hbm:s5], s20  }
0x9e: {  	_ =	swait.ge [sflag:s22], s20  }
0x9f: {  	s4 =	ssub.s32 $0x0, s20;
	[sflag:s22] =	ssyncset.done $0x0  }
0xa0: {  	[sflag:s22] =	ssyncadd.s32 s4;
	_ =	sdelay $0x1  }
0xa1: {  	s23 =	simm.s32 $0x1B8B  }
0xa2: {  	_ =	swait.ge [sflag:s23], $0x1  }
0xa3: {  	[sflag:s23] =	ssyncset.done $0x0  }
0xa4: {  	s25 =	simm.s32 $0x1B8E;
	s24 =	sld [smem:$0x3FFE];
	[sflag:s23] =	ssyncadd.s32 $0xFFFFFFFF  }
0xa5: {  	s26 =	simm.s32 $execute0_lowered;
	[smem:$0x3FD2] =	sst s25  }
0xa6: {  	s5 =	sshll.u32 s26, $0x1;
	_ =	strace $0x8000004C;
	[dreg:$0x1] =	wrdreg $0xFFFFFFFF  }
0xa7: {  	s28 =	simm.s32 $_size_execute0_lowered;
	s3 =	sadd.s32 s3, s5;
	[dreg:$0x0] =	wrdreg $0x0  }
0xa8: {  	s5 =	sshll.u32 s28, $0x1;
	[dreg:$0x2] =	wrdreg s3  }
0xa9: {  	[dreg:$0x3] =	wrdreg s5  }
0xaa: {  	[dreg:$0x4] =	wrdreg $0xC0  }
0xab: {  	_ =	task [dreg:s7], $0x5FFFF  }
0xac: {  	[dreg:$0x1] =	wrdreg $0xFFFFFFFF  }
0xad: {  	[dreg:$0x0] =	wrdreg $0x60  }
0xae: {  	[dreg:$0x2] =	wrdreg s2  }
0xaf: {  	[dreg:$0x3] =	wrdreg s24  }
0xb0: {  	[dreg:$0x4] =	wrdreg $0x140000  }
0xb1: {  	[dreg:$0x5] =	wrdreg $0x9  }
0xb2: {  	_ =	task.clear_ibuf [dreg:s7], $0x6FFFF;
	_ =	strace $0x9000004C  }
0xb3: {  	s29 =	simm.s32 $0x9;
	_ =	strace $0x8000004E  }
0xb4: {  	_ =	swait.ge [sflag:s29], $0x1  }
0xb5: {  	[sflag:s29] =	ssyncadd.s32 $0xFFFFFFFF  }
0xb6: {  	_ =	strace $0x9000004E  }
0xb7: {  	_ =	sfence  }
0xb8: {  	s30 =	sld [smem:$0x0];
	_ =	sdelay $0x2  }
0xb9: {  	s31 =	sshll.u32 s1, $0xD;
	s1 =	sshrl.u32 s1, $0x2  }
0xba: {  	s3 =	sand.u32 $0x4000, s31;
	s1 =	sadd.s32 s1, s30  }
0xbb: {  	s0 =	sor.u32 s3, s0;
	s1 =	sshll.u32 s1, $0x11  }
0xbc: {  	s0 =	sor.u32 s1, s0  }
0xbd: {  	s0 =	sadd.s32 $0x8F2B, s0  }
0xbe: {  	[sflag:s0] =	ssyncadd.remote.s32 $0x1  }
0xbf: {  	_ =	sfence.sel $0xFFFF  }
0xc0: {  	[dreg:$0x0] =	wrdreg $0xFFFFFFFF;
	(pc) =	sbr.abs _section_cstart, $3  }
0xc1: {  	[dreg:$0x1] =	wrdreg $0xFFFFFFFF  }
0xc2: {  	_ =	task.clear_ibuf [dreg:s7], $0x2FFFF;
	_ =	strace $0x9FFFFFFF  }
0xc3: {  	(tm) =	ssettm $0x7FFFFFFF  }
tec
execute0_lowered:
.L_overlay_start_1:
0x0: {  	(tag) =	ssettag $0x1  }
0x1: {  	s0 =	rddreg [dreg:$0x0]  }
0x2: {  	s1 =	rddreg [dreg:$0x1];
	s11 =	stileid.u32  }
0x3: {  	s3 =	srdreg.scid;
	s2 =	rddreg [dreg:$0x2];
	s14 =	simm.s32 $0x80  }
0x4: {  	s15 =	simm.s32 $0xA000;
	s16 =	simm.s32 $0xC000;
	s18 =	simm.s32 $0xE000  }
0x5: {  	s20 =	simm.s32 $0x10000;
	s28 =	simm.s32 $0x5;
	s29 =	simm.s32 $0x6  }
0x6: {  	s30 =	simm.s32 $0x7;
	s31 =	simm.s32 $0x8;
	s4 =	smul.u32 $0x5000, s11  }
0x7: {  	s17 =	simm.s32 $0x0;
	s5 =	smul.u32 $0xA000, s11;
	s6 =	sand.u32 $0x1, s3  }
0x8: {  	s3 =	simm.s32 $0x0;
	s25 =	sshll.u32 s11, $0x6;
	s7 =	smul.u32 $0xA0000, s6  }
0x9: {  	[smem:$0x7FF] =	sst s3;
	s9 =	ssub.s32 $0x2, s6;
	s26 =	smul.u32 $0x13880, s6  }
0xa: {  	s4 =	sshrl.u32 s4, $0x3;
	_ =	strace $0x8000004D;
	s23 =	sshrl.u32 s5, $0x3  }
0xb: {  	s24 =	sshrl.u32 s9, $0x1;
	s12 =	sadd.s32 s5, s2;
	s8 =	sadd.s32 s4, s1  }
0xc: {  	s22 =	sadd.s32 s5, s7;
	s7 =	sadd.s32 s23, s1;
	s10 =	ssub.s32 s9, s24  }
0xd: {  	s5 =	sor.u32 $0x1C0B, s25;
	s11 =	sshrl.u32 s12, $0x3;
	s12 =	simm.s32 $0xB  }
0xe: {  	s23 =	simm.s32 $0x1;
	s24 =	simm.s32 $0x2;
	s25 =	simm.s32 $0x3  }
0xf: {  	s4 =	sshrl.u32 s22, $0x3;
	s6 =	sadd.s32 $0x1C00, s8;
	s10 =	smax.u32 s10, $0x1  }
0x10: {  	s22 =	simm.s32 $0x12000;
	s1 =	sadd.s32 s4, s1;
	s4 =	sadd.s32 $0x65C00, s7  }
0x11: {  	s7 =	sadd.s32 $0xBC00, s8;
	s8 =	sadd.s32 s0, s26;
	s26 =	simm.s32 $0x4  }
0x12: {  	s0 =	simm.s32 $0xA;
	s9 =	sadd.s32 $0x79C00, s1;
	s1 =	simm.s32 $0x9  }
.LBB2_1:
0x13: {  	[spmem:s11], [sflag:s5] =	dma.local [hbm:s4], $0x1400  }
0x14: {  	_ =	swait.ge [sflag:s12], $0x1400  }
0x15: {  	[sflag:s12] =	ssyncset.done $0x0  }
0x16: {  	[sflag:s12] =	ssyncadd.s32 $0xFFFFEC00  }
0x17: {  	[bflag:$0x0] =	sbarrier.arrive $0xFFFF  }
0x18: {  	[tilespmem:s3], [sflag:$0xB] =	stream.linear.gather [hbm4b:s6+s3], $0x5000, $0x38;
	[tilespmem:$0x1E000] =	vst v63  }
0x19: {  	_ =	swait.ge [sflag:s12], $0x5000  }
0x1a: {  	[sflag:s12] =	ssyncset.done $0x0  }
0x1b: {  	s13 =	simm.s32 $0x5000;
	[sflag:s12] =	ssyncadd.s32 $0xFFFFB000  }
0x1c: {  	[tilespmem:s13], [sflag:$0xB] =	stream.linear.gather [hbm4b:s7+s3], $0x5000, $0x38;
	[tilespmem:$0x1E000] =	vst v63  }
0x1d: {  	_ =	swait.ge [sflag:s12], $0x5000  }
0x1e: {  	[sflag:s12] =	ssyncset.done $0x0  }
0x1f: {  	[sflag:s12] =	ssyncadd.s32 $0xFFFFB000  }
0x20: {  	[tilespmem:s15], [sflag:$0x1] =	stream.indirect.gather [hbm4b:s8+s14], $0x40, s3, s14, $0xb8;
	[tilespmem:$0x1E000] =	vst v63  }
0x21: {  	_ = 	snop  }
0x22: {  	[tilespmem:s16], [sflag:$0x2] =	stream.indirect.gather [hbm4b:s8+s14], $0x40, s14, s14, $0xb8;
	[tilespmem:$0x1E000] =	vst v63  }
0x23: {  	s21 =	simm.s32 $0x100  }
0x24: {  	[tilespmem:s18], [sflag:$0x3] =	stream.indirect.gather [hbm4b:s8+s14], $0x40, s21, s14, $0xb8;
	[tilespmem:$0x1E000] =	vst v63  }
0x25: {  	s19 =	simm.s32 $0x180  }
0x26: {  	[tilespmem:s20], [sflag:$0x4] =	stream.indirect.gather [hbm4b:s8+s14], $0x40, s19, s14, $0xb8;
	[tilespmem:$0x1E000] =	vst v63  }
0x27: {  	s21 =	simm.s32 $0x200  }
0x28: {  	[tilespmem:s22], [sflag:$0x5] =	stream.indirect.gather [hbm4b:s8+s14], $0x40, s21, s14, $0xb8;
	[tilespmem:$0x1E000] =	vst v63  }
0x29: {  	_ =	swait.ge [sflag:s23], $0x2000  }
0x2a: {  	[sflag:s23] =	ssyncset.done $0x0  }
0x2b: {  	s19 =	simm.s32 $0x5000;
	[sflag:s23] =	ssyncadd.s32 $0xFFFFE000  }
0x2c: {  	[spmem:s2] =	stream.indirect.scatter.add.f32 [tilespmem:s15], [sflag:$0x6], $0x40, s19, s14, $0xb8;
	[tilespmem:$0x1E000] =	vst v63  }
0x2d: {  	_ =	swait.ge [sflag:s24], $0x2000  }
0x2e: {  	[sflag:s24] =	ssyncset.done $0x0  }
0x2f: {  	s13 =	simm.s32 $0x5080;
	[sflag:s24] =	ssyncadd.s32 $0xFFFFE000  }
0x30: {  	[spmem:s2] =	stream.indirect.scatter.add.f32 [tilespmem:s16], [sflag:$0x7], $0x40, s13, s14, $0xb8;
	[tilespmem:$0x1E000] =	vst v63  }
0x31: {  	_ =	swait.ge [sflag:s25], $0x2000  }
0x32: {  	[sflag:s25] =	ssyncset.done $0x0  }
0x33: {  	s21 =	simm.s32 $0x5100;
	[sflag:s25] =	ssyncadd.s32 $0xFFFFE000  }
0x34: {  	[spmem:s2] =	stream.indirect.scatter.add.f32 [tilespmem:s18], [sflag:$0x8], $0x40, s21, s14, $0xb8;
	[tilespmem:$0x1E000] =	vst v63  }
0x35: {  	_ =	swait.ge [sflag:s26], $0x2000  }
0x36: {  	[sflag:s26] =	ssyncset.done $0x0  }
0x37: {  	s13 =	simm.s32 $0x5180;
	[sflag:s26] =	ssyncadd.s32 $0xFFFFE000  }
0x38: {  	[spmem:s2] =	stream.indirect.scatter.add.f32 [tilespmem:s20], [sflag:$0x9], $0x40, s13, s14, $0xb8;
	[tilespmem:$0x1E000] =	vst v63  }
0x39: {  	_ =	swait.ge [sflag:s28], $0x2000  }
0x3a: {  	[sflag:s28] =	ssyncset.done $0x0  }
0x3b: {  	s21 =	simm.s32 $0x5200;
	[sflag:s28] =	ssyncadd.s32 $0xFFFFE000  }
0x3c: {  	[spmem:s2] =	stream.indirect.scatter.add.f32 [tilespmem:s22], [sflag:$0xA], $0x40, s21, s14, $0xb8;
	[tilespmem:$0x1E000] =	vst v63  }
0x3d: {  	_ =	swait.ge [sflag:s29], $0x2000  }
0x3e: {  	[sflag:s29] =	ssyncset.done $0x0  }
0x3f: {  	s13 =	simm.s32 $0x280;
	[sflag:s29] =	ssyncadd.s32 $0xFFFFE000  }
0x40: {  	[tilespmem:s15], [sflag:$0x1] =	stream.indirect.gather [hbm4b:s8+s14], $0x40, s13, s14, $0xb8;
	[tilespmem:$0x1E000] =	vst v63  }
0x41: {  	_ =	swait.ge [sflag:s30], $0x2000  }
0x42: {  	[sflag:s30] =	ssyncset.done $0x0  }
0x43: {  	s21 =	simm.s32 $0x300;
	[sflag:s30] =	ssyncadd.s32 $0xFFFFE000  }
0x44: {  	[tilespmem:s16], [sflag:$0x2] =	stream.indirect.gather [hbm4b:s8+s14], $0x40, s21, s14, $0xb8;
	[tilespmem:$0x1E000] =	vst v63  }
0x45: {  	_ =	swait.ge [sflag:s31], $0x2000  }
0x46: {  	[sflag:s31] =	ssyncset.done $0x0  }
0x47: {  	s13 =	simm.s32 $0x380;
	[sflag:s31] =	ssyncadd.s32 $0xFFFFE000  }
0x48: {  	[tilespmem:s18], [sflag:$0x3] =	stream.indirect.gather [hbm4b:s8+s14], $0x40, s13, s14, $0xb8;
	[tilespmem:$0x1E000] =	vst v63  }
0x49: {  	_ =	swait.ge [sflag:s1], $0x2000  }
0x4a: {  	[sflag:s1] =	ssyncset.done $0x0  }
0x4b: {  	s21 =	simm.s32 $0x400;
	[sflag:s1] =	ssyncadd.s32 $0xFFFFE000  }
0x4c: {  	[tilespmem:s20], [sflag:$0x4] =	stream.indirect.gather [hbm4b:s8+s14], $0x40, s21, s14, $0xb8;
	[tilespmem:$0x1E000] =	vst v63  }
0x4d: {  	_ =	swait.ge [sflag:s0], $0x2000  }
0x4e: {  	[sflag:s0] =	ssyncset.done $0x0  }
0x4f: {  	s19 =	simm.s32 $0xA00;
	s21 =	simm.s32 $0x480;
	[sflag:s0] =	ssyncadd.s32 $0xFFFFE000  }
.LBB2_2:
0x50: {  	[tilespmem:s22], [sflag:$0x5] =	stream.indirect.gather [hbm4b:s8+s14], $0x40, s21, s14, $0xb8;
	[tilespmem:$0x1E000] =	vst v63  }
0x51: {  	s21 =	smov.u32 s19  }
0x52: {  	p0 =	sne.s32 s19, $0x12C00;
	s19 =	sadd.s32 $0xA00, s19;
	_ =	swait.ge [sflag:s23], $0x2000  }
0x53: {  	s21 =	sshra.s32 s21, $0x2;
	[sflag:s23] =	ssyncset.done $0x0  }
0x54: {  	s13 =	sadd.s32 $0x5000, s21;
	[sflag:s23] =	ssyncadd.s32 $0xFFFFE000  }
0x55: {  	[spmem:s2] =	stream.indirect.scatter.add.f32 [tilespmem:s15], [sflag:$0x6], $0x40, s13, s14, $0xb8;
	[tilespmem:$0x1E000] =	vst v63  }
0x56: {  	_ =	swait.ge [sflag:s24], $0x2000  }
0x57: {  	[sflag:s24] =	ssyncset.done $0x0  }
0x58: {  	s13 =	sadd.s32 $0x5080, s21;
	[sflag:s24] =	ssyncadd.s32 $0xFFFFE000  }
0x59: {  	[spmem:s2] =	stream.indirect.scatter.add.f32 [tilespmem:s16], [sflag:$0x7], $0x40, s13, s14, $0xb8;
	[tilespmem:$0x1E000] =	vst v63  }
0x5a: {  	_ =	swait.ge [sflag:s25], $0x2000  }
0x5b: {  	[sflag:s25] =	ssyncset.done $0x0  }
0x5c: {  	s13 =	sadd.s32 $0x5100, s21;
	[sflag:s25] =	ssyncadd.s32 $0xFFFFE000  }
0x5d: {  	[spmem:s2] =	stream.indirect.scatter.add.f32 [tilespmem:s18], [sflag:$0x8], $0x40, s13, s14, $0xb8;
	[tilespmem:$0x1E000] =	vst v63  }
0x5e: {  	_ =	swait.ge [sflag:s26], $0x2000  }
0x5f: {  	[sflag:s26] =	ssyncset.done $0x0  }
0x60: {  	s13 =	sadd.s32 $0x5180, s21;
	[sflag:s26] =	ssyncadd.s32 $0xFFFFE000  }
0x61: {  	[spmem:s2] =	stream.indirect.scatter.add.f32 [tilespmem:s20], [sflag:$0x9], $0x40, s13, s14, $0xb8;
	[tilespmem:$0x1E000] =	vst v63  }
0x62: {  	_ =	swait.ge [sflag:s28], $0x2000  }
0x63: {  	[sflag:s28] =	ssyncset.done $0x0  }
0x64: {  	s13 =	sadd.s32 $0x5200, s21;
	[sflag:s28] =	ssyncadd.s32 $0xFFFFE000  }
0x65: {  	[spmem:s2] =	stream.indirect.scatter.add.f32 [tilespmem:s22], [sflag:$0xA], $0x40, s13, s14, $0xb8;
	[tilespmem:$0x1E000] =	vst v63  }
0x66: {  	_ =	swait.ge [sflag:s29], $0x2000  }
0x67: {  	[sflag:s29] =	ssyncset.done $0x0  }
0x68: {  	s13 =	sadd.s32 $0x280, s21;
	[sflag:s29] =	ssyncadd.s32 $0xFFFFE000  }
0x69: {  	[tilespmem:s15], [sflag:$0x1] =	stream.indirect.gather [hbm4b:s8+s14], $0x40, s13, s14, $0xb8;
	[tilespmem:$0x1E000] =	vst v63  }
0x6a: {  	_ =	swait.ge [sflag:s30], $0x2000  }
0x6b: {  	[sflag:s30] =	ssyncset.done $0x0  }
0x6c: {  	s13 =	sadd.s32 $0x300, s21;
	[sflag:s30] =	ssyncadd.s32 $0xFFFFE000  }
0x6d: {  	[tilespmem:s16], [sflag:$0x2] =	stream.indirect.gather [hbm4b:s8+s14], $0x40, s13, s14, $0xb8;
	[tilespmem:$0x1E000] =	vst v63  }
0x6e: {  	_ =	swait.ge [sflag:s31], $0x2000  }
0x6f: {  	[sflag:s31] =	ssyncset.done $0x0  }
0x70: {  	s13 =	sadd.s32 $0x380, s21;
	[sflag:s31] =	ssyncadd.s32 $0xFFFFE000  }
0x71: {  	[tilespmem:s18], [sflag:$0x3] =	stream.indirect.gather [hbm4b:s8+s14], $0x40, s13, s14, $0xb8;
	[tilespmem:$0x1E000] =	vst v63  }
0x72: {  	_ =	swait.ge [sflag:s1], $0x2000  }
0x73: {  	[sflag:s1] =	ssyncset.done $0x0  }
.Ltmp0:
0x74: {  	s13 =	sadd.s32 $0x400, s21;
	[sflag:s1] =	ssyncadd.s32 $0xFFFFE000;
	(pc) =	sbr.rel @p0 .LBB2_2-.Ltmp0, $4  }
0x75: {  	[tilespmem:s20], [sflag:$0x4] =	stream.indirect.gather [hbm4b:s8+s14], $0x40, s13, s14, $0xb8;
	[tilespmem:$0x1E000] =	vst v63  }
0x76: {  	_ =	swait.ge [sflag:s0], $0x2000  }
0x77: {  	[sflag:s0] =	ssyncset.done $0x0  }
0x78: {  	s21 =	sadd.s32 $0x480, s21;
	[sflag:s0] =	ssyncadd.s32 $0xFFFFE000  }
0x79: {  	[tilespmem:s22], [sflag:$0x5] =	stream.indirect.gather [hbm4b:s8+s14], $0x40, s21, s14, $0xb8;
	[tilespmem:$0x1E000] =	vst v63  }
0x7a: {  	_ =	swait.ge [sflag:s23], $0x2000  }
0x7b: {  	[sflag:s23] =	ssyncset.done $0x0  }
0x7c: {  	s13 =	simm.s32 $0x9D80;
	[sflag:s23] =	ssyncadd.s32 $0xFFFFE000  }
0x7d: {  	[spmem:s2] =	stream.indirect.scatter.add.f32 [tilespmem:s15], [sflag:$0x6], $0x40, s13, s14, $0xb8;
	[tilespmem:$0x1E000] =	vst v63  }
0x7e: {  	_ =	swait.ge [sflag:s24], $0x2000  }
0x7f: {  	[sflag:s24] =	ssyncset.done $0x0  }
0x80: {  	s19 =	simm.s32 $0x9E00;
	[sflag:s24] =	ssyncadd.s32 $0xFFFFE000  }
0x81: {  	[spmem:s2] =	stream.indirect.scatter.add.f32 [tilespmem:s16], [sflag:$0x7], $0x40, s19, s14, $0xb8;
	[tilespmem:$0x1E000] =	vst v63  }
0x82: {  	_ =	swait.ge [sflag:s25], $0x2000  }
0x83: {  	[sflag:s25] =	ssyncset.done $0x0  }
0x84: {  	s21 =	simm.s32 $0x9E80;
	[sflag:s25] =	ssyncadd.s32 $0xFFFFE000  }
0x85: {  	[spmem:s2] =	stream.indirect.scatter.add.f32 [tilespmem:s18], [sflag:$0x8], $0x40, s21, s14, $0xb8;
	[tilespmem:$0x1E000] =	vst v63  }
0x86: {  	_ =	swait.ge [sflag:s26], $0x2000  }
0x87: {  	[sflag:s26] =	ssyncset.done $0x0  }
0x88: {  	s19 =	simm.s32 $0x9F00;
	[sflag:s26] =	ssyncadd.s32 $0xFFFFE000  }
0x89: {  	[spmem:s2] =	stream.indirect.scatter.add.f32 [tilespmem:s20], [sflag:$0x9], $0x40, s19, s14, $0xb8;
	[tilespmem:$0x1E000] =	vst v63  }
0x8a: {  	_ =	swait.ge [sflag:s28], $0x2000  }
0x8b: {  	[sflag:s28] =	ssyncset.done $0x0  }
0x8c: {  	s21 =	simm.s32 $0x9F80;
	[sflag:s28] =	ssyncadd.s32 $0xFFFFE000  }
0x8d: {  	[spmem:s2] =	stream.indirect.scatter.add.f32 [tilespmem:s22], [sflag:$0xA], $0x40, s21, s14, $0xb8;
	[tilespmem:$0x1E000] =	vst v63  }
0x8e: {  	_ =	swait.ge [sflag:s29], $0x2000  }
0x8f: {  	[sflag:s29] =	ssyncset.done $0x0  }
0x90: {  	[sflag:s29] =	ssyncadd.s32 $0xFFFFE000  }
0x91: {  	_ =	swait.ge [sflag:s30], $0x2000  }
0x92: {  	[sflag:s30] =	ssyncset.done $0x0  }
0x93: {  	[sflag:s30] =	ssyncadd.s32 $0xFFFFE000  }
0x94: {  	_ =	swait.ge [sflag:s31], $0x2000  }
0x95: {  	[sflag:s31] =	ssyncset.done $0x0  }
0x96: {  	[sflag:s31] =	ssyncadd.s32 $0xFFFFE000  }
0x97: {  	_ =	swait.ge [sflag:s1], $0x2000  }
0x98: {  	[sflag:s1] =	ssyncset.done $0x0  }
0x99: {  	[sflag:s1] =	ssyncadd.s32 $0xFFFFE000  }
0x9a: {  	_ =	swait.ge [sflag:s0], $0x2000  }
0x9b: {  	s17 =	sadd.s32 $0x1, s17;
	[sflag:s0] =	ssyncset.done $0x0  }
0x9c: {  	p0 =	sne.s32 s17, s10;
	[sflag:s0] =	ssyncadd.s32 $0xFFFFE000  }
.Ltmp1:
0x9d: {  	[bflag:$0x0] =	sbarrier.arrive $0xFFFF;
	(pc) =	sbr.rel @p0 .LBB2_1-.Ltmp1, $4  }
0x9e: {  	[hbm:s9], [sflag:s5] =	dma.local [spmem:s11], $0x1400  }
0x9f: {  	_ =	swait.ge [sflag:s12], $0x1400  }
0xa0: {  	[sflag:s12] =	ssyncset.done $0x0  }
0xa1: {  	[sflag:s12] =	ssyncadd.s32 $0xFFFFEC00  }
0xa2: {  	_ =	sfence.sel $0x180000  }
0xa3: {  	[bflag:$0x0] =	sbarrier.arrive $0xFFFF  }
0xa4: {  	_ =	strace $0x9000004D  }
0xa5: {  	s0 =	stileid.u32;
	[bflag:$0x2] =	sbarrier.arrive $0xFFFF  }
0xa6: {  	p0 =	sne.s32 s0, $0x0;
	s0 =	rddreg [dreg:$0x3]  }
0xa7: {  	s0 =	sadd.s32 @!p0 $0x100000, s0  }
0xa8: {  	[sflag:s0] =	ssyncadd.tile.s32 @!p0 $0x1;
	_ =	shalt  }
.Lfunc_end2:
_tile_overlayer_lowered:
.L_overlay_start_2:
0xa9: {  	(tag) =	ssettag $0x2  }
0xaa: {  	s0 =	rddreg [dreg:$0x0];
	s2 =	stileid.u32  }
0xab: {  	s1 =	rddreg [dreg:$0x1];
	p0 =	sne.s32 s2, $0x0  }
0xac: {  	s3 =	rddreg [dreg:$0x2];
	[bflag:$0x3] =	sbarrier.arrive $0xFFFF;
	s2 =	simm.s32 @!p0 $0x1C0B  }
0xad: {  	[timem:s3], [sflag:s2] =	dma.local @!p0 [hbm:s0], s1  }
0xae: {  	s0 =	simm.s32 @!p0 $0xB  }
0xaf: {  	_ =	swait.ge @!p0 [sflag:s0], s1  }
0xb0: {  	s1 =	ssub.s32 @!p0 $0x0, s1;
	[sflag:s0] =	ssyncset.done @!p0 $0x0  }
0xb1: {  	[sflag:s0] =	ssyncadd.s32 @!p0 s1  }
0xb2: {  	[bflag:$0x3] =	sbarrier.arrive $0xFFFF  }
0xb3: {  	_ =	shalt  }

// kernel: kernel.8.cloned.1.call-start
scs
__scs_entry_jumppad:
0x0: {  	(pc) =	sbr.rel $0x88, $3  }
0x1: {  	(tag) =	ssettag $0x0;
	lr =	simm.s32 $0x1  }
0x2: {  	[smem:$0x3F9B] =	sst lr;
	_ =	strace $0xD0000000  }
0x3: {  	_ = 	snop  }
0x4: {  	_ = 	snop  }
0x5: {  	_ = 	snop  }
0x6: {  	_ = 	snop  }
0x7: {  	_ = 	snop  }
__scs_overlays_trampoline_lowered:
0x8: {  	[smem:$0x3FAA] =	sst s0  }
0x9: {  	[smem:$0x3FAB] =	sst s1  }
0xa: {  	[smem:$0x3FAC] =	sst s2  }
0xb: {  	[smem:$0x3FAD] =	sst s3  }
0xc: {  	[smem:$0x3FAE] =	sst s4  }
0xd: {  	[smem:$0x3FAF] =	sst s5  }
0xe: {  	[smem:$0x3FB0] =	sst s6  }
0xf: {  	[smem:$0x3FB1] =	sst s7  }
0x10: {  	[smem:$0x3FB2] =	sst s8  }
0x11: {  	[smem:$0x3FB3] =	sst s9;
	s0 =	simm.s32 @!p0 $0x0  }
0x12: {  	s1 =	sld [smem:$0x3F99];
	s0 =	simm.s32 @p0 $0x1  }
0x13: {  	[smem:$0x3FB4] =	sst s0;
	s0 =	simm.s32 @!p1 $0x0  }
0x14: {  	s2 =	sld [smem:$0x3F98];
	s0 =	simm.s32 @p1 $0x1  }
0x15: {  	[smem:$0x3FB5] =	sst s0;
	s0 =	simm.s32 @!p2 $0x0  }
0x16: {  	s3 =	sld [smem:$0x3FDB];
	s0 =	simm.s32 @p2 $0x1  }
0x17: {  	s4 =	simm.s32 $0x1BF5;
	[smem:$0x3FB7] =	sst s0  }
0x18: {  	s0 =	sld [smem:$0x3F9A];
	_ =	swait.ge [sflag:s4], $0x0  }
0x19: {  	s7 =	sld [smem:$0x3F9B]  }
0x1a: {  	s8 =	sadd.s32 $0xFFFFE003, lr  }
0x1b: {  	s9 =	sadd.s32 $0xFFFFFEF7, lr;
	s5 =	simm.s32 $0xFFFFFFFF;
	p2 =	slt.u32 s8, $0xFFFFF086  }
0x1c: {  	p1 =	slt.u32 s9, $0xF7A;
	s5 =	simm.s32 @!p2 $0x0  }
0x1d: {  	s5 =	simm.s32 @p1 $0x1;
	p0 =	seq.s32 s7, s2  }
0x1e: {  	s7 =	smul.u32 @!p0 $0xF7A, s2;
	p2 =	seq.s32 @!p0 s5, $0x0  }
0x1f: {  	s9 =	smul.u32 $0xF7A, s1;
	s8 =	simm.s32 @!p0 $0x1BF5;
	p2 =	por !p2, p0  }
0x20: {  	[sflag:s8] =	ssyncset.s32 @!p0 $0xFFFFF086;
	s6 =	sadd.s32 @!p0 s3, s7;
	s7 =	simm.s32 @!p0 $0x108  }
0x21: {  	s3 =	sadd.s32 s3, s9;
	s6 =	sadd.s32 @!p0 $0x88, s6;
	s7 =	simm.s32 @p2 $0x1082  }
0x22: {  	[simem:s7], [sflag:s8] =	dma.local @!p0 [hbm:s6], $0xF7A  }
0x23: {  	s9 =	sor.u32 $0xD0000000, s2;
	s6 =	simm.s32 $0x108;
	_ =	swait.ge @!p0 [sflag:s8], $0x0  }
0x24: {  	s3 =	sadd.s32 $0x88, s3;
	s6 =	simm.s32 @!p1 $0x1082;
	[sflag:s4] =	ssyncset.s32 $0xFFFFF086  }
0x25: {  	[simem:s6], [sflag:s4] =	dma.local [hbm:s3], $0xF7A  }
0x26: {  	[smem:$0x3F9B] =	sst s1;
	(tag) =	ssettag s2;
	_ =	strace s9  }
0x27: {  	s1 =	sld [smem:$0x3FAB]  }
0x28: {  	s2 =	sld [smem:$0x3FAC]  }
0x29: {  	s4 =	sld [smem:$0x3FAE]  }
0x2a: {  	p0 =	seq.s32 s5, $0x0;
	s5 =	sld [smem:$0x3FAF]  }
0x2b: {  	s6 =	sld [smem:$0x3FB0]  }
0x2c: {  	s7 =	sld [smem:$0x3FB1]  }
0x2d: {  	s3 =	simm.s32 $0x108;
	s8 =	sld [smem:$0x3FB2]  }
0x2e: {  	s3 =	simm.s32 @!p0 $0x1082;
	s9 =	sld [smem:$0x3FB3]  }
0x2f: {  	lr =	sadd.s32 s0, s3;
	s0 =	sld [smem:$0x3FAA]  }
0x30: {  	s3 =	sld [smem:$0x3FAD]  }
0x31: {  	[smem:$0x3FB6] =	sst s10  }
0x32: {  	s10 =	sld [smem:$0x3FB4];
	_ =	sdelay $0x3  }
0x33: {  	p0 =	seq.s32 s10, $0x1;
	s10 =	sld [smem:$0x3FB6];
	_ =	sdelay $0x3  }
0x34: {  	[smem:$0x3FB6] =	sst s10  }
0x35: {  	s10 =	sld [smem:$0x3FB5];
	_ =	sdelay $0x3  }
0x36: {  	p1 =	seq.s32 s10, $0x1;
	s10 =	sld [smem:$0x3FB6];
	_ =	sdelay $0x3  }
0x37: {  	[smem:$0x3FB6] =	sst s10  }
0x38: {  	s10 =	sld [smem:$0x3FB7]  }
0x39: {  	_ = 	snop;
	(pc) =	sbr.ind lr, $3  }
0x3a: {  	_ = 	snop  }
0x3b: {  	_ = 	snop  }
0x3c: {  	p2 =	seq.s32 s10, $0x1;
	s10 =	sld [smem:$0x3FB6]  }
0x3d: {  	_ =	shalt  }
0x3e: {  	_ =	shalt  }
0x3f: {  	_ =	shalt  }
0x40: {  	_ =	shalt  }
0x41: {  	_ =	shalt  }
0x42: {  	_ =	shalt  }
0x43: {  	_ =	shalt  }
0x44: {  	_ =	shalt  }
0x45: {  	_ =	shalt  }
0x46: {  	_ =	shalt  }
0x47: {  	_ =	shalt  }
0x48: {  	_ =	shalt  }
0x49: {  	_ =	shalt  }
0x4a: {  	_ =	shalt  }
0x4b: {  	_ =	shalt  }
0x4c: {  	_ =	shalt  }
0x4d: {  	_ =	shalt  }
0x4e: {  	_ =	shalt  }
0x4f: {  	_ =	shalt  }
0x50: {  	_ =	shalt  }
0x51: {  	_ =	shalt  }
0x52: {  	_ =	shalt  }
0x53: {  	_ =	shalt  }
0x54: {  	_ =	shalt  }
0x55: {  	_ =	shalt  }
0x56: {  	_ =	shalt  }
0x57: {  	_ =	shalt  }
0x58: {  	_ =	shalt  }
0x59: {  	_ =	shalt  }
0x5a: {  	_ =	shalt  }
0x5b: {  	_ =	shalt  }
0x5c: {  	_ =	shalt  }
0x5d: {  	_ =	shalt  }
0x5e: {  	_ =	shalt  }
0x5f: {  	_ =	shalt  }
0x60: {  	_ =	shalt  }
0x61: {  	_ =	shalt  }
0x62: {  	_ =	shalt  }
0x63: {  	_ =	shalt  }
0x64: {  	_ =	shalt  }
0x65: {  	_ =	shalt  }
0x66: {  	_ =	shalt  }
0x67: {  	_ =	shalt  }
0x68: {  	_ =	shalt  }
0x69: {  	_ =	shalt  }
0x6a: {  	_ =	shalt  }
0x6b: {  	_ =	shalt  }
0x6c: {  	_ =	shalt  }
0x6d: {  	_ =	shalt  }
0x6e: {  	_ =	shalt  }
0x6f: {  	_ =	shalt  }
0x70: {  	_ =	shalt  }
0x71: {  	_ =	shalt  }
0x72: {  	_ =	shalt  }
0x73: {  	_ =	shalt  }
0x74: {  	_ =	shalt  }
0x75: {  	_ =	shalt  }
0x76: {  	_ =	shalt  }
0x77: {  	_ =	shalt  }
0x78: {  	_ =	shalt  }
0x79: {  	_ =	shalt  }
0x7a: {  	_ =	shalt  }
0x7b: {  	_ =	shalt  }
0x7c: {  	_ =	shalt  }
0x7d: {  	_ =	shalt  }
0x7e: {  	_ =	shalt  }
0x7f: {  	_ =	shalt  }
0x80: {  	_ =	shalt  }
0x81: {  	_ =	shalt  }
0x82: {  	_ =	shalt  }
0x83: {  	_ =	shalt  }
0x84: {  	_ =	shalt  }
0x85: {  	_ =	shalt  }
0x86: {  	_ =	shalt  }
0x87: {  	_ =	shalt  }
.Lfunc_end0:
.L_simem_size_0:
called_computation_lowered:
.L_overlay_start_0:
0x88: {  	s2 =	sld [smem:$0x3FD9]  }
0x89: {  	s3 =	sld [smem:$0x3FFE];
	_ =	sdelay $0x1  }
0x8a: {  	s1 =	srdreg.scid  }
0x8b: {  	s0 =	sand.u32 $0x1, s1  }
0x8c: {  	s17 =	sshll.u32 s0, $0xA;
	s2 =	sadd.s32 s3, s2  }
0x8d: {  	s2 =	sadd.s32 s2, s17  }
0x8e: {  	[smem:$0x3FC2] =	sst s2  }
0x8f: {  	_ = 	snop  }
0x90: {  	s2 =	sld [smem:$0x3FD0];
	(tm) =	ssettm $0x1  }
0x91: {  	s18 =	sld [smem:$0x3FFB];
	_ =	sdelay $0x3  }
0x92: {  	_ =	strace s18  }
0x93: {  	s3 =	sld [smem:$0x3FFC];
	_ =	sdelay $0x3  }
0x94: {  	_ =	strace s3  }
0x95: {  	s3 =	sld [smem:$0x3FFD];
	_ =	sdelay $0x3  }
0x96: {  	_ =	strace s3  }
0x97: {  	_ =	strace $0x8FFFFFFF  }
0x98: {  	s19 =	sld [smem:$0x3FDB];
	_ =	sdelay $0x1  }
0x99: {  	s4 =	simm.s32 $_scs_section_size  }
0x9a: {  	s5 =	simm.s32 $_size__tile_overlayer_lowered;
	s6 =	simm.s32 $_tile_overlayer_lowered  }
0x9b: {  	s22 =	simm.s32 $0x1BFF;
	s21 =	sshll.u32 s6, $0x1;
	s3 =	sadd.s32 s4, s19  }
0x9c: {  	s7 =	simm.s32 $0x0;
	s20 =	sshll.u32 s5, $0x1;
	s5 =	sadd.s32 s21, s3  }
0x9d: {  	[timem:s7], [sflag:s22] =	dma.local [hbm:s5], s20  }
0x9e: {  	_ =	swait.ge [sflag:s22], s20  }
0x9f: {  	s4 =	ssub.s32 $0x0, s20;
	[sflag:s22] =	ssyncset.done $0x0  }
0xa0: {  	[sflag:s22] =	ssyncadd.s32 s4;
	_ =	sdelay $0x1  }
0xa1: {  	s23 =	simm.s32 $0x1B8B  }
0xa2: {  	_ =	swait.ge [sflag:s23], $0x1  }
0xa3: {  	[sflag:s23] =	ssyncset.done $0x0  }
0xa4: {  	s25 =	simm.s32 $0x1B8E;
	s24 =	sld [smem:$0x3FFE];
	[sflag:s23] =	ssyncadd.s32 $0xFFFFFFFF  }
0xa5: {  	s26 =	simm.s32 $execute0_lowered;
	[smem:$0x3FD2] =	sst s25  }
0xa6: {  	s5 =	sshll.u32 s26, $0x1;
	_ =	strace $0x80000046;
	[dreg:$0x1] =	wrdreg $0xFFFFFFFF  }
0xa7: {  	s28 =	simm.s32 $_size_execute0_lowered;
	s3 =	sadd.s32 s3, s5;
	[dreg:$0x0] =	wrdreg $0x0  }
0xa8: {  	s5 =	sshll.u32 s28, $0x1;
	[dreg:$0x2] =	wrdreg s3  }
0xa9: {  	[dreg:$0x3] =	wrdreg s5  }
0xaa: {  	[dreg:$0x4] =	wrdreg $0xC0  }
0xab: {  	_ =	task [dreg:s7], $0x5FFFF  }
0xac: {  	[dreg:$0x1] =	wrdreg $0xFFFFFFFF  }
0xad: {  	[dreg:$0x0] =	wrdreg $0x60  }
0xae: {  	[dreg:$0x2] =	wrdreg s24  }
0xaf: {  	[dreg:$0x3] =	wrdreg s2  }
0xb0: {  	[dreg:$0x4] =	wrdreg $0xC8000  }
0xb1: {  	[dreg:$0x5] =	wrdreg $0x9  }
0xb2: {  	_ =	task.clear_ibuf [dreg:s7], $0x6FFFF;
	_ =	strace $0x90000046  }
0xb3: {  	s29 =	simm.s32 $0x9;
	_ =	strace $0x80000048  }
0xb4: {  	_ =	swait.ge [sflag:s29], $0x1  }
0xb5: {  	[sflag:s29] =	ssyncadd.s32 $0xFFFFFFFF  }
0xb6: {  	_ =	strace $0x90000048  }
0xb7: {  	_ =	sfence  }
0xb8: {  	s30 =	sld [smem:$0x0];
	_ =	sdelay $0x2  }
0xb9: {  	s31 =	sshll.u32 s1, $0xD;
	s1 =	sshrl.u32 s1, $0x2  }
0xba: {  	s3 =	sand.u32 $0x4000, s31;
	s1 =	sadd.s32 s1, s30  }
0xbb: {  	s0 =	sor.u32 s3, s0;
	s1 =	sshll.u32 s1, $0x11  }
0xbc: {  	s0 =	sor.u32 s1, s0  }
0xbd: {  	s0 =	sadd.s32 $0x8F2B, s0  }
0xbe: {  	[sflag:s0] =	ssyncadd.remote.s32 $0x1  }
0xbf: {  	_ =	sfence.sel $0xFFFF  }
0xc0: {  	[dreg:$0x0] =	wrdreg $0xFFFFFFFF;
	(pc) =	sbr.abs _section_cstart, $3  }
0xc1: {  	[dreg:$0x1] =	wrdreg $0xFFFFFFFF  }
0xc2: {  	_ =	task.clear_ibuf [dreg:s7], $0x2FFFF;
	_ =	strace $0x9FFFFFFF  }
0xc3: {  	(tm) =	ssettm $0x7FFFFFFF  }
tec
execute0_lowered:
.L_overlay_start_1:
0x0: {  	(tag) =	ssettag $0x1  }
0x1: {  	s0 =	rddreg [dreg:$0x0]  }
0x2: {  	s1 =	rddreg [dreg:$0x1];
	s3 =	srdreg.scid  }
0x3: {  	s2 =	rddreg [dreg:$0x2];
	s12 =	stileid.u32  }
0x4: {  	s6 =	simm.s32 $0x0;
	s28 =	simm.s32 $0xB000;
	s29 =	simm.s32 $0xB800  }
0x5: {  	s30 =	simm.s32 $0xC000;
	s31 =	simm.s32 $0x1;
	s5 =	smul.u32 $0x5000, s12  }
0x6: {  	s3 =	sand.u32 $0x1, s3;
	[smem:$0x7FF] =	sst s6;
	s14 =	smul.u32 $0x2800, s12  }
0x7: {  	s15 =	sshll.u32 s12, $0x6;
	s6 =	simm.s32 $0x7;
	s12 =	simm.s32 $0x0  }
0x8: {  	s4 =	smul.u32 $0x4E20, s3;
	_ =	strace $0x80000047;
	s7 =	ssub.s32 $0x2, s3  }
0x9: {  	s16 =	smul.u32 $0xA000, s3;
	s5 =	sshrl.u32 s5, $0x3;
	s8 =	sshrl.u32 s14, $0x3  }
0xa: {  	s4 =	sadd.s32 s4, s0;
	s10 =	sadd.s32 s5, s0;
	s0 =	sadd.s32 s8, s0  }
0xb: {  	s17 =	smul.u32 $0x28000, s3;
	s3 =	simm.s32 $0x5;
	s0 =	sadd.s32 $0x15C00, s0  }
0xc: {  	s9 =	sshrl.u32 s7, $0x1;
	s18 =	sadd.s32 $0x1C00, s10;
	[dreg:$0x5] =	wrdreg s0  }
0xd: {  	s8 =	sshrl.u32 s16, $0x2;
	s19 =	sadd.s32 $0xBC00, s10;
	[dreg:$0x6] =	wrdreg s18  }
0xe: {  	s11 =	sadd.s32 s14, s2;
	s20 =	sor.u32 $0x80, s8;
	[dreg:$0x7] =	wrdreg s19  }
0xf: {  	s7 =	ssub.s32 s7, s9;
	s21 =	sor.u32 $0x100, s8;
	[dreg:$0x8] =	wrdreg s20  }
0x10: {  	s5 =	sor.u32 $0x1C0B, s15;
	s22 =	sor.u32 $0x180, s8;
	[dreg:$0x9] =	wrdreg s21  }
0x11: {  	s9 =	sadd.s32 $0x1AC00, s4;
	s23 =	sor.u32 $0x200, s8;
	[dreg:$0xa] =	wrdreg s22  }
0x12: {  	s24 =	sadd.s32 $0x5000, s8;
	s25 =	smax.u32 s7, $0x1;
	[dreg:$0xb] =	wrdreg s23  }
0x13: {  	s26 =	sadd.s32 $0x7580, s8;
	s4 =	simm.s32 $0x6;
	[dreg:$0xd] =	wrdreg s25  }
0x14: {  	s7 =	simm.s32 $0x8;
	s10 =	simm.s32 $0x9;
	[dreg:$0x4] =	wrdreg s24  }
0x15: {  	s0 =	sadd.s32 s14, s17;
	[dreg:$0xe] =	wrdreg s26;
	s17 =	sadd.s32 $0x7600, s8  }
0x16: {  	s18 =	sadd.s32 $0x7680, s8;
	s19 =	sadd.s32 $0x7700, s8;
	s20 =	sadd.s32 $0x7780, s8  }
0x17: {  	s21 =	sshrl.u32 s11, $0x3;
	s22 =	simm.s32 $0xB;
	s24 =	simm.s32 $0x80  }
0x18: {  	s25 =	simm.s32 $0xA000;
	s26 =	simm.s32 $0xA800;
	s0 =	sshrl.u32 s0, $0x3  }
0x19: {  	s23 =	simm.s32 $0x4;
	s11 =	simm.s32 $0xA;
	s0 =	sadd.s32 s1, s0  }
0x1a: {  	s1 =	simm.s32 $0x3;
	[dreg:$0xc] =	wrdreg s0;
	s0 =	simm.s32 $0x2  }
.LBB2_1:
0x1b: {  	s13 =	rddreg [dreg:$0x5]  }
0x1c: {  	[spmem:s21], [sflag:s5] =	dma.local [hbm:s13], $0x500  }
0x1d: {  	_ =	swait.ge [sflag:s22], $0x500  }
0x1e: {  	[sflag:s22] =	ssyncset.done $0x0  }
0x1f: {  	[sflag:s22] =	ssyncadd.s32 $0xFFFFFB00  }
0x20: {  	[bflag:$0x0] =	sbarrier.arrive $0xFFFF  }
0x21: {  	s13 =	simm.s32 $0x0;
	s14 =	rddreg [dreg:$0x6]  }
0x22: {  	[tilespmem:s13], [sflag:$0xB] =	stream.linear.gather [hbm4b:s14+s13], $0x5000, $0x38;
	[tilespmem:$0xF000] =	vst v63  }
0x23: {  	_ =	swait.ge [sflag:s22], $0x5000  }
0x24: {  	[sflag:s22] =	ssyncset.done $0x0  }
0x25: {  	s15 =	simm.s32 $0x5000;
	s16 =	rddreg [dreg:$0x7];
	[sflag:s22] =	ssyncadd.s32 $0xFFFFB000  }
0x26: {  	[tilespmem:s15], [sflag:$0xB] =	stream.linear.gather [hbm4b:s16+s13], $0x5000, $0x38;
	[tilespmem:$0xF000] =	vst v63  }
0x27: {  	_ =	swait.ge [sflag:s22], $0x5000  }
0x28: {  	[sflag:s22] =	ssyncset.done $0x0  }
0x29: {  	[sflag:s22] =	ssyncadd.s32 $0xFFFFB000  }
0x2a: {  	[tilespmem:s25], [sflag:$0x1] =	stream.indirect.gather [hbm4b:s9+s24], $0x10, s8, s24, $0xb8;
	[tilespmem:$0xF000] =	vst v63  }
0x2b: {  	s14 =	rddreg [dreg:$0x8]  }
0x2c: {  	[tilespmem:s26], [sflag:$0x2] =	stream.indirect.gather [hbm4b:s9+s24], $0x10, s14, s24, $0xb8;
	[tilespmem:$0xF000] =	vst v63  }
0x2d: {  	s15 =	rddreg [dreg:$0x9]  }
0x2e: {  	[tilespmem:s28], [sflag:$0x3] =	stream.indirect.gather [hbm4b:s9+s24], $0x10, s15, s24, $0xb8;
	[tilespmem:$0xF000] =	vst v63  }
0x2f: {  	s16 =	rddreg [dreg:$0xa]  }
0x30: {  	[tilespmem:s29], [sflag:$0x4] =	stream.indirect.gather [hbm4b:s9+s24], $0x10, s16, s24, $0xb8;
	[tilespmem:$0xF000] =	vst v63  }
0x31: {  	s14 =	rddreg [dreg:$0xb]  }
0x32: {  	[tilespmem:s30], [sflag:$0x5] =	stream.indirect.gather [hbm4b:s9+s24], $0x10, s14, s24, $0xb8;
	[tilespmem:$0xF000] =	vst v63  }
0x33: {  	_ =	swait.ge [sflag:s31], $0x800  }
0x34: {  	s15 =	rddreg [dreg:$0x4];
	[sflag:s31] =	ssyncset.done $0x0  }
0x35: {  	[sflag:s31] =	ssyncadd.s32 $0xFFFFF800;
	s13 =	sadd.s32 $0x0, s15  }
0x36: {  	[spmem:s2] =	stream.indirect.scatter.add.f32 [tilespmem:s25], [sflag:$0x6], $0x10, s13, s24, $0xb8;
	[tilespmem:$0xF000] =	vst v63  }
0x37: {  	_ =	swait.ge [sflag:s0], $0x800  }
0x38: {  	[sflag:s0] =	ssyncset.done $0x0  }
0x39: {  	s16 =	sadd.s32 $0x80, s13;
	[sflag:s0] =	ssyncadd.s32 $0xFFFFF800  }
0x3a: {  	[spmem:s2] =	stream.indirect.scatter.add.f32 [tilespmem:s26], [sflag:$0x7], $0x10, s16, s24, $0xb8;
	[tilespmem:$0xF000] =	vst v63  }
0x3b: {  	_ =	swait.ge [sflag:s1], $0x800  }
0x3c: {  	[sflag:s1] =	ssyncset.done $0x0  }
0x3d: {  	s15 =	sadd.s32 $0x100, s13;
	[sflag:s1] =	ssyncadd.s32 $0xFFFFF800  }
0x3e: {  	[spmem:s2] =	stream.indirect.scatter.add.f32 [tilespmem:s28], [sflag:$0x8], $0x10, s15, s24, $0xb8;
	[tilespmem:$0xF000] =	vst v63  }
0x3f: {  	_ =	swait.ge [sflag:s23], $0x800  }
0x40: {  	[sflag:s23] =	ssyncset.done $0x0  }
0x41: {  	s16 =	sadd.s32 $0x180, s13;
	[sflag:s23] =	ssyncadd.s32 $0xFFFFF800  }
0x42: {  	[spmem:s2] =	stream.indirect.scatter.add.f32 [tilespmem:s29], [sflag:$0x9], $0x10, s16, s24, $0xb8;
	[tilespmem:$0xF000] =	vst v63  }
0x43: {  	_ =	swait.ge [sflag:s3], $0x800  }
0x44: {  	[sflag:s3] =	ssyncset.done $0x0  }
0x45: {  	s13 =	sadd.s32 $0x200, s13;
	[sflag:s3] =	ssyncadd.s32 $0xFFFFF800  }
0x46: {  	[spmem:s2] =	stream.indirect.scatter.add.f32 [tilespmem:s30], [sflag:$0xA], $0x10, s13, s24, $0xb8;
	[tilespmem:$0xF000] =	vst v63  }
0x47: {  	_ =	swait.ge [sflag:s4], $0x800  }
0x48: {  	s14 =	sadd.s32 $0x0, s8;
	[sflag:s4] =	ssyncset.done $0x0  }
0x49: {  	s15 =	sadd.s32 $0x280, s14;
	[sflag:s4] =	ssyncadd.s32 $0xFFFFF800  }
0x4a: {  	[tilespmem:s25], [sflag:$0x1] =	stream.indirect.gather [hbm4b:s9+s24], $0x10, s15, s24, $0xb8;
	[tilespmem:$0xF000] =	vst v63  }
0x4b: {  	_ =	swait.ge [sflag:s6], $0x800  }
0x4c: {  	[sflag:s6] =	ssyncset.done $0x0  }
0x4d: {  	s16 =	sadd.s32 $0x300, s14;
	[sflag:s6] =	ssyncadd.s32 $0xFFFFF800  }
0x4e: {  	[tilespmem:s26], [sflag:$0x2] =	stream.indirect.gather [hbm4b:s9+s24], $0x10, s16, s24, $0xb8;
	[tilespmem:$0xF000] =	vst v63  }
0x4f: {  	_ =	swait.ge [sflag:s7], $0x800  }
0x50: {  	[sflag:s7] =	ssyncset.done $0x0  }
0x51: {  	s15 =	sadd.s32 $0x380, s14;
	[sflag:s7] =	ssyncadd.s32 $0xFFFFF800  }
0x52: {  	[tilespmem:s28], [sflag:$0x3] =	stream.indirect.gather [hbm4b:s9+s24], $0x10, s15, s24, $0xb8;
	[tilespmem:$0xF000] =	vst v63  }
0x53: {  	_ =	swait.ge [sflag:s10], $0x800  }
0x54: {  	[sflag:s10] =	ssyncset.done $0x0  }
0x55: {  	s16 =	sadd.s32 $0x400, s14;
	[sflag:s10] =	ssyncadd.s32 $0xFFFFF800  }
0x56: {  	[tilespmem:s29], [sflag:$0x4] =	stream.indirect.gather [hbm4b:s9+s24], $0x10, s16, s24, $0xb8;
	[tilespmem:$0xF000] =	vst v63  }
0x57: {  	_ =	swait.ge [sflag:s11], $0x800  }
0x58: {  	[sflag:s11] =	ssyncset.done $0x0  }
0x59: {  	s13 =	simm.s32 $0xA00;
	s14 =	sadd.s32 $0x480, s14;
	[sflag:s11] =	ssyncadd.s32 $0xFFFFF800  }
.LBB2_2:
0x5a: {  	[tilespmem:s30], [sflag:$0x5] =	stream.indirect.gather [hbm4b:s9+s24], $0x10, s14, s24, $0xb8;
	[tilespmem:$0xF000] =	vst v63  }
0x5b: {  	s16 =	smov.u32 s13;
	_ =	swait.ge [sflag:s31], $0x800  }
0x5c: {  	s14 =	sshra.s32 s16, $0x2;
	s15 =	rddreg [dreg:$0x4];
	[sflag:s31] =	ssyncset.done $0x0  }
0x5d: {  	[sflag:s31] =	ssyncadd.s32 $0xFFFFF800;
	s15 =	sadd.s32 s14, s15  }
0x5e: {  	[spmem:s2] =	stream.indirect.scatter.add.f32 [tilespmem:s25], [sflag:$0x6], $0x10, s15, s24, $0xb8;
	[tilespmem:$0xF000] =	vst v63  }
0x5f: {  	_ =	swait.ge [sflag:s0], $0x800  }
0x60: {  	[sflag:s0] =	ssyncset.done $0x0  }
0x61: {  	s16 =	sadd.s32 $0x80, s15;
	[sflag:s0] =	ssyncadd.s32 $0xFFFFF800  }
0x62: {  	[spmem:s2] =	stream.indirect.scatter.add.f32 [tilespmem:s26], [sflag:$0x7], $0x10, s16, s24, $0xb8;
	[tilespmem:$0xF000] =	vst v63  }
0x63: {  	_ =	swait.ge [sflag:s1], $0x800  }
0x64: {  	[sflag:s1] =	ssyncset.done $0x0  }
0x65: {  	s16 =	sadd.s32 $0x100, s15;
	[sflag:s1] =	ssyncadd.s32 $0xFFFFF800  }
0x66: {  	[spmem:s2] =	stream.indirect.scatter.add.f32 [tilespmem:s28], [sflag:$0x8], $0x10, s16, s24, $0xb8;
	[tilespmem:$0xF000] =	vst v63  }
0x67: {  	_ =	swait.ge [sflag:s23], $0x800  }
0x68: {  	[sflag:s23] =	ssyncset.done $0x0  }
0x69: {  	s16 =	sadd.s32 $0x180, s15;
	[sflag:s23] =	ssyncadd.s32 $0xFFFFF800  }
0x6a: {  	[spmem:s2] =	stream.indirect.scatter.add.f32 [tilespmem:s29], [sflag:$0x9], $0x10, s16, s24, $0xb8;
	[tilespmem:$0xF000] =	vst v63  }
0x6b: {  	_ =	swait.ge [sflag:s3], $0x800  }
0x6c: {  	[sflag:s3] =	ssyncset.done $0x0  }
0x6d: {  	s15 =	sadd.s32 $0x200, s15;
	[sflag:s3] =	ssyncadd.s32 $0xFFFFF800  }
0x6e: {  	[spmem:s2] =	stream.indirect.scatter.add.f32 [tilespmem:s30], [sflag:$0xA], $0x10, s15, s24, $0xb8;
	[tilespmem:$0xF000] =	vst v63  }
0x6f: {  	_ =	swait.ge [sflag:s4], $0x800  }
0x70: {  	s14 =	sadd.s32 s14, s8;
	[sflag:s4] =	ssyncset.done $0x0  }
0x71: {  	s16 =	sadd.s32 $0x280, s14;
	[sflag:s4] =	ssyncadd.s32 $0xFFFFF800  }
0x72: {  	[tilespmem:s25], [sflag:$0x1] =	stream.indirect.gather [hbm4b:s9+s24], $0x10, s16, s24, $0xb8;
	[tilespmem:$0xF000] =	vst v63  }
0x73: {  	_ =	swait.ge [sflag:s6], $0x800  }
0x74: {  	[sflag:s6] =	ssyncset.done $0x0  }
0x75: {  	s16 =	sadd.s32 $0x300, s14;
	[sflag:s6] =	ssyncadd.s32 $0xFFFFF800  }
0x76: {  	[tilespmem:s26], [sflag:$0x2] =	stream.indirect.gather [hbm4b:s9+s24], $0x10, s16, s24, $0xb8;
	[tilespmem:$0xF000] =	vst v63  }
0x77: {  	_ =	swait.ge [sflag:s7], $0x800  }
0x78: {  	[sflag:s7] =	ssyncset.done $0x0  }
0x79: {  	s16 =	sadd.s32 $0x380, s14;
	[sflag:s7] =	ssyncadd.s32 $0xFFFFF800  }
0x7a: {  	[tilespmem:s28], [sflag:$0x3] =	stream.indirect.gather [hbm4b:s9+s24], $0x10, s16, s24, $0xb8;
	[tilespmem:$0xF000] =	vst v63  }
0x7b: {  	_ =	swait.ge [sflag:s10], $0x800  }
0x7c: {  	p0 =	sne.s32 s13, $0x8C00;
	[sflag:s10] =	ssyncset.done $0x0  }
.Ltmp0:
0x7d: {  	s16 =	sadd.s32 $0x400, s14;
	[sflag:s10] =	ssyncadd.s32 $0xFFFFF800;
	(pc) =	sbr.rel @p0 .LBB2_2-.Ltmp0, $4  }
0x7e: {  	[tilespmem:s29], [sflag:$0x4] =	stream.indirect.gather [hbm4b:s9+s24], $0x10, s16, s24, $0xb8;
	[tilespmem:$0xF000] =	vst v63  }
0x7f: {  	_ =	swait.ge [sflag:s11], $0x800  }
0x80: {  	[sflag:s11] =	ssyncset.done $0x0  }
0x81: {  	s13 =	sadd.s32 $0xA00, s13;
	s14 =	sadd.s32 $0x480, s14;
	[sflag:s11] =	ssyncadd.s32 $0xFFFFF800  }
0x82: {  	[tilespmem:s30], [sflag:$0x5] =	stream.indirect.gather [hbm4b:s9+s24], $0x10, s14, s24, $0xb8;
	[tilespmem:$0xF000] =	vst v63  }
0x83: {  	_ =	swait.ge [sflag:s31], $0x800  }
0x84: {  	[sflag:s31] =	ssyncset.done $0x0  }
0x85: {  	s13 =	rddreg [dreg:$0xe];
	[sflag:s31] =	ssyncadd.s32 $0xFFFFF800  }
0x86: {  	[spmem:s2] =	stream.indirect.scatter.add.f32 [tilespmem:s25], [sflag:$0x6], $0x10, s13, s24, $0xb8;
	[tilespmem:$0xF000] =	vst v63  }
0x87: {  	_ =	swait.ge [sflag:s0], $0x800  }
0x88: {  	[sflag:s0] =	ssyncset.done $0x0  }
0x89: {  	[sflag:s0] =	ssyncadd.s32 $0xFFFFF800  }
0x8a: {  	[spmem:s2] =	stream.indirect.scatter.add.f32 [tilespmem:s26], [sflag:$0x7], $0x10, s17, s24, $0xb8;
	[tilespmem:$0xF000] =	vst v63  }
0x8b: {  	_ =	swait.ge [sflag:s1], $0x800  }
0x8c: {  	[sflag:s1] =	ssyncset.done $0x0  }
0x8d: {  	[sflag:s1] =	ssyncadd.s32 $0xFFFFF800  }
0x8e: {  	[spmem:s2] =	stream.indirect.scatter.add.f32 [tilespmem:s28], [sflag:$0x8], $0x10, s18, s24, $0xb8;
	[tilespmem:$0xF000] =	vst v63  }
0x8f: {  	_ =	swait.ge [sflag:s23], $0x800  }
0x90: {  	[sflag:s23] =	ssyncset.done $0x0  }
0x91: {  	[sflag:s23] =	ssyncadd.s32 $0xFFFFF800  }
0x92: {  	[spmem:s2] =	stream.indirect.scatter.add.f32 [tilespmem:s29], [sflag:$0x9], $0x10, s19, s24, $0xb8;
	[tilespmem:$0xF000] =	vst v63  }
0x93: {  	_ =	swait.ge [sflag:s3], $0x800  }
0x94: {  	[sflag:s3] =	ssyncset.done $0x0  }
0x95: {  	[sflag:s3] =	ssyncadd.s32 $0xFFFFF800  }
0x96: {  	[spmem:s2] =	stream.indirect.scatter.add.f32 [tilespmem:s30], [sflag:$0xA], $0x10, s20, s24, $0xb8;
	[tilespmem:$0xF000] =	vst v63  }
0x97: {  	_ =	swait.ge [sflag:s4], $0x800  }
0x98: {  	[sflag:s4] =	ssyncset.done $0x0  }
0x99: {  	[sflag:s4] =	ssyncadd.s32 $0xFFFFF800  }
0x9a: {  	_ =	swait.ge [sflag:s6], $0x800  }
0x9b: {  	[sflag:s6] =	ssyncset.done $0x0  }
0x9c: {  	[sflag:s6] =	ssyncadd.s32 $0xFFFFF800  }
0x9d: {  	_ =	swait.ge [sflag:s7], $0x800  }
0x9e: {  	[sflag:s7] =	ssyncset.done $0x0  }
0x9f: {  	[sflag:s7] =	ssyncadd.s32 $0xFFFFF800  }
0xa0: {  	_ =	swait.ge [sflag:s10], $0x800  }
0xa1: {  	[sflag:s10] =	ssyncset.done $0x0  }
0xa2: {  	[sflag:s10] =	ssyncadd.s32 $0xFFFFF800  }
0xa3: {  	_ =	swait.ge [sflag:s11], $0x800  }
0xa4: {  	[sflag:s11] =	ssyncset.done $0x0  }
0xa5: {  	[sflag:s11] =	ssyncadd.s32 $0xFFFFF800  }
0xa6: {  	[bflag:$0x0] =	sbarrier.arrive $0xFFFF  }
0xa7: {  	s15 =	rddreg [dreg:$0xc]  }
0xa8: {  	[hbm:s15], [sflag:s5] =	dma.local [spmem:s21], $0x500  }
0xa9: {  	_ =	swait.ge [sflag:s22], $0x500  }
0xaa: {  	s12 =	sadd.s32 $0x1, s12;
	s16 =	rddreg [dreg:$0xd]  }
0xab: {  	p0 =	sne.s32 s12, s16  }
.Ltmp1:
0xac: {  	_ = 	snop;
	(pc) =	sbr.rel @p0 .LBB2_1-.Ltmp1, $3  }
0xad: {  	_ =	sdelay $0x1  }
0xae: {  	[sflag:s22] =	ssyncset.done $0x0  }
0xaf: {  	[sflag:s22] =	ssyncadd.s32 $0xFFFFFB00  }
0xb0: {  	_ =	sfence.sel $0x180000  }
0xb1: {  	[bflag:$0x0] =	sbarrier.arrive $0xFFFF  }
0xb2: {  	_ =	strace $0x90000047  }
0xb3: {  	s0 =	stileid.u32;
	[bflag:$0x2] =	sbarrier.arrive $0xFFFF  }
0xb4: {  	p0 =	sne.s32 s0, $0x0;
	s0 =	rddreg [dreg:$0x3]  }
0xb5: {  	s0 =	sadd.s32 @!p0 $0x100000, s0  }
0xb6: {  	[sflag:s0] =	ssyncadd.tile.s32 @!p0 $0x1;
	_ =	shalt  }
.Lfunc_end2:
_tile_overlayer_lowered:
.L_overlay_start_2:
0xb7: {  	(tag) =	ssettag $0x2  }
0xb8: {  	s0 =	rddreg [dreg:$0x0];
	s2 =	stileid.u32  }
0xb9: {  	s1 =	rddreg [dreg:$0x1];
	p0 =	sne.s32 s2, $0x0  }
0xba: {  	s3 =	rddreg [dreg:$0x2];
	[bflag:$0x3] =	sbarrier.arrive $0xFFFF;
	s2 =	simm.s32 @!p0 $0x1C0B  }
0xbb: {  	[timem:s3], [sflag:s2] =	dma.local @!p0 [hbm:s0], s1  }
0xbc: {  	s0 =	simm.s32 @!p0 $0xB  }
0xbd: {  	_ =	swait.ge @!p0 [sflag:s0], s1  }
0xbe: {  	s1 =	ssub.s32 @!p0 $0x0, s1;
	[sflag:s0] =	ssyncset.done @!p0 $0x0  }
0xbf: {  	[sflag:s0] =	ssyncadd.s32 @!p0 s1  }
0xc0: {  	[bflag:$0x3] =	sbarrier.arrive $0xFFFF  }
0xc1: {  	_ =	shalt  }

</sc_bundles>
